<compile_context>
chip_gen: v7x
topology: tpu7x:2x2x1
jax: 0.10.2.dev20260603
libtpu: 0.0.44.dev20260713+nightly
codegen_flags: <defaults>
</compile_context>

<pallas_src>
import functools

import jax
import jax.numpy as jnp
from jax import lax
from jax.experimental import pallas as pl
from jax.experimental.pallas import tpu as pltpu
from jax.experimental.pallas import tpu_sc as plsc

S, H, I = 2048, 768, 384
E = 7
EP = 128
NEG = -1e30
TILE = 128
NA = 2 * S
NT_SH = S // TILE
NT_RT = NA // TILE + E
NT = NT_SH + NT_RT
N_XS = NT_RT * TILE
NB = S // EP

NC, NS = 2, 16
NW = NC * NS
TPW = S // NW


def _router_body(xr, wrr, rbr, sc_out, pm_out, tm_out):
    f32 = jnp.float32
    probs = jax.nn.sigmoid(xr[...] @ wrr[...] + rbr[...])
    lane = lax.broadcasted_iota(jnp.int32, (S, EP), 1)
    m0 = jnp.max(probs, axis=1, keepdims=True)
    i0 = jnp.min(jnp.where(probs == m0, lane, EP), axis=1, keepdims=True)
    probs1 = jnp.where(lane == i0, NEG, probs)
    m1 = jnp.max(probs1, axis=1, keepdims=True)
    i1 = jnp.min(jnp.where(probs1 == m1, lane, EP), axis=1, keepdims=True)
    lane32 = lax.broadcasted_iota(jnp.int32, (S, 32), 1)
    sc_out[...] = jnp.where(lane32 < 16, m0, m1)

    a0 = (lane == i0).astype(f32)
    a1 = (lane == i1).astype(f32)

    sub = lax.broadcasted_iota(jnp.int32, (EP, EP), 0)
    ln2 = lax.broadcasted_iota(jnp.int32, (EP, EP), 1)
    texcl = (ln2 < sub).astype(f32)
    ones_row = jnp.ones((1, EP), f32)
    mm = functools.partial(lax.dot, preferred_element_type=f32)

    def prefix(a, off0):
        off = off0
        parts = []
        for c in range(NB):
            blk = a[c * EP:(c + 1) * EP, :]
            parts.append(mm(texcl, blk) + off)
            off = off + mm(ones_row, blk)
        return jnp.concatenate(parts, axis=0), off

    zeros_row = jnp.zeros((1, EP), f32)
    r0, counts0 = prefix(a0, zeros_row)
    r1, counts = prefix(a1, counts0)
    tiles = jnp.floor((counts + (TILE - 1)) * (1.0 / TILE))
    cumt = mm(tiles, (sub <= ln2).astype(f32))
    slot_base = (cumt - tiles) * TILE + S

    pos0 = jnp.sum((r0 + slot_base) * a0, axis=1, keepdims=True)
    pos1 = jnp.sum((r1 + slot_base) * a1, axis=1, keepdims=True)
    lane8s = lax.broadcasted_iota(jnp.int32, (S, 8), 1)
    pm_out[...] = jnp.where(lane8s == 0, pos0.astype(jnp.int32),
                            jnp.where(lane8s == 1, pos1.astype(jnp.int32), 0))

    subc = lax.broadcasted_iota(jnp.int32, (EP, EP), 0)
    lnc = lax.broadcasted_iota(jnp.int32, (EP, EP), 1)
    jr = (subc - NT_SH).astype(f32)
    cumt_b = jnp.broadcast_to(cumt, (EP, EP))
    ind = ((cumt_b <= jr) & (lnc < E)).astype(f32)
    texp = jnp.sum(ind, axis=1, keepdims=True)
    nrt = jnp.sum(cumt * (lax.broadcasted_iota(jnp.int32, (1, EP), 1) == E - 1),
                  axis=1, keepdims=True)
    is_sh = subc[:, :1] < NT_SH
    jcol = (subc[:, :1] - NT_SH).astype(f32)
    texp_i = jnp.where(is_sh, E, jnp.clip(texp.astype(jnp.int32), 0, E - 1))
    act_i = jnp.where(is_sh | (jcol < jnp.broadcast_to(nrt, (EP, 1))), 1, 0)
    lane8t = lax.broadcasted_iota(jnp.int32, (EP, 8), 1)
    tm_out[...] = jnp.where(lane8t == 0, texp_i,
                            jnp.where(lane8t == 1, act_i, 0))


def _router_meta(xf, Wr, rbias):
    Wrp = jnp.zeros((H, EP), jnp.float32).at[:, :E].set(Wr)
    rbp = jnp.full((1, EP), NEG, jnp.float32).at[0, :E].set(rbias)
    return pl.pallas_call(
        _router_body,
        in_specs=[
            pl.BlockSpec((S, H), lambda: (0, 0)),
            pl.BlockSpec((H, EP), lambda: (0, 0)),
            pl.BlockSpec((1, EP), lambda: (0, 0)),
        ],
        out_specs=[
            pl.BlockSpec((S, 32), lambda: (0, 0)),
            pl.BlockSpec((S, 8), lambda: (0, 0)),
            pl.BlockSpec((EP, 8), lambda: (0, 0)),
        ],
        out_shape=[
            jax.ShapeDtypeStruct((S, 32), jnp.float32),
            jax.ShapeDtypeStruct((S, 8), jnp.int32),
            jax.ShapeDtypeStruct((EP, 8), jnp.int32),
        ],
    )(xf, Wrp, rbp)


def _dispatch_body(x_hbm, p0_hbm, p1_hbm, xs_hbm,
                   p0_v, p1_v, rows_v, sem0, sem1):
    wid = lax.axis_index("s") * NC + lax.axis_index("c")
    tb = wid * TPW
    pltpu.sync_copy(p0_hbm.at[pl.ds(tb, TPW)], p0_v)
    pltpu.sync_copy(p1_hbm.at[pl.ds(tb, TPW)], p1_v)
    pltpu.sync_copy(x_hbm.at[pl.ds(tb, TPW)], rows_v)
    c0 = pltpu.async_copy(rows_v, xs_hbm.at[p0_v], sem0)
    c1 = pltpu.async_copy(rows_v, xs_hbm.at[p1_v], sem1)
    pltpu.sync_copy(rows_v, xs_hbm.at[pl.ds(tb, TPW)])
    c0.wait()
    c1.wait()


def _dispatch(xf, p0, p1):
    mesh = plsc.VectorSubcoreMesh(core_axis_name="c", subcore_axis_name="s")
    k = pl.kernel(
        _dispatch_body,
        mesh=mesh,
        out_type=jax.ShapeDtypeStruct((NT * TILE, H), jnp.float32),
        scratch_types=[
            pltpu.VMEM((TPW,), jnp.int32),
            pltpu.VMEM((TPW,), jnp.int32),
            pltpu.VMEM((TPW, H), jnp.float32),
            pltpu.SemaphoreType.DMA,
            pltpu.SemaphoreType.DMA,
        ],
    )
    return k(xf, p0, p1)


def _gemm_body(te_ref, xsr, wgr, wur, wdr, wgsr, wusr, wdsr,
               ysr, wgb, wub, wdb):
    i = pl.program_id(0)
    bf = jnp.bfloat16
    te = te_ref[i, 0]
    mm = functools.partial(lax.dot, preferred_element_type=jnp.float32)

    @pl.when((i == 0) | (te != te_ref[jnp.maximum(i - 1, 0), 0]))
    def _():
        @pl.when(te == E)
        def _():
            wgb[...] = wgsr[...].astype(bf)
            wub[...] = wusr[...].astype(bf)
            wdb[...] = wdsr[...].astype(bf)

        @pl.when(te != E)
        def _():
            wgb[...] = wgr[0].astype(bf)
            wub[...] = wur[0].astype(bf)
            wdb[...] = wdr[0].astype(bf)

    src = xsr[...].astype(bf)
    h = jax.nn.silu(mm(src, wgb[...])) * mm(src, wub[...])
    ysr[...] = mm(h.astype(bf), wdb[...])


def _grouped_gemm(xs, Wg, Wu, Wd, Wg_s, Wu_s, Wd_s, tmap):
    grid_spec = pltpu.PrefetchScalarGridSpec(
        num_scalar_prefetch=1,
        grid=(NT,),
        in_specs=[
            pl.BlockSpec((TILE, H), lambda i, te: (i, 0)),
            pl.BlockSpec((1, H, I),
                         lambda i, te: (jnp.where(te[i, 0] == E, 0, te[i, 0]), 0, 0)),
            pl.BlockSpec((1, H, I),
                         lambda i, te: (jnp.where(te[i, 0] == E, 0, te[i, 0]), 0, 0)),
            pl.BlockSpec((1, I, H),
                         lambda i, te: (jnp.where(te[i, 0] == E, 0, te[i, 0]), 0, 0)),
            pl.BlockSpec((H, I), lambda i, te: (0, 0)),
            pl.BlockSpec((H, I), lambda i, te: (0, 0)),
            pl.BlockSpec((I, H), lambda i, te: (0, 0)),
        ],
        out_specs=pl.BlockSpec((TILE, H), lambda i, te: (i, 0)),
        scratch_shapes=[
            pltpu.VMEM((H, I), jnp.bfloat16),
            pltpu.VMEM((H, I), jnp.bfloat16),
            pltpu.VMEM((I, H), jnp.bfloat16),
        ],
    )
    return pl.pallas_call(
        _gemm_body,
        grid_spec=grid_spec,
        out_shape=jax.ShapeDtypeStruct((NT * TILE, H), jnp.float32),
        compiler_params=pltpu.CompilerParams(
            dimension_semantics=("arbitrary",),
        ),
    )(tmap, xs, Wg, Wu, Wd, Wg_s, Wu_s, Wd_s)


_CH = 32


def _combine_body(ys_hbm, p0_hbm, p1_hbm, sc_hbm, out_hbm,
                  acc_v, r0_v, r1_v, s_v, p0_v, p1_v, sem0, sem1):
    wid = lax.axis_index("s") * NC + lax.axis_index("c")
    for half in range(TPW // _CH):
        tb = wid * TPW + half * _CH
        pltpu.sync_copy(p0_hbm.at[pl.ds(tb, _CH)], p0_v)
        pltpu.sync_copy(p1_hbm.at[pl.ds(tb, _CH)], p1_v)
        g0 = pltpu.async_copy(ys_hbm.at[p0_v], r0_v, sem0)
        g1 = pltpu.async_copy(ys_hbm.at[p1_v], r1_v, sem1)
        pltpu.sync_copy(ys_hbm.at[pl.ds(tb, _CH)], acc_v)
        pltpu.sync_copy(sc_hbm.at[pl.ds(tb, _CH)], s_v)
        g0.wait()
        g1.wait()

        def body(j, _):
            s0 = s_v[j, pl.ds(0, 16)]
            s1 = s_v[j, pl.ds(16, 16)]
            for c in range(H // 16):
                sl = pl.ds(c * 16, 16)
                acc_v[j, sl] = acc_v[j, sl] + s0 * r0_v[j, sl] + s1 * r1_v[j, sl]
            return 0

        lax.fori_loop(0, _CH, body, 0)
        pltpu.sync_copy(acc_v, out_hbm.at[pl.ds(tb, _CH)])


def _combine(ys, p0, p1, scores):
    mesh = plsc.VectorSubcoreMesh(core_axis_name="c", subcore_axis_name="s")
    k = pl.kernel(
        _combine_body,
        mesh=mesh,
        out_type=jax.ShapeDtypeStruct((S, H), jnp.float32),
        scratch_types=[
            pltpu.VMEM((_CH, H), jnp.float32),
            pltpu.VMEM((_CH, H), jnp.float32),
            pltpu.VMEM((_CH, H), jnp.float32),
            pltpu.VMEM((_CH, 32), jnp.float32),
            pltpu.VMEM((_CH,), jnp.int32),
            pltpu.VMEM((_CH,), jnp.int32),
            pltpu.SemaphoreType.DMA,
            pltpu.SemaphoreType.DMA,
        ],
    )
    return k(ys, p0, p1, scores)


def kernel(x, Wg_s, Wu_s, Wd_s, Wg, Wu, Wd, Wr, rbias):
    xf = x.reshape(S, H)
    scores, pmat, tmap = _router_meta(xf, Wr, rbias)
    p0 = pmat[:, 0]
    p1 = pmat[:, 1]
    xs = _dispatch(xf, p0, p1)
    ys = _grouped_gemm(xs, Wg, Wu, Wd, Wg_s, Wu_s, Wd_s, tmap)
    out = _combine(ys, p0, p1, scores)
    return out.reshape(1, S, H)

# --- scband reference (transcript-rebuilt; emitter-appended) ---
"""Pipeline reference for scband-deep-seek-mo-e-21294447853771 (READ-ONLY COPY).

The authoritative reference and input builder live on the scoring server;
editing this copy changes nothing except your own understanding.
"""

import jax, jax.numpy as jnp
import numpy as np

B, S, H = 1, 2048, 768
I = 384          # intermediate_size = hidden_size * mlp_ratio
E_ROUTED = 7     # num_experts - num_shared_experts
TOP_K = 2
NUM_SHARED = 1


def setup_inputs(seed: int = 0) -> dict:
    key = jax.random.key(seed)
    ks = jax.random.split(key, 10)
    x = jax.random.normal(ks[0], (B, S, H), dtype=jnp.float32)
    # shared expert (num_shared=1) weights, stored [in, out] so y = x @ W
    Wg_s = jax.random.normal(ks[1], (H, I), dtype=jnp.float32) * 0.02
    Wu_s = jax.random.normal(ks[2], (H, I), dtype=jnp.float32) * 0.02
    Wd_s = jax.random.normal(ks[3], (I, H), dtype=jnp.float32) * 0.02
    # routed experts, stacked over expert dim
    Wg = jax.random.normal(ks[4], (E_ROUTED, H, I), dtype=jnp.float32) * 0.02
    Wu = jax.random.normal(ks[5], (E_ROUTED, H, I), dtype=jnp.float32) * 0.02
    Wd = jax.random.normal(ks[6], (E_ROUTED, I, H), dtype=jnp.float32) * 0.02
    # router
    Wr = jax.random.normal(ks[7], (H, E_ROUTED), dtype=jnp.float32) * 0.02
    rbias = jnp.zeros((E_ROUTED,), dtype=jnp.float32)
    return {"x": x, "Wg_s": Wg_s, "Wu_s": Wu_s, "Wd_s": Wd_s,
            "Wg": Wg, "Wu": Wu, "Wd": Wd, "Wr": Wr, "rbias": rbias}


def _expert(x, Wg, Wu, Wd):
    return (jax.nn.silu(x @ Wg) * (x @ Wu)) @ Wd


def reference(x, Wg_s, Wu_s, Wd_s, Wg, Wu, Wd, Wr, rbias):
    # shared experts: sum(expert(x)) / num_shared  (num_shared = 1)
    shared_out = _expert(x, Wg_s, Wu_s, Wd_s) / NUM_SHARED
    # router: sigmoid(logits + bias), top-k
    routing_logits = x @ Wr + rbias
    routing_probs = jax.nn.sigmoid(routing_logits)
    scores, indices = jax.lax.top_k(routing_probs, TOP_K)  # [B,S,K]
    # dense dispatch equivalent to the masked per-expert loop:
    # combine[b,s,e] = sum_k scores[b,s,k] * 1[indices[b,s,k]==e]
    combine = jnp.sum(scores[..., None] * jax.nn.one_hot(indices, E_ROUTED, dtype=x.dtype), axis=-2)  # [B,S,E]
    hg = jnp.einsum('bsd,edf->bsef', x, Wg)
    hu = jnp.einsum('bsd,edf->bsef', x, Wu)
    h = jax.nn.silu(hg) * hu                 # [B,S,E,I]
    expert_out = jnp.einsum('bsef,efd->bsed', h, Wd)  # [B,S,E,H]
    routed_out = jnp.sum(expert_out * combine[..., None], axis=2)  # [B,S,H]
    return shared_out + routed_out

if __name__ == "__main__":
    import jax
    _d = setup_inputs()
    print(jax.jit(kernel)(*tuple(_d.values())))

</pallas_src>

<mosaic_0001>
#map = affine_map<(d0, d1) -> (0, 0)>
#map1 = affine_map<(d0, d1) -> (0)>
module attributes {stable_mosaic.version = 14 : i64} {
  func.func @_dispatch_body(%arg0: i32, %arg1: i32, %arg2: memref<2048x768xf32, #tpu.memory_space<hbm>>, %arg3: memref<2048xi32, #tpu.memory_space<hbm>>, %arg4: memref<2048xi32, #tpu.memory_space<hbm>>, %arg5: memref<7040x768xf32, #tpu.memory_space<hbm>>, %arg6: memref<64xi32, #tpu.memory_space<vmem>>, %arg7: memref<64xi32, #tpu.memory_space<vmem>>, %arg8: memref<64x768xf32, #tpu.memory_space<vmem>>, %arg9: memref<!tpu.dma_semaphore, #tpu.memory_space<semaphore_mem>>, %arg10: memref<!tpu.dma_semaphore, #tpu.memory_space<semaphore_mem>>) attributes {dimension_semantics = [#tpu.dimension_semantics<core_parallel>, #tpu.dimension_semantics<subcore_parallel>], iteration_bounds = array<i64: 2, 16>, scalar_prefetch = 0 : i64, scratch_operands = 5 : i64, tpu.core_type = #tpu.core_type<sc_vector_subcore>, window_params = [{transform_indices = #map}, {transform_indices = #map1}, {transform_indices = #map1}, {transform_indices = #map}]} {
    %mul3A = arith.constant 2 : i32
    %mul3A_0 = arith.muli %arg1, %mul3A : i32
    %add3A = arith.addi %mul3A_0, %arg0 : i32
    %mul3A_1 = arith.constant 64 : i32
    %mul3A_2 = arith.muli %add3A, %mul3A_1 : i32
    "tpu.region"() ({
      %run_scoped3A = tpu.sem_alloc : memref<!tpu.dma_semaphore, #tpu.memory_space<semaphore_mem>>
      %dma_start3A_13 = tpu.memref_slice %arg3[%mul3A_2] : memref<2048xi32, #tpu.memory_space<hbm>> -> memref<64xi32, #tpu.memory_space<hbm>>
      %dma_start3A_14 = tpu.memref_slice %arg3[%mul3A_2] : memref<2048xi32, #tpu.memory_space<hbm>> -> memref<64xi32, #tpu.memory_space<hbm>>
      tpu.enqueue_dma source(%dma_start3A_14 : memref<64xi32, #tpu.memory_space<hbm>>) target(%arg6 : memref<64xi32, #tpu.memory_space<vmem>>) target_semaphore(%run_scoped3A : memref<!tpu.dma_semaphore, #tpu.memory_space<semaphore_mem>>)
      %dma_wait3A_15 = tpu.memref_slice %arg3[%mul3A_2] : memref<2048xi32, #tpu.memory_space<hbm>> -> memref<64xi32, #tpu.memory_space<hbm>>
      %dma_wait3A_16 = tpu.memref_slice %arg3[%mul3A_2] : memref<2048xi32, #tpu.memory_space<hbm>> -> memref<64xi32, #tpu.memory_space<hbm>>
      tpu.wait_dma2 semaphore(%run_scoped3A : memref<!tpu.dma_semaphore, #tpu.memory_space<semaphore_mem>>) src(%dma_wait3A_16 : memref<64xi32, #tpu.memory_space<hbm>>) dst(%arg6 : memref<64xi32, #tpu.memory_space<vmem>>)
      tpu.yield
    }) : () -> ()
    "tpu.region"() ({
      %run_scoped3A = tpu.sem_alloc : memref<!tpu.dma_semaphore, #tpu.memory_space<semaphore_mem>>
      %dma_start3A_13 = tpu.memref_slice %arg4[%mul3A_2] : memref<2048xi32, #tpu.memory_space<hbm>> -> memref<64xi32, #tpu.memory_space<hbm>>
      %dma_start3A_14 = tpu.memref_slice %arg4[%mul3A_2] : memref<2048xi32, #tpu.memory_space<hbm>> -> memref<64xi32, #tpu.memory_space<hbm>>
      tpu.enqueue_dma source(%dma_start3A_14 : memref<64xi32, #tpu.memory_space<hbm>>) target(%arg7 : memref<64xi32, #tpu.memory_space<vmem>>) target_semaphore(%run_scoped3A : memref<!tpu.dma_semaphore, #tpu.memory_space<semaphore_mem>>)
      %dma_wait3A_15 = tpu.memref_slice %arg4[%mul3A_2] : memref<2048xi32, #tpu.memory_space<hbm>> -> memref<64xi32, #tpu.memory_space<hbm>>
      %dma_wait3A_16 = tpu.memref_slice %arg4[%mul3A_2] : memref<2048xi32, #tpu.memory_space<hbm>> -> memref<64xi32, #tpu.memory_space<hbm>>
      tpu.wait_dma2 semaphore(%run_scoped3A : memref<!tpu.dma_semaphore, #tpu.memory_space<semaphore_mem>>) src(%dma_wait3A_16 : memref<64xi32, #tpu.memory_space<hbm>>) dst(%arg7 : memref<64xi32, #tpu.memory_space<vmem>>)
      tpu.yield
    }) : () -> ()
    "tpu.region"() ({
      %run_scoped3A = tpu.sem_alloc : memref<!tpu.dma_semaphore, #tpu.memory_space<semaphore_mem>>
      %dma_start3A_13 = arith.constant 0 : i32
      %dma_start3A_14 = tpu.memref_slice %arg2[%mul3A_2, %dma_start3A_13] : memref<2048x768xf32, #tpu.memory_space<hbm>> -> memref<64x768xf32, #tpu.memory_space<hbm>>
      %dma_start3A_15 = arith.constant 0 : i32
      %dma_start3A_16 = tpu.memref_slice %arg2[%mul3A_2, %dma_start3A_15] : memref<2048x768xf32, #tpu.memory_space<hbm>> -> memref<64x768xf32, #tpu.memory_space<hbm>>
      tpu.enqueue_dma source(%dma_start3A_16 : memref<64x768xf32, #tpu.memory_space<hbm>>) target(%arg8 : memref<64x768xf32, #tpu.memory_space<vmem>>) target_semaphore(%run_scoped3A : memref<!tpu.dma_semaphore, #tpu.memory_space<semaphore_mem>>)
      %dma_wait3A_17 = arith.constant 0 : i32
      %dma_wait3A_18 = tpu.memref_slice %arg2[%mul3A_2, %dma_wait3A_17] : memref<2048x768xf32, #tpu.memory_space<hbm>> -> memref<64x768xf32, #tpu.memory_space<hbm>>
      %dma_wait3A_19 = arith.constant 0 : i32
      %dma_wait3A_20 = tpu.memref_slice %arg2[%mul3A_2, %dma_wait3A_19] : memref<2048x768xf32, #tpu.memory_space<hbm>> -> memref<64x768xf32, #tpu.memory_space<hbm>>
      tpu.wait_dma2 semaphore(%run_scoped3A : memref<!tpu.dma_semaphore, #tpu.memory_space<semaphore_mem>>) src(%dma_wait3A_20 : memref<64x768xf32, #tpu.memory_space<hbm>>) dst(%arg8 : memref<64x768xf32, #tpu.memory_space<vmem>>)
      tpu.yield
    }) : () -> ()
    %dma_start3A = arith.constant 0 : i32
    %dma_start3A_3 = arith.constant 0 : i32
    %dma_start3A_4 = tpu.memref_slice %arg5[%dma_start3A, %dma_start3A_3] : memref<7040x768xf32, #tpu.memory_space<hbm>> -> memref<7040x768xf32, #tpu.memory_space<hbm>>
    tpu.enqueue_indirect_dma source(%arg8 : memref<64x768xf32, #tpu.memory_space<vmem>>) target(%dma_start3A_4 : memref<7040x768xf32, #tpu.memory_space<hbm>>) offsets(%arg6 : memref<64xi32, #tpu.memory_space<vmem>>) semaphore(%arg9 : memref<!tpu.dma_semaphore, #tpu.memory_space<semaphore_mem>>)
    %dma_start3A_5 = arith.constant 0 : i32
    %dma_start3A_6 = arith.constant 0 : i32
    %dma_start3A_7 = tpu.memref_slice %arg5[%dma_start3A_5, %dma_start3A_6] : memref<7040x768xf32, #tpu.memory_space<hbm>> -> memref<7040x768xf32, #tpu.memory_space<hbm>>
    tpu.enqueue_indirect_dma source(%arg8 : memref<64x768xf32, #tpu.memory_space<vmem>>) target(%dma_start3A_7 : memref<7040x768xf32, #tpu.memory_space<hbm>>) offsets(%arg7 : memref<64xi32, #tpu.memory_space<vmem>>) semaphore(%arg10 : memref<!tpu.dma_semaphore, #tpu.memory_space<semaphore_mem>>)
    "tpu.region"() ({
      %run_scoped3A = tpu.sem_alloc : memref<!tpu.dma_semaphore, #tpu.memory_space<semaphore_mem>>
      %dma_start3A_13 = arith.constant 0 : i32
      %dma_start3A_14 = tpu.memref_slice %arg5[%mul3A_2, %dma_start3A_13] : memref<7040x768xf32, #tpu.memory_space<hbm>> -> memref<64x768xf32, #tpu.memory_space<hbm>>
      %dma_start3A_15 = arith.constant 0 : i32
      %dma_start3A_16 = tpu.memref_slice %arg5[%mul3A_2, %dma_start3A_15] : memref<7040x768xf32, #tpu.memory_space<hbm>> -> memref<64x768xf32, #tpu.memory_space<hbm>>
      tpu.enqueue_dma source(%arg8 : memref<64x768xf32, #tpu.memory_space<vmem>>) target(%dma_start3A_16 : memref<64x768xf32, #tpu.memory_space<hbm>>) target_semaphore(%run_scoped3A : memref<!tpu.dma_semaphore, #tpu.memory_space<semaphore_mem>>)
      %dma_wait3A_17 = arith.constant 0 : i32
      %dma_wait3A_18 = tpu.memref_slice %arg5[%mul3A_2, %dma_wait3A_17] : memref<7040x768xf32, #tpu.memory_space<hbm>> -> memref<64x768xf32, #tpu.memory_space<hbm>>
      %dma_wait3A_19 = arith.constant 0 : i32
      %dma_wait3A_20 = tpu.memref_slice %arg5[%mul3A_2, %dma_wait3A_19] : memref<7040x768xf32, #tpu.memory_space<hbm>> -> memref<64x768xf32, #tpu.memory_space<hbm>>
      tpu.wait_dma2 semaphore(%run_scoped3A : memref<!tpu.dma_semaphore, #tpu.memory_space<semaphore_mem>>) src(%arg8 : memref<64x768xf32, #tpu.memory_space<vmem>>) dst(%dma_wait3A_20 : memref<64x768xf32, #tpu.memory_space<hbm>>)
      tpu.yield
    }) : () -> ()
    %dma_wait3A = arith.constant 0 : i32
    %dma_wait3A_8 = arith.constant 0 : i32
    %dma_wait3A_9 = tpu.memref_slice %arg5[%dma_wait3A, %dma_wait3A_8] : memref<7040x768xf32, #tpu.memory_space<hbm>> -> memref<7040x768xf32, #tpu.memory_space<hbm>>
    tpu.wait_indirect_dma semaphore(%arg9 : memref<!tpu.dma_semaphore, #tpu.memory_space<semaphore_mem>>) src(%arg8 : memref<64x768xf32, #tpu.memory_space<vmem>>) dst(%dma_wait3A_9 : memref<7040x768xf32, #tpu.memory_space<hbm>>)
    %dma_wait3A_10 = arith.constant 0 : i32
    %dma_wait3A_11 = arith.constant 0 : i32
    %dma_wait3A_12 = tpu.memref_slice %arg5[%dma_wait3A_10, %dma_wait3A_11] : memref<7040x768xf32, #tpu.memory_space<hbm>> -> memref<7040x768xf32, #tpu.memory_space<hbm>>
    tpu.wait_indirect_dma semaphore(%arg10 : memref<!tpu.dma_semaphore, #tpu.memory_space<semaphore_mem>>) src(%arg8 : memref<64x768xf32, #tpu.memory_space<vmem>>) dst(%dma_wait3A_12 : memref<7040x768xf32, #tpu.memory_space<hbm>>)
    return
  }
}

#map = affine_map<(d0, d1) -> (0, 0)>
#map1 = affine_map<(d0, d1) -> (0)>
module attributes {stable_mosaic.version = 14 : i64} {
  func.func @_combine_body(%arg0: i32, %arg1: i32, %arg2: memref<7040x768xf32, #tpu.memory_space<hbm>>, %arg3: memref<2048xi32, #tpu.memory_space<hbm>>, %arg4: memref<2048xi32, #tpu.memory_space<hbm>>, %arg5: memref<2048x32xf32, #tpu.memory_space<hbm>>, %arg6: memref<2048x768xf32, #tpu.memory_space<hbm>>, %arg7: memref<32x768xf32, #tpu.memory_space<vmem>>, %arg8: memref<32x768xf32, #tpu.memory_space<vmem>>, %arg9: memref<32x768xf32, #tpu.memory_space<vmem>>, %arg10: memref<32x32xf32, #tpu.memory_space<vmem>>, %arg11: memref<32xi32, #tpu.memory_space<vmem>>, %arg12: memref<32xi32, #tpu.memory_space<vmem>>, %arg13: memref<!tpu.dma_semaphore, #tpu.memory_space<semaphore_mem>>, %arg14: memref<!tpu.dma_semaphore, #tpu.memory_space<semaphore_mem>>) attributes {dimension_semantics = [#tpu.dimension_semantics<core_parallel>, #tpu.dimension_semantics<subcore_parallel>], iteration_bounds = array<i64: 2, 16>, scalar_prefetch = 0 : i64, scratch_operands = 8 : i64, tpu.core_type = #tpu.core_type<sc_vector_subcore>, window_params = [{transform_indices = #map}, {transform_indices = #map1}, {transform_indices = #map1}, {transform_indices = #map}, {transform_indices = #map}]} {
    %mul3A = arith.constant 2 : i32
    %mul3A_0 = arith.muli %arg1, %mul3A : i32
    %add3A = arith.addi %mul3A_0, %arg0 : i32
    %mul3A_1 = arith.constant 64 : i32
    %mul3A_2 = arith.muli %add3A, %mul3A_1 : i32
    %add3A_3 = arith.constant 0 : i32
    %add3A_4 = arith.addi %mul3A_2, %add3A_3 : i32
    "tpu.region"() ({
      %run_scoped3A = tpu.sem_alloc : memref<!tpu.dma_semaphore, #tpu.memory_space<semaphore_mem>>
      %dma_start3A_44 = tpu.memref_slice %arg3[%add3A_4] : memref<2048xi32, #tpu.memory_space<hbm>> -> memref<32xi32, #tpu.memory_space<hbm>>
      %dma_start3A_45 = tpu.memref_slice %arg3[%add3A_4] : memref<2048xi32, #tpu.memory_space<hbm>> -> memref<32xi32, #tpu.memory_space<hbm>>
      tpu.enqueue_dma source(%dma_start3A_45 : memref<32xi32, #tpu.memory_space<hbm>>) target(%arg11 : memref<32xi32, #tpu.memory_space<vmem>>) target_semaphore(%run_scoped3A : memref<!tpu.dma_semaphore, #tpu.memory_space<semaphore_mem>>)
      %dma_wait3A_46 = tpu.memref_slice %arg3[%add3A_4] : memref<2048xi32, #tpu.memory_space<hbm>> -> memref<32xi32, #tpu.memory_space<hbm>>
      %dma_wait3A_47 = tpu.memref_slice %arg3[%add3A_4] : memref<2048xi32, #tpu.memory_space<hbm>> -> memref<32xi32, #tpu.memory_space<hbm>>
      tpu.wait_dma2 semaphore(%run_scoped3A : memref<!tpu.dma_semaphore, #tpu.memory_space<semaphore_mem>>) src(%dma_wait3A_47 : memref<32xi32, #tpu.memory_space<hbm>>) dst(%arg11 : memref<32xi32, #tpu.memory_space<vmem>>)
      tpu.yield
    }) : () -> ()
    "tpu.region"() ({
      %run_scoped3A = tpu.sem_alloc : memref<!tpu.dma_semaphore, #tpu.memory_space<semaphore_mem>>
      %dma_start3A_44 = tpu.memref_slice %arg4[%add3A_4] : memref<2048xi32, #tpu.memory_space<hbm>> -> memref<32xi32, #tpu.memory_space<hbm>>
      %dma_start3A_45 = tpu.memref_slice %arg4[%add3A_4] : memref<2048xi32, #tpu.memory_space<hbm>> -> memref<32xi32, #tpu.memory_space<hbm>>
      tpu.enqueue_dma source(%dma_start3A_45 : memref<32xi32, #tpu.memory_space<hbm>>) target(%arg12 : memref<32xi32, #tpu.memory_space<vmem>>) target_semaphore(%run_scoped3A : memref<!tpu.dma_semaphore, #tpu.memory_space<semaphore_mem>>)
      %dma_wait3A_46 = tpu.memref_slice %arg4[%add3A_4] : memref<2048xi32, #tpu.memory_space<hbm>> -> memref<32xi32, #tpu.memory_space<hbm>>
      %dma_wait3A_47 = tpu.memref_slice %arg4[%add3A_4] : memref<2048xi32, #tpu.memory_space<hbm>> -> memref<32xi32, #tpu.memory_space<hbm>>
      tpu.wait_dma2 semaphore(%run_scoped3A : memref<!tpu.dma_semaphore, #tpu.memory_space<semaphore_mem>>) src(%dma_wait3A_47 : memref<32xi32, #tpu.memory_space<hbm>>) dst(%arg12 : memref<32xi32, #tpu.memory_space<vmem>>)
      tpu.yield
    }) : () -> ()
    %dma_start3A = arith.constant 0 : i32
    %dma_start3A_5 = arith.constant 0 : i32
    %dma_start3A_6 = tpu.memref_slice %arg2[%dma_start3A, %dma_start3A_5] : memref<7040x768xf32, #tpu.memory_space<hbm>> -> memref<7040x768xf32, #tpu.memory_space<hbm>>
    tpu.enqueue_indirect_dma source(%dma_start3A_6 : memref<7040x768xf32, #tpu.memory_space<hbm>>) target(%arg8 : memref<32x768xf32, #tpu.memory_space<vmem>>) offsets(%arg11 : memref<32xi32, #tpu.memory_space<vmem>>) semaphore(%arg13 : memref<!tpu.dma_semaphore, #tpu.memory_space<semaphore_mem>>)
    %dma_start3A_7 = arith.constant 0 : i32
    %dma_start3A_8 = arith.constant 0 : i32
    %dma_start3A_9 = tpu.memref_slice %arg2[%dma_start3A_7, %dma_start3A_8] : memref<7040x768xf32, #tpu.memory_space<hbm>> -> memref<7040x768xf32, #tpu.memory_space<hbm>>
    tpu.enqueue_indirect_dma source(%dma_start3A_9 : memref<7040x768xf32, #tpu.memory_space<hbm>>) target(%arg9 : memref<32x768xf32, #tpu.memory_space<vmem>>) offsets(%arg12 : memref<32xi32, #tpu.memory_space<vmem>>) semaphore(%arg14 : memref<!tpu.dma_semaphore, #tpu.memory_space<semaphore_mem>>)
    "tpu.region"() ({
      %run_scoped3A = tpu.sem_alloc : memref<!tpu.dma_semaphore, #tpu.memory_space<semaphore_mem>>
      %dma_start3A_44 = arith.constant 0 : i32
      %dma_start3A_45 = tpu.memref_slice %arg2[%add3A_4, %dma_start3A_44] : memref<7040x768xf32, #tpu.memory_space<hbm>> -> memref<32x768xf32, #tpu.memory_space<hbm>>
      %dma_start3A_46 = arith.constant 0 : i32
      %dma_start3A_47 = tpu.memref_slice %arg2[%add3A_4, %dma_start3A_46] : memref<7040x768xf32, #tpu.memory_space<hbm>> -> memref<32x768xf32, #tpu.memory_space<hbm>>
      tpu.enqueue_dma source(%dma_start3A_47 : memref<32x768xf32, #tpu.memory_space<hbm>>) target(%arg7 : memref<32x768xf32, #tpu.memory_space<vmem>>) target_semaphore(%run_scoped3A : memref<!tpu.dma_semaphore, #tpu.memory_space<semaphore_mem>>)
      %dma_wait3A_48 = arith.constant 0 : i32
      %dma_wait3A_49 = tpu.memref_slice %arg2[%add3A_4, %dma_wait3A_48] : memref<7040x768xf32, #tpu.memory_space<hbm>> -> memref<32x768xf32, #tpu.memory_space<hbm>>
      %dma_wait3A_50 = arith.constant 0 : i32
      %dma_wait3A_51 = tpu.memref_slice %arg2[%add3A_4, %dma_wait3A_50] : memref<7040x768xf32, #tpu.memory_space<hbm>> -> memref<32x768xf32, #tpu.memory_space<hbm>>
      tpu.wait_dma2 semaphore(%run_scoped3A : memref<!tpu.dma_semaphore, #tpu.memory_space<semaphore_mem>>) src(%dma_wait3A_51 : memref<32x768xf32, #tpu.memory_space<hbm>>) dst(%arg7 : memref<32x768xf32, #tpu.memory_space<vmem>>)
      tpu.yield
    }) : () -> ()
    "tpu.region"() ({
      %run_scoped3A = tpu.sem_alloc : memref<!tpu.dma_semaphore, #tpu.memory_space<semaphore_mem>>
      %dma_start3A_44 = arith.constant 0 : i32
      %dma_start3A_45 = tpu.memref_slice %arg5[%add3A_4, %dma_start3A_44] : memref<2048x32xf32, #tpu.memory_space<hbm>> -> memref<32x32xf32, #tpu.memory_space<hbm>>
      %dma_start3A_46 = arith.constant 0 : i32
      %dma_start3A_47 = tpu.memref_slice %arg5[%add3A_4, %dma_start3A_46] : memref<2048x32xf32, #tpu.memory_space<hbm>> -> memref<32x32xf32, #tpu.memory_space<hbm>>
      tpu.enqueue_dma source(%dma_start3A_47 : memref<32x32xf32, #tpu.memory_space<hbm>>) target(%arg10 : memref<32x32xf32, #tpu.memory_space<vmem>>) target_semaphore(%run_scoped3A : memref<!tpu.dma_semaphore, #tpu.memory_space<semaphore_mem>>)
      %dma_wait3A_48 = arith.constant 0 : i32
      %dma_wait3A_49 = tpu.memref_slice %arg5[%add3A_4, %dma_wait3A_48] : memref<2048x32xf32, #tpu.memory_space<hbm>> -> memref<32x32xf32, #tpu.memory_space<hbm>>
      %dma_wait3A_50 = arith.constant 0 : i32
      %dma_wait3A_51 = tpu.memref_slice %arg5[%add3A_4, %dma_wait3A_50] : memref<2048x32xf32, #tpu.memory_space<hbm>> -> memref<32x32xf32, #tpu.memory_space<hbm>>
      tpu.wait_dma2 semaphore(%run_scoped3A : memref<!tpu.dma_semaphore, #tpu.memory_space<semaphore_mem>>) src(%dma_wait3A_51 : memref<32x32xf32, #tpu.memory_space<hbm>>) dst(%arg10 : memref<32x32xf32, #tpu.memory_space<vmem>>)
      tpu.yield
    }) : () -> ()
    %dma_wait3A = arith.constant 0 : i32
    %dma_wait3A_10 = arith.constant 0 : i32
    %dma_wait3A_11 = tpu.memref_slice %arg2[%dma_wait3A, %dma_wait3A_10] : memref<7040x768xf32, #tpu.memory_space<hbm>> -> memref<7040x768xf32, #tpu.memory_space<hbm>>
    tpu.wait_indirect_dma semaphore(%arg13 : memref<!tpu.dma_semaphore, #tpu.memory_space<semaphore_mem>>) src(%dma_wait3A_11 : memref<7040x768xf32, #tpu.memory_space<hbm>>) dst(%arg8 : memref<32x768xf32, #tpu.memory_space<vmem>>)
    %dma_wait3A_12 = arith.constant 0 : i32
    %dma_wait3A_13 = arith.constant 0 : i32
    %dma_wait3A_14 = tpu.memref_slice %arg2[%dma_wait3A_12, %dma_wait3A_13] : memref<7040x768xf32, #tpu.memory_space<hbm>> -> memref<7040x768xf32, #tpu.memory_space<hbm>>
    tpu.wait_indirect_dma semaphore(%arg14 : memref<!tpu.dma_semaphore, #tpu.memory_space<semaphore_mem>>) src(%dma_wait3A_14 : memref<7040x768xf32, #tpu.memory_space<hbm>>) dst(%arg9 : memref<32x768xf32, #tpu.memory_space<vmem>>)
    %scan3A = arith.constant 0 : i32
    %scan3A_15 = arith.constant 0 : i32
    %scan3A_16 = arith.constant 32 : i32
    %scan3A_17 = arith.addi %scan3A_15, %scan3A_16 : i32
    %scan3A_18 = arith.constant 1 : i32
    %scan3A_19 = scf.for %scan3A_44 = %scan3A_15 to %scan3A_17 step %scan3A_18 iter_args(%scan3A_45 = %scan3A) -> (i32)  : i32 {
      %get3A = arith.index_cast %scan3A_44 : i32 to index
      %get3A_46 = arith.constant 0 : index
      %get3A_47 = tpu.vector_load %arg10[%get3A, %get3A_46] {strides = array<i32>} : memref<32x32xf32, #tpu.memory_space<vmem>>, vector<1x16xf32>,
      %get3A_48 = vector.shape_cast %get3A_47 : vector<1x16xf32> to vector<16xf32>
      %get3A_49 = arith.index_cast %scan3A_44 : i32 to index
      %get3A_50 = arith.constant 16 : index
      %get3A_51 = tpu.vector_load %arg10[%get3A_49, %get3A_50] {strides = array<i32>} : memref<32x32xf32, #tpu.memory_space<vmem>>, vector<1x16xf32>,
      %get3A_52 = vector.shape_cast %get3A_51 : vector<1x16xf32> to vector<16xf32>
      %get3A_53 = arith.index_cast %scan3A_44 : i32 to index
      %get3A_54 = arith.constant 0 : index
      %get3A_55 = tpu.vector_load %arg7[%get3A_53, %get3A_54] {strides = array<i32>} : memref<32x768xf32, #tpu.memory_space<vmem>>, vector<1x16xf32>,
      %get3A_56 = vector.shape_cast %get3A_55 : vector<1x16xf32> to vector<16xf32>
      %get3A_57 = arith.index_cast %scan3A_44 : i32 to index
      %get3A_58 = arith.constant 0 : index
      %get3A_59 = tpu.vector_load %arg8[%get3A_57, %get3A_58] {strides = array<i32>} : memref<32x768xf32, #tpu.memory_space<vmem>>, vector<1x16xf32>,
      %get3A_60 = vector.shape_cast %get3A_59 : vector<1x16xf32> to vector<16xf32>
      %mul3A_61 = arith.mulf %get3A_48, %get3A_60 : vector<16xf32>
      %add3A_62 = arith.addf %get3A_56, %mul3A_61 : vector<16xf32>
      %get3A_63 = arith.index_cast %scan3A_44 : i32 to index
      %get3A_64 = arith.constant 0 : index
      %get3A_65 = tpu.vector_load %arg9[%get3A_63, %get3A_64] {strides = array<i32>} : memref<32x768xf32, #tpu.memory_space<vmem>>, vector<1x16xf32>,
      %get3A_66 = vector.shape_cast %get3A_65 : vector<1x16xf32> to vector<16xf32>
      %mul3A_67 = arith.mulf %get3A_52, %get3A_66 : vector<16xf32>
      %add3A_68 = arith.addf %add3A_62, %mul3A_67 : vector<16xf32>
      %swap3A = arith.index_cast %scan3A_44 : i32 to index
      %swap3A_69 = arith.constant 0 : index
      %swap3A_70 = tpu.vector_load %arg7[%swap3A, %swap3A_69] {strides = array<i32>} : memref<32x768xf32, #tpu.memory_space<vmem>>, vector<1x16xf32>,
      %swap3A_71 = vector.shape_cast %swap3A_70 : vector<1x16xf32> to vector<16xf32>
      %swap3A_72 = vector.shape_cast %add3A_68 : vector<16xf32> to vector<1x16xf32>
      tpu.vector_store %arg7[%swap3A, %swap3A_69], %swap3A_72 {strides = array<i32>} : memref<32x768xf32, #tpu.memory_space<vmem>>, vector<1x16xf32>,
      %get3A_73 = arith.index_cast %scan3A_44 : i32 to index
      %get3A_74 = arith.constant 16 : index
      %get3A_75 = tpu.vector_load %arg7[%get3A_73, %get3A_74] {strides = array<i32>} : memref<32x768xf32, #tpu.memory_space<vmem>>, vector<1x16xf32>,
      %get3A_76 = vector.shape_cast %get3A_75 : vector<1x16xf32> to vector<16xf32>
      %get3A_77 = arith.index_cast %scan3A_44 : i32 to index
      %get3A_78 = arith.constant 16 : index
      %get3A_79 = tpu.vector_load %arg8[%get3A_77, %get3A_78] {strides = array<i32>} : memref<32x768xf32, #tpu.memory_space<vmem>>, vector<1x16xf32>,
      %get3A_80 = vector.shape_cast %get3A_79 : vector<1x16xf32> to vector<16xf32>
      %mul3A_81 = arith.mulf %get3A_48, %get3A_80 : vector<16xf32>
      %add3A_82 = arith.addf %get3A_76, %mul3A_81 : vector<16xf32>
      %get3A_83 = arith.index_cast %scan3A_44 : i32 to index
      %get3A_84 = arith.constant 16 : index
      %get3A_85 = tpu.vector_load %arg9[%get3A_83, %get3A_84] {strides = array<i32>} : memref<32x768xf32, #tpu.memory_space<vmem>>, vector<1x16xf32>,
      %get3A_86 = vector.shape_cast %get3A_85 : vector<1x16xf32> to vector<16xf32>
      %mul3A_87 = arith.mulf %get3A_52, %get3A_86 : vector<16xf32>
      %add3A_88 = arith.addf %add3A_82, %mul3A_87 : vector<16xf32>
      %swap3A_89 = arith.index_cast %scan3A_44 : i32 to index
      %swap3A_90 = arith.constant 16 : index
      %swap3A_91 = tpu.vector_load %arg7[%swap3A_89, %swap3A_90] {strides = array<i32>} : memref<32x768xf32, #tpu.memory_space<vmem>>, vector<1x16xf32>,
      %swap3A_92 = vector.shape_cast %swap3A_91 : vector<1x16xf32> to vector<16xf32>
      %swap3A_93 = vector.shape_cast %add3A_88 : vector<16xf32> to vector<1x16xf32>
      tpu.vector_store %arg7[%swap3A_89, %swap3A_90], %swap3A_93 {strides = array<i32>} : memref<32x768xf32, #tpu.memory_space<vmem>>, vector<1x16xf32>,
      %get3A_94 = arith.index_cast %scan3A_44 : i32 to index
      %get3A_95 = arith.constant 32 : index
      %get3A_96 = tpu.vector_load %arg7[%get3A_94, %get3A_95] {strides = array<i32>} : memref<32x768xf32, #tpu.memory_space<vmem>>, vector<1x16xf32>,
      %get3A_97 = vector.shape_cast %get3A_96 : vector<1x16xf32> to vector<16xf32>
      %get3A_98 = arith.index_cast %scan3A_44 : i32 to index
      %get3A_99 = arith.constant 32 : index
      %get3A_100 = tpu.vector_load %arg8[%get3A_98, %get3A_99] {strides = array<i32>} : memref<32x768xf32, #tpu.memory_space<vmem>>, vector<1x16xf32>,
      %get3A_101 = vector.shape_cast %get3A_100 : vector<1x16xf32> to vector<16xf32>
      %mul3A_102 = arith.mulf %get3A_48, %get3A_101 : vector<16xf32>
      %add3A_103 = arith.addf %get3A_97, %mul3A_102 : vector<16xf32>
      %get3A_104 = arith.index_cast %scan3A_44 : i32 to index
      %get3A_105 = arith.constant 32 : index
      %get3A_106 = tpu.vector_load %arg9[%get3A_104, %get3A_105] {strides = array<i32>} : memref<32x768xf32, #tpu.memory_space<vmem>>, vector<1x16xf32>,
      %get3A_107 = vector.shape_cast %get3A_106 : vector<1x16xf32> to vector<16xf32>
      %mul3A_108 = arith.mulf %get3A_52, %get3A_107 : vector<16xf32>
      %add3A_109 = arith.addf %add3A_103, %mul3A_108 : vector<16xf32>
      %swap3A_110 = arith.index_cast %scan3A_44 : i32 to index
      %swap3A_111 = arith.constant 32 : index
      %swap3A_112 = tpu.vector_load %arg7[%swap3A_110, %swap3A_111] {strides = array<i32>} : memref<32x768xf32, #tpu.memory_space<vmem>>, vector<1x16xf32>,
      %swap3A_113 = vector.shape_cast %swap3A_112 : vector<1x16xf32> to vector<16xf32>
      %swap3A_114 = vector.shape_cast %add3A_109 : vector<16xf32> to vector<1x16xf32>
      tpu.vector_store %arg7[%swap3A_110, %swap3A_111], %swap3A_114 {strides = array<i32>} : memref<32x768xf32, #tpu.memory_space<vmem>>, vector<1x16xf32>,
      %get3A_115 = arith.index_cast %scan3A_44 : i32 to index
      %get3A_116 = arith.constant 48 : index
      %get3A_117 = tpu.vector_load %arg7[%get3A_115, %get3A_116] {strides = array<i32>} : memref<32x768xf32, #tpu.memory_space<vmem>>, vector<1x16xf32>,
      %get3A_118 = vector.shape_cast %get3A_117 : vector<1x16xf32> to vector<16xf32>
      %get3A_119 = arith.index_cast %scan3A_44 : i32 to index
      %get3A_120 = arith.constant 48 : index
      %get3A_121 = tpu.vector_load %arg8[%get3A_119, %get3A_120] {strides = array<i32>} : memref<32x768xf32, #tpu.memory_space<vmem>>, vector<1x16xf32>,
      %get3A_122 = vector.shape_cast %get3A_121 : vector<1x16xf32> to vector<16xf32>
      %mul3A_123 = arith.mulf %get3A_48, %get3A_122 : vector<16xf32>
      %add3A_124 = arith.addf %get3A_118, %mul3A_123 : vector<16xf32>
      %get3A_125 = arith.index_cast %scan3A_44 : i32 to index
      %get3A_126 = arith.constant 48 : index
      %get3A_127 = tpu.vector_load %arg9[%get3A_125, %get3A_126] {strides = array<i32>} : memref<32x768xf32, #tpu.memory_space<vmem>>, vector<1x16xf32>,
      %get3A_128 = vector.shape_cast %get3A_127 : vector<1x16xf32> to vector<16xf32>
      %mul3A_129 = arith.mulf %get3A_52, %get3A_128 : vector<16xf32>
      %add3A_130 = arith.addf %add3A_124, %mul3A_129 : vector<16xf32>
      %swap3A_131 = arith.index_cast %scan3A_44 : i32 to index
      %swap3A_132 = arith.constant 48 : index
      %swap3A_133 = tpu.vector_load %arg7[%swap3A_131, %swap3A_132] {strides = array<i32>} : memref<32x768xf32, #tpu.memory_space<vmem>>, vector<1x16xf32>,
      %swap3A_134 = vector.shape_cast %swap3A_133 : vector<1x16xf32> to vector<16xf32>
      %swap3A_135 = vector.shape_cast %add3A_130 : vector<16xf32> to vector<1x16xf32>
      tpu.vector_store %arg7[%swap3A_131, %swap3A_132], %swap3A_135 {strides = array<i32>} : memref<32x768xf32, #tpu.memory_space<vmem>>, vector<1x16xf32>,
      %get3A_136 = arith.index_cast %scan3A_44 : i32 to index
      %get3A_137 = arith.constant 64 : index
      %get3A_138 = tpu.vector_load %arg7[%get3A_136, %get3A_137] {strides = array<i32>} : memref<32x768xf32, #tpu.memory_space<vmem>>, vector<1x16xf32>,
      %get3A_139 = vector.shape_cast %get3A_138 : vector<1x16xf32> to vector<16xf32>
      %get3A_140 = arith.index_cast %scan3A_44 : i32 to index
      %get3A_141 = arith.constant 64 : index
      %get3A_142 = tpu.vector_load %arg8[%get3A_140, %get3A_141] {strides = array<i32>} : memref<32x768xf32, #tpu.memory_space<vmem>>, vector<1x16xf32>,
      %get3A_143 = vector.shape_cast %get3A_142 : vector<1x16xf32> to vector<16xf32>
      %mul3A_144 = arith.mulf %get3A_48, %get3A_143 : vector<16xf32>
      %add3A_145 = arith.addf %get3A_139, %mul3A_144 : vector<16xf32>
      %get3A_146 = arith.index_cast %scan3A_44 : i32 to index
      %get3A_147 = arith.constant 64 : index
      %get3A_148 = tpu.vector_load %arg9[%get3A_146, %get3A_147] {strides = array<i32>} : memref<32x768xf32, #tpu.memory_space<vmem>>, vector<1x16xf32>,
      %get3A_149 = vector.shape_cast %get3A_148 : vector<1x16xf32> to vector<16xf32>
      %mul3A_150 = arith.mulf %get3A_52, %get3A_149 : vector<16xf32>
      %add3A_151 = arith.addf %add3A_145, %mul3A_150 : vector<16xf32>
      %swap3A_152 = arith.index_cast %scan3A_44 : i32 to index
      %swap3A_153 = arith.constant 64 : index
      %swap3A_154 = tpu.vector_load %arg7[%swap3A_152, %swap3A_153] {strides = array<i32>} : memref<32x768xf32, #tpu.memory_space<vmem>>, vector<1x16xf32>,
      %swap3A_155 = vector.shape_cast %swap3A_154 : vector<1x16xf32> to vector<16xf32>
      %swap3A_156 = vector.shape_cast %add3A_151 : vector<16xf32> to vector<1x16xf32>
      tpu.vector_store %arg7[%swap3A_152, %swap3A_153], %swap3A_156 {strides = array<i32>} : memref<32x768xf32, #tpu.memory_space<vmem>>, vector<1x16xf32>,
      %get3A_157 = arith.index_cast %scan3A_44 : i32 to index
      %get3A_158 = arith.constant 80 : index
      %get3A_159 = tpu.vector_load %arg7[%get3A_157, %get3A_158] {strides = array<i32>} : memref<32x768xf32, #tpu.memory_space<vmem>>, vector<1x16xf32>,
      %get3A_160 = vector.shape_cast %get3A_159 : vector<1x16xf32> to vector<16xf32>
      %get3A_161 = arith.index_cast %scan3A_44 : i32 to index
      %get3A_162 = arith.constant 80 : index
      %get3A_163 = tpu.vector_load %arg8[%get3A_161, %get3A_162] {strides = array<i32>} : memref<32x768xf32, #tpu.memory_space<vmem>>, vector<1x16xf32>,
      %get3A_164 = vector.shape_cast %get3A_163 : vector<1x16xf32> to vector<16xf32>
      %mul3A_165 = arith.mulf %get3A_48, %get3A_164 : vector<16xf32>
      %add3A_166 = arith.addf %get3A_160, %mul3A_165 : vector<16xf32>
      %get3A_167 = arith.index_cast %scan3A_44 : i32 to index
      %get3A_168 = arith.constant 80 : index
      %get3A_169 = tpu.vector_load %arg9[%get3A_167, %get3A_168] {strides = array<i32>} : memref<32x768xf32, #tpu.memory_space<vmem>>, vector<1x16xf32>,
      %get3A_170 = vector.shape_cast %get3A_169 : vector<1x16xf32> to vector<16xf32>
      %mul3A_171 = arith.mulf %get3A_52, %get3A_170 : vector<16xf32>
      %add3A_172 = arith.addf %add3A_166, %mul3A_171 : vector<16xf32>
      %swap3A_173 = arith.index_cast %scan3A_44 : i32 to index
      %swap3A_174 = arith.constant 80 : index
      %swap3A_175 = tpu.vector_load %arg7[%swap3A_173, %swap3A_174] {strides = array<i32>} : memref<32x768xf32, #tpu.memory_space<vmem>>, vector<1x16xf32>,
      %swap3A_176 = vector.shape_cast %swap3A_175 : vector<1x16xf32> to vector<16xf32>
      %swap3A_177 = vector.shape_cast %add3A_172 : vector<16xf32> to vector<1x16xf32>
      tpu.vector_store %arg7[%swap3A_173, %swap3A_174], %swap3A_177 {strides = array<i32>} : memref<32x768xf32, #tpu.memory_space<vmem>>, vector<1x16xf32>,
      %get3A_178 = arith.index_cast %scan3A_44 : i32 to index
      %get3A_179 = arith.constant 96 : index
      %get3A_180 = tpu.vector_load %arg7[%get3A_178, %get3A_179] {strides = array<i32>} : memref<32x768xf32, #tpu.memory_space<vmem>>, vector<1x16xf32>,
      %get3A_181 = vector.shape_cast %get3A_180 : vector<1x16xf32> to vector<16xf32>
      %get3A_182 = arith.index_cast %scan3A_44 : i32 to index
      %get3A_183 = arith.constant 96 : index
      %get3A_184 = tpu.vector_load %arg8[%get3A_182, %get3A_183] {strides = array<i32>} : memref<32x768xf32, #tpu.memory_space<vmem>>, vector<1x16xf32>,
      %get3A_185 = vector.shape_cast %get3A_184 : vector<1x16xf32> to vector<16xf32>
      %mul3A_186 = arith.mulf %get3A_48, %get3A_185 : vector<16xf32>
      %add3A_187 = arith.addf %get3A_181, %mul3A_186 : vector<16xf32>
      %get3A_188 = arith.index_cast %scan3A_44 : i32 to index
      %get3A_189 = arith.constant 96 : index
      %get3A_190 = tpu.vector_load %arg9[%get3A_188, %get3A_189] {strides = array<i32>} : memref<32x768xf32, #tpu.memory_space<vmem>>, vector<1x16xf32>,
      %get3A_191 = vector.shape_cast %get3A_190 : vector<1x16xf32> to vector<16xf32>
      %mul3A_192 = arith.mulf %get3A_52, %get3A_191 : vector<16xf32>
      %add3A_193 = arith.addf %add3A_187, %mul3A_192 : vector<16xf32>
      %swap3A_194 = arith.index_cast %scan3A_44 : i32 to index
      %swap3A_195 = arith.constant 96 : index
      %swap3A_196 = tpu.vector_load %arg7[%swap3A_194, %swap3A_195] {strides = array<i32>} : memref<32x768xf32, #tpu.memory_space<vmem>>, vector<1x16xf32>,
      %swap3A_197 = vector.shape_cast %swap3A_196 : vector<1x16xf32> to vector<16xf32>
      %swap3A_198 = vector.shape_cast %add3A_193 : vector<16xf32> to vector<1x16xf32>
      tpu.vector_store %arg7[%swap3A_194, %swap3A_195], %swap3A_198 {strides = array<i32>} : memref<32x768xf32, #tpu.memory_space<vmem>>, vector<1x16xf32>,
      %get3A_199 = arith.index_cast %scan3A_44 : i32 to index
      %get3A_200 = arith.constant 112 : index
      %get3A_201 = tpu.vector_load %arg7[%get3A_199, %get3A_200] {strides = array<i32>} : memref<32x768xf32, #tpu.memory_space<vmem>>, vector<1x16xf32>,
      %get3A_202 = vector.shape_cast %get3A_201 : vector<1x16xf32> to vector<16xf32>
      %get3A_203 = arith.index_cast %scan3A_44 : i32 to index
      %get3A_204 = arith.constant 112 : index
      %get3A_205 = tpu.vector_load %arg8[%get3A_203, %get3A_204] {strides = array<i32>} : memref<32x768xf32, #tpu.memory_space<vmem>>, vector<1x16xf32>,
      %get3A_206 = vector.shape_cast %get3A_205 : vector<1x16xf32> to vector<16xf32>
      %mul3A_207 = arith.mulf %get3A_48, %get3A_206 : vector<16xf32>
      %add3A_208 = arith.addf %get3A_202, %mul3A_207 : vector<16xf32>
      %get3A_209 = arith.index_cast %scan3A_44 : i32 to index
      %get3A_210 = arith.constant 112 : index
      %get3A_211 = tpu.vector_load %arg9[%get3A_209, %get3A_210] {strides = array<i32>} : memref<32x768xf32, #tpu.memory_space<vmem>>, vector<1x16xf32>,
      %get3A_212 = vector.shape_cast %get3A_211 : vector<1x16xf32> to vector<16xf32>
      %mul3A_213 = arith.mulf %get3A_52, %get3A_212 : vector<16xf32>
      %add3A_214 = arith.addf %add3A_208, %mul3A_213 : vector<16xf32>
      %swap3A_215 = arith.index_cast %scan3A_44 : i32 to index
      %swap3A_216 = arith.constant 112 : index
      %swap3A_217 = tpu.vector_load %arg7[%swap3A_215, %swap3A_216] {strides = array<i32>} : memref<32x768xf32, #tpu.memory_space<vmem>>, vector<1x16xf32>,
      %swap3A_218 = vector.shape_cast %swap3A_217 : vector<1x16xf32> to vector<16xf32>
      %swap3A_219 = vector.shape_cast %add3A_214 : vector<16xf32> to vector<1x16xf32>
      tpu.vector_store %arg7[%swap3A_215, %swap3A_216], %swap3A_219 {strides = array<i32>} : memref<32x768xf32, #tpu.memory_space<vmem>>, vector<1x16xf32>,
      %get3A_220 = arith.index_cast %scan3A_44 : i32 to index
      %get3A_221 = arith.constant 128 : index
      %get3A_222 = tpu.vector_load %arg7[%get3A_220, %get3A_221] {strides = array<i32>} : memref<32x768xf32, #tpu.memory_space<vmem>>, vector<1x16xf32>,
      %get3A_223 = vector.shape_cast %get3A_222 : vector<1x16xf32> to vector<16xf32>
      %get3A_224 = arith.index_cast %scan3A_44 : i32 to index
      %get3A_225 = arith.constant 128 : index
      %get3A_226 = tpu.vector_load %arg8[%get3A_224, %get3A_225] {strides = array<i32>} : memref<32x768xf32, #tpu.memory_space<vmem>>, vector<1x16xf32>,
      %get3A_227 = vector.shape_cast %get3A_226 : vector<1x16xf32> to vector<16xf32>
      %mul3A_228 = arith.mulf %get3A_48, %get3A_227 : vector<16xf32>
      %add3A_229 = arith.addf %get3A_223, %mul3A_228 : vector<16xf32>
      %get3A_230 = arith.index_cast %scan3A_44 : i32 to index
      %get3A_231 = arith.constant 128 : index
      %get3A_232 = tpu.vector_load %arg9[%get3A_230, %get3A_231] {strides = array<i32>} : memref<32x768xf32, #tpu.memory_space<vmem>>, vector<1x16xf32>,
      %get3A_233 = vector.shape_cast %get3A_232 : vector<1x16xf32> to vector<16xf32>
      %mul3A_234 = arith.mulf %get3A_52, %get3A_233 : vector<16xf32>
      %add3A_235 = arith.addf %add3A_229, %mul3A_234 : vector<16xf32>
      %swap3A_236 = arith.index_cast %scan3A_44 : i32 to index
      %swap3A_237 = arith.constant 128 : index
      %swap3A_238 = tpu.vector_load %arg7[%swap3A_236, %swap3A_237] {strides = array<i32>} : memref<32x768xf32, #tpu.memory_space<vmem>>, vector<1x16xf32>,
      %swap3A_239 = vector.shape_cast %swap3A_238 : vector<1x16xf32> to vector<16xf32>
      %swap3A_240 = vector.shape_cast %add3A_235 : vector<16xf32> to vector<1x16xf32>
      tpu.vector_store %arg7[%swap3A_236, %swap3A_237], %swap3A_240 {strides = array<i32>} : memref<32x768xf32, #tpu.memory_space<vmem>>, vector<1x16xf32>,
      %get3A_241 = arith.index_cast %scan3A_44 : i32 to index
      %get3A_242 = arith.constant 144 : index
      %get3A_243 = tpu.vector_load %arg7[%get3A_241, %get3A_242] {strides = array<i32>} : memref<32x768xf32, #tpu.memory_space<vmem>>, vector<1x16xf32>,
      %get3A_244 = vector.shape_cast %get3A_243 : vector<1x16xf32> to vector<16xf32>
      %get3A_245 = arith.index_cast %scan3A_44 : i32 to index
      %get3A_246 = arith.constant 144 : index
      %get3A_247 = tpu.vector_load %arg8[%get3A_245, %get3A_246] {strides = array<i32>} : memref<32x768xf32, #tpu.memory_space<vmem>>, vector<1x16xf32>,
      %get3A_248 = vector.shape_cast %get3A_247 : vector<1x16xf32> to vector<16xf32>
      %mul3A_249 = arith.mulf %get3A_48, %get3A_248 : vector<16xf32>
      %add3A_250 = arith.addf %get3A_244, %mul3A_249 : vector<16xf32>
      %get3A_251 = arith.index_cast %scan3A_44 : i32 to index
      %get3A_252 = arith.constant 144 : index
      %get3A_253 = tpu.vector_load %arg9[%get3A_251, %get3A_252] {strides = array<i32>} : memref<32x768xf32, #tpu.memory_space<vmem>>, vector<1x16xf32>,
      %get3A_254 = vector.shape_cast %get3A_253 : vector<1x16xf32> to vector<16xf32>
      %mul3A_255 = arith.mulf %get3A_52, %get3A_254 : vector<16xf32>
      %add3A_256 = arith.addf %add3A_250, %mul3A_255 : vector<16xf32>
      %swap3A_257 = arith.index_cast %scan3A_44 : i32 to index
      %swap3A_258 = arith.constant 144 : index
      %swap3A_259 = tpu.vector_load %arg7[%swap3A_257, %swap3A_258] {strides = array<i32>} : memref<32x768xf32, #tpu.memory_space<vmem>>, vector<1x16xf32>,
      %swap3A_260 = vector.shape_cast %swap3A_259 : vector<1x16xf32> to vector<16xf32>
      %swap3A_261 = vector.shape_cast %add3A_256 : vector<16xf32> to vector<1x16xf32>
      tpu.vector_store %arg7[%swap3A_257, %swap3A_258], %swap3A_261 {strides = array<i32>} : memref<32x768xf32, #tpu.memory_space<vmem>>, vector<1x16xf32>,
      %get3A_262 = arith.index_cast %scan3A_44 : i32 to index
      %get3A_263 = arith.constant 160 : index
      %get3A_264 = tpu.vector_load %arg7[%get3A_262, %get3A_263] {strides = array<i32>} : memref<32x768xf32, #tpu.memory_space<vmem>>, vector<1x16xf32>,
      %get3A_265 = vector.shape_cast %get3A_264 : vector<1x16xf32> to vector<16xf32>
      %get3A_266 = arith.index_cast %scan3A_44 : i32 to index
      %get3A_267 = arith.constant 160 : index
      %get3A_268 = tpu.vector_load %arg8[%get3A_266, %get3A_267] {strides = array<i32>} : memref<32x768xf32, #tpu.memory_space<vmem>>, vector<1x16xf32>,
      %get3A_269 = vector.shape_cast %get3A_268 : vector<1x16xf32> to vector<16xf32>
      %mul3A_270 = arith.mulf %get3A_48, %get3A_269 : vector<16xf32>
      %add3A_271 = arith.addf %get3A_265, %mul3A_270 : vector<16xf32>
      %get3A_272 = arith.index_cast %scan3A_44 : i32 to index
      %get3A_273 = arith.constant 160 : index
      %get3A_274 = tpu.vector_load %arg9[%get3A_272, %get3A_273] {strides = array<i32>} : memref<32x768xf32, #tpu.memory_space<vmem>>, vector<1x16xf32>,
      %get3A_275 = vector.shape_cast %get3A_274 : vector<1x16xf32> to vector<16xf32>
      %mul3A_276 = arith.mulf %get3A_52, %get3A_275 : vector<16xf32>
      %add3A_277 = arith.addf %add3A_271, %mul3A_276 : vector<16xf32>
      %swap3A_278 = arith.index_cast %scan3A_44 : i32 to index
      %swap3A_279 = arith.constant 160 : index
      %swap3A_280 = tpu.vector_load %arg7[%swap3A_278, %swap3A_279] {strides = array<i32>} : memref<32x768xf32, #tpu.memory_space<vmem>>, vector<1x16xf32>,
      %swap3A_281 = vector.shape_cast %swap3A_280 : vector<1x16xf32> to vector<16xf32>
      %swap3A_282 = vector.shape_cast %add3A_277 : vector<16xf32> to vector<1x16xf32>
      tpu.vector_store %arg7[%swap3A_278, %swap3A_279], %swap3A_282 {strides = array<i32>} : memref<32x768xf32, #tpu.memory_space<vmem>>, vector<1x16xf32>,
      %get3A_283 = arith.index_cast %scan3A_44 : i32 to index
      %get3A_284 = arith.constant 176 : index
      %get3A_285 = tpu.vector_load %arg7[%get3A_283, %get3A_284] {strides = array<i32>} : memref<32x768xf32, #tpu.memory_space<vmem>>, vector<1x16xf32>,
      %get3A_286 = vector.shape_cast %get3A_285 : vector<1x16xf32> to vector<16xf32>
      %get3A_287 = arith.index_cast %scan3A_44 : i32 to index
      %get3A_288 = arith.constant 176 : index
      %get3A_289 = tpu.vector_load %arg8[%get3A_287, %get3A_288] {strides = array<i32>} : memref<32x768xf32, #tpu.memory_space<vmem>>, vector<1x16xf32>,
      %get3A_290 = vector.shape_cast %get3A_289 : vector<1x16xf32> to vector<16xf32>
      %mul3A_291 = arith.mulf %get3A_48, %get3A_290 : vector<16xf32>
      %add3A_292 = arith.addf %get3A_286, %mul3A_291 : vector<16xf32>
      %get3A_293 = arith.index_cast %scan3A_44 : i32 to index
      %get3A_294 = arith.constant 176 : index
      %get3A_295 = tpu.vector_load %arg9[%get3A_293, %get3A_294] {strides = array<i32>} : memref<32x768xf32, #tpu.memory_space<vmem>>, vector<1x16xf32>,
      %get3A_296 = vector.shape_cast %get3A_295 : vector<1x16xf32> to vector<16xf32>
      %mul3A_297 = arith.mulf %get3A_52, %get3A_296 : vector<16xf32>
      %add3A_298 = arith.addf %add3A_292, %mul3A_297 : vector<16xf32>
      %swap3A_299 = arith.index_cast %scan3A_44 : i32 to index
      %swap3A_300 = arith.constant 176 : index
      %swap3A_301 = tpu.vector_load %arg7[%swap3A_299, %swap3A_300] {strides = array<i32>} : memref<32x768xf32, #tpu.memory_space<vmem>>, vector<1x16xf32>,
      %swap3A_302 = vector.shape_cast %swap3A_301 : vector<1x16xf32> to vector<16xf32>
      %swap3A_303 = vector.shape_cast %add3A_298 : vector<16xf32> to vector<1x16xf32>
      tpu.vector_store %arg7[%swap3A_299, %swap3A_300], %swap3A_303 {strides = array<i32>} : memref<32x768xf32, #tpu.memory_space<vmem>>, vector<1x16xf32>,
      %get3A_304 = arith.index_cast %scan3A_44 : i32 to index
      %get3A_305 = arith.constant 192 : index
      %get3A_306 = tpu.vector_load %arg7[%get3A_304, %get3A_305] {strides = array<i32>} : memref<32x768xf32, #tpu.memory_space<vmem>>, vector<1x16xf32>,
      %get3A_307 = vector.shape_cast %get3A_306 : vector<1x16xf32> to vector<16xf32>
      %get3A_308 = arith.index_cast %scan3A_44 : i32 to index
      %get3A_309 = arith.constant 192 : index
      %get3A_310 = tpu.vector_load %arg8[%get3A_308, %get3A_309] {strides = array<i32>} : memref<32x768xf32, #tpu.memory_space<vmem>>, vector<1x16xf32>,
      %get3A_311 = vector.shape_cast %get3A_310 : vector<1x16xf32> to vector<16xf32>
      %mul3A_312 = arith.mulf %get3A_48, %get3A_311 : vector<16xf32>
      %add3A_313 = arith.addf %get3A_307, %mul3A_312 : vector<16xf32>
      %get3A_314 = arith.index_cast %scan3A_44 : i32 to index
      %get3A_315 = arith.constant 192 : index
      %get3A_316 = tpu.vector_load %arg9[%get3A_314, %get3A_315] {strides = array<i32>} : memref<32x768xf32, #tpu.memory_space<vmem>>, vector<1x16xf32>,
      %get3A_317 = vector.shape_cast %get3A_316 : vector<1x16xf32> to vector<16xf32>
      %mul3A_318 = arith.mulf %get3A_52, %get3A_317 : vector<16xf32>
      %add3A_319 = arith.addf %add3A_313, %mul3A_318 : vector<16xf32>
      %swap3A_320 = arith.index_cast %scan3A_44 : i32 to index
      %swap3A_321 = arith.constant 192 : index
      %swap3A_322 = tpu.vector_load %arg7[%swap3A_320, %swap3A_321] {strides = array<i32>} : memref<32x768xf32, #tpu.memory_space<vmem>>, vector<1x16xf32>,
      %swap3A_323 = vector.shape_cast %swap3A_322 : vector<1x16xf32> to vector<16xf32>
      %swap3A_324 = vector.shape_cast %add3A_319 : vector<16xf32> to vector<1x16xf32>
      tpu.vector_store %arg7[%swap3A_320, %swap3A_321], %swap3A_324 {strides = array<i32>} : memref<32x768xf32, #tpu.memory_space<vmem>>, vector<1x16xf32>,
      %get3A_325 = arith.index_cast %scan3A_44 : i32 to index
      %get3A_326 = arith.constant 208 : index
      %get3A_327 = tpu.vector_load %arg7[%get3A_325, %get3A_326] {strides = array<i32>} : memref<32x768xf32, #tpu.memory_space<vmem>>, vector<1x16xf32>,
      %get3A_328 = vector.shape_cast %get3A_327 : vector<1x16xf32> to vector<16xf32>
      %get3A_329 = arith.index_cast %scan3A_44 : i32 to index
      %get3A_330 = arith.constant 208 : index
      %get3A_331 = tpu.vector_load %arg8[%get3A_329, %get3A_330] {strides = array<i32>} : memref<32x768xf32, #tpu.memory_space<vmem>>, vector<1x16xf32>,
      %get3A_332 = vector.shape_cast %get3A_331 : vector<1x16xf32> to vector<16xf32>
      %mul3A_333 = arith.mulf %get3A_48, %get3A_332 : vector<16xf32>
      %add3A_334 = arith.addf %get3A_328, %mul3A_333 : vector<16xf32>
      %get3A_335 = arith.index_cast %scan3A_44 : i32 to index
      %get3A_336 = arith.constant 208 : index
      %get3A_337 = tpu.vector_load %arg9[%get3A_335, %get3A_336] {strides = array<i32>} : memref<32x768xf32, #tpu.memory_space<vmem>>, vector<1x16xf32>,
      %get3A_338 = vector.shape_cast %get3A_337 : vector<1x16xf32> to vector<16xf32>
      %mul3A_339 = arith.mulf %get3A_52, %get3A_338 : vector<16xf32>
      %add3A_340 = arith.addf %add3A_334, %mul3A_339 : vector<16xf32>
      %swap3A_341 = arith.index_cast %scan3A_44 : i32 to index
      %swap3A_342 = arith.constant 208 : index
      %swap3A_343 = tpu.vector_load %arg7[%swap3A_341, %swap3A_342] {strides = array<i32>} : memref<32x768xf32, #tpu.memory_space<vmem>>, vector<1x16xf32>,
      %swap3A_344 = vector.shape_cast %swap3A_343 : vector<1x16xf32> to vector<16xf32>
      %swap3A_345 = vector.shape_cast %add3A_340 : vector<16xf32> to vector<1x16xf32>
      tpu.vector_store %arg7[%swap3A_341, %swap3A_342], %swap3A_345 {strides = array<i32>} : memref<32x768xf32, #tpu.memory_space<vmem>>, vector<1x16xf32>,
      %get3A_346 = arith.index_cast %scan3A_44 : i32 to index
      %get3A_347 = arith.constant 224 : index
      %get3A_348 = tpu.vector_load %arg7[%get3A_346, %get3A_347] {strides = array<i32>} : memref<32x768xf32, #tpu.memory_space<vmem>>, vector<1x16xf32>,
      %get3A_349 = vector.shape_cast %get3A_348 : vector<1x16xf32> to vector<16xf32>
      %get3A_350 = arith.index_cast %scan3A_44 : i32 to index
      %get3A_351 = arith.constant 224 : index
      %get3A_352 = tpu.vector_load %arg8[%get3A_350, %get3A_351] {strides = array<i32>} : memref<32x768xf32, #tpu.memory_space<vmem>>, vector<1x16xf32>,
      %get3A_353 = vector.shape_cast %get3A_352 : vector<1x16xf32> to vector<16xf32>
      %mul3A_354 = arith.mulf %get3A_48, %get3A_353 : vector<16xf32>
      %add3A_355 = arith.addf %get3A_349, %mul3A_354 : vector<16xf32>
      %get3A_356 = arith.index_cast %scan3A_44 : i32 to index
      %get3A_357 = arith.constant 224 : index
      %get3A_358 = tpu.vector_load %arg9[%get3A_356, %get3A_357] {strides = array<i32>} : memref<32x768xf32, #tpu.memory_space<vmem>>, vector<1x16xf32>,
      %get3A_359 = vector.shape_cast %get3A_358 : vector<1x16xf32> to vector<16xf32>
      %mul3A_360 = arith.mulf %get3A_52, %get3A_359 : vector<16xf32>
      %add3A_361 = arith.addf %add3A_355, %mul3A_360 : vector<16xf32>
      %swap3A_362 = arith.index_cast %scan3A_44 : i32 to index
      %swap3A_363 = arith.constant 224 : index
      %swap3A_364 = tpu.vector_load %arg7[%swap3A_362, %swap3A_363] {strides = array<i32>} : memref<32x768xf32, #tpu.memory_space<vmem>>, vector<1x16xf32>,
      %swap3A_365 = vector.shape_cast %swap3A_364 : vector<1x16xf32> to vector<16xf32>
      %swap3A_366 = vector.shape_cast %add3A_361 : vector<16xf32> to vector<1x16xf32>
      tpu.vector_store %arg7[%swap3A_362, %swap3A_363], %swap3A_366 {strides = array<i32>} : memref<32x768xf32, #tpu.memory_space<vmem>>, vector<1x16xf32>,
      %get3A_367 = arith.index_cast %scan3A_44 : i32 to index
      %get3A_368 = arith.constant 240 : index
      %get3A_369 = tpu.vector_load %arg7[%get3A_367, %get3A_368] {strides = array<i32>} : memref<32x768xf32, #tpu.memory_space<vmem>>, vector<1x16xf32>,
      %get3A_370 = vector.shape_cast %get3A_369 : vector<1x16xf32> to vector<16xf32>
      %get3A_371 = arith.index_cast %scan3A_44 : i32 to index
      %get3A_372 = arith.constant 240 : index
      %get3A_373 = tpu.vector_load %arg8[%get3A_371, %get3A_372] {strides = array<i32>} : memref<32x768xf32, #tpu.memory_space<vmem>>, vector<1x16xf32>,
      %get3A_374 = vector.shape_cast %get3A_373 : vector<1x16xf32> to vector<16xf32>
      %mul3A_375 = arith.mulf %get3A_48, %get3A_374 : vector<16xf32>
      %add3A_376 = arith.addf %get3A_370, %mul3A_375 : vector<16xf32>
      %get3A_377 = arith.index_cast %scan3A_44 : i32 to index
      %get3A_378 = arith.constant 240 : index
      %get3A_379 = tpu.vector_load %arg9[%get3A_377, %get3A_378] {strides = array<i32>} : memref<32x768xf32, #tpu.memory_space<vmem>>, vector<1x16xf32>,
      %get3A_380 = vector.shape_cast %get3A_379 : vector<1x16xf32> to vector<16xf32>
      %mul3A_381 = arith.mulf %get3A_52, %get3A_380 : vector<16xf32>
      %add3A_382 = arith.addf %add3A_376, %mul3A_381 : vector<16xf32>
      %swap3A_383 = arith.index_cast %scan3A_44 : i32 to index
      %swap3A_384 = arith.constant 240 : index
      %swap3A_385 = tpu.vector_load %arg7[%swap3A_383, %swap3A_384] {strides = array<i32>} : memref<32x768xf32, #tpu.memory_space<vmem>>, vector<1x16xf32>,
      %swap3A_386 = vector.shape_cast %swap3A_385 : vector<1x16xf32> to vector<16xf32>
      %swap3A_387 = vector.shape_cast %add3A_382 : vector<16xf32> to vector<1x16xf32>
      tpu.vector_store %arg7[%swap3A_383, %swap3A_384], %swap3A_387 {strides = array<i32>} : memref<32x768xf32, #tpu.memory_space<vmem>>, vector<1x16xf32>,
      %get3A_388 = arith.index_cast %scan3A_44 : i32 to index
      %get3A_389 = arith.constant 256 : index
      %get3A_390 = tpu.vector_load %arg7[%get3A_388, %get3A_389] {strides = array<i32>} : memref<32x768xf32, #tpu.memory_space<vmem>>, vector<1x16xf32>,
      %get3A_391 = vector.shape_cast %get3A_390 : vector<1x16xf32> to vector<16xf32>
      %get3A_392 = arith.index_cast %scan3A_44 : i32 to index
      %get3A_393 = arith.constant 256 : index
      %get3A_394 = tpu.vector_load %arg8[%get3A_392, %get3A_393] {strides = array<i32>} : memref<32x768xf32, #tpu.memory_space<vmem>>, vector<1x16xf32>,
      %get3A_395 = vector.shape_cast %get3A_394 : vector<1x16xf32> to vector<16xf32>
      %mul3A_396 = arith.mulf %get3A_48, %get3A_395 : vector<16xf32>
      %add3A_397 = arith.addf %get3A_391, %mul3A_396 : vector<16xf32>
      %get3A_398 = arith.index_cast %scan3A_44 : i32 to index
      %get3A_399 = arith.constant 256 : index
      %get3A_400 = tpu.vector_load %arg9[%get3A_398, %get3A_399] {strides = array<i32>} : memref<32x768xf32, #tpu.memory_space<vmem>>, vector<1x16xf32>,
      %get3A_401 = vector.shape_cast %get3A_400 : vector<1x16xf32> to vector<16xf32>
      %mul3A_402 = arith.mulf %get3A_52, %get3A_401 : vector<16xf32>
      %add3A_403 = arith.addf %add3A_397, %mul3A_402 : vector<16xf32>
      %swap3A_404 = arith.index_cast %scan3A_44 : i32 to index
      %swap3A_405 = arith.constant 256 : index
      %swap3A_406 = tpu.vector_load %arg7[%swap3A_404, %swap3A_405] {strides = array<i32>} : memref<32x768xf32, #tpu.memory_space<vmem>>, vector<1x16xf32>,
      %swap3A_407 = vector.shape_cast %swap3A_406 : vector<1x16xf32> to vector<16xf32>
      %swap3A_408 = vector.shape_cast %add3A_403 : vector<16xf32> to vector<1x16xf32>
      tpu.vector_store %arg7[%swap3A_404, %swap3A_405], %swap3A_408 {strides = array<i32>} : memref<32x768xf32, #tpu.memory_space<vmem>>, vector<1x16xf32>,
      %get3A_409 = arith.index_cast %scan3A_44 : i32 to index
      %get3A_410 = arith.constant 272 : index
      %get3A_411 = tpu.vector_load %arg7[%get3A_409, %get3A_410] {strides = array<i32>} : memref<32x768xf32, #tpu.memory_space<vmem>>, vector<1x16xf32>,
      %get3A_412 = vector.shape_cast %get3A_411 : vector<1x16xf32> to vector<16xf32>
      %get3A_413 = arith.index_cast %scan3A_44 : i32 to index
      %get3A_414 = arith.constant 272 : index
      %get3A_415 = tpu.vector_load %arg8[%get3A_413, %get3A_414] {strides = array<i32>} : memref<32x768xf32, #tpu.memory_space<vmem>>, vector<1x16xf32>,
      %get3A_416 = vector.shape_cast %get3A_415 : vector<1x16xf32> to vector<16xf32>
      %mul3A_417 = arith.mulf %get3A_48, %get3A_416 : vector<16xf32>
      %add3A_418 = arith.addf %get3A_412, %mul3A_417 : vector<16xf32>
      %get3A_419 = arith.index_cast %scan3A_44 : i32 to index
      %get3A_420 = arith.constant 272 : index
      %get3A_421 = tpu.vector_load %arg9[%get3A_419, %get3A_420] {strides = array<i32>} : memref<32x768xf32, #tpu.memory_space<vmem>>, vector<1x16xf32>,
      %get3A_422 = vector.shape_cast %get3A_421 : vector<1x16xf32> to vector<16xf32>
      %mul3A_423 = arith.mulf %get3A_52, %get3A_422 : vector<16xf32>
      %add3A_424 = arith.addf %add3A_418, %mul3A_423 : vector<16xf32>
      %swap3A_425 = arith.index_cast %scan3A_44 : i32 to index
      %swap3A_426 = arith.constant 272 : index
      %swap3A_427 = tpu.vector_load %arg7[%swap3A_425, %swap3A_426] {strides = array<i32>} : memref<32x768xf32, #tpu.memory_space<vmem>>, vector<1x16xf32>,
      %swap3A_428 = vector.shape_cast %swap3A_427 : vector<1x16xf32> to vector<16xf32>
      %swap3A_429 = vector.shape_cast %add3A_424 : vector<16xf32> to vector<1x16xf32>
      tpu.vector_store %arg7[%swap3A_425, %swap3A_426], %swap3A_429 {strides = array<i32>} : memref<32x768xf32, #tpu.memory_space<vmem>>, vector<1x16xf32>,
      %get3A_430 = arith.index_cast %scan3A_44 : i32 to index
      %get3A_431 = arith.constant 288 : index
      %get3A_432 = tpu.vector_load %arg7[%get3A_430, %get3A_431] {strides = array<i32>} : memref<32x768xf32, #tpu.memory_space<vmem>>, vector<1x16xf32>,
      %get3A_433 = vector.shape_cast %get3A_432 : vector<1x16xf32> to vector<16xf32>
      %get3A_434 = arith.index_cast %scan3A_44 : i32 to index
      %get3A_435 = arith.constant 288 : index
      %get3A_436 = tpu.vector_load %arg8[%get3A_434, %get3A_435] {strides = array<i32>} : memref<32x768xf32, #tpu.memory_space<vmem>>, vector<1x16xf32>,
      %get3A_437 = vector.shape_cast %get3A_436 : vector<1x16xf32> to vector<16xf32>
      %mul3A_438 = arith.mulf %get3A_48, %get3A_437 : vector<16xf32>
      %add3A_439 = arith.addf %get3A_433, %mul3A_438 : vector<16xf32>
      %get3A_440 = arith.index_cast %scan3A_44 : i32 to index
      %get3A_441 = arith.constant 288 : index
      %get3A_442 = tpu.vector_load %arg9[%get3A_440, %get3A_441] {strides = array<i32>} : memref<32x768xf32, #tpu.memory_space<vmem>>, vector<1x16xf32>,
      %get3A_443 = vector.shape_cast %get3A_442 : vector<1x16xf32> to vector<16xf32>
      %mul3A_444 = arith.mulf %get3A_52, %get3A_443 : vector<16xf32>
      %add3A_445 = arith.addf %add3A_439, %mul3A_444 : vector<16xf32>
      %swap3A_446 = arith.index_cast %scan3A_44 : i32 to index
      %swap3A_447 = arith.constant 288 : index
      %swap3A_448 = tpu.vector_load %arg7[%swap3A_446, %swap3A_447] {strides = array<i32>} : memref<32x768xf32, #tpu.memory_space<vmem>>, vector<1x16xf32>,
      %swap3A_449 = vector.shape_cast %swap3A_448 : vector<1x16xf32> to vector<16xf32>
      %swap3A_450 = vector.shape_cast %add3A_445 : vector<16xf32> to vector<1x16xf32>
      tpu.vector_store %arg7[%swap3A_446, %swap3A_447], %swap3A_450 {strides = array<i32>} : memref<32x768xf32, #tpu.memory_space<vmem>>, vector<1x16xf32>,
      %get3A_451 = arith.index_cast %scan3A_44 : i32 to index
      %get3A_452 = arith.constant 304 : index
      %get3A_453 = tpu.vector_load %arg7[%get3A_451, %get3A_452] {strides = array<i32>} : memref<32x768xf32, #tpu.memory_space<vmem>>, vector<1x16xf32>,
      %get3A_454 = vector.shape_cast %get3A_453 : vector<1x16xf32> to vector<16xf32>
      %get3A_455 = arith.index_cast %scan3A_44 : i32 to index
      %get3A_456 = arith.constant 304 : index
      %get3A_457 = tpu.vector_load %arg8[%get3A_455, %get3A_456] {strides = array<i32>} : memref<32x768xf32, #tpu.memory_space<vmem>>, vector<1x16xf32>,
      %get3A_458 = vector.shape_cast %get3A_457 : vector<1x16xf32> to vector<16xf32>
      %mul3A_459 = arith.mulf %get3A_48, %get3A_458 : vector<16xf32>
      %add3A_460 = arith.addf %get3A_454, %mul3A_459 : vector<16xf32>
      %get3A_461 = arith.index_cast %scan3A_44 : i32 to index
      %get3A_462 = arith.constant 304 : index
      %get3A_463 = tpu.vector_load %arg9[%get3A_461, %get3A_462] {strides = array<i32>} : memref<32x768xf32, #tpu.memory_space<vmem>>, vector<1x16xf32>,
      %get3A_464 = vector.shape_cast %get3A_463 : vector<1x16xf32> to vector<16xf32>
      %mul3A_465 = arith.mulf %get3A_52, %get3A_464 : vector<16xf32>
      %add3A_466 = arith.addf %add3A_460, %mul3A_465 : vector<16xf32>
      %swap3A_467 = arith.index_cast %scan3A_44 : i32 to index
      %swap3A_468 = arith.constant 304 : index
      %swap3A_469 = tpu.vector_load %arg7[%swap3A_467, %swap3A_468] {strides = array<i32>} : memref<32x768xf32, #tpu.memory_space<vmem>>, vector<1x16xf32>,
      %swap3A_470 = vector.shape_cast %swap3A_469 : vector<1x16xf32> to vector<16xf32>
      %swap3A_471 = vector.shape_cast %add3A_466 : vector<16xf32> to vector<1x16xf32>
      tpu.vector_store %arg7[%swap3A_467, %swap3A_468], %swap3A_471 {strides = array<i32>} : memref<32x768xf32, #tpu.memory_space<vmem>>, vector<1x16xf32>,
      %get3A_472 = arith.index_cast %scan3A_44 : i32 to index
      %get3A_473 = arith.constant 320 : index
      %get3A_474 = tpu.vector_load %arg7[%get3A_472, %get3A_473] {strides = array<i32>} : memref<32x768xf32, #tpu.memory_space<vmem>>, vector<1x16xf32>,
      %get3A_475 = vector.shape_cast %get3A_474 : vector<1x16xf32> to vector<16xf32>
      %get3A_476 = arith.index_cast %scan3A_44 : i32 to index
      %get3A_477 = arith.constant 320 : index
      %get3A_478 = tpu.vector_load %arg8[%get3A_476, %get3A_477] {strides = array<i32>} : memref<32x768xf32, #tpu.memory_space<vmem>>, vector<1x16xf32>,
      %get3A_479 = vector.shape_cast %get3A_478 : vector<1x16xf32> to vector<16xf32>
      %mul3A_480 = arith.mulf %get3A_48, %get3A_479 : vector<16xf32>
      %add3A_481 = arith.addf %get3A_475, %mul3A_480 : vector<16xf32>
      %get3A_482 = arith.index_cast %scan3A_44 : i32 to index
      %get3A_483 = arith.constant 320 : index
      %get3A_484 = tpu.vector_load %arg9[%get3A_482, %get3A_483] {strides = array<i32>} : memref<32x768xf32, #tpu.memory_space<vmem>>, vector<1x16xf32>,
      %get3A_485 = vector.shape_cast %get3A_484 : vector<1x16xf32> to vector<16xf32>
      %mul3A_486 = arith.mulf %get3A_52, %get3A_485 : vector<16xf32>
      %add3A_487 = arith.addf %add3A_481, %mul3A_486 : vector<16xf32>
      %swap3A_488 = arith.index_cast %scan3A_44 : i32 to index
      %swap3A_489 = arith.constant 320 : index
      %swap3A_490 = tpu.vector_load %arg7[%swap3A_488, %swap3A_489] {strides = array<i32>} : memref<32x768xf32, #tpu.memory_space<vmem>>, vector<1x16xf32>,
      %swap3A_491 = vector.shape_cast %swap3A_490 : vector<1x16xf32> to vector<16xf32>
      %swap3A_492 = vector.shape_cast %add3A_487 : vector<16xf32> to vector<1x16xf32>
      tpu.vector_store %arg7[%swap3A_488, %swap3A_489], %swap3A_492 {strides = array<i32>} : memref<32x768xf32, #tpu.memory_space<vmem>>, vector<1x16xf32>,
      %get3A_493 = arith.index_cast %scan3A_44 : i32 to index
      %get3A_494 = arith.constant 336 : index
      %get3A_495 = tpu.vector_load %arg7[%get3A_493, %get3A_494] {strides = array<i32>} : memref<32x768xf32, #tpu.memory_space<vmem>>, vector<1x16xf32>,
      %get3A_496 = vector.shape_cast %get3A_495 : vector<1x16xf32> to vector<16xf32>
      %get3A_497 = arith.index_cast %scan3A_44 : i32 to index
      %get3A_498 = arith.constant 336 : index
      %get3A_499 = tpu.vector_load %arg8[%get3A_497, %get3A_498] {strides = array<i32>} : memref<32x768xf32, #tpu.memory_space<vmem>>, vector<1x16xf32>,
      %get3A_500 = vector.shape_cast %get3A_499 : vector<1x16xf32> to vector<16xf32>
      %mul3A_501 = arith.mulf %get3A_48, %get3A_500 : vector<16xf32>
      %add3A_502 = arith.addf %get3A_496, %mul3A_501 : vector<16xf32>
      %get3A_503 = arith.index_cast %scan3A_44 : i32 to index
      %get3A_504 = arith.constant 336 : index
      %get3A_505 = tpu.vector_load %arg9[%get3A_503, %get3A_504] {strides = array<i32>} : memref<32x768xf32, #tpu.memory_space<vmem>>, vector<1x16xf32>,
      %get3A_506 = vector.shape_cast %get3A_505 : vector<1x16xf32> to vector<16xf32>
      %mul3A_507 = arith.mulf %get3A_52, %get3A_506 : vector<16xf32>
      %add3A_508 = arith.addf %add3A_502, %mul3A_507 : vector<16xf32>
      %swap3A_509 = arith.index_cast %scan3A_44 : i32 to index
      %swap3A_510 = arith.constant 336 : index
      %swap3A_511 = tpu.vector_load %arg7[%swap3A_509, %swap3A_510] {strides = array<i32>} : memref<32x768xf32, #tpu.memory_space<vmem>>, vector<1x16xf32>,
      %swap3A_512 = vector.shape_cast %swap3A_511 : vector<1x16xf32> to vector<16xf32>
      %swap3A_513 = vector.shape_cast %add3A_508 : vector<16xf32> to vector<1x16xf32>
      tpu.vector_store %arg7[%swap3A_509, %swap3A_510], %swap3A_513 {strides = array<i32>} : memref<32x768xf32, #tpu.memory_space<vmem>>, vector<1x16xf32>,
      %get3A_514 = arith.index_cast %scan3A_44 : i32 to index
      %get3A_515 = arith.constant 352 : index
      %get3A_516 = tpu.vector_load %arg7[%get3A_514, %get3A_515] {strides = array<i32>} : memref<32x768xf32, #tpu.memory_space<vmem>>, vector<1x16xf32>,
      %get3A_517 = vector.shape_cast %get3A_516 : vector<1x16xf32> to vector<16xf32>
      %get3A_518 = arith.index_cast %scan3A_44 : i32 to index
      %get3A_519 = arith.constant 352 : index
      %get3A_520 = tpu.vector_load %arg8[%get3A_518, %get3A_519] {strides = array<i32>} : memref<32x768xf32, #tpu.memory_space<vmem>>, vector<1x16xf32>,
      %get3A_521 = vector.shape_cast %get3A_520 : vector<1x16xf32> to vector<16xf32>
      %mul3A_522 = arith.mulf %get3A_48, %get3A_521 : vector<16xf32>
      %add3A_523 = arith.addf %get3A_517, %mul3A_522 : vector<16xf32>
      %get3A_524 = arith.index_cast %scan3A_44 : i32 to index
      %get3A_525 = arith.constant 352 : index
      %get3A_526 = tpu.vector_load %arg9[%get3A_524, %get3A_525] {strides = array<i32>} : memref<32x768xf32, #tpu.memory_space<vmem>>, vector<1x16xf32>,
      %get3A_527 = vector.shape_cast %get3A_526 : vector<1x16xf32> to vector<16xf32>
      %mul3A_528 = arith.mulf %get3A_52, %get3A_527 : vector<16xf32>
      %add3A_529 = arith.addf %add3A_523, %mul3A_528 : vector<16xf32>
      %swap3A_530 = arith.index_cast %scan3A_44 : i32 to index
      %swap3A_531 = arith.constant 352 : index
      %swap3A_532 = tpu.vector_load %arg7[%swap3A_530, %swap3A_531] {strides = array<i32>} : memref<32x768xf32, #tpu.memory_space<vmem>>, vector<1x16xf32>,
      %swap3A_533 = vector.shape_cast %swap3A_532 : vector<1x16xf32> to vector<16xf32>
      %swap3A_534 = vector.shape_cast %add3A_529 : vector<16xf32> to vector<1x16xf32>
      tpu.vector_store %arg7[%swap3A_530, %swap3A_531], %swap3A_534 {strides = array<i32>} : memref<32x768xf32, #tpu.memory_space<vmem>>, vector<1x16xf32>,
      %get3A_535 = arith.index_cast %scan3A_44 : i32 to index
      %get3A_536 = arith.constant 368 : index
      %get3A_537 = tpu.vector_load %arg7[%get3A_535, %get3A_536] {strides = array<i32>} : memref<32x768xf32, #tpu.memory_space<vmem>>, vector<1x16xf32>,
      %get3A_538 = vector.shape_cast %get3A_537 : vector<1x16xf32> to vector<16xf32>
      %get3A_539 = arith.index_cast %scan3A_44 : i32 to index
      %get3A_540 = arith.constant 368 : index
      %get3A_541 = tpu.vector_load %arg8[%get3A_539, %get3A_540] {strides = array<i32>} : memref<32x768xf32, #tpu.memory_space<vmem>>, vector<1x16xf32>,
      %get3A_542 = vector.shape_cast %get3A_541 : vector<1x16xf32> to vector<16xf32>
      %mul3A_543 = arith.mulf %get3A_48, %get3A_542 : vector<16xf32>
      %add3A_544 = arith.addf %get3A_538, %mul3A_543 : vector<16xf32>
      %get3A_545 = arith.index_cast %scan3A_44 : i32 to index
      %get3A_546 = arith.constant 368 : index
      %get3A_547 = tpu.vector_load %arg9[%get3A_545, %get3A_546] {strides = array<i32>} : memref<32x768xf32, #tpu.memory_space<vmem>>, vector<1x16xf32>,
      %get3A_548 = vector.shape_cast %get3A_547 : vector<1x16xf32> to vector<16xf32>
      %mul3A_549 = arith.mulf %get3A_52, %get3A_548 : vector<16xf32>
      %add3A_550 = arith.addf %add3A_544, %mul3A_549 : vector<16xf32>
      %swap3A_551 = arith.index_cast %scan3A_44 : i32 to index
      %swap3A_552 = arith.constant 368 : index
      %swap3A_553 = tpu.vector_load %arg7[%swap3A_551, %swap3A_552] {strides = array<i32>} : memref<32x768xf32, #tpu.memory_space<vmem>>, vector<1x16xf32>,
      %swap3A_554 = vector.shape_cast %swap3A_553 : vector<1x16xf32> to vector<16xf32>
      %swap3A_555 = vector.shape_cast %add3A_550 : vector<16xf32> to vector<1x16xf32>
      tpu.vector_store %arg7[%swap3A_551, %swap3A_552], %swap3A_555 {strides = array<i32>} : memref<32x768xf32, #tpu.memory_space<vmem>>, vector<1x16xf32>,
      %get3A_556 = arith.index_cast %scan3A_44 : i32 to index
      %get3A_557 = arith.constant 384 : index
      %get3A_558 = tpu.vector_load %arg7[%get3A_556, %get3A_557] {strides = array<i32>} : memref<32x768xf32, #tpu.memory_space<vmem>>, vector<1x16xf32>,
      %get3A_559 = vector.shape_cast %get3A_558 : vector<1x16xf32> to vector<16xf32>
      %get3A_560 = arith.index_cast %scan3A_44 : i32 to index
      %get3A_561 = arith.constant 384 : index
      %get3A_562 = tpu.vector_load %arg8[%get3A_560, %get3A_561] {strides = array<i32>} : memref<32x768xf32, #tpu.memory_space<vmem>>, vector<1x16xf32>,
      %get3A_563 = vector.shape_cast %get3A_562 : vector<1x16xf32> to vector<16xf32>
      %mul3A_564 = arith.mulf %get3A_48, %get3A_563 : vector<16xf32>
      %add3A_565 = arith.addf %get3A_559, %mul3A_564 : vector<16xf32>
      %get3A_566 = arith.index_cast %scan3A_44 : i32 to index
      %get3A_567 = arith.constant 384 : index
      %get3A_568 = tpu.vector_load %arg9[%get3A_566, %get3A_567] {strides = array<i32>} : memref<32x768xf32, #tpu.memory_space<vmem>>, vector<1x16xf32>,
      %get3A_569 = vector.shape_cast %get3A_568 : vector<1x16xf32> to vector<16xf32>
      %mul3A_570 = arith.mulf %get3A_52, %get3A_569 : vector<16xf32>
      %add3A_571 = arith.addf %add3A_565, %mul3A_570 : vector<16xf32>
      %swap3A_572 = arith.index_cast %scan3A_44 : i32 to index
      %swap3A_573 = arith.constant 384 : index
      %swap3A_574 = tpu.vector_load %arg7[%swap3A_572, %swap3A_573] {strides = array<i32>} : memref<32x768xf32, #tpu.memory_space<vmem>>, vector<1x16xf32>,
      %swap3A_575 = vector.shape_cast %swap3A_574 : vector<1x16xf32> to vector<16xf32>
      %swap3A_576 = vector.shape_cast %add3A_571 : vector<16xf32> to vector<1x16xf32>
      tpu.vector_store %arg7[%swap3A_572, %swap3A_573], %swap3A_576 {strides = array<i32>} : memref<32x768xf32, #tpu.memory_space<vmem>>, vector<1x16xf32>,
      %get3A_577 = arith.index_cast %scan3A_44 : i32 to index
      %get3A_578 = arith.constant 400 : index
      %get3A_579 = tpu.vector_load %arg7[%get3A_577, %get3A_578] {strides = array<i32>} : memref<32x768xf32, #tpu.memory_space<vmem>>, vector<1x16xf32>,
      %get3A_580 = vector.shape_cast %get3A_579 : vector<1x16xf32> to vector<16xf32>
      %get3A_581 = arith.index_cast %scan3A_44 : i32 to index
      %get3A_582 = arith.constant 400 : index
      %get3A_583 = tpu.vector_load %arg8[%get3A_581, %get3A_582] {strides = array<i32>} : memref<32x768xf32, #tpu.memory_space<vmem>>, vector<1x16xf32>,
      %get3A_584 = vector.shape_cast %get3A_583 : vector<1x16xf32> to vector<16xf32>
      %mul3A_585 = arith.mulf %get3A_48, %get3A_584 : vector<16xf32>
      %add3A_586 = arith.addf %get3A_580, %mul3A_585 : vector<16xf32>
      %get3A_587 = arith.index_cast %scan3A_44 : i32 to index
      %get3A_588 = arith.constant 400 : index
      %get3A_589 = tpu.vector_load %arg9[%get3A_587, %get3A_588] {strides = array<i32>} : memref<32x768xf32, #tpu.memory_space<vmem>>, vector<1x16xf32>,
      %get3A_590 = vector.shape_cast %get3A_589 : vector<1x16xf32> to vector<16xf32>
      %mul3A_591 = arith.mulf %get3A_52, %get3A_590 : vector<16xf32>
      %add3A_592 = arith.addf %add3A_586, %mul3A_591 : vector<16xf32>
      %swap3A_593 = arith.index_cast %scan3A_44 : i32 to index
      %swap3A_594 = arith.constant 400 : index
      %swap3A_595 = tpu.vector_load %arg7[%swap3A_593, %swap3A_594] {strides = array<i32>} : memref<32x768xf32, #tpu.memory_space<vmem>>, vector<1x16xf32>,
      %swap3A_596 = vector.shape_cast %swap3A_595 : vector<1x16xf32> to vector<16xf32>
      %swap3A_597 = vector.shape_cast %add3A_592 : vector<16xf32> to vector<1x16xf32>
      tpu.vector_store %arg7[%swap3A_593, %swap3A_594], %swap3A_597 {strides = array<i32>} : memref<32x768xf32, #tpu.memory_space<vmem>>, vector<1x16xf32>,
      %get3A_598 = arith.index_cast %scan3A_44 : i32 to index
      %get3A_599 = arith.constant 416 : index
      %get3A_600 = tpu.vector_load %arg7[%get3A_598, %get3A_599] {strides = array<i32>} : memref<32x768xf32, #tpu.memory_space<vmem>>, vector<1x16xf32>,
      %get3A_601 = vector.shape_cast %get3A_600 : vector<1x16xf32> to vector<16xf32>
      %get3A_602 = arith.index_cast %scan3A_44 : i32 to index
      %get3A_603 = arith.constant 416 : index
      %get3A_604 = tpu.vector_load %arg8[%get3A_602, %get3A_603] {strides = array<i32>} : memref<32x768xf32, #tpu.memory_space<vmem>>, vector<1x16xf32>,
      %get3A_605 = vector.shape_cast %get3A_604 : vector<1x16xf32> to vector<16xf32>
      %mul3A_606 = arith.mulf %get3A_48, %get3A_605 : vector<16xf32>
      %add3A_607 = arith.addf %get3A_601, %mul3A_606 : vector<16xf32>
      %get3A_608 = arith.index_cast %scan3A_44 : i32 to index
      %get3A_609 = arith.constant 416 : index
      %get3A_610 = tpu.vector_load %arg9[%get3A_608, %get3A_609] {strides = array<i32>} : memref<32x768xf32, #tpu.memory_space<vmem>>, vector<1x16xf32>,
      %get3A_611 = vector.shape_cast %get3A_610 : vector<1x16xf32> to vector<16xf32>
      %mul3A_612 = arith.mulf %get3A_52, %get3A_611 : vector<16xf32>
      %add3A_613 = arith.addf %add3A_607, %mul3A_612 : vector<16xf32>
      %swap3A_614 = arith.index_cast %scan3A_44 : i32 to index
      %swap3A_615 = arith.constant 416 : index
      %swap3A_616 = tpu.vector_load %arg7[%swap3A_614, %swap3A_615] {strides = array<i32>} : memref<32x768xf32, #tpu.memory_space<vmem>>, vector<1x16xf32>,
      %swap3A_617 = vector.shape_cast %swap3A_616 : vector<1x16xf32> to vector<16xf32>
      %swap3A_618 = vector.shape_cast %add3A_613 : vector<16xf32> to vector<1x16xf32>
      tpu.vector_store %arg7[%swap3A_614, %swap3A_615], %swap3A_618 {strides = array<i32>} : memref<32x768xf32, #tpu.memory_space<vmem>>, vector<1x16xf32>,
      %get3A_619 = arith.index_cast %scan3A_44 : i32 to index
      %get3A_620 = arith.constant 432 : index
      %get3A_621 = tpu.vector_load %arg7[%get3A_619, %get3A_620] {strides = array<i32>} : memref<32x768xf32, #tpu.memory_space<vmem>>, vector<1x16xf32>,
      %get3A_622 = vector.shape_cast %get3A_621 : vector<1x16xf32> to vector<16xf32>
      %get3A_623 = arith.index_cast %scan3A_44 : i32 to index
      %get3A_624 = arith.constant 432 : index
      %get3A_625 = tpu.vector_load %arg8[%get3A_623, %get3A_624] {strides = array<i32>} : memref<32x768xf32, #tpu.memory_space<vmem>>, vector<1x16xf32>,
      %get3A_626 = vector.shape_cast %get3A_625 : vector<1x16xf32> to vector<16xf32>
      %mul3A_627 = arith.mulf %get3A_48, %get3A_626 : vector<16xf32>
      %add3A_628 = arith.addf %get3A_622, %mul3A_627 : vector<16xf32>
      %get3A_629 = arith.index_cast %scan3A_44 : i32 to index
      %get3A_630 = arith.constant 432 : index
      %get3A_631 = tpu.vector_load %arg9[%get3A_629, %get3A_630] {strides = array<i32>} : memref<32x768xf32, #tpu.memory_space<vmem>>, vector<1x16xf32>,
      %get3A_632 = vector.shape_cast %get3A_631 : vector<1x16xf32> to vector<16xf32>
      %mul3A_633 = arith.mulf %get3A_52, %get3A_632 : vector<16xf32>
      %add3A_634 = arith.addf %add3A_628, %mul3A_633 : vector<16xf32>
      %swap3A_635 = arith.index_cast %scan3A_44 : i32 to index
      %swap3A_636 = arith.constant 432 : index
      %swap3A_637 = tpu.vector_load %arg7[%swap3A_635, %swap3A_636] {strides = array<i32>} : memref<32x768xf32, #tpu.memory_space<vmem>>, vector<1x16xf32>,
      %swap3A_638 = vector.shape_cast %swap3A_637 : vector<1x16xf32> to vector<16xf32>
      %swap3A_639 = vector.shape_cast %add3A_634 : vector<16xf32> to vector<1x16xf32>
      tpu.vector_store %arg7[%swap3A_635, %swap3A_636], %swap3A_639 {strides = array<i32>} : memref<32x768xf32, #tpu.memory_space<vmem>>, vector<1x16xf32>,
      %get3A_640 = arith.index_cast %scan3A_44 : i32 to index
      %get3A_641 = arith.constant 448 : index
      %get3A_642 = tpu.vector_load %arg7[%get3A_640, %get3A_641] {strides = array<i32>} : memref<32x768xf32, #tpu.memory_space<vmem>>, vector<1x16xf32>,
      %get3A_643 = vector.shape_cast %get3A_642 : vector<1x16xf32> to vector<16xf32>
      %get3A_644 = arith.index_cast %scan3A_44 : i32 to index
      %get3A_645 = arith.constant 448 : index
      %get3A_646 = tpu.vector_load %arg8[%get3A_644, %get3A_645] {strides = array<i32>} : memref<32x768xf32, #tpu.memory_space<vmem>>, vector<1x16xf32>,
      %get3A_647 = vector.shape_cast %get3A_646 : vector<1x16xf32> to vector<16xf32>
      %mul3A_648 = arith.mulf %get3A_48, %get3A_647 : vector<16xf32>
      %add3A_649 = arith.addf %get3A_643, %mul3A_648 : vector<16xf32>
      %get3A_650 = arith.index_cast %scan3A_44 : i32 to index
      %get3A_651 = arith.constant 448 : index
      %get3A_652 = tpu.vector_load %arg9[%get3A_650, %get3A_651] {strides = array<i32>} : memref<32x768xf32, #tpu.memory_space<vmem>>, vector<1x16xf32>,
      %get3A_653 = vector.shape_cast %get3A_652 : vector<1x16xf32> to vector<16xf32>
      %mul3A_654 = arith.mulf %get3A_52, %get3A_653 : vector<16xf32>
      %add3A_655 = arith.addf %add3A_649, %mul3A_654 : vector<16xf32>
      %swap3A_656 = arith.index_cast %scan3A_44 : i32 to index
      %swap3A_657 = arith.constant 448 : index
      %swap3A_658 = tpu.vector_load %arg7[%swap3A_656, %swap3A_657] {strides = array<i32>} : memref<32x768xf32, #tpu.memory_space<vmem>>, vector<1x16xf32>,
      %swap3A_659 = vector.shape_cast %swap3A_658 : vector<1x16xf32> to vector<16xf32>
      %swap3A_660 = vector.shape_cast %add3A_655 : vector<16xf32> to vector<1x16xf32>
      tpu.vector_store %arg7[%swap3A_656, %swap3A_657], %swap3A_660 {strides = array<i32>} : memref<32x768xf32, #tpu.memory_space<vmem>>, vector<1x16xf32>,
      %get3A_661 = arith.index_cast %scan3A_44 : i32 to index
      %get3A_662 = arith.constant 464 : index
      %get3A_663 = tpu.vector_load %arg7[%get3A_661, %get3A_662] {strides = array<i32>} : memref<32x768xf32, #tpu.memory_space<vmem>>, vector<1x16xf32>,
      %get3A_664 = vector.shape_cast %get3A_663 : vector<1x16xf32> to vector<16xf32>
      %get3A_665 = arith.index_cast %scan3A_44 : i32 to index
      %get3A_666 = arith.constant 464 : index
      %get3A_667 = tpu.vector_load %arg8[%get3A_665, %get3A_666] {strides = array<i32>} : memref<32x768xf32, #tpu.memory_space<vmem>>, vector<1x16xf32>,
      %get3A_668 = vector.shape_cast %get3A_667 : vector<1x16xf32> to vector<16xf32>
      %mul3A_669 = arith.mulf %get3A_48, %get3A_668 : vector<16xf32>
      %add3A_670 = arith.addf %get3A_664, %mul3A_669 : vector<16xf32>
      %get3A_671 = arith.index_cast %scan3A_44 : i32 to index
      %get3A_672 = arith.constant 464 : index
      %get3A_673 = tpu.vector_load %arg9[%get3A_671, %get3A_672] {strides = array<i32>} : memref<32x768xf32, #tpu.memory_space<vmem>>, vector<1x16xf32>,
      %get3A_674 = vector.shape_cast %get3A_673 : vector<1x16xf32> to vector<16xf32>
      %mul3A_675 = arith.mulf %get3A_52, %get3A_674 : vector<16xf32>
      %add3A_676 = arith.addf %add3A_670, %mul3A_675 : vector<16xf32>
      %swap3A_677 = arith.index_cast %scan3A_44 : i32 to index
      %swap3A_678 = arith.constant 464 : index
      %swap3A_679 = tpu.vector_load %arg7[%swap3A_677, %swap3A_678] {strides = array<i32>} : memref<32x768xf32, #tpu.memory_space<vmem>>, vector<1x16xf32>,
      %swap3A_680 = vector.shape_cast %swap3A_679 : vector<1x16xf32> to vector<16xf32>
      %swap3A_681 = vector.shape_cast %add3A_676 : vector<16xf32> to vector<1x16xf32>
      tpu.vector_store %arg7[%swap3A_677, %swap3A_678], %swap3A_681 {strides = array<i32>} : memref<32x768xf32, #tpu.memory_space<vmem>>, vector<1x16xf32>,
      %get3A_682 = arith.index_cast %scan3A_44 : i32 to index
      %get3A_683 = arith.constant 480 : index
      %get3A_684 = tpu.vector_load %arg7[%get3A_682, %get3A_683] {strides = array<i32>} : memref<32x768xf32, #tpu.memory_space<vmem>>, vector<1x16xf32>,
      %get3A_685 = vector.shape_cast %get3A_684 : vector<1x16xf32> to vector<16xf32>
      %get3A_686 = arith.index_cast %scan3A_44 : i32 to index
      %get3A_687 = arith.constant 480 : index
      %get3A_688 = tpu.vector_load %arg8[%get3A_686, %get3A_687] {strides = array<i32>} : memref<32x768xf32, #tpu.memory_space<vmem>>, vector<1x16xf32>,
      %get3A_689 = vector.shape_cast %get3A_688 : vector<1x16xf32> to vector<16xf32>
      %mul3A_690 = arith.mulf %get3A_48, %get3A_689 : vector<16xf32>
      %add3A_691 = arith.addf %get3A_685, %mul3A_690 : vector<16xf32>
      %get3A_692 = arith.index_cast %scan3A_44 : i32 to index
      %get3A_693 = arith.constant 480 : index
      %get3A_694 = tpu.vector_load %arg9[%get3A_692, %get3A_693] {strides = array<i32>} : memref<32x768xf32, #tpu.memory_space<vmem>>, vector<1x16xf32>,
      %get3A_695 = vector.shape_cast %get3A_694 : vector<1x16xf32> to vector<16xf32>
      %mul3A_696 = arith.mulf %get3A_52, %get3A_695 : vector<16xf32>
      %add3A_697 = arith.addf %add3A_691, %mul3A_696 : vector<16xf32>
      %swap3A_698 = arith.index_cast %scan3A_44 : i32 to index
      %swap3A_699 = arith.constant 480 : index
      %swap3A_700 = tpu.vector_load %arg7[%swap3A_698, %swap3A_699] {strides = array<i32>} : memref<32x768xf32, #tpu.memory_space<vmem>>, vector<1x16xf32>,
      %swap3A_701 = vector.shape_cast %swap3A_700 : vector<1x16xf32> to vector<16xf32>
      %swap3A_702 = vector.shape_cast %add3A_697 : vector<16xf32> to vector<1x16xf32>
      tpu.vector_store %arg7[%swap3A_698, %swap3A_699], %swap3A_702 {strides = array<i32>} : memref<32x768xf32, #tpu.memory_space<vmem>>, vector<1x16xf32>,
      %get3A_703 = arith.index_cast %scan3A_44 : i32 to index
      %get3A_704 = arith.constant 496 : index
      %get3A_705 = tpu.vector_load %arg7[%get3A_703, %get3A_704] {strides = array<i32>} : memref<32x768xf32, #tpu.memory_space<vmem>>, vector<1x16xf32>,
      %get3A_706 = vector.shape_cast %get3A_705 : vector<1x16xf32> to vector<16xf32>
      %get3A_707 = arith.index_cast %scan3A_44 : i32 to index
      %get3A_708 = arith.constant 496 : index
      %get3A_709 = tpu.vector_load %arg8[%get3A_707, %get3A_708] {strides = array<i32>} : memref<32x768xf32, #tpu.memory_space<vmem>>, vector<1x16xf32>,
      %get3A_710 = vector.shape_cast %get3A_709 : vector<1x16xf32> to vector<16xf32>
      %mul3A_711 = arith.mulf %get3A_48, %get3A_710 : vector<16xf32>
      %add3A_712 = arith.addf %get3A_706, %mul3A_711 : vector<16xf32>
      %get3A_713 = arith.index_cast %scan3A_44 : i32 to index
      %get3A_714 = arith.constant 496 : index
      %get3A_715 = tpu.vector_load %arg9[%get3A_713, %get3A_714] {strides = array<i32>} : memref<32x768xf32, #tpu.memory_space<vmem>>, vector<1x16xf32>,
      %get3A_716 = vector.shape_cast %get3A_715 : vector<1x16xf32> to vector<16xf32>
      %mul3A_717 = arith.mulf %get3A_52, %get3A_716 : vector<16xf32>
      %add3A_718 = arith.addf %add3A_712, %mul3A_717 : vector<16xf32>
      %swap3A_719 = arith.index_cast %scan3A_44 : i32 to index
      %swap3A_720 = arith.constant 496 : index
      %swap3A_721 = tpu.vector_load %arg7[%swap3A_719, %swap3A_720] {strides = array<i32>} : memref<32x768xf32, #tpu.memory_space<vmem>>, vector<1x16xf32>,
      %swap3A_722 = vector.shape_cast %swap3A_721 : vector<1x16xf32> to vector<16xf32>
      %swap3A_723 = vector.shape_cast %add3A_718 : vector<16xf32> to vector<1x16xf32>
      tpu.vector_store %arg7[%swap3A_719, %swap3A_720], %swap3A_723 {strides = array<i32>} : memref<32x768xf32, #tpu.memory_space<vmem>>, vector<1x16xf32>,
      %get3A_724 = arith.index_cast %scan3A_44 : i32 to index
      %get3A_725 = arith.constant 512 : index
      %get3A_726 = tpu.vector_load %arg7[%get3A_724, %get3A_725] {strides = array<i32>} : memref<32x768xf32, #tpu.memory_space<vmem>>, vector<1x16xf32>,
      %get3A_727 = vector.shape_cast %get3A_726 : vector<1x16xf32> to vector<16xf32>
      %get3A_728 = arith.index_cast %scan3A_44 : i32 to index
      %get3A_729 = arith.constant 512 : index
      %get3A_730 = tpu.vector_load %arg8[%get3A_728, %get3A_729] {strides = array<i32>} : memref<32x768xf32, #tpu.memory_space<vmem>>, vector<1x16xf32>,
      %get3A_731 = vector.shape_cast %get3A_730 : vector<1x16xf32> to vector<16xf32>
      %mul3A_732 = arith.mulf %get3A_48, %get3A_731 : vector<16xf32>
      %add3A_733 = arith.addf %get3A_727, %mul3A_732 : vector<16xf32>
      %get3A_734 = arith.index_cast %scan3A_44 : i32 to index
      %get3A_735 = arith.constant 512 : index
      %get3A_736 = tpu.vector_load %arg9[%get3A_734, %get3A_735] {strides = array<i32>} : memref<32x768xf32, #tpu.memory_space<vmem>>, vector<1x16xf32>,
      %get3A_737 = vector.shape_cast %get3A_736 : vector<1x16xf32> to vector<16xf32>
      %mul3A_738 = arith.mulf %get3A_52, %get3A_737 : vector<16xf32>
      %add3A_739 = arith.addf %add3A_733, %mul3A_738 : vector<16xf32>
      %swap3A_740 = arith.index_cast %scan3A_44 : i32 to index
      %swap3A_741 = arith.constant 512 : index
      %swap3A_742 = tpu.vector_load %arg7[%swap3A_740, %swap3A_741] {strides = array<i32>} : memref<32x768xf32, #tpu.memory_space<vmem>>, vector<1x16xf32>,
      %swap3A_743 = vector.shape_cast %swap3A_742 : vector<1x16xf32> to vector<16xf32>
      %swap3A_744 = vector.shape_cast %add3A_739 : vector<16xf32> to vector<1x16xf32>
      tpu.vector_store %arg7[%swap3A_740, %swap3A_741], %swap3A_744 {strides = array<i32>} : memref<32x768xf32, #tpu.memory_space<vmem>>, vector<1x16xf32>,
      %get3A_745 = arith.index_cast %scan3A_44 : i32 to index
      %get3A_746 = arith.constant 528 : index
      %get3A_747 = tpu.vector_load %arg7[%get3A_745, %get3A_746] {strides = array<i32>} : memref<32x768xf32, #tpu.memory_space<vmem>>, vector<1x16xf32>,
      %get3A_748 = vector.shape_cast %get3A_747 : vector<1x16xf32> to vector<16xf32>
      %get3A_749 = arith.index_cast %scan3A_44 : i32 to index
      %get3A_750 = arith.constant 528 : index
      %get3A_751 = tpu.vector_load %arg8[%get3A_749, %get3A_750] {strides = array<i32>} : memref<32x768xf32, #tpu.memory_space<vmem>>, vector<1x16xf32>,
      %get3A_752 = vector.shape_cast %get3A_751 : vector<1x16xf32> to vector<16xf32>
      %mul3A_753 = arith.mulf %get3A_48, %get3A_752 : vector<16xf32>
      %add3A_754 = arith.addf %get3A_748, %mul3A_753 : vector<16xf32>
      %get3A_755 = arith.index_cast %scan3A_44 : i32 to index
      %get3A_756 = arith.constant 528 : index
      %get3A_757 = tpu.vector_load %arg9[%get3A_755, %get3A_756] {strides = array<i32>} : memref<32x768xf32, #tpu.memory_space<vmem>>, vector<1x16xf32>,
      %get3A_758 = vector.shape_cast %get3A_757 : vector<1x16xf32> to vector<16xf32>
      %mul3A_759 = arith.mulf %get3A_52, %get3A_758 : vector<16xf32>
      %add3A_760 = arith.addf %add3A_754, %mul3A_759 : vector<16xf32>
      %swap3A_761 = arith.index_cast %scan3A_44 : i32 to index
      %swap3A_762 = arith.constant 528 : index
      %swap3A_763 = tpu.vector_load %arg7[%swap3A_761, %swap3A_762] {strides = array<i32>} : memref<32x768xf32, #tpu.memory_space<vmem>>, vector<1x16xf32>,
      %swap3A_764 = vector.shape_cast %swap3A_763 : vector<1x16xf32> to vector<16xf32>
      %swap3A_765 = vector.shape_cast %add3A_760 : vector<16xf32> to vector<1x16xf32>
      tpu.vector_store %arg7[%swap3A_761, %swap3A_762], %swap3A_765 {strides = array<i32>} : memref<32x768xf32, #tpu.memory_space<vmem>>, vector<1x16xf32>,
      %get3A_766 = arith.index_cast %scan3A_44 : i32 to index
      %get3A_767 = arith.constant 544 : index
      %get3A_768 = tpu.vector_load %arg7[%get3A_766, %get3A_767] {strides = array<i32>} : memref<32x768xf32, #tpu.memory_space<vmem>>, vector<1x16xf32>,
      %get3A_769 = vector.shape_cast %get3A_768 : vector<1x16xf32> to vector<16xf32>
      %get3A_770 = arith.index_cast %scan3A_44 : i32 to index
      %get3A_771 = arith.constant 544 : index
      %get3A_772 = tpu.vector_load %arg8[%get3A_770, %get3A_771] {strides = array<i32>} : memref<32x768xf32, #tpu.memory_space<vmem>>, vector<1x16xf32>,
      %get3A_773 = vector.shape_cast %get3A_772 : vector<1x16xf32> to vector<16xf32>
      %mul3A_774 = arith.mulf %get3A_48, %get3A_773 : vector<16xf32>
      %add3A_775 = arith.addf %get3A_769, %mul3A_774 : vector<16xf32>
      %get3A_776 = arith.index_cast %scan3A_44 : i32 to index
      %get3A_777 = arith.constant 544 : index
      %get3A_778 = tpu.vector_load %arg9[%get3A_776, %get3A_777] {strides = array<i32>} : memref<32x768xf32, #tpu.memory_space<vmem>>, vector<1x16xf32>,
      %get3A_779 = vector.shape_cast %get3A_778 : vector<1x16xf32> to vector<16xf32>
      %mul3A_780 = arith.mulf %get3A_52, %get3A_779 : vector<16xf32>
      %add3A_781 = arith.addf %add3A_775, %mul3A_780 : vector<16xf32>
      %swap3A_782 = arith.index_cast %scan3A_44 : i32 to index
      %swap3A_783 = arith.constant 544 : index
      %swap3A_784 = tpu.vector_load %arg7[%swap3A_782, %swap3A_783] {strides = array<i32>} : memref<32x768xf32, #tpu.memory_space<vmem>>, vector<1x16xf32>,
      %swap3A_785 = vector.shape_cast %swap3A_784 : vector<1x16xf32> to vector<16xf32>
      %swap3A_786 = vector.shape_cast %add3A_781 : vector<16xf32> to vector<1x16xf32>
      tpu.vector_store %arg7[%swap3A_782, %swap3A_783], %swap3A_786 {strides = array<i32>} : memref<32x768xf32, #tpu.memory_space<vmem>>, vector<1x16xf32>,
      %get3A_787 = arith.index_cast %scan3A_44 : i32 to index
      %get3A_788 = arith.constant 560 : index
      %get3A_789 = tpu.vector_load %arg7[%get3A_787, %get3A_788] {strides = array<i32>} : memref<32x768xf32, #tpu.memory_space<vmem>>, vector<1x16xf32>,
      %get3A_790 = vector.shape_cast %get3A_789 : vector<1x16xf32> to vector<16xf32>
      %get3A_791 = arith.index_cast %scan3A_44 : i32 to index
      %get3A_792 = arith.constant 560 : index
      %get3A_793 = tpu.vector_load %arg8[%get3A_791, %get3A_792] {strides = array<i32>} : memref<32x768xf32, #tpu.memory_space<vmem>>, vector<1x16xf32>,
      %get3A_794 = vector.shape_cast %get3A_793 : vector<1x16xf32> to vector<16xf32>
      %mul3A_795 = arith.mulf %get3A_48, %get3A_794 : vector<16xf32>
      %add3A_796 = arith.addf %get3A_790, %mul3A_795 : vector<16xf32>
      %get3A_797 = arith.index_cast %scan3A_44 : i32 to index
      %get3A_798 = arith.constant 560 : index
      %get3A_799 = tpu.vector_load %arg9[%get3A_797, %get3A_798] {strides = array<i32>} : memref<32x768xf32, #tpu.memory_space<vmem>>, vector<1x16xf32>,
      %get3A_800 = vector.shape_cast %get3A_799 : vector<1x16xf32> to vector<16xf32>
      %mul3A_801 = arith.mulf %get3A_52, %get3A_800 : vector<16xf32>
      %add3A_802 = arith.addf %add3A_796, %mul3A_801 : vector<16xf32>
      %swap3A_803 = arith.index_cast %scan3A_44 : i32 to index
      %swap3A_804 = arith.constant 560 : index
      %swap3A_805 = tpu.vector_load %arg7[%swap3A_803, %swap3A_804] {strides = array<i32>} : memref<32x768xf32, #tpu.memory_space<vmem>>, vector<1x16xf32>,
      %swap3A_806 = vector.shape_cast %swap3A_805 : vector<1x16xf32> to vector<16xf32>
      %swap3A_807 = vector.shape_cast %add3A_802 : vector<16xf32> to vector<1x16xf32>
      tpu.vector_store %arg7[%swap3A_803, %swap3A_804], %swap3A_807 {strides = array<i32>} : memref<32x768xf32, #tpu.memory_space<vmem>>, vector<1x16xf32>,
      %get3A_808 = arith.index_cast %scan3A_44 : i32 to index
      %get3A_809 = arith.constant 576 : index
      %get3A_810 = tpu.vector_load %arg7[%get3A_808, %get3A_809] {strides = array<i32>} : memref<32x768xf32, #tpu.memory_space<vmem>>, vector<1x16xf32>,
      %get3A_811 = vector.shape_cast %get3A_810 : vector<1x16xf32> to vector<16xf32>
      %get3A_812 = arith.index_cast %scan3A_44 : i32 to index
      %get3A_813 = arith.constant 576 : index
      %get3A_814 = tpu.vector_load %arg8[%get3A_812, %get3A_813] {strides = array<i32>} : memref<32x768xf32, #tpu.memory_space<vmem>>, vector<1x16xf32>,
      %get3A_815 = vector.shape_cast %get3A_814 : vector<1x16xf32> to vector<16xf32>
      %mul3A_816 = arith.mulf %get3A_48, %get3A_815 : vector<16xf32>
      %add3A_817 = arith.addf %get3A_811, %mul3A_816 : vector<16xf32>
      %get3A_818 = arith.index_cast %scan3A_44 : i32 to index
      %get3A_819 = arith.constant 576 : index
      %get3A_820 = tpu.vector_load %arg9[%get3A_818, %get3A_819] {strides = array<i32>} : memref<32x768xf32, #tpu.memory_space<vmem>>, vector<1x16xf32>,
      %get3A_821 = vector.shape_cast %get3A_820 : vector<1x16xf32> to vector<16xf32>
      %mul3A_822 = arith.mulf %get3A_52, %get3A_821 : vector<16xf32>
      %add3A_823 = arith.addf %add3A_817, %mul3A_822 : vector<16xf32>
      %swap3A_824 = arith.index_cast %scan3A_44 : i32 to index
      %swap3A_825 = arith.constant 576 : index
      %swap3A_826 = tpu.vector_load %arg7[%swap3A_824, %swap3A_825] {strides = array<i32>} : memref<32x768xf32, #tpu.memory_space<vmem>>, vector<1x16xf32>,
      %swap3A_827 = vector.shape_cast %swap3A_826 : vector<1x16xf32> to vector<16xf32>
      %swap3A_828 = vector.shape_cast %add3A_823 : vector<16xf32> to vector<1x16xf32>
      tpu.vector_store %arg7[%swap3A_824, %swap3A_825], %swap3A_828 {strides = array<i32>} : memref<32x768xf32, #tpu.memory_space<vmem>>, vector<1x16xf32>,
      %get3A_829 = arith.index_cast %scan3A_44 : i32 to index
      %get3A_830 = arith.constant 592 : index
      %get3A_831 = tpu.vector_load %arg7[%get3A_829, %get3A_830] {strides = array<i32>} : memref<32x768xf32, #tpu.memory_space<vmem>>, vector<1x16xf32>,
      %get3A_832 = vector.shape_cast %get3A_831 : vector<1x16xf32> to vector<16xf32>
      %get3A_833 = arith.index_cast %scan3A_44 : i32 to index
      %get3A_834 = arith.constant 592 : index
      %get3A_835 = tpu.vector_load %arg8[%get3A_833, %get3A_834] {strides = array<i32>} : memref<32x768xf32, #tpu.memory_space<vmem>>, vector<1x16xf32>,
      %get3A_836 = vector.shape_cast %get3A_835 : vector<1x16xf32> to vector<16xf32>
      %mul3A_837 = arith.mulf %get3A_48, %get3A_836 : vector<16xf32>
      %add3A_838 = arith.addf %get3A_832, %mul3A_837 : vector<16xf32>
      %get3A_839 = arith.index_cast %scan3A_44 : i32 to index
      %get3A_840 = arith.constant 592 : index
      %get3A_841 = tpu.vector_load %arg9[%get3A_839, %get3A_840] {strides = array<i32>} : memref<32x768xf32, #tpu.memory_space<vmem>>, vector<1x16xf32>,
      %get3A_842 = vector.shape_cast %get3A_841 : vector<1x16xf32> to vector<16xf32>
      %mul3A_843 = arith.mulf %get3A_52, %get3A_842 : vector<16xf32>
      %add3A_844 = arith.addf %add3A_838, %mul3A_843 : vector<16xf32>
      %swap3A_845 = arith.index_cast %scan3A_44 : i32 to index
      %swap3A_846 = arith.constant 592 : index
      %swap3A_847 = tpu.vector_load %arg7[%swap3A_845, %swap3A_846] {strides = array<i32>} : memref<32x768xf32, #tpu.memory_space<vmem>>, vector<1x16xf32>,
      %swap3A_848 = vector.shape_cast %swap3A_847 : vector<1x16xf32> to vector<16xf32>
      %swap3A_849 = vector.shape_cast %add3A_844 : vector<16xf32> to vector<1x16xf32>
      tpu.vector_store %arg7[%swap3A_845, %swap3A_846], %swap3A_849 {strides = array<i32>} : memref<32x768xf32, #tpu.memory_space<vmem>>, vector<1x16xf32>,
      %get3A_850 = arith.index_cast %scan3A_44 : i32 to index
      %get3A_851 = arith.constant 608 : index
      %get3A_852 = tpu.vector_load %arg7[%get3A_850, %get3A_851] {strides = array<i32>} : memref<32x768xf32, #tpu.memory_space<vmem>>, vector<1x16xf32>,
      %get3A_853 = vector.shape_cast %get3A_852 : vector<1x16xf32> to vector<16xf32>
      %get3A_854 = arith.index_cast %scan3A_44 : i32 to index
      %get3A_855 = arith.constant 608 : index
      %get3A_856 = tpu.vector_load %arg8[%get3A_854, %get3A_855] {strides = array<i32>} : memref<32x768xf32, #tpu.memory_space<vmem>>, vector<1x16xf32>,
      %get3A_857 = vector.shape_cast %get3A_856 : vector<1x16xf32> to vector<16xf32>
      %mul3A_858 = arith.mulf %get3A_48, %get3A_857 : vector<16xf32>
      %add3A_859 = arith.addf %get3A_853, %mul3A_858 : vector<16xf32>
      %get3A_860 = arith.index_cast %scan3A_44 : i32 to index
      %get3A_861 = arith.constant 608 : index
      %get3A_862 = tpu.vector_load %arg9[%get3A_860, %get3A_861] {strides = array<i32>} : memref<32x768xf32, #tpu.memory_space<vmem>>, vector<1x16xf32>,
      %get3A_863 = vector.shape_cast %get3A_862 : vector<1x16xf32> to vector<16xf32>
      %mul3A_864 = arith.mulf %get3A_52, %get3A_863 : vector<16xf32>
      %add3A_865 = arith.addf %add3A_859, %mul3A_864 : vector<16xf32>
      %swap3A_866 = arith.index_cast %scan3A_44 : i32 to index
      %swap3A_867 = arith.constant 608 : index
      %swap3A_868 = tpu.vector_load %arg7[%swap3A_866, %swap3A_867] {strides = array<i32>} : memref<32x768xf32, #tpu.memory_space<vmem>>, vector<1x16xf32>,
      %swap3A_869 = vector.shape_cast %swap3A_868 : vector<1x16xf32> to vector<16xf32>
      %swap3A_870 = vector.shape_cast %add3A_865 : vector<16xf32> to vector<1x16xf32>
      tpu.vector_store %arg7[%swap3A_866, %swap3A_867], %swap3A_870 {strides = array<i32>} : memref<32x768xf32, #tpu.memory_space<vmem>>, vector<1x16xf32>,
      %get3A_871 = arith.index_cast %scan3A_44 : i32 to index
      %get3A_872 = arith.constant 624 : index
      %get3A_873 = tpu.vector_load %arg7[%get3A_871, %get3A_872] {strides = array<i32>} : memref<32x768xf32, #tpu.memory_space<vmem>>, vector<1x16xf32>,
      %get3A_874 = vector.shape_cast %get3A_873 : vector<1x16xf32> to vector<16xf32>
      %get3A_875 = arith.index_cast %scan3A_44 : i32 to index
      %get3A_876 = arith.constant 624 : index
      %get3A_877 = tpu.vector_load %arg8[%get3A_875, %get3A_876] {strides = array<i32>} : memref<32x768xf32, #tpu.memory_space<vmem>>, vector<1x16xf32>,
      %get3A_878 = vector.shape_cast %get3A_877 : vector<1x16xf32> to vector<16xf32>
      %mul3A_879 = arith.mulf %get3A_48, %get3A_878 : vector<16xf32>
      %add3A_880 = arith.addf %get3A_874, %mul3A_879 : vector<16xf32>
      %get3A_881 = arith.index_cast %scan3A_44 : i32 to index
      %get3A_882 = arith.constant 624 : index
      %get3A_883 = tpu.vector_load %arg9[%get3A_881, %get3A_882] {strides = array<i32>} : memref<32x768xf32, #tpu.memory_space<vmem>>, vector<1x16xf32>,
      %get3A_884 = vector.shape_cast %get3A_883 : vector<1x16xf32> to vector<16xf32>
      %mul3A_885 = arith.mulf %get3A_52, %get3A_884 : vector<16xf32>
      %add3A_886 = arith.addf %add3A_880, %mul3A_885 : vector<16xf32>
      %swap3A_887 = arith.index_cast %scan3A_44 : i32 to index
      %swap3A_888 = arith.constant 624 : index
      %swap3A_889 = tpu.vector_load %arg7[%swap3A_887, %swap3A_888] {strides = array<i32>} : memref<32x768xf32, #tpu.memory_space<vmem>>, vector<1x16xf32>,
      %swap3A_890 = vector.shape_cast %swap3A_889 : vector<1x16xf32> to vector<16xf32>
      %swap3A_891 = vector.shape_cast %add3A_886 : vector<16xf32> to vector<1x16xf32>
      tpu.vector_store %arg7[%swap3A_887, %swap3A_888], %swap3A_891 {strides = array<i32>} : memref<32x768xf32, #tpu.memory_space<vmem>>, vector<1x16xf32>,
      %get3A_892 = arith.index_cast %scan3A_44 : i32 to index
      %get3A_893 = arith.constant 640 : index
      %get3A_894 = tpu.vector_load %arg7[%get3A_892, %get3A_893] {strides = array<i32>} : memref<32x768xf32, #tpu.memory_space<vmem>>, vector<1x16xf32>,
      %get3A_895 = vector.shape_cast %get3A_894 : vector<1x16xf32> to vector<16xf32>
      %get3A_896 = arith.index_cast %scan3A_44 : i32 to index
      %get3A_897 = arith.constant 640 : index
      %get3A_898 = tpu.vector_load %arg8[%get3A_896, %get3A_897] {strides = array<i32>} : memref<32x768xf32, #tpu.memory_space<vmem>>, vector<1x16xf32>,
      %get3A_899 = vector.shape_cast %get3A_898 : vector<1x16xf32> to vector<16xf32>
      %mul3A_900 = arith.mulf %get3A_48, %get3A_899 : vector<16xf32>
      %add3A_901 = arith.addf %get3A_895, %mul3A_900 : vector<16xf32>
      %get3A_902 = arith.index_cast %scan3A_44 : i32 to index
      %get3A_903 = arith.constant 640 : index
      %get3A_904 = tpu.vector_load %arg9[%get3A_902, %get3A_903] {strides = array<i32>} : memref<32x768xf32, #tpu.memory_space<vmem>>, vector<1x16xf32>,
      %get3A_905 = vector.shape_cast %get3A_904 : vector<1x16xf32> to vector<16xf32>
      %mul3A_906 = arith.mulf %get3A_52, %get3A_905 : vector<16xf32>
      %add3A_907 = arith.addf %add3A_901, %mul3A_906 : vector<16xf32>
      %swap3A_908 = arith.index_cast %scan3A_44 : i32 to index
      %swap3A_909 = arith.constant 640 : index
      %swap3A_910 = tpu.vector_load %arg7[%swap3A_908, %swap3A_909] {strides = array<i32>} : memref<32x768xf32, #tpu.memory_space<vmem>>, vector<1x16xf32>,
      %swap3A_911 = vector.shape_cast %swap3A_910 : vector<1x16xf32> to vector<16xf32>
      %swap3A_912 = vector.shape_cast %add3A_907 : vector<16xf32> to vector<1x16xf32>
      tpu.vector_store %arg7[%swap3A_908, %swap3A_909], %swap3A_912 {strides = array<i32>} : memref<32x768xf32, #tpu.memory_space<vmem>>, vector<1x16xf32>,
      %get3A_913 = arith.index_cast %scan3A_44 : i32 to index
      %get3A_914 = arith.constant 656 : index
      %get3A_915 = tpu.vector_load %arg7[%get3A_913, %get3A_914] {strides = array<i32>} : memref<32x768xf32, #tpu.memory_space<vmem>>, vector<1x16xf32>,
      %get3A_916 = vector.shape_cast %get3A_915 : vector<1x16xf32> to vector<16xf32>
      %get3A_917 = arith.index_cast %scan3A_44 : i32 to index
      %get3A_918 = arith.constant 656 : index
      %get3A_919 = tpu.vector_load %arg8[%get3A_917, %get3A_918] {strides = array<i32>} : memref<32x768xf32, #tpu.memory_space<vmem>>, vector<1x16xf32>,
      %get3A_920 = vector.shape_cast %get3A_919 : vector<1x16xf32> to vector<16xf32>
      %mul3A_921 = arith.mulf %get3A_48, %get3A_920 : vector<16xf32>
      %add3A_922 = arith.addf %get3A_916, %mul3A_921 : vector<16xf32>
      %get3A_923 = arith.index_cast %scan3A_44 : i32 to index
      %get3A_924 = arith.constant 656 : index
      %get3A_925 = tpu.vector_load %arg9[%get3A_923, %get3A_924] {strides = array<i32>} : memref<32x768xf32, #tpu.memory_space<vmem>>, vector<1x16xf32>,
      %get3A_926 = vector.shape_cast %get3A_925 : vector<1x16xf32> to vector<16xf32>
      %mul3A_927 = arith.mulf %get3A_52, %get3A_926 : vector<16xf32>
      %add3A_928 = arith.addf %add3A_922, %mul3A_927 : vector<16xf32>
      %swap3A_929 = arith.index_cast %scan3A_44 : i32 to index
      %swap3A_930 = arith.constant 656 : index
      %swap3A_931 = tpu.vector_load %arg7[%swap3A_929, %swap3A_930] {strides = array<i32>} : memref<32x768xf32, #tpu.memory_space<vmem>>, vector<1x16xf32>,
      %swap3A_932 = vector.shape_cast %swap3A_931 : vector<1x16xf32> to vector<16xf32>
      %swap3A_933 = vector.shape_cast %add3A_928 : vector<16xf32> to vector<1x16xf32>
      tpu.vector_store %arg7[%swap3A_929, %swap3A_930], %swap3A_933 {strides = array<i32>} : memref<32x768xf32, #tpu.memory_space<vmem>>, vector<1x16xf32>,
      %get3A_934 = arith.index_cast %scan3A_44 : i32 to index
      %get3A_935 = arith.constant 672 : index
      %get3A_936 = tpu.vector_load %arg7[%get3A_934, %get3A_935] {strides = array<i32>} : memref<32x768xf32, #tpu.memory_space<vmem>>, vector<1x16xf32>,
      %get3A_937 = vector.shape_cast %get3A_936 : vector<1x16xf32> to vector<16xf32>
      %get3A_938 = arith.index_cast %scan3A_44 : i32 to index
      %get3A_939 = arith.constant 672 : index
      %get3A_940 = tpu.vector_load %arg8[%get3A_938, %get3A_939] {strides = array<i32>} : memref<32x768xf32, #tpu.memory_space<vmem>>, vector<1x16xf32>,
      %get3A_941 = vector.shape_cast %get3A_940 : vector<1x16xf32> to vector<16xf32>
      %mul3A_942 = arith.mulf %get3A_48, %get3A_941 : vector<16xf32>
      %add3A_943 = arith.addf %get3A_937, %mul3A_942 : vector<16xf32>
      %get3A_944 = arith.index_cast %scan3A_44 : i32 to index
      %get3A_945 = arith.constant 672 : index
      %get3A_946 = tpu.vector_load %arg9[%get3A_944, %get3A_945] {strides = array<i32>} : memref<32x768xf32, #tpu.memory_space<vmem>>, vector<1x16xf32>,
      %get3A_947 = vector.shape_cast %get3A_946 : vector<1x16xf32> to vector<16xf32>
      %mul3A_948 = arith.mulf %get3A_52, %get3A_947 : vector<16xf32>
      %add3A_949 = arith.addf %add3A_943, %mul3A_948 : vector<16xf32>
      %swap3A_950 = arith.index_cast %scan3A_44 : i32 to index
      %swap3A_951 = arith.constant 672 : index
      %swap3A_952 = tpu.vector_load %arg7[%swap3A_950, %swap3A_951] {strides = array<i32>} : memref<32x768xf32, #tpu.memory_space<vmem>>, vector<1x16xf32>,
      %swap3A_953 = vector.shape_cast %swap3A_952 : vector<1x16xf32> to vector<16xf32>
      %swap3A_954 = vector.shape_cast %add3A_949 : vector<16xf32> to vector<1x16xf32>
      tpu.vector_store %arg7[%swap3A_950, %swap3A_951], %swap3A_954 {strides = array<i32>} : memref<32x768xf32, #tpu.memory_space<vmem>>, vector<1x16xf32>,
      %get3A_955 = arith.index_cast %scan3A_44 : i32 to index
      %get3A_956 = arith.constant 688 : index
      %get3A_957 = tpu.vector_load %arg7[%get3A_955, %get3A_956] {strides = array<i32>} : memref<32x768xf32, #tpu.memory_space<vmem>>, vector<1x16xf32>,
      %get3A_958 = vector.shape_cast %get3A_957 : vector<1x16xf32> to vector<16xf32>
      %get3A_959 = arith.index_cast %scan3A_44 : i32 to index
      %get3A_960 = arith.constant 688 : index
      %get3A_961 = tpu.vector_load %arg8[%get3A_959, %get3A_960] {strides = array<i32>} : memref<32x768xf32, #tpu.memory_space<vmem>>, vector<1x16xf32>,
      %get3A_962 = vector.shape_cast %get3A_961 : vector<1x16xf32> to vector<16xf32>
      %mul3A_963 = arith.mulf %get3A_48, %get3A_962 : vector<16xf32>
      %add3A_964 = arith.addf %get3A_958, %mul3A_963 : vector<16xf32>
      %get3A_965 = arith.index_cast %scan3A_44 : i32 to index
      %get3A_966 = arith.constant 688 : index
      %get3A_967 = tpu.vector_load %arg9[%get3A_965, %get3A_966] {strides = array<i32>} : memref<32x768xf32, #tpu.memory_space<vmem>>, vector<1x16xf32>,
      %get3A_968 = vector.shape_cast %get3A_967 : vector<1x16xf32> to vector<16xf32>
      %mul3A_969 = arith.mulf %get3A_52, %get3A_968 : vector<16xf32>
      %add3A_970 = arith.addf %add3A_964, %mul3A_969 : vector<16xf32>
      %swap3A_971 = arith.index_cast %scan3A_44 : i32 to index
      %swap3A_972 = arith.constant 688 : index
      %swap3A_973 = tpu.vector_load %arg7[%swap3A_971, %swap3A_972] {strides = array<i32>} : memref<32x768xf32, #tpu.memory_space<vmem>>, vector<1x16xf32>,
      %swap3A_974 = vector.shape_cast %swap3A_973 : vector<1x16xf32> to vector<16xf32>
      %swap3A_975 = vector.shape_cast %add3A_970 : vector<16xf32> to vector<1x16xf32>
      tpu.vector_store %arg7[%swap3A_971, %swap3A_972], %swap3A_975 {strides = array<i32>} : memref<32x768xf32, #tpu.memory_space<vmem>>, vector<1x16xf32>,
      %get3A_976 = arith.index_cast %scan3A_44 : i32 to index
      %get3A_977 = arith.constant 704 : index
      %get3A_978 = tpu.vector_load %arg7[%get3A_976, %get3A_977] {strides = array<i32>} : memref<32x768xf32, #tpu.memory_space<vmem>>, vector<1x16xf32>,
      %get3A_979 = vector.shape_cast %get3A_978 : vector<1x16xf32> to vector<16xf32>
      %get3A_980 = arith.index_cast %scan3A_44 : i32 to index
      %get3A_981 = arith.constant 704 : index
      %get3A_982 = tpu.vector_load %arg8[%get3A_980, %get3A_981] {strides = array<i32>} : memref<32x768xf32, #tpu.memory_space<vmem>>, vector<1x16xf32>,
      %get3A_983 = vector.shape_cast %get3A_982 : vector<1x16xf32> to vector<16xf32>
      %mul3A_984 = arith.mulf %get3A_48, %get3A_983 : vector<16xf32>
      %add3A_985 = arith.addf %get3A_979, %mul3A_984 : vector<16xf32>
      %get3A_986 = arith.index_cast %scan3A_44 : i32 to index
      %get3A_987 = arith.constant 704 : index
      %get3A_988 = tpu.vector_load %arg9[%get3A_986, %get3A_987] {strides = array<i32>} : memref<32x768xf32, #tpu.memory_space<vmem>>, vector<1x16xf32>,
      %get3A_989 = vector.shape_cast %get3A_988 : vector<1x16xf32> to vector<16xf32>
      %mul3A_990 = arith.mulf %get3A_52, %get3A_989 : vector<16xf32>
      %add3A_991 = arith.addf %add3A_985, %mul3A_990 : vector<16xf32>
      %swap3A_992 = arith.index_cast %scan3A_44 : i32 to index
      %swap3A_993 = arith.constant 704 : index
      %swap3A_994 = tpu.vector_load %arg7[%swap3A_992, %swap3A_993] {strides = array<i32>} : memref<32x768xf32, #tpu.memory_space<vmem>>, vector<1x16xf32>,
      %swap3A_995 = vector.shape_cast %swap3A_994 : vector<1x16xf32> to vector<16xf32>
      %swap3A_996 = vector.shape_cast %add3A_991 : vector<16xf32> to vector<1x16xf32>
      tpu.vector_store %arg7[%swap3A_992, %swap3A_993], %swap3A_996 {strides = array<i32>} : memref<32x768xf32, #tpu.memory_space<vmem>>, vector<1x16xf32>,
      %get3A_997 = arith.index_cast %scan3A_44 : i32 to index
      %get3A_998 = arith.constant 720 : index
      %get3A_999 = tpu.vector_load %arg7[%get3A_997, %get3A_998] {strides = array<i32>} : memref<32x768xf32, #tpu.memory_space<vmem>>, vector<1x16xf32>,
      %get3A_1000 = vector.shape_cast %get3A_999 : vector<1x16xf32> to vector<16xf32>
      %get3A_1001 = arith.index_cast %scan3A_44 : i32 to index
      %get3A_1002 = arith.constant 720 : index
      %get3A_1003 = tpu.vector_load %arg8[%get3A_1001, %get3A_1002] {strides = array<i32>} : memref<32x768xf32, #tpu.memory_space<vmem>>, vector<1x16xf32>,
      %get3A_1004 = vector.shape_cast %get3A_1003 : vector<1x16xf32> to vector<16xf32>
      %mul3A_1005 = arith.mulf %get3A_48, %get3A_1004 : vector<16xf32>
      %add3A_1006 = arith.addf %get3A_1000, %mul3A_1005 : vector<16xf32>
      %get3A_1007 = arith.index_cast %scan3A_44 : i32 to index
      %get3A_1008 = arith.constant 720 : index
      %get3A_1009 = tpu.vector_load %arg9[%get3A_1007, %get3A_1008] {strides = array<i32>} : memref<32x768xf32, #tpu.memory_space<vmem>>, vector<1x16xf32>,
      %get3A_1010 = vector.shape_cast %get3A_1009 : vector<1x16xf32> to vector<16xf32>
      %mul3A_1011 = arith.mulf %get3A_52, %get3A_1010 : vector<16xf32>
      %add3A_1012 = arith.addf %add3A_1006, %mul3A_1011 : vector<16xf32>
      %swap3A_1013 = arith.index_cast %scan3A_44 : i32 to index
      %swap3A_1014 = arith.constant 720 : index
      %swap3A_1015 = tpu.vector_load %arg7[%swap3A_1013, %swap3A_1014] {strides = array<i32>} : memref<32x768xf32, #tpu.memory_space<vmem>>, vector<1x16xf32>,
      %swap3A_1016 = vector.shape_cast %swap3A_1015 : vector<1x16xf32> to vector<16xf32>
      %swap3A_1017 = vector.shape_cast %add3A_1012 : vector<16xf32> to vector<1x16xf32>
      tpu.vector_store %arg7[%swap3A_1013, %swap3A_1014], %swap3A_1017 {strides = array<i32>} : memref<32x768xf32, #tpu.memory_space<vmem>>, vector<1x16xf32>,
      %get3A_1018 = arith.index_cast %scan3A_44 : i32 to index
      %get3A_1019 = arith.constant 736 : index
      %get3A_1020 = tpu.vector_load %arg7[%get3A_1018, %get3A_1019] {strides = array<i32>} : memref<32x768xf32, #tpu.memory_space<vmem>>, vector<1x16xf32>,
      %get3A_1021 = vector.shape_cast %get3A_1020 : vector<1x16xf32> to vector<16xf32>
      %get3A_1022 = arith.index_cast %scan3A_44 : i32 to index
      %get3A_1023 = arith.constant 736 : index
      %get3A_1024 = tpu.vector_load %arg8[%get3A_1022, %get3A_1023] {strides = array<i32>} : memref<32x768xf32, #tpu.memory_space<vmem>>, vector<1x16xf32>,
      %get3A_1025 = vector.shape_cast %get3A_1024 : vector<1x16xf32> to vector<16xf32>
      %mul3A_1026 = arith.mulf %get3A_48, %get3A_1025 : vector<16xf32>
      %add3A_1027 = arith.addf %get3A_1021, %mul3A_1026 : vector<16xf32>
      %get3A_1028 = arith.index_cast %scan3A_44 : i32 to index
      %get3A_1029 = arith.constant 736 : index
      %get3A_1030 = tpu.vector_load %arg9[%get3A_1028, %get3A_1029] {strides = array<i32>} : memref<32x768xf32, #tpu.memory_space<vmem>>, vector<1x16xf32>,
      %get3A_1031 = vector.shape_cast %get3A_1030 : vector<1x16xf32> to vector<16xf32>
      %mul3A_1032 = arith.mulf %get3A_52, %get3A_1031 : vector<16xf32>
      %add3A_1033 = arith.addf %add3A_1027, %mul3A_1032 : vector<16xf32>
      %swap3A_1034 = arith.index_cast %scan3A_44 : i32 to index
      %swap3A_1035 = arith.constant 736 : index
      %swap3A_1036 = tpu.vector_load %arg7[%swap3A_1034, %swap3A_1035] {strides = array<i32>} : memref<32x768xf32, #tpu.memory_space<vmem>>, vector<1x16xf32>,
      %swap3A_1037 = vector.shape_cast %swap3A_1036 : vector<1x16xf32> to vector<16xf32>
      %swap3A_1038 = vector.shape_cast %add3A_1033 : vector<16xf32> to vector<1x16xf32>
      tpu.vector_store %arg7[%swap3A_1034, %swap3A_1035], %swap3A_1038 {strides = array<i32>} : memref<32x768xf32, #tpu.memory_space<vmem>>, vector<1x16xf32>,
      %get3A_1039 = arith.index_cast %scan3A_44 : i32 to index
      %get3A_1040 = arith.constant 752 : index
      %get3A_1041 = tpu.vector_load %arg7[%get3A_1039, %get3A_1040] {strides = array<i32>} : memref<32x768xf32, #tpu.memory_space<vmem>>, vector<1x16xf32>,
      %get3A_1042 = vector.shape_cast %get3A_1041 : vector<1x16xf32> to vector<16xf32>
      %get3A_1043 = arith.index_cast %scan3A_44 : i32 to index
      %get3A_1044 = arith.constant 752 : index
      %get3A_1045 = tpu.vector_load %arg8[%get3A_1043, %get3A_1044] {strides = array<i32>} : memref<32x768xf32, #tpu.memory_space<vmem>>, vector<1x16xf32>,
      %get3A_1046 = vector.shape_cast %get3A_1045 : vector<1x16xf32> to vector<16xf32>
      %mul3A_1047 = arith.mulf %get3A_48, %get3A_1046 : vector<16xf32>
      %add3A_1048 = arith.addf %get3A_1042, %mul3A_1047 : vector<16xf32>
      %get3A_1049 = arith.index_cast %scan3A_44 : i32 to index
      %get3A_1050 = arith.constant 752 : index
      %get3A_1051 = tpu.vector_load %arg9[%get3A_1049, %get3A_1050] {strides = array<i32>} : memref<32x768xf32, #tpu.memory_space<vmem>>, vector<1x16xf32>,
      %get3A_1052 = vector.shape_cast %get3A_1051 : vector<1x16xf32> to vector<16xf32>
      %mul3A_1053 = arith.mulf %get3A_52, %get3A_1052 : vector<16xf32>
      %add3A_1054 = arith.addf %add3A_1048, %mul3A_1053 : vector<16xf32>
      %swap3A_1055 = arith.index_cast %scan3A_44 : i32 to index
      %swap3A_1056 = arith.constant 752 : index
      %swap3A_1057 = tpu.vector_load %arg7[%swap3A_1055, %swap3A_1056] {strides = array<i32>} : memref<32x768xf32, #tpu.memory_space<vmem>>, vector<1x16xf32>,
      %swap3A_1058 = vector.shape_cast %swap3A_1057 : vector<1x16xf32> to vector<16xf32>
      %swap3A_1059 = vector.shape_cast %add3A_1054 : vector<16xf32> to vector<1x16xf32>
      tpu.vector_store %arg7[%swap3A_1055, %swap3A_1056], %swap3A_1059 {strides = array<i32>} : memref<32x768xf32, #tpu.memory_space<vmem>>, vector<1x16xf32>,
      %scan3A_1060 = arith.constant 0 : i32
      scf.yield %scan3A_1060 : i32
    }
    %scan3A_20 = arith.constant 32 : i32
    "tpu.region"() ({
      %run_scoped3A = tpu.sem_alloc : memref<!tpu.dma_semaphore, #tpu.memory_space<semaphore_mem>>
      %dma_start3A_44 = arith.constant 0 : i32
      %dma_start3A_45 = tpu.memref_slice %arg6[%add3A_4, %dma_start3A_44] : memref<2048x768xf32, #tpu.memory_space<hbm>> -> memref<32x768xf32, #tpu.memory_space<hbm>>
      %dma_start3A_46 = arith.constant 0 : i32
      %dma_start3A_47 = tpu.memref_slice %arg6[%add3A_4, %dma_start3A_46] : memref<2048x768xf32, #tpu.memory_space<hbm>> -> memref<32x768xf32, #tpu.memory_space<hbm>>
      tpu.enqueue_dma source(%arg7 : memref<32x768xf32, #tpu.memory_space<vmem>>) target(%dma_start3A_47 : memref<32x768xf32, #tpu.memory_space<hbm>>) target_semaphore(%run_scoped3A : memref<!tpu.dma_semaphore, #tpu.memory_space<semaphore_mem>>)
      %dma_wait3A_48 = arith.constant 0 : i32
      %dma_wait3A_49 = tpu.memref_slice %arg6[%add3A_4, %dma_wait3A_48] : memref<2048x768xf32, #tpu.memory_space<hbm>> -> memref<32x768xf32, #tpu.memory_space<hbm>>
      %dma_wait3A_50 = arith.constant 0 : i32
      %dma_wait3A_51 = tpu.memref_slice %arg6[%add3A_4, %dma_wait3A_50] : memref<2048x768xf32, #tpu.memory_space<hbm>> -> memref<32x768xf32, #tpu.memory_space<hbm>>
      tpu.wait_dma2 semaphore(%run_scoped3A : memref<!tpu.dma_semaphore, #tpu.memory_space<semaphore_mem>>) src(%arg7 : memref<32x768xf32, #tpu.memory_space<vmem>>) dst(%dma_wait3A_51 : memref<32x768xf32, #tpu.memory_space<hbm>>)
      tpu.yield
    }) : () -> ()
    %mul3A_21 = arith.constant 64 : i32
    %mul3A_22 = arith.muli %add3A, %mul3A_21 : i32
    %add3A_23 = arith.constant 32 : i32
    %add3A_24 = arith.addi %mul3A_22, %add3A_23 : i32
    "tpu.region"() ({
      %run_scoped3A = tpu.sem_alloc : memref<!tpu.dma_semaphore, #tpu.memory_space<semaphore_mem>>
      %dma_start3A_44 = tpu.memref_slice %arg3[%add3A_24] : memref<2048xi32, #tpu.memory_space<hbm>> -> memref<32xi32, #tpu.memory_space<hbm>>
      %dma_start3A_45 = tpu.memref_slice %arg3[%add3A_24] : memref<2048xi32, #tpu.memory_space<hbm>> -> memref<32xi32, #tpu.memory_space<hbm>>
      tpu.enqueue_dma source(%dma_start3A_45 : memref<32xi32, #tpu.memory_space<hbm>>) target(%arg11 : memref<32xi32, #tpu.memory_space<vmem>>) target_semaphore(%run_scoped3A : memref<!tpu.dma_semaphore, #tpu.memory_space<semaphore_mem>>)
      %dma_wait3A_46 = tpu.memref_slice %arg3[%add3A_24] : memref<2048xi32, #tpu.memory_space<hbm>> -> memref<32xi32, #tpu.memory_space<hbm>>
      %dma_wait3A_47 = tpu.memref_slice %arg3[%add3A_24] : memref<2048xi32, #tpu.memory_space<hbm>> -> memref<32xi32, #tpu.memory_space<hbm>>
      tpu.wait_dma2 semaphore(%run_scoped3A : memref<!tpu.dma_semaphore, #tpu.memory_space<semaphore_mem>>) src(%dma_wait3A_47 : memref<32xi32, #tpu.memory_space<hbm>>) dst(%arg11 : memref<32xi32, #tpu.memory_space<vmem>>)
      tpu.yield
    }) : () -> ()
    "tpu.region"() ({
      %run_scoped3A = tpu.sem_alloc : memref<!tpu.dma_semaphore, #tpu.memory_space<semaphore_mem>>
      %dma_start3A_44 = tpu.memref_slice %arg4[%add3A_24] : memref<2048xi32, #tpu.memory_space<hbm>> -> memref<32xi32, #tpu.memory_space<hbm>>
      %dma_start3A_45 = tpu.memref_slice %arg4[%add3A_24] : memref<2048xi32, #tpu.memory_space<hbm>> -> memref<32xi32, #tpu.memory_space<hbm>>
      tpu.enqueue_dma source(%dma_start3A_45 : memref<32xi32, #tpu.memory_space<hbm>>) target(%arg12 : memref<32xi32, #tpu.memory_space<vmem>>) target_semaphore(%run_scoped3A : memref<!tpu.dma_semaphore, #tpu.memory_space<semaphore_mem>>)
      %dma_wait3A_46 = tpu.memref_slice %arg4[%add3A_24] : memref<2048xi32, #tpu.memory_space<hbm>> -> memref<32xi32, #tpu.memory_space<hbm>>
      %dma_wait3A_47 = tpu.memref_slice %arg4[%add3A_24] : memref<2048xi32, #tpu.memory_space<hbm>> -> memref<32xi32, #tpu.memory_space<hbm>>
      tpu.wait_dma2 semaphore(%run_scoped3A : memref<!tpu.dma_semaphore, #tpu.memory_space<semaphore_mem>>) src(%dma_wait3A_47 : memref<32xi32, #tpu.memory_space<hbm>>) dst(%arg12 : memref<32xi32, #tpu.memory_space<vmem>>)
      tpu.yield
    }) : () -> ()
    %dma_start3A_25 = arith.constant 0 : i32
    %dma_start3A_26 = arith.constant 0 : i32
    %dma_start3A_27 = tpu.memref_slice %arg2[%dma_start3A_25, %dma_start3A_26] : memref<7040x768xf32, #tpu.memory_space<hbm>> -> memref<7040x768xf32, #tpu.memory_space<hbm>>
    tpu.enqueue_indirect_dma source(%dma_start3A_27 : memref<7040x768xf32, #tpu.memory_space<hbm>>) target(%arg8 : memref<32x768xf32, #tpu.memory_space<vmem>>) offsets(%arg11 : memref<32xi32, #tpu.memory_space<vmem>>) semaphore(%arg13 : memref<!tpu.dma_semaphore, #tpu.memory_space<semaphore_mem>>)
    %dma_start3A_28 = arith.constant 0 : i32
    %dma_start3A_29 = arith.constant 0 : i32
    %dma_start3A_30 = tpu.memref_slice %arg2[%dma_start3A_28, %dma_start3A_29] : memref<7040x768xf32, #tpu.memory_space<hbm>> -> memref<7040x768xf32, #tpu.memory_space<hbm>>
    tpu.enqueue_indirect_dma source(%dma_start3A_30 : memref<7040x768xf32, #tpu.memory_space<hbm>>) target(%arg9 : memref<32x768xf32, #tpu.memory_space<vmem>>) offsets(%arg12 : memref<32xi32, #tpu.memory_space<vmem>>) semaphore(%arg14 : memref<!tpu.dma_semaphore, #tpu.memory_space<semaphore_mem>>)
    "tpu.region"() ({
      %run_scoped3A = tpu.sem_alloc : memref<!tpu.dma_semaphore, #tpu.memory_space<semaphore_mem>>
      %dma_start3A_44 = arith.constant 0 : i32
      %dma_start3A_45 = tpu.memref_slice %arg2[%add3A_24, %dma_start3A_44] : memref<7040x768xf32, #tpu.memory_space<hbm>> -> memref<32x768xf32, #tpu.memory_space<hbm>>
      %dma_start3A_46 = arith.constant 0 : i32
      %dma_start3A_47 = tpu.memref_slice %arg2[%add3A_24, %dma_start3A_46] : memref<7040x768xf32, #tpu.memory_space<hbm>> -> memref<32x768xf32, #tpu.memory_space<hbm>>
      tpu.enqueue_dma source(%dma_start3A_47 : memref<32x768xf32, #tpu.memory_space<hbm>>) target(%arg7 : memref<32x768xf32, #tpu.memory_space<vmem>>) target_semaphore(%run_scoped3A : memref<!tpu.dma_semaphore, #tpu.memory_space<semaphore_mem>>)
      %dma_wait3A_48 = arith.constant 0 : i32
      %dma_wait3A_49 = tpu.memref_slice %arg2[%add3A_24, %dma_wait3A_48] : memref<7040x768xf32, #tpu.memory_space<hbm>> -> memref<32x768xf32, #tpu.memory_space<hbm>>
      %dma_wait3A_50 = arith.constant 0 : i32
      %dma_wait3A_51 = tpu.memref_slice %arg2[%add3A_24, %dma_wait3A_50] : memref<7040x768xf32, #tpu.memory_space<hbm>> -> memref<32x768xf32, #tpu.memory_space<hbm>>
      tpu.wait_dma2 semaphore(%run_scoped3A : memref<!tpu.dma_semaphore, #tpu.memory_space<semaphore_mem>>) src(%dma_wait3A_51 : memref<32x768xf32, #tpu.memory_space<hbm>>) dst(%arg7 : memref<32x768xf32, #tpu.memory_space<vmem>>)
      tpu.yield
    }) : () -> ()
    "tpu.region"() ({
      %run_scoped3A = tpu.sem_alloc : memref<!tpu.dma_semaphore, #tpu.memory_space<semaphore_mem>>
      %dma_start3A_44 = arith.constant 0 : i32
      %dma_start3A_45 = tpu.memref_slice %arg5[%add3A_24, %dma_start3A_44] : memref<2048x32xf32, #tpu.memory_space<hbm>> -> memref<32x32xf32, #tpu.memory_space<hbm>>
      %dma_start3A_46 = arith.constant 0 : i32
      %dma_start3A_47 = tpu.memref_slice %arg5[%add3A_24, %dma_start3A_46] : memref<2048x32xf32, #tpu.memory_space<hbm>> -> memref<32x32xf32, #tpu.memory_space<hbm>>
      tpu.enqueue_dma source(%dma_start3A_47 : memref<32x32xf32, #tpu.memory_space<hbm>>) target(%arg10 : memref<32x32xf32, #tpu.memory_space<vmem>>) target_semaphore(%run_scoped3A : memref<!tpu.dma_semaphore, #tpu.memory_space<semaphore_mem>>)
      %dma_wait3A_48 = arith.constant 0 : i32
      %dma_wait3A_49 = tpu.memref_slice %arg5[%add3A_24, %dma_wait3A_48] : memref<2048x32xf32, #tpu.memory_space<hbm>> -> memref<32x32xf32, #tpu.memory_space<hbm>>
      %dma_wait3A_50 = arith.constant 0 : i32
      %dma_wait3A_51 = tpu.memref_slice %arg5[%add3A_24, %dma_wait3A_50] : memref<2048x32xf32, #tpu.memory_space<hbm>> -> memref<32x32xf32, #tpu.memory_space<hbm>>
      tpu.wait_dma2 semaphore(%run_scoped3A : memref<!tpu.dma_semaphore, #tpu.memory_space<semaphore_mem>>) src(%dma_wait3A_51 : memref<32x32xf32, #tpu.memory_space<hbm>>) dst(%arg10 : memref<32x32xf32, #tpu.memory_space<vmem>>)
      tpu.yield
    }) : () -> ()
    %dma_wait3A_31 = arith.constant 0 : i32
    %dma_wait3A_32 = arith.constant 0 : i32
    %dma_wait3A_33 = tpu.memref_slice %arg2[%dma_wait3A_31, %dma_wait3A_32] : memref<7040x768xf32, #tpu.memory_space<hbm>> -> memref<7040x768xf32, #tpu.memory_space<hbm>>
    tpu.wait_indirect_dma semaphore(%arg13 : memref<!tpu.dma_semaphore, #tpu.memory_space<semaphore_mem>>) src(%dma_wait3A_33 : memref<7040x768xf32, #tpu.memory_space<hbm>>) dst(%arg8 : memref<32x768xf32, #tpu.memory_space<vmem>>)
    %dma_wait3A_34 = arith.constant 0 : i32
    %dma_wait3A_35 = arith.constant 0 : i32
    %dma_wait3A_36 = tpu.memref_slice %arg2[%dma_wait3A_34, %dma_wait3A_35] : memref<7040x768xf32, #tpu.memory_space<hbm>> -> memref<7040x768xf32, #tpu.memory_space<hbm>>
    tpu.wait_indirect_dma semaphore(%arg14 : memref<!tpu.dma_semaphore, #tpu.memory_space<semaphore_mem>>) src(%dma_wait3A_36 : memref<7040x768xf32, #tpu.memory_space<hbm>>) dst(%arg9 : memref<32x768xf32, #tpu.memory_space<vmem>>)
    %scan3A_37 = arith.constant 0 : i32
    %scan3A_38 = arith.constant 0 : i32
    %scan3A_39 = arith.constant 32 : i32
    %scan3A_40 = arith.addi %scan3A_38, %scan3A_39 : i32
    %scan3A_41 = arith.constant 1 : i32
    %scan3A_42 = scf.for %scan3A_44 = %scan3A_38 to %scan3A_40 step %scan3A_41 iter_args(%scan3A_45 = %scan3A_37) -> (i32)  : i32 {
      %get3A = arith.index_cast %scan3A_44 : i32 to index
      %get3A_46 = arith.constant 0 : index
      %get3A_47 = tpu.vector_load %arg10[%get3A, %get3A_46] {strides = array<i32>} : memref<32x32xf32, #tpu.memory_space<vmem>>, vector<1x16xf32>,
      %get3A_48 = vector.shape_cast %get3A_47 : vector<1x16xf32> to vector<16xf32>
      %get3A_49 = arith.index_cast %scan3A_44 : i32 to index
      %get3A_50 = arith.constant 16 : index
      %get3A_51 = tpu.vector_load %arg10[%get3A_49, %get3A_50] {strides = array<i32>} : memref<32x32xf32, #tpu.memory_space<vmem>>, vector<1x16xf32>,
      %get3A_52 = vector.shape_cast %get3A_51 : vector<1x16xf32> to vector<16xf32>
      %get3A_53 = arith.index_cast %scan3A_44 : i32 to index
      %get3A_54 = arith.constant 0 : index
      %get3A_55 = tpu.vector_load %arg7[%get3A_53, %get3A_54] {strides = array<i32>} : memref<32x768xf32, #tpu.memory_space<vmem>>, vector<1x16xf32>,
      %get3A_56 = vector.shape_cast %get3A_55 : vector<1x16xf32> to vector<16xf32>
      %get3A_57 = arith.index_cast %scan3A_44 : i32 to index
      %get3A_58 = arith.constant 0 : index
      %get3A_59 = tpu.vector_load %arg8[%get3A_57, %get3A_58] {strides = array<i32>} : memref<32x768xf32, #tpu.memory_space<vmem>>, vector<1x16xf32>,
      %get3A_60 = vector.shape_cast %get3A_59 : vector<1x16xf32> to vector<16xf32>
      %mul3A_61 = arith.mulf %get3A_48, %get3A_60 : vector<16xf32>
      %add3A_62 = arith.addf %get3A_56, %mul3A_61 : vector<16xf32>
      %get3A_63 = arith.index_cast %scan3A_44 : i32 to index
      %get3A_64 = arith.constant 0 : index
      %get3A_65 = tpu.vector_load %arg9[%get3A_63, %get3A_64] {strides = array<i32>} : memref<32x768xf32, #tpu.memory_space<vmem>>, vector<1x16xf32>,
      %get3A_66 = vector.shape_cast %get3A_65 : vector<1x16xf32> to vector<16xf32>
      %mul3A_67 = arith.mulf %get3A_52, %get3A_66 : vector<16xf32>
      %add3A_68 = arith.addf %add3A_62, %mul3A_67 : vector<16xf32>
      %swap3A = arith.index_cast %scan3A_44 : i32 to index
      %swap3A_69 = arith.constant 0 : index
      %swap3A_70 = tpu.vector_load %arg7[%swap3A, %swap3A_69] {strides = array<i32>} : memref<32x768xf32, #tpu.memory_space<vmem>>, vector<1x16xf32>,
      %swap3A_71 = vector.shape_cast %swap3A_70 : vector<1x16xf32> to vector<16xf32>
      %swap3A_72 = vector.shape_cast %add3A_68 : vector<16xf32> to vector<1x16xf32>
      tpu.vector_store %arg7[%swap3A, %swap3A_69], %swap3A_72 {strides = array<i32>} : memref<32x768xf32, #tpu.memory_space<vmem>>, vector<1x16xf32>,
      %get3A_73 = arith.index_cast %scan3A_44 : i32 to index
      %get3A_74 = arith.constant 16 : index
      %get3A_75 = tpu.vector_load %arg7[%get3A_73, %get3A_74] {strides = array<i32>} : memref<32x768xf32, #tpu.memory_space<vmem>>, vector<1x16xf32>,
      %get3A_76 = vector.shape_cast %get3A_75 : vector<1x16xf32> to vector<16xf32>
      %get3A_77 = arith.index_cast %scan3A_44 : i32 to index
      %get3A_78 = arith.constant 16 : index
      %get3A_79 = tpu.vector_load %arg8[%get3A_77, %get3A_78] {strides = array<i32>} : memref<32x768xf32, #tpu.memory_space<vmem>>, vector<1x16xf32>,
      %get3A_80 = vector.shape_cast %get3A_79 : vector<1x16xf32> to vector<16xf32>
      %mul3A_81 = arith.mulf %get3A_48, %get3A_80 : vector<16xf32>
      %add3A_82 = arith.addf %get3A_76, %mul3A_81 : vector<16xf32>
      %get3A_83 = arith.index_cast %scan3A_44 : i32 to index
      %get3A_84 = arith.constant 16 : index
      %get3A_85 = tpu.vector_load %arg9[%get3A_83, %get3A_84] {strides = array<i32>} : memref<32x768xf32, #tpu.memory_space<vmem>>, vector<1x16xf32>,
      %get3A_86 = vector.shape_cast %get3A_85 : vector<1x16xf32> to vector<16xf32>
      %mul3A_87 = arith.mulf %get3A_52, %get3A_86 : vector<16xf32>
      %add3A_88 = arith.addf %add3A_82, %mul3A_87 : vector<16xf32>
      %swap3A_89 = arith.index_cast %scan3A_44 : i32 to index
      %swap3A_90 = arith.constant 16 : index
      %swap3A_91 = tpu.vector_load %arg7[%swap3A_89, %swap3A_90] {strides = array<i32>} : memref<32x768xf32, #tpu.memory_space<vmem>>, vector<1x16xf32>,
      %swap3A_92 = vector.shape_cast %swap3A_91 : vector<1x16xf32> to vector<16xf32>
      %swap3A_93 = vector.shape_cast %add3A_88 : vector<16xf32> to vector<1x16xf32>
      tpu.vector_store %arg7[%swap3A_89, %swap3A_90], %swap3A_93 {strides = array<i32>} : memref<32x768xf32, #tpu.memory_space<vmem>>, vector<1x16xf32>,
      %get3A_94 = arith.index_cast %scan3A_44 : i32 to index
      %get3A_95 = arith.constant 32 : index
      %get3A_96 = tpu.vector_load %arg7[%get3A_94, %get3A_95] {strides = array<i32>} : memref<32x768xf32, #tpu.memory_space<vmem>>, vector<1x16xf32>,
      %get3A_97 = vector.shape_cast %get3A_96 : vector<1x16xf32> to vector<16xf32>
      %get3A_98 = arith.index_cast %scan3A_44 : i32 to index
      %get3A_99 = arith.constant 32 : index
      %get3A_100 = tpu.vector_load %arg8[%get3A_98, %get3A_99] {strides = array<i32>} : memref<32x768xf32, #tpu.memory_space<vmem>>, vector<1x16xf32>,
      %get3A_101 = vector.shape_cast %get3A_100 : vector<1x16xf32> to vector<16xf32>
      %mul3A_102 = arith.mulf %get3A_48, %get3A_101 : vector<16xf32>
      %add3A_103 = arith.addf %get3A_97, %mul3A_102 : vector<16xf32>
      %get3A_104 = arith.index_cast %scan3A_44 : i32 to index
      %get3A_105 = arith.constant 32 : index
      %get3A_106 = tpu.vector_load %arg9[%get3A_104, %get3A_105] {strides = array<i32>} : memref<32x768xf32, #tpu.memory_space<vmem>>, vector<1x16xf32>,
      %get3A_107 = vector.shape_cast %get3A_106 : vector<1x16xf32> to vector<16xf32>
      %mul3A_108 = arith.mulf %get3A_52, %get3A_107 : vector<16xf32>
      %add3A_109 = arith.addf %add3A_103, %mul3A_108 : vector<16xf32>
      %swap3A_110 = arith.index_cast %scan3A_44 : i32 to index
      %swap3A_111 = arith.constant 32 : index
      %swap3A_112 = tpu.vector_load %arg7[%swap3A_110, %swap3A_111] {strides = array<i32>} : memref<32x768xf32, #tpu.memory_space<vmem>>, vector<1x16xf32>,
      %swap3A_113 = vector.shape_cast %swap3A_112 : vector<1x16xf32> to vector<16xf32>
      %swap3A_114 = vector.shape_cast %add3A_109 : vector<16xf32> to vector<1x16xf32>
      tpu.vector_store %arg7[%swap3A_110, %swap3A_111], %swap3A_114 {strides = array<i32>} : memref<32x768xf32, #tpu.memory_space<vmem>>, vector<1x16xf32>,
      %get3A_115 = arith.index_cast %scan3A_44 : i32 to index
      %get3A_116 = arith.constant 48 : index
      %get3A_117 = tpu.vector_load %arg7[%get3A_115, %get3A_116] {strides = array<i32>} : memref<32x768xf32, #tpu.memory_space<vmem>>, vector<1x16xf32>,
      %get3A_118 = vector.shape_cast %get3A_117 : vector<1x16xf32> to vector<16xf32>
      %get3A_119 = arith.index_cast %scan3A_44 : i32 to index
      %get3A_120 = arith.constant 48 : index
      %get3A_121 = tpu.vector_load %arg8[%get3A_119, %get3A_120] {strides = array<i32>} : memref<32x768xf32, #tpu.memory_space<vmem>>, vector<1x16xf32>,
      %get3A_122 = vector.shape_cast %get3A_121 : vector<1x16xf32> to vector<16xf32>
      %mul3A_123 = arith.mulf %get3A_48, %get3A_122 : vector<16xf32>
      %add3A_124 = arith.addf %get3A_118, %mul3A_123 : vector<16xf32>
      %get3A_125 = arith.index_cast %scan3A_44 : i32 to index
      %get3A_126 = arith.constant 48 : index
      %get3A_127 = tpu.vector_load %arg9[%get3A_125, %get3A_126] {strides = array<i32>} : memref<32x768xf32, #tpu.memory_space<vmem>>, vector<1x16xf32>,
      %get3A_128 = vector.shape_cast %get3A_127 : vector<1x16xf32> to vector<16xf32>
      %mul3A_129 = arith.mulf %get3A_52, %get3A_128 : vector<16xf32>
      %add3A_130 = arith.addf %add3A_124, %mul3A_129 : vector<16xf32>
      %swap3A_131 = arith.index_cast %scan3A_44 : i32 to index
      %swap3A_132 = arith.constant 48 : index
      %swap3A_133 = tpu.vector_load %arg7[%swap3A_131, %swap3A_132] {strides = array<i32>} : memref<32x768xf32, #tpu.memory_space<vmem>>, vector<1x16xf32>,
      %swap3A_134 = vector.shape_cast %swap3A_133 : vector<1x16xf32> to vector<16xf32>
      %swap3A_135 = vector.shape_cast %add3A_130 : vector<16xf32> to vector<1x16xf32>
      tpu.vector_store %arg7[%swap3A_131, %swap3A_132], %swap3A_135 {strides = array<i32>} : memref<32x768xf32, #tpu.memory_space<vmem>>, vector<1x16xf32>,
      %get3A_136 = arith.index_cast %scan3A_44 : i32 to index
      %get3A_137 = arith.constant 64 : index
      %get3A_138 = tpu.vector_load %arg7[%get3A_136, %get3A_137] {strides = array<i32>} : memref<32x768xf32, #tpu.memory_space<vmem>>, vector<1x16xf32>,
      %get3A_139 = vector.shape_cast %get3A_138 : vector<1x16xf32> to vector<16xf32>
      %get3A_140 = arith.index_cast %scan3A_44 : i32 to index
      %get3A_141 = arith.constant 64 : index
      %get3A_142 = tpu.vector_load %arg8[%get3A_140, %get3A_141] {strides = array<i32>} : memref<32x768xf32, #tpu.memory_space<vmem>>, vector<1x16xf32>,
      %get3A_143 = vector.shape_cast %get3A_142 : vector<1x16xf32> to vector<16xf32>
      %mul3A_144 = arith.mulf %get3A_48, %get3A_143 : vector<16xf32>
      %add3A_145 = arith.addf %get3A_139, %mul3A_144 : vector<16xf32>
      %get3A_146 = arith.index_cast %scan3A_44 : i32 to index
      %get3A_147 = arith.constant 64 : index
      %get3A_148 = tpu.vector_load %arg9[%get3A_146, %get3A_147] {strides = array<i32>} : memref<32x768xf32, #tpu.memory_space<vmem>>, vector<1x16xf32>,
      %get3A_149 = vector.shape_cast %get3A_148 : vector<1x16xf32> to vector<16xf32>
      %mul3A_150 = arith.mulf %get3A_52, %get3A_149 : vector<16xf32>
      %add3A_151 = arith.addf %add3A_145, %mul3A_150 : vector<16xf32>
      %swap3A_152 = arith.index_cast %scan3A_44 : i32 to index
      %swap3A_153 = arith.constant 64 : index
      %swap3A_154 = tpu.vector_load %arg7[%swap3A_152, %swap3A_153] {strides = array<i32>} : memref<32x768xf32, #tpu.memory_space<vmem>>, vector<1x16xf32>,
      %swap3A_155 = vector.shape_cast %swap3A_154 : vector<1x16xf32> to vector<16xf32>
      %swap3A_156 = vector.shape_cast %add3A_151 : vector<16xf32> to vector<1x16xf32>
      tpu.vector_store %arg7[%swap3A_152, %swap3A_153], %swap3A_156 {strides = array<i32>} : memref<32x768xf32, #tpu.memory_space<vmem>>, vector<1x16xf32>,
      %get3A_157 = arith.index_cast %scan3A_44 : i32 to index
      %get3A_158 = arith.constant 80 : index
      %get3A_159 = tpu.vector_load %arg7[%get3A_157, %get3A_158] {strides = array<i32>} : memref<32x768xf32, #tpu.memory_space<vmem>>, vector<1x16xf32>,
      %get3A_160 = vector.shape_cast %get3A_159 : vector<1x16xf32> to vector<16xf32>
      %get3A_161 = arith.index_cast %scan3A_44 : i32 to index
      %get3A_162 = arith.constant 80 : index
      %get3A_163 = tpu.vector_load %arg8[%get3A_161, %get3A_162] {strides = array<i32>} : memref<32x768xf32, #tpu.memory_space<vmem>>, vector<1x16xf32>,
      %get3A_164 = vector.shape_cast %get3A_163 : vector<1x16xf32> to vector<16xf32>
      %mul3A_165 = arith.mulf %get3A_48, %get3A_164 : vector<16xf32>
      %add3A_166 = arith.addf %get3A_160, %mul3A_165 : vector<16xf32>
      %get3A_167 = arith.index_cast %scan3A_44 : i32 to index
      %get3A_168 = arith.constant 80 : index
      %get3A_169 = tpu.vector_load %arg9[%get3A_167, %get3A_168] {strides = array<i32>} : memref<32x768xf32, #tpu.memory_space<vmem>>, vector<1x16xf32>,
      %get3A_170 = vector.shape_cast %get3A_169 : vector<1x16xf32> to vector<16xf32>
      %mul3A_171 = arith.mulf %get3A_52, %get3A_170 : vector<16xf32>
      %add3A_172 = arith.addf %add3A_166, %mul3A_171 : vector<16xf32>
      %swap3A_173 = arith.index_cast %scan3A_44 : i32 to index
      %swap3A_174 = arith.constant 80 : index
      %swap3A_175 = tpu.vector_load %arg7[%swap3A_173, %swap3A_174] {strides = array<i32>} : memref<32x768xf32, #tpu.memory_space<vmem>>, vector<1x16xf32>,
      %swap3A_176 = vector.shape_cast %swap3A_175 : vector<1x16xf32> to vector<16xf32>
      %swap3A_177 = vector.shape_cast %add3A_172 : vector<16xf32> to vector<1x16xf32>
      tpu.vector_store %arg7[%swap3A_173, %swap3A_174], %swap3A_177 {strides = array<i32>} : memref<32x768xf32, #tpu.memory_space<vmem>>, vector<1x16xf32>,
      %get3A_178 = arith.index_cast %scan3A_44 : i32 to index
      %get3A_179 = arith.constant 96 : index
      %get3A_180 = tpu.vector_load %arg7[%get3A_178, %get3A_179] {strides = array<i32>} : memref<32x768xf32, #tpu.memory_space<vmem>>, vector<1x16xf32>,
      %get3A_181 = vector.shape_cast %get3A_180 : vector<1x16xf32> to vector<16xf32>
      %get3A_182 = arith.index_cast %scan3A_44 : i32 to index
      %get3A_183 = arith.constant 96 : index
      %get3A_184 = tpu.vector_load %arg8[%get3A_182, %get3A_183] {strides = array<i32>} : memref<32x768xf32, #tpu.memory_space<vmem>>, vector<1x16xf32>,
      %get3A_185 = vector.shape_cast %get3A_184 : vector<1x16xf32> to vector<16xf32>
      %mul3A_186 = arith.mulf %get3A_48, %get3A_185 : vector<16xf32>
      %add3A_187 = arith.addf %get3A_181, %mul3A_186 : vector<16xf32>
      %get3A_188 = arith.index_cast %scan3A_44 : i32 to index
      %get3A_189 = arith.constant 96 : index
      %get3A_190 = tpu.vector_load %arg9[%get3A_188, %get3A_189] {strides = array<i32>} : memref<32x768xf32, #tpu.memory_space<vmem>>, vector<1x16xf32>,
      %get3A_191 = vector.shape_cast %get3A_190 : vector<1x16xf32> to vector<16xf32>
      %mul3A_192 = arith.mulf %get3A_52, %get3A_191 : vector<16xf32>
      %add3A_193 = arith.addf %add3A_187, %mul3A_192 : vector<16xf32>
      %swap3A_194 = arith.index_cast %scan3A_44 : i32 to index
      %swap3A_195 = arith.constant 96 : index
      %swap3A_196 = tpu.vector_load %arg7[%swap3A_194, %swap3A_195] {strides = array<i32>} : memref<32x768xf32, #tpu.memory_space<vmem>>, vector<1x16xf32>,
      %swap3A_197 = vector.shape_cast %swap3A_196 : vector<1x16xf32> to vector<16xf32>
      %swap3A_198 = vector.shape_cast %add3A_193 : vector<16xf32> to vector<1x16xf32>
      tpu.vector_store %arg7[%swap3A_194, %swap3A_195], %swap3A_198 {strides = array<i32>} : memref<32x768xf32, #tpu.memory_space<vmem>>, vector<1x16xf32>,
      %get3A_199 = arith.index_cast %scan3A_44 : i32 to index
      %get3A_200 = arith.constant 112 : index
      %get3A_201 = tpu.vector_load %arg7[%get3A_199, %get3A_200] {strides = array<i32>} : memref<32x768xf32, #tpu.memory_space<vmem>>, vector<1x16xf32>,
      %get3A_202 = vector.shape_cast %get3A_201 : vector<1x16xf32> to vector<16xf32>
      %get3A_203 = arith.index_cast %scan3A_44 : i32 to index
      %get3A_204 = arith.constant 112 : index
      %get3A_205 = tpu.vector_load %arg8[%get3A_203, %get3A_204] {strides = array<i32>} : memref<32x768xf32, #tpu.memory_space<vmem>>, vector<1x16xf32>,
      %get3A_206 = vector.shape_cast %get3A_205 : vector<1x16xf32> to vector<16xf32>
      %mul3A_207 = arith.mulf %get3A_48, %get3A_206 : vector<16xf32>
      %add3A_208 = arith.addf %get3A_202, %mul3A_207 : vector<16xf32>
      %get3A_209 = arith.index_cast %scan3A_44 : i32 to index
      %get3A_210 = arith.constant 112 : index
      %get3A_211 = tpu.vector_load %arg9[%get3A_209, %get3A_210] {strides = array<i32>} : memref<32x768xf32, #tpu.memory_space<vmem>>, vector<1x16xf32>,
      %get3A_212 = vector.shape_cast %get3A_211 : vector<1x16xf32> to vector<16xf32>
      %mul3A_213 = arith.mulf %get3A_52, %get3A_212 : vector<16xf32>
      %add3A_214 = arith.addf %add3A_208, %mul3A_213 : vector<16xf32>
      %swap3A_215 = arith.index_cast %scan3A_44 : i32 to index
      %swap3A_216 = arith.constant 112 : index
      %swap3A_217 = tpu.vector_load %arg7[%swap3A_215, %swap3A_216] {strides = array<i32>} : memref<32x768xf32, #tpu.memory_space<vmem>>, vector<1x16xf32>,
      %swap3A_218 = vector.shape_cast %swap3A_217 : vector<1x16xf32> to vector<16xf32>
      %swap3A_219 = vector.shape_cast %add3A_214 : vector<16xf32> to vector<1x16xf32>
      tpu.vector_store %arg7[%swap3A_215, %swap3A_216], %swap3A_219 {strides = array<i32>} : memref<32x768xf32, #tpu.memory_space<vmem>>, vector<1x16xf32>,
      %get3A_220 = arith.index_cast %scan3A_44 : i32 to index
      %get3A_221 = arith.constant 128 : index
      %get3A_222 = tpu.vector_load %arg7[%get3A_220, %get3A_221] {strides = array<i32>} : memref<32x768xf32, #tpu.memory_space<vmem>>, vector<1x16xf32>,
      %get3A_223 = vector.shape_cast %get3A_222 : vector<1x16xf32> to vector<16xf32>
      %get3A_224 = arith.index_cast %scan3A_44 : i32 to index
      %get3A_225 = arith.constant 128 : index
      %get3A_226 = tpu.vector_load %arg8[%get3A_224, %get3A_225] {strides = array<i32>} : memref<32x768xf32, #tpu.memory_space<vmem>>, vector<1x16xf32>,
      %get3A_227 = vector.shape_cast %get3A_226 : vector<1x16xf32> to vector<16xf32>
      %mul3A_228 = arith.mulf %get3A_48, %get3A_227 : vector<16xf32>
      %add3A_229 = arith.addf %get3A_223, %mul3A_228 : vector<16xf32>
      %get3A_230 = arith.index_cast %scan3A_44 : i32 to index
      %get3A_231 = arith.constant 128 : index
      %get3A_232 = tpu.vector_load %arg9[%get3A_230, %get3A_231] {strides = array<i32>} : memref<32x768xf32, #tpu.memory_space<vmem>>, vector<1x16xf32>,
      %get3A_233 = vector.shape_cast %get3A_232 : vector<1x16xf32> to vector<16xf32>
      %mul3A_234 = arith.mulf %get3A_52, %get3A_233 : vector<16xf32>
      %add3A_235 = arith.addf %add3A_229, %mul3A_234 : vector<16xf32>
      %swap3A_236 = arith.index_cast %scan3A_44 : i32 to index
      %swap3A_237 = arith.constant 128 : index
      %swap3A_238 = tpu.vector_load %arg7[%swap3A_236, %swap3A_237] {strides = array<i32>} : memref<32x768xf32, #tpu.memory_space<vmem>>, vector<1x16xf32>,
      %swap3A_239 = vector.shape_cast %swap3A_238 : vector<1x16xf32> to vector<16xf32>
      %swap3A_240 = vector.shape_cast %add3A_235 : vector<16xf32> to vector<1x16xf32>
      tpu.vector_store %arg7[%swap3A_236, %swap3A_237], %swap3A_240 {strides = array<i32>} : memref<32x768xf32, #tpu.memory_space<vmem>>, vector<1x16xf32>,
      %get3A_241 = arith.index_cast %scan3A_44 : i32 to index
      %get3A_242 = arith.constant 144 : index
      %get3A_243 = tpu.vector_load %arg7[%get3A_241, %get3A_242] {strides = array<i32>} : memref<32x768xf32, #tpu.memory_space<vmem>>, vector<1x16xf32>,
      %get3A_244 = vector.shape_cast %get3A_243 : vector<1x16xf32> to vector<16xf32>
      %get3A_245 = arith.index_cast %scan3A_44 : i32 to index
      %get3A_246 = arith.constant 144 : index
      %get3A_247 = tpu.vector_load %arg8[%get3A_245, %get3A_246] {strides = array<i32>} : memref<32x768xf32, #tpu.memory_space<vmem>>, vector<1x16xf32>,
      %get3A_248 = vector.shape_cast %get3A_247 : vector<1x16xf32> to vector<16xf32>
      %mul3A_249 = arith.mulf %get3A_48, %get3A_248 : vector<16xf32>
      %add3A_250 = arith.addf %get3A_244, %mul3A_249 : vector<16xf32>
      %get3A_251 = arith.index_cast %scan3A_44 : i32 to index
      %get3A_252 = arith.constant 144 : index
      %get3A_253 = tpu.vector_load %arg9[%get3A_251, %get3A_252] {strides = array<i32>} : memref<32x768xf32, #tpu.memory_space<vmem>>, vector<1x16xf32>,
      %get3A_254 = vector.shape_cast %get3A_253 : vector<1x16xf32> to vector<16xf32>
      %mul3A_255 = arith.mulf %get3A_52, %get3A_254 : vector<16xf32>
      %add3A_256 = arith.addf %add3A_250, %mul3A_255 : vector<16xf32>
      %swap3A_257 = arith.index_cast %scan3A_44 : i32 to index
      %swap3A_258 = arith.constant 144 : index
      %swap3A_259 = tpu.vector_load %arg7[%swap3A_257, %swap3A_258] {strides = array<i32>} : memref<32x768xf32, #tpu.memory_space<vmem>>, vector<1x16xf32>,
      %swap3A_260 = vector.shape_cast %swap3A_259 : vector<1x16xf32> to vector<16xf32>
      %swap3A_261 = vector.shape_cast %add3A_256 : vector<16xf32> to vector<1x16xf32>
      tpu.vector_store %arg7[%swap3A_257, %swap3A_258], %swap3A_261 {strides = array<i32>} : memref<32x768xf32, #tpu.memory_space<vmem>>, vector<1x16xf32>,
      %get3A_262 = arith.index_cast %scan3A_44 : i32 to index
      %get3A_263 = arith.constant 160 : index
      %get3A_264 = tpu.vector_load %arg7[%get3A_262, %get3A_263] {strides = array<i32>} : memref<32x768xf32, #tpu.memory_space<vmem>>, vector<1x16xf32>,
      %get3A_265 = vector.shape_cast %get3A_264 : vector<1x16xf32> to vector<16xf32>
      %get3A_266 = arith.index_cast %scan3A_44 : i32 to index
      %get3A_267 = arith.constant 160 : index
      %get3A_268 = tpu.vector_load %arg8[%get3A_266, %get3A_267] {strides = array<i32>} : memref<32x768xf32, #tpu.memory_space<vmem>>, vector<1x16xf32>,
      %get3A_269 = vector.shape_cast %get3A_268 : vector<1x16xf32> to vector<16xf32>
      %mul3A_270 = arith.mulf %get3A_48, %get3A_269 : vector<16xf32>
      %add3A_271 = arith.addf %get3A_265, %mul3A_270 : vector<16xf32>
      %get3A_272 = arith.index_cast %scan3A_44 : i32 to index
      %get3A_273 = arith.constant 160 : index
      %get3A_274 = tpu.vector_load %arg9[%get3A_272, %get3A_273] {strides = array<i32>} : memref<32x768xf32, #tpu.memory_space<vmem>>, vector<1x16xf32>,
      %get3A_275 = vector.shape_cast %get3A_274 : vector<1x16xf32> to vector<16xf32>
      %mul3A_276 = arith.mulf %get3A_52, %get3A_275 : vector<16xf32>
      %add3A_277 = arith.addf %add3A_271, %mul3A_276 : vector<16xf32>
      %swap3A_278 = arith.index_cast %scan3A_44 : i32 to index
      %swap3A_279 = arith.constant 160 : index
      %swap3A_280 = tpu.vector_load %arg7[%swap3A_278, %swap3A_279] {strides = array<i32>} : memref<32x768xf32, #tpu.memory_space<vmem>>, vector<1x16xf32>,
      %swap3A_281 = vector.shape_cast %swap3A_280 : vector<1x16xf32> to vector<16xf32>
      %swap3A_282 = vector.shape_cast %add3A_277 : vector<16xf32> to vector<1x16xf32>
      tpu.vector_store %arg7[%swap3A_278, %swap3A_279], %swap3A_282 {strides = array<i32>} : memref<32x768xf32, #tpu.memory_space<vmem>>, vector<1x16xf32>,
      %get3A_283 = arith.index_cast %scan3A_44 : i32 to index
      %get3A_284 = arith.constant 176 : index
      %get3A_285 = tpu.vector_load %arg7[%get3A_283, %get3A_284] {strides = array<i32>} : memref<32x768xf32, #tpu.memory_space<vmem>>, vector<1x16xf32>,
      %get3A_286 = vector.shape_cast %get3A_285 : vector<1x16xf32> to vector<16xf32>
      %get3A_287 = arith.index_cast %scan3A_44 : i32 to index
      %get3A_288 = arith.constant 176 : index
      %get3A_289 = tpu.vector_load %arg8[%get3A_287, %get3A_288] {strides = array<i32>} : memref<32x768xf32, #tpu.memory_space<vmem>>, vector<1x16xf32>,
      %get3A_290 = vector.shape_cast %get3A_289 : vector<1x16xf32> to vector<16xf32>
      %mul3A_291 = arith.mulf %get3A_48, %get3A_290 : vector<16xf32>
      %add3A_292 = arith.addf %get3A_286, %mul3A_291 : vector<16xf32>
      %get3A_293 = arith.index_cast %scan3A_44 : i32 to index
      %get3A_294 = arith.constant 176 : index
      %get3A_295 = tpu.vector_load %arg9[%get3A_293, %get3A_294] {strides = array<i32>} : memref<32x768xf32, #tpu.memory_space<vmem>>, vector<1x16xf32>,
      %get3A_296 = vector.shape_cast %get3A_295 : vector<1x16xf32> to vector<16xf32>
      %mul3A_297 = arith.mulf %get3A_52, %get3A_296 : vector<16xf32>
      %add3A_298 = arith.addf %add3A_292, %mul3A_297 : vector<16xf32>
      %swap3A_299 = arith.index_cast %scan3A_44 : i32 to index
      %swap3A_300 = arith.constant 176 : index
      %swap3A_301 = tpu.vector_load %arg7[%swap3A_299, %swap3A_300] {strides = array<i32>} : memref<32x768xf32, #tpu.memory_space<vmem>>, vector<1x16xf32>,
      %swap3A_302 = vector.shape_cast %swap3A_301 : vector<1x16xf32> to vector<16xf32>
      %swap3A_303 = vector.shape_cast %add3A_298 : vector<16xf32> to vector<1x16xf32>
      tpu.vector_store %arg7[%swap3A_299, %swap3A_300], %swap3A_303 {strides = array<i32>} : memref<32x768xf32, #tpu.memory_space<vmem>>, vector<1x16xf32>,
      %get3A_304 = arith.index_cast %scan3A_44 : i32 to index
      %get3A_305 = arith.constant 192 : index
      %get3A_306 = tpu.vector_load %arg7[%get3A_304, %get3A_305] {strides = array<i32>} : memref<32x768xf32, #tpu.memory_space<vmem>>, vector<1x16xf32>,
      %get3A_307 = vector.shape_cast %get3A_306 : vector<1x16xf32> to vector<16xf32>
      %get3A_308 = arith.index_cast %scan3A_44 : i32 to index
      %get3A_309 = arith.constant 192 : index
      %get3A_310 = tpu.vector_load %arg8[%get3A_308, %get3A_309] {strides = array<i32>} : memref<32x768xf32, #tpu.memory_space<vmem>>, vector<1x16xf32>,
      %get3A_311 = vector.shape_cast %get3A_310 : vector<1x16xf32> to vector<16xf32>
      %mul3A_312 = arith.mulf %get3A_48, %get3A_311 : vector<16xf32>
      %add3A_313 = arith.addf %get3A_307, %mul3A_312 : vector<16xf32>
      %get3A_314 = arith.index_cast %scan3A_44 : i32 to index
      %get3A_315 = arith.constant 192 : index
      %get3A_316 = tpu.vector_load %arg9[%get3A_314, %get3A_315] {strides = array<i32>} : memref<32x768xf32, #tpu.memory_space<vmem>>, vector<1x16xf32>,
      %get3A_317 = vector.shape_cast %get3A_316 : vector<1x16xf32> to vector<16xf32>
      %mul3A_318 = arith.mulf %get3A_52, %get3A_317 : vector<16xf32>
      %add3A_319 = arith.addf %add3A_313, %mul3A_318 : vector<16xf32>
      %swap3A_320 = arith.index_cast %scan3A_44 : i32 to index
      %swap3A_321 = arith.constant 192 : index
      %swap3A_322 = tpu.vector_load %arg7[%swap3A_320, %swap3A_321] {strides = array<i32>} : memref<32x768xf32, #tpu.memory_space<vmem>>, vector<1x16xf32>,
      %swap3A_323 = vector.shape_cast %swap3A_322 : vector<1x16xf32> to vector<16xf32>
      %swap3A_324 = vector.shape_cast %add3A_319 : vector<16xf32> to vector<1x16xf32>
      tpu.vector_store %arg7[%swap3A_320, %swap3A_321], %swap3A_324 {strides = array<i32>} : memref<32x768xf32, #tpu.memory_space<vmem>>, vector<1x16xf32>,
      %get3A_325 = arith.index_cast %scan3A_44 : i32 to index
      %get3A_326 = arith.constant 208 : index
      %get3A_327 = tpu.vector_load %arg7[%get3A_325, %get3A_326] {strides = array<i32>} : memref<32x768xf32, #tpu.memory_space<vmem>>, vector<1x16xf32>,
      %get3A_328 = vector.shape_cast %get3A_327 : vector<1x16xf32> to vector<16xf32>
      %get3A_329 = arith.index_cast %scan3A_44 : i32 to index
      %get3A_330 = arith.constant 208 : index
      %get3A_331 = tpu.vector_load %arg8[%get3A_329, %get3A_330] {strides = array<i32>} : memref<32x768xf32, #tpu.memory_space<vmem>>, vector<1x16xf32>,
      %get3A_332 = vector.shape_cast %get3A_331 : vector<1x16xf32> to vector<16xf32>
      %mul3A_333 = arith.mulf %get3A_48, %get3A_332 : vector<16xf32>
      %add3A_334 = arith.addf %get3A_328, %mul3A_333 : vector<16xf32>
      %get3A_335 = arith.index_cast %scan3A_44 : i32 to index
      %get3A_336 = arith.constant 208 : index
      %get3A_337 = tpu.vector_load %arg9[%get3A_335, %get3A_336] {strides = array<i32>} : memref<32x768xf32, #tpu.memory_space<vmem>>, vector<1x16xf32>,
      %get3A_338 = vector.shape_cast %get3A_337 : vector<1x16xf32> to vector<16xf32>
      %mul3A_339 = arith.mulf %get3A_52, %get3A_338 : vector<16xf32>
      %add3A_340 = arith.addf %add3A_334, %mul3A_339 : vector<16xf32>
      %swap3A_341 = arith.index_cast %scan3A_44 : i32 to index
      %swap3A_342 = arith.constant 208 : index
      %swap3A_343 = tpu.vector_load %arg7[%swap3A_341, %swap3A_342] {strides = array<i32>} : memref<32x768xf32, #tpu.memory_space<vmem>>, vector<1x16xf32>,
      %swap3A_344 = vector.shape_cast %swap3A_343 : vector<1x16xf32> to vector<16xf32>
      %swap3A_345 = vector.shape_cast %add3A_340 : vector<16xf32> to vector<1x16xf32>
      tpu.vector_store %arg7[%swap3A_341, %swap3A_342], %swap3A_345 {strides = array<i32>} : memref<32x768xf32, #tpu.memory_space<vmem>>, vector<1x16xf32>,
      %get3A_346 = arith.index_cast %scan3A_44 : i32 to index
      %get3A_347 = arith.constant 224 : index
      %get3A_348 = tpu.vector_load %arg7[%get3A_346, %get3A_347] {strides = array<i32>} : memref<32x768xf32, #tpu.memory_space<vmem>>, vector<1x16xf32>,
      %get3A_349 = vector.shape_cast %get3A_348 : vector<1x16xf32> to vector<16xf32>
      %get3A_350 = arith.index_cast %scan3A_44 : i32 to index
      %get3A_351 = arith.constant 224 : index
      %get3A_352 = tpu.vector_load %arg8[%get3A_350, %get3A_351] {strides = array<i32>} : memref<32x768xf32, #tpu.memory_space<vmem>>, vector<1x16xf32>,
      %get3A_353 = vector.shape_cast %get3A_352 : vector<1x16xf32> to vector<16xf32>
      %mul3A_354 = arith.mulf %get3A_48, %get3A_353 : vector<16xf32>
      %add3A_355 = arith.addf %get3A_349, %mul3A_354 : vector<16xf32>
      %get3A_356 = arith.index_cast %scan3A_44 : i32 to index
      %get3A_357 = arith.constant 224 : index
      %get3A_358 = tpu.vector_load %arg9[%get3A_356, %get3A_357] {strides = array<i32>} : memref<32x768xf32, #tpu.memory_space<vmem>>, vector<1x16xf32>,
      %get3A_359 = vector.shape_cast %get3A_358 : vector<1x16xf32> to vector<16xf32>
      %mul3A_360 = arith.mulf %get3A_52, %get3A_359 : vector<16xf32>
      %add3A_361 = arith.addf %add3A_355, %mul3A_360 : vector<16xf32>
      %swap3A_362 = arith.index_cast %scan3A_44 : i32 to index
      %swap3A_363 = arith.constant 224 : index
      %swap3A_364 = tpu.vector_load %arg7[%swap3A_362, %swap3A_363] {strides = array<i32>} : memref<32x768xf32, #tpu.memory_space<vmem>>, vector<1x16xf32>,
      %swap3A_365 = vector.shape_cast %swap3A_364 : vector<1x16xf32> to vector<16xf32>
      %swap3A_366 = vector.shape_cast %add3A_361 : vector<16xf32> to vector<1x16xf32>
      tpu.vector_store %arg7[%swap3A_362, %swap3A_363], %swap3A_366 {strides = array<i32>} : memref<32x768xf32, #tpu.memory_space<vmem>>, vector<1x16xf32>,
      %get3A_367 = arith.index_cast %scan3A_44 : i32 to index
      %get3A_368 = arith.constant 240 : index
      %get3A_369 = tpu.vector_load %arg7[%get3A_367, %get3A_368] {strides = array<i32>} : memref<32x768xf32, #tpu.memory_space<vmem>>, vector<1x16xf32>,
      %get3A_370 = vector.shape_cast %get3A_369 : vector<1x16xf32> to vector<16xf32>
      %get3A_371 = arith.index_cast %scan3A_44 : i32 to index
      %get3A_372 = arith.constant 240 : index
      %get3A_373 = tpu.vector_load %arg8[%get3A_371, %get3A_372] {strides = array<i32>} : memref<32x768xf32, #tpu.memory_space<vmem>>, vector<1x16xf32>,
      %get3A_374 = vector.shape_cast %get3A_373 : vector<1x16xf32> to vector<16xf32>
      %mul3A_375 = arith.mulf %get3A_48, %get3A_374 : vector<16xf32>
      %add3A_376 = arith.addf %get3A_370, %mul3A_375 : vector<16xf32>
      %get3A_377 = arith.index_cast %scan3A_44 : i32 to index
      %get3A_378 = arith.constant 240 : index
      %get3A_379 = tpu.vector_load %arg9[%get3A_377, %get3A_378] {strides = array<i32>} : memref<32x768xf32, #tpu.memory_space<vmem>>, vector<1x16xf32>,
      %get3A_380 = vector.shape_cast %get3A_379 : vector<1x16xf32> to vector<16xf32>
      %mul3A_381 = arith.mulf %get3A_52, %get3A_380 : vector<16xf32>
      %add3A_382 = arith.addf %add3A_376, %mul3A_381 : vector<16xf32>
      %swap3A_383 = arith.index_cast %scan3A_44 : i32 to index
      %swap3A_384 = arith.constant 240 : index
      %swap3A_385 = tpu.vector_load %arg7[%swap3A_383, %swap3A_384] {strides = array<i32>} : memref<32x768xf32, #tpu.memory_space<vmem>>, vector<1x16xf32>,
      %swap3A_386 = vector.shape_cast %swap3A_385 : vector<1x16xf32> to vector<16xf32>
      %swap3A_387 = vector.shape_cast %add3A_382 : vector<16xf32> to vector<1x16xf32>
      tpu.vector_store %arg7[%swap3A_383, %swap3A_384], %swap3A_387 {strides = array<i32>} : memref<32x768xf32, #tpu.memory_space<vmem>>, vector<1x16xf32>,
      %get3A_388 = arith.index_cast %scan3A_44 : i32 to index
      %get3A_389 = arith.constant 256 : index
      %get3A_390 = tpu.vector_load %arg7[%get3A_388, %get3A_389] {strides = array<i32>} : memref<32x768xf32, #tpu.memory_space<vmem>>, vector<1x16xf32>,
      %get3A_391 = vector.shape_cast %get3A_390 : vector<1x16xf32> to vector<16xf32>
      %get3A_392 = arith.index_cast %scan3A_44 : i32 to index
      %get3A_393 = arith.constant 256 : index
      %get3A_394 = tpu.vector_load %arg8[%get3A_392, %get3A_393] {strides = array<i32>} : memref<32x768xf32, #tpu.memory_space<vmem>>, vector<1x16xf32>,
      %get3A_395 = vector.shape_cast %get3A_394 : vector<1x16xf32> to vector<16xf32>
      %mul3A_396 = arith.mulf %get3A_48, %get3A_395 : vector<16xf32>
      %add3A_397 = arith.addf %get3A_391, %mul3A_396 : vector<16xf32>
      %get3A_398 = arith.index_cast %scan3A_44 : i32 to index
      %get3A_399 = arith.constant 256 : index
      %get3A_400 = tpu.vector_load %arg9[%get3A_398, %get3A_399] {strides = array<i32>} : memref<32x768xf32, #tpu.memory_space<vmem>>, vector<1x16xf32>,
      %get3A_401 = vector.shape_cast %get3A_400 : vector<1x16xf32> to vector<16xf32>
      %mul3A_402 = arith.mulf %get3A_52, %get3A_401 : vector<16xf32>
      %add3A_403 = arith.addf %add3A_397, %mul3A_402 : vector<16xf32>
      %swap3A_404 = arith.index_cast %scan3A_44 : i32 to index
      %swap3A_405 = arith.constant 256 : index
      %swap3A_406 = tpu.vector_load %arg7[%swap3A_404, %swap3A_405] {strides = array<i32>} : memref<32x768xf32, #tpu.memory_space<vmem>>, vector<1x16xf32>,
      %swap3A_407 = vector.shape_cast %swap3A_406 : vector<1x16xf32> to vector<16xf32>
      %swap3A_408 = vector.shape_cast %add3A_403 : vector<16xf32> to vector<1x16xf32>
      tpu.vector_store %arg7[%swap3A_404, %swap3A_405], %swap3A_408 {strides = array<i32>} : memref<32x768xf32, #tpu.memory_space<vmem>>, vector<1x16xf32>,
      %get3A_409 = arith.index_cast %scan3A_44 : i32 to index
      %get3A_410 = arith.constant 272 : index
      %get3A_411 = tpu.vector_load %arg7[%get3A_409, %get3A_410] {strides = array<i32>} : memref<32x768xf32, #tpu.memory_space<vmem>>, vector<1x16xf32>,
      %get3A_412 = vector.shape_cast %get3A_411 : vector<1x16xf32> to vector<16xf32>
      %get3A_413 = arith.index_cast %scan3A_44 : i32 to index
      %get3A_414 = arith.constant 272 : index
      %get3A_415 = tpu.vector_load %arg8[%get3A_413, %get3A_414] {strides = array<i32>} : memref<32x768xf32, #tpu.memory_space<vmem>>, vector<1x16xf32>,
      %get3A_416 = vector.shape_cast %get3A_415 : vector<1x16xf32> to vector<16xf32>
      %mul3A_417 = arith.mulf %get3A_48, %get3A_416 : vector<16xf32>
      %add3A_418 = arith.addf %get3A_412, %mul3A_417 : vector<16xf32>
      %get3A_419 = arith.index_cast %scan3A_44 : i32 to index
      %get3A_420 = arith.constant 272 : index
      %get3A_421 = tpu.vector_load %arg9[%get3A_419, %get3A_420] {strides = array<i32>} : memref<32x768xf32, #tpu.memory_space<vmem>>, vector<1x16xf32>,
      %get3A_422 = vector.shape_cast %get3A_421 : vector<1x16xf32> to vector<16xf32>
      %mul3A_423 = arith.mulf %get3A_52, %get3A_422 : vector<16xf32>
      %add3A_424 = arith.addf %add3A_418, %mul3A_423 : vector<16xf32>
      %swap3A_425 = arith.index_cast %scan3A_44 : i32 to index
      %swap3A_426 = arith.constant 272 : index
      %swap3A_427 = tpu.vector_load %arg7[%swap3A_425, %swap3A_426] {strides = array<i32>} : memref<32x768xf32, #tpu.memory_space<vmem>>, vector<1x16xf32>,
      %swap3A_428 = vector.shape_cast %swap3A_427 : vector<1x16xf32> to vector<16xf32>
      %swap3A_429 = vector.shape_cast %add3A_424 : vector<16xf32> to vector<1x16xf32>
      tpu.vector_store %arg7[%swap3A_425, %swap3A_426], %swap3A_429 {strides = array<i32>} : memref<32x768xf32, #tpu.memory_space<vmem>>, vector<1x16xf32>,
      %get3A_430 = arith.index_cast %scan3A_44 : i32 to index
      %get3A_431 = arith.constant 288 : index
      %get3A_432 = tpu.vector_load %arg7[%get3A_430, %get3A_431] {strides = array<i32>} : memref<32x768xf32, #tpu.memory_space<vmem>>, vector<1x16xf32>,
      %get3A_433 = vector.shape_cast %get3A_432 : vector<1x16xf32> to vector<16xf32>
      %get3A_434 = arith.index_cast %scan3A_44 : i32 to index
      %get3A_435 = arith.constant 288 : index
      %get3A_436 = tpu.vector_load %arg8[%get3A_434, %get3A_435] {strides = array<i32>} : memref<32x768xf32, #tpu.memory_space<vmem>>, vector<1x16xf32>,
      %get3A_437 = vector.shape_cast %get3A_436 : vector<1x16xf32> to vector<16xf32>
      %mul3A_438 = arith.mulf %get3A_48, %get3A_437 : vector<16xf32>
      %add3A_439 = arith.addf %get3A_433, %mul3A_438 : vector<16xf32>
      %get3A_440 = arith.index_cast %scan3A_44 : i32 to index
      %get3A_441 = arith.constant 288 : index
      %get3A_442 = tpu.vector_load %arg9[%get3A_440, %get3A_441] {strides = array<i32>} : memref<32x768xf32, #tpu.memory_space<vmem>>, vector<1x16xf32>,
      %get3A_443 = vector.shape_cast %get3A_442 : vector<1x16xf32> to vector<16xf32>
      %mul3A_444 = arith.mulf %get3A_52, %get3A_443 : vector<16xf32>
      %add3A_445 = arith.addf %add3A_439, %mul3A_444 : vector<16xf32>
      %swap3A_446 = arith.index_cast %scan3A_44 : i32 to index
      %swap3A_447 = arith.constant 288 : index
      %swap3A_448 = tpu.vector_load %arg7[%swap3A_446, %swap3A_447] {strides = array<i32>} : memref<32x768xf32, #tpu.memory_space<vmem>>, vector<1x16xf32>,
      %swap3A_449 = vector.shape_cast %swap3A_448 : vector<1x16xf32> to vector<16xf32>
      %swap3A_450 = vector.shape_cast %add3A_445 : vector<16xf32> to vector<1x16xf32>
      tpu.vector_store %arg7[%swap3A_446, %swap3A_447], %swap3A_450 {strides = array<i32>} : memref<32x768xf32, #tpu.memory_space<vmem>>, vector<1x16xf32>,
      %get3A_451 = arith.index_cast %scan3A_44 : i32 to index
      %get3A_452 = arith.constant 304 : index
      %get3A_453 = tpu.vector_load %arg7[%get3A_451, %get3A_452] {strides = array<i32>} : memref<32x768xf32, #tpu.memory_space<vmem>>, vector<1x16xf32>,
      %get3A_454 = vector.shape_cast %get3A_453 : vector<1x16xf32> to vector<16xf32>
      %get3A_455 = arith.index_cast %scan3A_44 : i32 to index
      %get3A_456 = arith.constant 304 : index
      %get3A_457 = tpu.vector_load %arg8[%get3A_455, %get3A_456] {strides = array<i32>} : memref<32x768xf32, #tpu.memory_space<vmem>>, vector<1x16xf32>,
      %get3A_458 = vector.shape_cast %get3A_457 : vector<1x16xf32> to vector<16xf32>
      %mul3A_459 = arith.mulf %get3A_48, %get3A_458 : vector<16xf32>
      %add3A_460 = arith.addf %get3A_454, %mul3A_459 : vector<16xf32>
      %get3A_461 = arith.index_cast %scan3A_44 : i32 to index
      %get3A_462 = arith.constant 304 : index
      %get3A_463 = tpu.vector_load %arg9[%get3A_461, %get3A_462] {strides = array<i32>} : memref<32x768xf32, #tpu.memory_space<vmem>>, vector<1x16xf32>,
      %get3A_464 = vector.shape_cast %get3A_463 : vector<1x16xf32> to vector<16xf32>
      %mul3A_465 = arith.mulf %get3A_52, %get3A_464 : vector<16xf32>
      %add3A_466 = arith.addf %add3A_460, %mul3A_465 : vector<16xf32>
      %swap3A_467 = arith.index_cast %scan3A_44 : i32 to index
      %swap3A_468 = arith.constant 304 : index
      %swap3A_469 = tpu.vector_load %arg7[%swap3A_467, %swap3A_468] {strides = array<i32>} : memref<32x768xf32, #tpu.memory_space<vmem>>, vector<1x16xf32>,
      %swap3A_470 = vector.shape_cast %swap3A_469 : vector<1x16xf32> to vector<16xf32>
      %swap3A_471 = vector.shape_cast %add3A_466 : vector<16xf32> to vector<1x16xf32>
      tpu.vector_store %arg7[%swap3A_467, %swap3A_468], %swap3A_471 {strides = array<i32>} : memref<32x768xf32, #tpu.memory_space<vmem>>, vector<1x16xf32>,
      %get3A_472 = arith.index_cast %scan3A_44 : i32 to index
      %get3A_473 = arith.constant 320 : index
      %get3A_474 = tpu.vector_load %arg7[%get3A_472, %get3A_473] {strides = array<i32>} : memref<32x768xf32, #tpu.memory_space<vmem>>, vector<1x16xf32>,
      %get3A_475 = vector.shape_cast %get3A_474 : vector<1x16xf32> to vector<16xf32>
      %get3A_476 = arith.index_cast %scan3A_44 : i32 to index
      %get3A_477 = arith.constant 320 : index
      %get3A_478 = tpu.vector_load %arg8[%get3A_476, %get3A_477] {strides = array<i32>} : memref<32x768xf32, #tpu.memory_space<vmem>>, vector<1x16xf32>,
      %get3A_479 = vector.shape_cast %get3A_478 : vector<1x16xf32> to vector<16xf32>
      %mul3A_480 = arith.mulf %get3A_48, %get3A_479 : vector<16xf32>
      %add3A_481 = arith.addf %get3A_475, %mul3A_480 : vector<16xf32>
      %get3A_482 = arith.index_cast %scan3A_44 : i32 to index
      %get3A_483 = arith.constant 320 : index
      %get3A_484 = tpu.vector_load %arg9[%get3A_482, %get3A_483] {strides = array<i32>} : memref<32x768xf32, #tpu.memory_space<vmem>>, vector<1x16xf32>,
      %get3A_485 = vector.shape_cast %get3A_484 : vector<1x16xf32> to vector<16xf32>
      %mul3A_486 = arith.mulf %get3A_52, %get3A_485 : vector<16xf32>
      %add3A_487 = arith.addf %add3A_481, %mul3A_486 : vector<16xf32>
      %swap3A_488 = arith.index_cast %scan3A_44 : i32 to index
      %swap3A_489 = arith.constant 320 : index
      %swap3A_490 = tpu.vector_load %arg7[%swap3A_488, %swap3A_489] {strides = array<i32>} : memref<32x768xf32, #tpu.memory_space<vmem>>, vector<1x16xf32>,
      %swap3A_491 = vector.shape_cast %swap3A_490 : vector<1x16xf32> to vector<16xf32>
      %swap3A_492 = vector.shape_cast %add3A_487 : vector<16xf32> to vector<1x16xf32>
      tpu.vector_store %arg7[%swap3A_488, %swap3A_489], %swap3A_492 {strides = array<i32>} : memref<32x768xf32, #tpu.memory_space<vmem>>, vector<1x16xf32>,
      %get3A_493 = arith.index_cast %scan3A_44 : i32 to index
      %get3A_494 = arith.constant 336 : index
      %get3A_495 = tpu.vector_load %arg7[%get3A_493, %get3A_494] {strides = array<i32>} : memref<32x768xf32, #tpu.memory_space<vmem>>, vector<1x16xf32>,
      %get3A_496 = vector.shape_cast %get3A_495 : vector<1x16xf32> to vector<16xf32>
      %get3A_497 = arith.index_cast %scan3A_44 : i32 to index
      %get3A_498 = arith.constant 336 : index
      %get3A_499 = tpu.vector_load %arg8[%get3A_497, %get3A_498] {strides = array<i32>} : memref<32x768xf32, #tpu.memory_space<vmem>>, vector<1x16xf32>,
      %get3A_500 = vector.shape_cast %get3A_499 : vector<1x16xf32> to vector<16xf32>
      %mul3A_501 = arith.mulf %get3A_48, %get3A_500 : vector<16xf32>
      %add3A_502 = arith.addf %get3A_496, %mul3A_501 : vector<16xf32>
      %get3A_503 = arith.index_cast %scan3A_44 : i32 to index
      %get3A_504 = arith.constant 336 : index
      %get3A_505 = tpu.vector_load %arg9[%get3A_503, %get3A_504] {strides = array<i32>} : memref<32x768xf32, #tpu.memory_space<vmem>>, vector<1x16xf32>,
      %get3A_506 = vector.shape_cast %get3A_505 : vector<1x16xf32> to vector<16xf32>
      %mul3A_507 = arith.mulf %get3A_52, %get3A_506 : vector<16xf32>
      %add3A_508 = arith.addf %add3A_502, %mul3A_507 : vector<16xf32>
      %swap3A_509 = arith.index_cast %scan3A_44 : i32 to index
      %swap3A_510 = arith.constant 336 : index
      %swap3A_511 = tpu.vector_load %arg7[%swap3A_509, %swap3A_510] {strides = array<i32>} : memref<32x768xf32, #tpu.memory_space<vmem>>, vector<1x16xf32>,
      %swap3A_512 = vector.shape_cast %swap3A_511 : vector<1x16xf32> to vector<16xf32>
      %swap3A_513 = vector.shape_cast %add3A_508 : vector<16xf32> to vector<1x16xf32>
      tpu.vector_store %arg7[%swap3A_509, %swap3A_510], %swap3A_513 {strides = array<i32>} : memref<32x768xf32, #tpu.memory_space<vmem>>, vector<1x16xf32>,
      %get3A_514 = arith.index_cast %scan3A_44 : i32 to index
      %get3A_515 = arith.constant 352 : index
      %get3A_516 = tpu.vector_load %arg7[%get3A_514, %get3A_515] {strides = array<i32>} : memref<32x768xf32, #tpu.memory_space<vmem>>, vector<1x16xf32>,
      %get3A_517 = vector.shape_cast %get3A_516 : vector<1x16xf32> to vector<16xf32>
      %get3A_518 = arith.index_cast %scan3A_44 : i32 to index
      %get3A_519 = arith.constant 352 : index
      %get3A_520 = tpu.vector_load %arg8[%get3A_518, %get3A_519] {strides = array<i32>} : memref<32x768xf32, #tpu.memory_space<vmem>>, vector<1x16xf32>,
      %get3A_521 = vector.shape_cast %get3A_520 : vector<1x16xf32> to vector<16xf32>
      %mul3A_522 = arith.mulf %get3A_48, %get3A_521 : vector<16xf32>
      %add3A_523 = arith.addf %get3A_517, %mul3A_522 : vector<16xf32>
      %get3A_524 = arith.index_cast %scan3A_44 : i32 to index
      %get3A_525 = arith.constant 352 : index
      %get3A_526 = tpu.vector_load %arg9[%get3A_524, %get3A_525] {strides = array<i32>} : memref<32x768xf32, #tpu.memory_space<vmem>>, vector<1x16xf32>,
      %get3A_527 = vector.shape_cast %get3A_526 : vector<1x16xf32> to vector<16xf32>
      %mul3A_528 = arith.mulf %get3A_52, %get3A_527 : vector<16xf32>
      %add3A_529 = arith.addf %add3A_523, %mul3A_528 : vector<16xf32>
      %swap3A_530 = arith.index_cast %scan3A_44 : i32 to index
      %swap3A_531 = arith.constant 352 : index
      %swap3A_532 = tpu.vector_load %arg7[%swap3A_530, %swap3A_531] {strides = array<i32>} : memref<32x768xf32, #tpu.memory_space<vmem>>, vector<1x16xf32>,
      %swap3A_533 = vector.shape_cast %swap3A_532 : vector<1x16xf32> to vector<16xf32>
      %swap3A_534 = vector.shape_cast %add3A_529 : vector<16xf32> to vector<1x16xf32>
      tpu.vector_store %arg7[%swap3A_530, %swap3A_531], %swap3A_534 {strides = array<i32>} : memref<32x768xf32, #tpu.memory_space<vmem>>, vector<1x16xf32>,
      %get3A_535 = arith.index_cast %scan3A_44 : i32 to index
      %get3A_536 = arith.constant 368 : index
      %get3A_537 = tpu.vector_load %arg7[%get3A_535, %get3A_536] {strides = array<i32>} : memref<32x768xf32, #tpu.memory_space<vmem>>, vector<1x16xf32>,
      %get3A_538 = vector.shape_cast %get3A_537 : vector<1x16xf32> to vector<16xf32>
      %get3A_539 = arith.index_cast %scan3A_44 : i32 to index
      %get3A_540 = arith.constant 368 : index
      %get3A_541 = tpu.vector_load %arg8[%get3A_539, %get3A_540] {strides = array<i32>} : memref<32x768xf32, #tpu.memory_space<vmem>>, vector<1x16xf32>,
      %get3A_542 = vector.shape_cast %get3A_541 : vector<1x16xf32> to vector<16xf32>
      %mul3A_543 = arith.mulf %get3A_48, %get3A_542 : vector<16xf32>
      %add3A_544 = arith.addf %get3A_538, %mul3A_543 : vector<16xf32>
      %get3A_545 = arith.index_cast %scan3A_44 : i32 to index
      %get3A_546 = arith.constant 368 : index
      %get3A_547 = tpu.vector_load %arg9[%get3A_545, %get3A_546] {strides = array<i32>} : memref<32x768xf32, #tpu.memory_space<vmem>>, vector<1x16xf32>,
      %get3A_548 = vector.shape_cast %get3A_547 : vector<1x16xf32> to vector<16xf32>
      %mul3A_549 = arith.mulf %get3A_52, %get3A_548 : vector<16xf32>
      %add3A_550 = arith.addf %add3A_544, %mul3A_549 : vector<16xf32>
      %swap3A_551 = arith.index_cast %scan3A_44 : i32 to index
      %swap3A_552 = arith.constant 368 : index
      %swap3A_553 = tpu.vector_load %arg7[%swap3A_551, %swap3A_552] {strides = array<i32>} : memref<32x768xf32, #tpu.memory_space<vmem>>, vector<1x16xf32>,
      %swap3A_554 = vector.shape_cast %swap3A_553 : vector<1x16xf32> to vector<16xf32>
      %swap3A_555 = vector.shape_cast %add3A_550 : vector<16xf32> to vector<1x16xf32>
      tpu.vector_store %arg7[%swap3A_551, %swap3A_552], %swap3A_555 {strides = array<i32>} : memref<32x768xf32, #tpu.memory_space<vmem>>, vector<1x16xf32>,
      %get3A_556 = arith.index_cast %scan3A_44 : i32 to index
      %get3A_557 = arith.constant 384 : index
      %get3A_558 = tpu.vector_load %arg7[%get3A_556, %get3A_557] {strides = array<i32>} : memref<32x768xf32, #tpu.memory_space<vmem>>, vector<1x16xf32>,
      %get3A_559 = vector.shape_cast %get3A_558 : vector<1x16xf32> to vector<16xf32>
      %get3A_560 = arith.index_cast %scan3A_44 : i32 to index
      %get3A_561 = arith.constant 384 : index
      %get3A_562 = tpu.vector_load %arg8[%get3A_560, %get3A_561] {strides = array<i32>} : memref<32x768xf32, #tpu.memory_space<vmem>>, vector<1x16xf32>,
      %get3A_563 = vector.shape_cast %get3A_562 : vector<1x16xf32> to vector<16xf32>
      %mul3A_564 = arith.mulf %get3A_48, %get3A_563 : vector<16xf32>
      %add3A_565 = arith.addf %get3A_559, %mul3A_564 : vector<16xf32>
      %get3A_566 = arith.index_cast %scan3A_44 : i32 to index
      %get3A_567 = arith.constant 384 : index
      %get3A_568 = tpu.vector_load %arg9[%get3A_566, %get3A_567] {strides = array<i32>} : memref<32x768xf32, #tpu.memory_space<vmem>>, vector<1x16xf32>,
      %get3A_569 = vector.shape_cast %get3A_568 : vector<1x16xf32> to vector<16xf32>
      %mul3A_570 = arith.mulf %get3A_52, %get3A_569 : vector<16xf32>
      %add3A_571 = arith.addf %add3A_565, %mul3A_570 : vector<16xf32>
      %swap3A_572 = arith.index_cast %scan3A_44 : i32 to index
      %swap3A_573 = arith.constant 384 : index
      %swap3A_574 = tpu.vector_load %arg7[%swap3A_572, %swap3A_573] {strides = array<i32>} : memref<32x768xf32, #tpu.memory_space<vmem>>, vector<1x16xf32>,
      %swap3A_575 = vector.shape_cast %swap3A_574 : vector<1x16xf32> to vector<16xf32>
      %swap3A_576 = vector.shape_cast %add3A_571 : vector<16xf32> to vector<1x16xf32>
      tpu.vector_store %arg7[%swap3A_572, %swap3A_573], %swap3A_576 {strides = array<i32>} : memref<32x768xf32, #tpu.memory_space<vmem>>, vector<1x16xf32>,
      %get3A_577 = arith.index_cast %scan3A_44 : i32 to index
      %get3A_578 = arith.constant 400 : index
      %get3A_579 = tpu.vector_load %arg7[%get3A_577, %get3A_578] {strides = array<i32>} : memref<32x768xf32, #tpu.memory_space<vmem>>, vector<1x16xf32>,
      %get3A_580 = vector.shape_cast %get3A_579 : vector<1x16xf32> to vector<16xf32>
      %get3A_581 = arith.index_cast %scan3A_44 : i32 to index
      %get3A_582 = arith.constant 400 : index
      %get3A_583 = tpu.vector_load %arg8[%get3A_581, %get3A_582] {strides = array<i32>} : memref<32x768xf32, #tpu.memory_space<vmem>>, vector<1x16xf32>,
      %get3A_584 = vector.shape_cast %get3A_583 : vector<1x16xf32> to vector<16xf32>
      %mul3A_585 = arith.mulf %get3A_48, %get3A_584 : vector<16xf32>
      %add3A_586 = arith.addf %get3A_580, %mul3A_585 : vector<16xf32>
      %get3A_587 = arith.index_cast %scan3A_44 : i32 to index
      %get3A_588 = arith.constant 400 : index
      %get3A_589 = tpu.vector_load %arg9[%get3A_587, %get3A_588] {strides = array<i32>} : memref<32x768xf32, #tpu.memory_space<vmem>>, vector<1x16xf32>,
      %get3A_590 = vector.shape_cast %get3A_589 : vector<1x16xf32> to vector<16xf32>
      %mul3A_591 = arith.mulf %get3A_52, %get3A_590 : vector<16xf32>
      %add3A_592 = arith.addf %add3A_586, %mul3A_591 : vector<16xf32>
      %swap3A_593 = arith.index_cast %scan3A_44 : i32 to index
      %swap3A_594 = arith.constant 400 : index
      %swap3A_595 = tpu.vector_load %arg7[%swap3A_593, %swap3A_594] {strides = array<i32>} : memref<32x768xf32, #tpu.memory_space<vmem>>, vector<1x16xf32>,
      %swap3A_596 = vector.shape_cast %swap3A_595 : vector<1x16xf32> to vector<16xf32>
      %swap3A_597 = vector.shape_cast %add3A_592 : vector<16xf32> to vector<1x16xf32>
      tpu.vector_store %arg7[%swap3A_593, %swap3A_594], %swap3A_597 {strides = array<i32>} : memref<32x768xf32, #tpu.memory_space<vmem>>, vector<1x16xf32>,
      %get3A_598 = arith.index_cast %scan3A_44 : i32 to index
      %get3A_599 = arith.constant 416 : index
      %get3A_600 = tpu.vector_load %arg7[%get3A_598, %get3A_599] {strides = array<i32>} : memref<32x768xf32, #tpu.memory_space<vmem>>, vector<1x16xf32>,
      %get3A_601 = vector.shape_cast %get3A_600 : vector<1x16xf32> to vector<16xf32>
      %get3A_602 = arith.index_cast %scan3A_44 : i32 to index
      %get3A_603 = arith.constant 416 : index
      %get3A_604 = tpu.vector_load %arg8[%get3A_602, %get3A_603] {strides = array<i32>} : memref<32x768xf32, #tpu.memory_space<vmem>>, vector<1x16xf32>,
      %get3A_605 = vector.shape_cast %get3A_604 : vector<1x16xf32> to vector<16xf32>
      %mul3A_606 = arith.mulf %get3A_48, %get3A_605 : vector<16xf32>
      %add3A_607 = arith.addf %get3A_601, %mul3A_606 : vector<16xf32>
      %get3A_608 = arith.index_cast %scan3A_44 : i32 to index
      %get3A_609 = arith.constant 416 : index
      %get3A_610 = tpu.vector_load %arg9[%get3A_608, %get3A_609] {strides = array<i32>} : memref<32x768xf32, #tpu.memory_space<vmem>>, vector<1x16xf32>,
      %get3A_611 = vector.shape_cast %get3A_610 : vector<1x16xf32> to vector<16xf32>
      %mul3A_612 = arith.mulf %get3A_52, %get3A_611 : vector<16xf32>
      %add3A_613 = arith.addf %add3A_607, %mul3A_612 : vector<16xf32>
      %swap3A_614 = arith.index_cast %scan3A_44 : i32 to index
      %swap3A_615 = arith.constant 416 : index
      %swap3A_616 = tpu.vector_load %arg7[%swap3A_614, %swap3A_615] {strides = array<i32>} : memref<32x768xf32, #tpu.memory_space<vmem>>, vector<1x16xf32>,
      %swap3A_617 = vector.shape_cast %swap3A_616 : vector<1x16xf32> to vector<16xf32>
      %swap3A_618 = vector.shape_cast %add3A_613 : vector<16xf32> to vector<1x16xf32>
      tpu.vector_store %arg7[%swap3A_614, %swap3A_615], %swap3A_618 {strides = array<i32>} : memref<32x768xf32, #tpu.memory_space<vmem>>, vector<1x16xf32>,
      %get3A_619 = arith.index_cast %scan3A_44 : i32 to index
      %get3A_620 = arith.constant 432 : index
      %get3A_621 = tpu.vector_load %arg7[%get3A_619, %get3A_620] {strides = array<i32>} : memref<32x768xf32, #tpu.memory_space<vmem>>, vector<1x16xf32>,
      %get3A_622 = vector.shape_cast %get3A_621 : vector<1x16xf32> to vector<16xf32>
      %get3A_623 = arith.index_cast %scan3A_44 : i32 to index
      %get3A_624 = arith.constant 432 : index
      %get3A_625 = tpu.vector_load %arg8[%get3A_623, %get3A_624] {strides = array<i32>} : memref<32x768xf32, #tpu.memory_space<vmem>>, vector<1x16xf32>,
      %get3A_626 = vector.shape_cast %get3A_625 : vector<1x16xf32> to vector<16xf32>
      %mul3A_627 = arith.mulf %get3A_48, %get3A_626 : vector<16xf32>
      %add3A_628 = arith.addf %get3A_622, %mul3A_627 : vector<16xf32>
      %get3A_629 = arith.index_cast %scan3A_44 : i32 to index
      %get3A_630 = arith.constant 432 : index
      %get3A_631 = tpu.vector_load %arg9[%get3A_629, %get3A_630] {strides = array<i32>} : memref<32x768xf32, #tpu.memory_space<vmem>>, vector<1x16xf32>,
      %get3A_632 = vector.shape_cast %get3A_631 : vector<1x16xf32> to vector<16xf32>
      %mul3A_633 = arith.mulf %get3A_52, %get3A_632 : vector<16xf32>
      %add3A_634 = arith.addf %add3A_628, %mul3A_633 : vector<16xf32>
      %swap3A_635 = arith.index_cast %scan3A_44 : i32 to index
      %swap3A_636 = arith.constant 432 : index
      %swap3A_637 = tpu.vector_load %arg7[%swap3A_635, %swap3A_636] {strides = array<i32>} : memref<32x768xf32, #tpu.memory_space<vmem>>, vector<1x16xf32>,
      %swap3A_638 = vector.shape_cast %swap3A_637 : vector<1x16xf32> to vector<16xf32>
      %swap3A_639 = vector.shape_cast %add3A_634 : vector<16xf32> to vector<1x16xf32>
      tpu.vector_store %arg7[%swap3A_635, %swap3A_636], %swap3A_639 {strides = array<i32>} : memref<32x768xf32, #tpu.memory_space<vmem>>, vector<1x16xf32>,
      %get3A_640 = arith.index_cast %scan3A_44 : i32 to index
      %get3A_641 = arith.constant 448 : index
      %get3A_642 = tpu.vector_load %arg7[%get3A_640, %get3A_641] {strides = array<i32>} : memref<32x768xf32, #tpu.memory_space<vmem>>, vector<1x16xf32>,
      %get3A_643 = vector.shape_cast %get3A_642 : vector<1x16xf32> to vector<16xf32>
      %get3A_644 = arith.index_cast %scan3A_44 : i32 to index
      %get3A_645 = arith.constant 448 : index
      %get3A_646 = tpu.vector_load %arg8[%get3A_644, %get3A_645] {strides = array<i32>} : memref<32x768xf32, #tpu.memory_space<vmem>>, vector<1x16xf32>,
      %get3A_647 = vector.shape_cast %get3A_646 : vector<1x16xf32> to vector<16xf32>
      %mul3A_648 = arith.mulf %get3A_48, %get3A_647 : vector<16xf32>
      %add3A_649 = arith.addf %get3A_643, %mul3A_648 : vector<16xf32>
      %get3A_650 = arith.index_cast %scan3A_44 : i32 to index
      %get3A_651 = arith.constant 448 : index
      %get3A_652 = tpu.vector_load %arg9[%get3A_650, %get3A_651] {strides = array<i32>} : memref<32x768xf32, #tpu.memory_space<vmem>>, vector<1x16xf32>,
      %get3A_653 = vector.shape_cast %get3A_652 : vector<1x16xf32> to vector<16xf32>
      %mul3A_654 = arith.mulf %get3A_52, %get3A_653 : vector<16xf32>
      %add3A_655 = arith.addf %add3A_649, %mul3A_654 : vector<16xf32>
      %swap3A_656 = arith.index_cast %scan3A_44 : i32 to index
      %swap3A_657 = arith.constant 448 : index
      %swap3A_658 = tpu.vector_load %arg7[%swap3A_656, %swap3A_657] {strides = array<i32>} : memref<32x768xf32, #tpu.memory_space<vmem>>, vector<1x16xf32>,
      %swap3A_659 = vector.shape_cast %swap3A_658 : vector<1x16xf32> to vector<16xf32>
      %swap3A_660 = vector.shape_cast %add3A_655 : vector<16xf32> to vector<1x16xf32>
      tpu.vector_store %arg7[%swap3A_656, %swap3A_657], %swap3A_660 {strides = array<i32>} : memref<32x768xf32, #tpu.memory_space<vmem>>, vector<1x16xf32>,
      %get3A_661 = arith.index_cast %scan3A_44 : i32 to index
      %get3A_662 = arith.constant 464 : index
      %get3A_663 = tpu.vector_load %arg7[%get3A_661, %get3A_662] {strides = array<i32>} : memref<32x768xf32, #tpu.memory_space<vmem>>, vector<1x16xf32>,
      %get3A_664 = vector.shape_cast %get3A_663 : vector<1x16xf32> to vector<16xf32>
      %get3A_665 = arith.index_cast %scan3A_44 : i32 to index
      %get3A_666 = arith.constant 464 : index
      %get3A_667 = tpu.vector_load %arg8[%get3A_665, %get3A_666] {strides = array<i32>} : memref<32x768xf32, #tpu.memory_space<vmem>>, vector<1x16xf32>,
      %get3A_668 = vector.shape_cast %get3A_667 : vector<1x16xf32> to vector<16xf32>
      %mul3A_669 = arith.mulf %get3A_48, %get3A_668 : vector<16xf32>
      %add3A_670 = arith.addf %get3A_664, %mul3A_669 : vector<16xf32>
      %get3A_671 = arith.index_cast %scan3A_44 : i32 to index
      %get3A_672 = arith.constant 464 : index
      %get3A_673 = tpu.vector_load %arg9[%get3A_671, %get3A_672] {strides = array<i32>} : memref<32x768xf32, #tpu.memory_space<vmem>>, vector<1x16xf32>,
      %get3A_674 = vector.shape_cast %get3A_673 : vector<1x16xf32> to vector<16xf32>
      %mul3A_675 = arith.mulf %get3A_52, %get3A_674 : vector<16xf32>
      %add3A_676 = arith.addf %add3A_670, %mul3A_675 : vector<16xf32>
      %swap3A_677 = arith.index_cast %scan3A_44 : i32 to index
      %swap3A_678 = arith.constant 464 : index
      %swap3A_679 = tpu.vector_load %arg7[%swap3A_677, %swap3A_678] {strides = array<i32>} : memref<32x768xf32, #tpu.memory_space<vmem>>, vector<1x16xf32>,
      %swap3A_680 = vector.shape_cast %swap3A_679 : vector<1x16xf32> to vector<16xf32>
      %swap3A_681 = vector.shape_cast %add3A_676 : vector<16xf32> to vector<1x16xf32>
      tpu.vector_store %arg7[%swap3A_677, %swap3A_678], %swap3A_681 {strides = array<i32>} : memref<32x768xf32, #tpu.memory_space<vmem>>, vector<1x16xf32>,
      %get3A_682 = arith.index_cast %scan3A_44 : i32 to index
      %get3A_683 = arith.constant 480 : index
      %get3A_684 = tpu.vector_load %arg7[%get3A_682, %get3A_683] {strides = array<i32>} : memref<32x768xf32, #tpu.memory_space<vmem>>, vector<1x16xf32>,
      %get3A_685 = vector.shape_cast %get3A_684 : vector<1x16xf32> to vector<16xf32>
      %get3A_686 = arith.index_cast %scan3A_44 : i32 to index
      %get3A_687 = arith.constant 480 : index
      %get3A_688 = tpu.vector_load %arg8[%get3A_686, %get3A_687] {strides = array<i32>} : memref<32x768xf32, #tpu.memory_space<vmem>>, vector<1x16xf32>,
      %get3A_689 = vector.shape_cast %get3A_688 : vector<1x16xf32> to vector<16xf32>
      %mul3A_690 = arith.mulf %get3A_48, %get3A_689 : vector<16xf32>
      %add3A_691 = arith.addf %get3A_685, %mul3A_690 : vector<16xf32>
      %get3A_692 = arith.index_cast %scan3A_44 : i32 to index
      %get3A_693 = arith.constant 480 : index
      %get3A_694 = tpu.vector_load %arg9[%get3A_692, %get3A_693] {strides = array<i32>} : memref<32x768xf32, #tpu.memory_space<vmem>>, vector<1x16xf32>,
      %get3A_695 = vector.shape_cast %get3A_694 : vector<1x16xf32> to vector<16xf32>
      %mul3A_696 = arith.mulf %get3A_52, %get3A_695 : vector<16xf32>
      %add3A_697 = arith.addf %add3A_691, %mul3A_696 : vector<16xf32>
      %swap3A_698 = arith.index_cast %scan3A_44 : i32 to index
      %swap3A_699 = arith.constant 480 : index
      %swap3A_700 = tpu.vector_load %arg7[%swap3A_698, %swap3A_699] {strides = array<i32>} : memref<32x768xf32, #tpu.memory_space<vmem>>, vector<1x16xf32>,
      %swap3A_701 = vector.shape_cast %swap3A_700 : vector<1x16xf32> to vector<16xf32>
      %swap3A_702 = vector.shape_cast %add3A_697 : vector<16xf32> to vector<1x16xf32>
      tpu.vector_store %arg7[%swap3A_698, %swap3A_699], %swap3A_702 {strides = array<i32>} : memref<32x768xf32, #tpu.memory_space<vmem>>, vector<1x16xf32>,
      %get3A_703 = arith.index_cast %scan3A_44 : i32 to index
      %get3A_704 = arith.constant 496 : index
      %get3A_705 = tpu.vector_load %arg7[%get3A_703, %get3A_704] {strides = array<i32>} : memref<32x768xf32, #tpu.memory_space<vmem>>, vector<1x16xf32>,
      %get3A_706 = vector.shape_cast %get3A_705 : vector<1x16xf32> to vector<16xf32>
      %get3A_707 = arith.index_cast %scan3A_44 : i32 to index
      %get3A_708 = arith.constant 496 : index
      %get3A_709 = tpu.vector_load %arg8[%get3A_707, %get3A_708] {strides = array<i32>} : memref<32x768xf32, #tpu.memory_space<vmem>>, vector<1x16xf32>,
      %get3A_710 = vector.shape_cast %get3A_709 : vector<1x16xf32> to vector<16xf32>
      %mul3A_711 = arith.mulf %get3A_48, %get3A_710 : vector<16xf32>
      %add3A_712 = arith.addf %get3A_706, %mul3A_711 : vector<16xf32>
      %get3A_713 = arith.index_cast %scan3A_44 : i32 to index
      %get3A_714 = arith.constant 496 : index
      %get3A_715 = tpu.vector_load %arg9[%get3A_713, %get3A_714] {strides = array<i32>} : memref<32x768xf32, #tpu.memory_space<vmem>>, vector<1x16xf32>,
      %get3A_716 = vector.shape_cast %get3A_715 : vector<1x16xf32> to vector<16xf32>
      %mul3A_717 = arith.mulf %get3A_52, %get3A_716 : vector<16xf32>
      %add3A_718 = arith.addf %add3A_712, %mul3A_717 : vector<16xf32>
      %swap3A_719 = arith.index_cast %scan3A_44 : i32 to index
      %swap3A_720 = arith.constant 496 : index
      %swap3A_721 = tpu.vector_load %arg7[%swap3A_719, %swap3A_720] {strides = array<i32>} : memref<32x768xf32, #tpu.memory_space<vmem>>, vector<1x16xf32>,
      %swap3A_722 = vector.shape_cast %swap3A_721 : vector<1x16xf32> to vector<16xf32>
      %swap3A_723 = vector.shape_cast %add3A_718 : vector<16xf32> to vector<1x16xf32>
      tpu.vector_store %arg7[%swap3A_719, %swap3A_720], %swap3A_723 {strides = array<i32>} : memref<32x768xf32, #tpu.memory_space<vmem>>, vector<1x16xf32>,
      %get3A_724 = arith.index_cast %scan3A_44 : i32 to index
      %get3A_725 = arith.constant 512 : index
      %get3A_726 = tpu.vector_load %arg7[%get3A_724, %get3A_725] {strides = array<i32>} : memref<32x768xf32, #tpu.memory_space<vmem>>, vector<1x16xf32>,
      %get3A_727 = vector.shape_cast %get3A_726 : vector<1x16xf32> to vector<16xf32>
      %get3A_728 = arith.index_cast %scan3A_44 : i32 to index
      %get3A_729 = arith.constant 512 : index
      %get3A_730 = tpu.vector_load %arg8[%get3A_728, %get3A_729] {strides = array<i32>} : memref<32x768xf32, #tpu.memory_space<vmem>>, vector<1x16xf32>,
      %get3A_731 = vector.shape_cast %get3A_730 : vector<1x16xf32> to vector<16xf32>
      %mul3A_732 = arith.mulf %get3A_48, %get3A_731 : vector<16xf32>
      %add3A_733 = arith.addf %get3A_727, %mul3A_732 : vector<16xf32>
      %get3A_734 = arith.index_cast %scan3A_44 : i32 to index
      %get3A_735 = arith.constant 512 : index
      %get3A_736 = tpu.vector_load %arg9[%get3A_734, %get3A_735] {strides = array<i32>} : memref<32x768xf32, #tpu.memory_space<vmem>>, vector<1x16xf32>,
      %get3A_737 = vector.shape_cast %get3A_736 : vector<1x16xf32> to vector<16xf32>
      %mul3A_738 = arith.mulf %get3A_52, %get3A_737 : vector<16xf32>
      %add3A_739 = arith.addf %add3A_733, %mul3A_738 : vector<16xf32>
      %swap3A_740 = arith.index_cast %scan3A_44 : i32 to index
      %swap3A_741 = arith.constant 512 : index
      %swap3A_742 = tpu.vector_load %arg7[%swap3A_740, %swap3A_741] {strides = array<i32>} : memref<32x768xf32, #tpu.memory_space<vmem>>, vector<1x16xf32>,
      %swap3A_743 = vector.shape_cast %swap3A_742 : vector<1x16xf32> to vector<16xf32>
      %swap3A_744 = vector.shape_cast %add3A_739 : vector<16xf32> to vector<1x16xf32>
      tpu.vector_store %arg7[%swap3A_740, %swap3A_741], %swap3A_744 {strides = array<i32>} : memref<32x768xf32, #tpu.memory_space<vmem>>, vector<1x16xf32>,
      %get3A_745 = arith.index_cast %scan3A_44 : i32 to index
      %get3A_746 = arith.constant 528 : index
      %get3A_747 = tpu.vector_load %arg7[%get3A_745, %get3A_746] {strides = array<i32>} : memref<32x768xf32, #tpu.memory_space<vmem>>, vector<1x16xf32>,
      %get3A_748 = vector.shape_cast %get3A_747 : vector<1x16xf32> to vector<16xf32>
      %get3A_749 = arith.index_cast %scan3A_44 : i32 to index
      %get3A_750 = arith.constant 528 : index
      %get3A_751 = tpu.vector_load %arg8[%get3A_749, %get3A_750] {strides = array<i32>} : memref<32x768xf32, #tpu.memory_space<vmem>>, vector<1x16xf32>,
      %get3A_752 = vector.shape_cast %get3A_751 : vector<1x16xf32> to vector<16xf32>
      %mul3A_753 = arith.mulf %get3A_48, %get3A_752 : vector<16xf32>
      %add3A_754 = arith.addf %get3A_748, %mul3A_753 : vector<16xf32>
      %get3A_755 = arith.index_cast %scan3A_44 : i32 to index
      %get3A_756 = arith.constant 528 : index
      %get3A_757 = tpu.vector_load %arg9[%get3A_755, %get3A_756] {strides = array<i32>} : memref<32x768xf32, #tpu.memory_space<vmem>>, vector<1x16xf32>,
      %get3A_758 = vector.shape_cast %get3A_757 : vector<1x16xf32> to vector<16xf32>
      %mul3A_759 = arith.mulf %get3A_52, %get3A_758 : vector<16xf32>
      %add3A_760 = arith.addf %add3A_754, %mul3A_759 : vector<16xf32>
      %swap3A_761 = arith.index_cast %scan3A_44 : i32 to index
      %swap3A_762 = arith.constant 528 : index
      %swap3A_763 = tpu.vector_load %arg7[%swap3A_761, %swap3A_762] {strides = array<i32>} : memref<32x768xf32, #tpu.memory_space<vmem>>, vector<1x16xf32>,
      %swap3A_764 = vector.shape_cast %swap3A_763 : vector<1x16xf32> to vector<16xf32>
      %swap3A_765 = vector.shape_cast %add3A_760 : vector<16xf32> to vector<1x16xf32>
      tpu.vector_store %arg7[%swap3A_761, %swap3A_762], %swap3A_765 {strides = array<i32>} : memref<32x768xf32, #tpu.memory_space<vmem>>, vector<1x16xf32>,
      %get3A_766 = arith.index_cast %scan3A_44 : i32 to index
      %get3A_767 = arith.constant 544 : index
      %get3A_768 = tpu.vector_load %arg7[%get3A_766, %get3A_767] {strides = array<i32>} : memref<32x768xf32, #tpu.memory_space<vmem>>, vector<1x16xf32>,
      %get3A_769 = vector.shape_cast %get3A_768 : vector<1x16xf32> to vector<16xf32>
      %get3A_770 = arith.index_cast %scan3A_44 : i32 to index
      %get3A_771 = arith.constant 544 : index
      %get3A_772 = tpu.vector_load %arg8[%get3A_770, %get3A_771] {strides = array<i32>} : memref<32x768xf32, #tpu.memory_space<vmem>>, vector<1x16xf32>,
      %get3A_773 = vector.shape_cast %get3A_772 : vector<1x16xf32> to vector<16xf32>
      %mul3A_774 = arith.mulf %get3A_48, %get3A_773 : vector<16xf32>
      %add3A_775 = arith.addf %get3A_769, %mul3A_774 : vector<16xf32>
      %get3A_776 = arith.index_cast %scan3A_44 : i32 to index
      %get3A_777 = arith.constant 544 : index
      %get3A_778 = tpu.vector_load %arg9[%get3A_776, %get3A_777] {strides = array<i32>} : memref<32x768xf32, #tpu.memory_space<vmem>>, vector<1x16xf32>,
      %get3A_779 = vector.shape_cast %get3A_778 : vector<1x16xf32> to vector<16xf32>
      %mul3A_780 = arith.mulf %get3A_52, %get3A_779 : vector<16xf32>
      %add3A_781 = arith.addf %add3A_775, %mul3A_780 : vector<16xf32>
      %swap3A_782 = arith.index_cast %scan3A_44 : i32 to index
      %swap3A_783 = arith.constant 544 : index
      %swap3A_784 = tpu.vector_load %arg7[%swap3A_782, %swap3A_783] {strides = array<i32>} : memref<32x768xf32, #tpu.memory_space<vmem>>, vector<1x16xf32>,
      %swap3A_785 = vector.shape_cast %swap3A_784 : vector<1x16xf32> to vector<16xf32>
      %swap3A_786 = vector.shape_cast %add3A_781 : vector<16xf32> to vector<1x16xf32>
      tpu.vector_store %arg7[%swap3A_782, %swap3A_783], %swap3A_786 {strides = array<i32>} : memref<32x768xf32, #tpu.memory_space<vmem>>, vector<1x16xf32>,
      %get3A_787 = arith.index_cast %scan3A_44 : i32 to index
      %get3A_788 = arith.constant 560 : index
      %get3A_789 = tpu.vector_load %arg7[%get3A_787, %get3A_788] {strides = array<i32>} : memref<32x768xf32, #tpu.memory_space<vmem>>, vector<1x16xf32>,
      %get3A_790 = vector.shape_cast %get3A_789 : vector<1x16xf32> to vector<16xf32>
      %get3A_791 = arith.index_cast %scan3A_44 : i32 to index
      %get3A_792 = arith.constant 560 : index
      %get3A_793 = tpu.vector_load %arg8[%get3A_791, %get3A_792] {strides = array<i32>} : memref<32x768xf32, #tpu.memory_space<vmem>>, vector<1x16xf32>,
      %get3A_794 = vector.shape_cast %get3A_793 : vector<1x16xf32> to vector<16xf32>
      %mul3A_795 = arith.mulf %get3A_48, %get3A_794 : vector<16xf32>
      %add3A_796 = arith.addf %get3A_790, %mul3A_795 : vector<16xf32>
      %get3A_797 = arith.index_cast %scan3A_44 : i32 to index
      %get3A_798 = arith.constant 560 : index
      %get3A_799 = tpu.vector_load %arg9[%get3A_797, %get3A_798] {strides = array<i32>} : memref<32x768xf32, #tpu.memory_space<vmem>>, vector<1x16xf32>,
      %get3A_800 = vector.shape_cast %get3A_799 : vector<1x16xf32> to vector<16xf32>
      %mul3A_801 = arith.mulf %get3A_52, %get3A_800 : vector<16xf32>
      %add3A_802 = arith.addf %add3A_796, %mul3A_801 : vector<16xf32>
      %swap3A_803 = arith.index_cast %scan3A_44 : i32 to index
      %swap3A_804 = arith.constant 560 : index
      %swap3A_805 = tpu.vector_load %arg7[%swap3A_803, %swap3A_804] {strides = array<i32>} : memref<32x768xf32, #tpu.memory_space<vmem>>, vector<1x16xf32>,
      %swap3A_806 = vector.shape_cast %swap3A_805 : vector<1x16xf32> to vector<16xf32>
      %swap3A_807 = vector.shape_cast %add3A_802 : vector<16xf32> to vector<1x16xf32>
      tpu.vector_store %arg7[%swap3A_803, %swap3A_804], %swap3A_807 {strides = array<i32>} : memref<32x768xf32, #tpu.memory_space<vmem>>, vector<1x16xf32>,
      %get3A_808 = arith.index_cast %scan3A_44 : i32 to index
      %get3A_809 = arith.constant 576 : index
      %get3A_810 = tpu.vector_load %arg7[%get3A_808, %get3A_809] {strides = array<i32>} : memref<32x768xf32, #tpu.memory_space<vmem>>, vector<1x16xf32>,
      %get3A_811 = vector.shape_cast %get3A_810 : vector<1x16xf32> to vector<16xf32>
      %get3A_812 = arith.index_cast %scan3A_44 : i32 to index
      %get3A_813 = arith.constant 576 : index
      %get3A_814 = tpu.vector_load %arg8[%get3A_812, %get3A_813] {strides = array<i32>} : memref<32x768xf32, #tpu.memory_space<vmem>>, vector<1x16xf32>,
      %get3A_815 = vector.shape_cast %get3A_814 : vector<1x16xf32> to vector<16xf32>
      %mul3A_816 = arith.mulf %get3A_48, %get3A_815 : vector<16xf32>
      %add3A_817 = arith.addf %get3A_811, %mul3A_816 : vector<16xf32>
      %get3A_818 = arith.index_cast %scan3A_44 : i32 to index
      %get3A_819 = arith.constant 576 : index
      %get3A_820 = tpu.vector_load %arg9[%get3A_818, %get3A_819] {strides = array<i32>} : memref<32x768xf32, #tpu.memory_space<vmem>>, vector<1x16xf32>,
      %get3A_821 = vector.shape_cast %get3A_820 : vector<1x16xf32> to vector<16xf32>
      %mul3A_822 = arith.mulf %get3A_52, %get3A_821 : vector<16xf32>
      %add3A_823 = arith.addf %add3A_817, %mul3A_822 : vector<16xf32>
      %swap3A_824 = arith.index_cast %scan3A_44 : i32 to index
      %swap3A_825 = arith.constant 576 : index
      %swap3A_826 = tpu.vector_load %arg7[%swap3A_824, %swap3A_825] {strides = array<i32>} : memref<32x768xf32, #tpu.memory_space<vmem>>, vector<1x16xf32>,
      %swap3A_827 = vector.shape_cast %swap3A_826 : vector<1x16xf32> to vector<16xf32>
      %swap3A_828 = vector.shape_cast %add3A_823 : vector<16xf32> to vector<1x16xf32>
      tpu.vector_store %arg7[%swap3A_824, %swap3A_825], %swap3A_828 {strides = array<i32>} : memref<32x768xf32, #tpu.memory_space<vmem>>, vector<1x16xf32>,
      %get3A_829 = arith.index_cast %scan3A_44 : i32 to index
      %get3A_830 = arith.constant 592 : index
      %get3A_831 = tpu.vector_load %arg7[%get3A_829, %get3A_830] {strides = array<i32>} : memref<32x768xf32, #tpu.memory_space<vmem>>, vector<1x16xf32>,
      %get3A_832 = vector.shape_cast %get3A_831 : vector<1x16xf32> to vector<16xf32>
      %get3A_833 = arith.index_cast %scan3A_44 : i32 to index
      %get3A_834 = arith.constant 592 : index
      %get3A_835 = tpu.vector_load %arg8[%get3A_833, %get3A_834] {strides = array<i32>} : memref<32x768xf32, #tpu.memory_space<vmem>>, vector<1x16xf32>,
      %get3A_836 = vector.shape_cast %get3A_835 : vector<1x16xf32> to vector<16xf32>
      %mul3A_837 = arith.mulf %get3A_48, %get3A_836 : vector<16xf32>
      %add3A_838 = arith.addf %get3A_832, %mul3A_837 : vector<16xf32>
      %get3A_839 = arith.index_cast %scan3A_44 : i32 to index
      %get3A_840 = arith.constant 592 : index
      %get3A_841 = tpu.vector_load %arg9[%get3A_839, %get3A_840] {strides = array<i32>} : memref<32x768xf32, #tpu.memory_space<vmem>>, vector<1x16xf32>,
      %get3A_842 = vector.shape_cast %get3A_841 : vector<1x16xf32> to vector<16xf32>
      %mul3A_843 = arith.mulf %get3A_52, %get3A_842 : vector<16xf32>
      %add3A_844 = arith.addf %add3A_838, %mul3A_843 : vector<16xf32>
      %swap3A_845 = arith.index_cast %scan3A_44 : i32 to index
      %swap3A_846 = arith.constant 592 : index
      %swap3A_847 = tpu.vector_load %arg7[%swap3A_845, %swap3A_846] {strides = array<i32>} : memref<32x768xf32, #tpu.memory_space<vmem>>, vector<1x16xf32>,
      %swap3A_848 = vector.shape_cast %swap3A_847 : vector<1x16xf32> to vector<16xf32>
      %swap3A_849 = vector.shape_cast %add3A_844 : vector<16xf32> to vector<1x16xf32>
      tpu.vector_store %arg7[%swap3A_845, %swap3A_846], %swap3A_849 {strides = array<i32>} : memref<32x768xf32, #tpu.memory_space<vmem>>, vector<1x16xf32>,
      %get3A_850 = arith.index_cast %scan3A_44 : i32 to index
      %get3A_851 = arith.constant 608 : index
      %get3A_852 = tpu.vector_load %arg7[%get3A_850, %get3A_851] {strides = array<i32>} : memref<32x768xf32, #tpu.memory_space<vmem>>, vector<1x16xf32>,
      %get3A_853 = vector.shape_cast %get3A_852 : vector<1x16xf32> to vector<16xf32>
      %get3A_854 = arith.index_cast %scan3A_44 : i32 to index
      %get3A_855 = arith.constant 608 : index
      %get3A_856 = tpu.vector_load %arg8[%get3A_854, %get3A_855] {strides = array<i32>} : memref<32x768xf32, #tpu.memory_space<vmem>>, vector<1x16xf32>,
      %get3A_857 = vector.shape_cast %get3A_856 : vector<1x16xf32> to vector<16xf32>
      %mul3A_858 = arith.mulf %get3A_48, %get3A_857 : vector<16xf32>
      %add3A_859 = arith.addf %get3A_853, %mul3A_858 : vector<16xf32>
      %get3A_860 = arith.index_cast %scan3A_44 : i32 to index
      %get3A_861 = arith.constant 608 : index
      %get3A_862 = tpu.vector_load %arg9[%get3A_860, %get3A_861] {strides = array<i32>} : memref<32x768xf32, #tpu.memory_space<vmem>>, vector<1x16xf32>,
      %get3A_863 = vector.shape_cast %get3A_862 : vector<1x16xf32> to vector<16xf32>
      %mul3A_864 = arith.mulf %get3A_52, %get3A_863 : vector<16xf32>
      %add3A_865 = arith.addf %add3A_859, %mul3A_864 : vector<16xf32>
      %swap3A_866 = arith.index_cast %scan3A_44 : i32 to index
      %swap3A_867 = arith.constant 608 : index
      %swap3A_868 = tpu.vector_load %arg7[%swap3A_866, %swap3A_867] {strides = array<i32>} : memref<32x768xf32, #tpu.memory_space<vmem>>, vector<1x16xf32>,
      %swap3A_869 = vector.shape_cast %swap3A_868 : vector<1x16xf32> to vector<16xf32>
      %swap3A_870 = vector.shape_cast %add3A_865 : vector<16xf32> to vector<1x16xf32>
      tpu.vector_store %arg7[%swap3A_866, %swap3A_867], %swap3A_870 {strides = array<i32>} : memref<32x768xf32, #tpu.memory_space<vmem>>, vector<1x16xf32>,
      %get3A_871 = arith.index_cast %scan3A_44 : i32 to index
      %get3A_872 = arith.constant 624 : index
      %get3A_873 = tpu.vector_load %arg7[%get3A_871, %get3A_872] {strides = array<i32>} : memref<32x768xf32, #tpu.memory_space<vmem>>, vector<1x16xf32>,
      %get3A_874 = vector.shape_cast %get3A_873 : vector<1x16xf32> to vector<16xf32>
      %get3A_875 = arith.index_cast %scan3A_44 : i32 to index
      %get3A_876 = arith.constant 624 : index
      %get3A_877 = tpu.vector_load %arg8[%get3A_875, %get3A_876] {strides = array<i32>} : memref<32x768xf32, #tpu.memory_space<vmem>>, vector<1x16xf32>,
      %get3A_878 = vector.shape_cast %get3A_877 : vector<1x16xf32> to vector<16xf32>
      %mul3A_879 = arith.mulf %get3A_48, %get3A_878 : vector<16xf32>
      %add3A_880 = arith.addf %get3A_874, %mul3A_879 : vector<16xf32>
      %get3A_881 = arith.index_cast %scan3A_44 : i32 to index
      %get3A_882 = arith.constant 624 : index
      %get3A_883 = tpu.vector_load %arg9[%get3A_881, %get3A_882] {strides = array<i32>} : memref<32x768xf32, #tpu.memory_space<vmem>>, vector<1x16xf32>,
      %get3A_884 = vector.shape_cast %get3A_883 : vector<1x16xf32> to vector<16xf32>
      %mul3A_885 = arith.mulf %get3A_52, %get3A_884 : vector<16xf32>
      %add3A_886 = arith.addf %add3A_880, %mul3A_885 : vector<16xf32>
      %swap3A_887 = arith.index_cast %scan3A_44 : i32 to index
      %swap3A_888 = arith.constant 624 : index
      %swap3A_889 = tpu.vector_load %arg7[%swap3A_887, %swap3A_888] {strides = array<i32>} : memref<32x768xf32, #tpu.memory_space<vmem>>, vector<1x16xf32>,
      %swap3A_890 = vector.shape_cast %swap3A_889 : vector<1x16xf32> to vector<16xf32>
      %swap3A_891 = vector.shape_cast %add3A_886 : vector<16xf32> to vector<1x16xf32>
      tpu.vector_store %arg7[%swap3A_887, %swap3A_888], %swap3A_891 {strides = array<i32>} : memref<32x768xf32, #tpu.memory_space<vmem>>, vector<1x16xf32>,
      %get3A_892 = arith.index_cast %scan3A_44 : i32 to index
      %get3A_893 = arith.constant 640 : index
      %get3A_894 = tpu.vector_load %arg7[%get3A_892, %get3A_893] {strides = array<i32>} : memref<32x768xf32, #tpu.memory_space<vmem>>, vector<1x16xf32>,
      %get3A_895 = vector.shape_cast %get3A_894 : vector<1x16xf32> to vector<16xf32>
      %get3A_896 = arith.index_cast %scan3A_44 : i32 to index
      %get3A_897 = arith.constant 640 : index
      %get3A_898 = tpu.vector_load %arg8[%get3A_896, %get3A_897] {strides = array<i32>} : memref<32x768xf32, #tpu.memory_space<vmem>>, vector<1x16xf32>,
      %get3A_899 = vector.shape_cast %get3A_898 : vector<1x16xf32> to vector<16xf32>
      %mul3A_900 = arith.mulf %get3A_48, %get3A_899 : vector<16xf32>
      %add3A_901 = arith.addf %get3A_895, %mul3A_900 : vector<16xf32>
      %get3A_902 = arith.index_cast %scan3A_44 : i32 to index
      %get3A_903 = arith.constant 640 : index
      %get3A_904 = tpu.vector_load %arg9[%get3A_902, %get3A_903] {strides = array<i32>} : memref<32x768xf32, #tpu.memory_space<vmem>>, vector<1x16xf32>,
      %get3A_905 = vector.shape_cast %get3A_904 : vector<1x16xf32> to vector<16xf32>
      %mul3A_906 = arith.mulf %get3A_52, %get3A_905 : vector<16xf32>
      %add3A_907 = arith.addf %add3A_901, %mul3A_906 : vector<16xf32>
      %swap3A_908 = arith.index_cast %scan3A_44 : i32 to index
      %swap3A_909 = arith.constant 640 : index
      %swap3A_910 = tpu.vector_load %arg7[%swap3A_908, %swap3A_909] {strides = array<i32>} : memref<32x768xf32, #tpu.memory_space<vmem>>, vector<1x16xf32>,
      %swap3A_911 = vector.shape_cast %swap3A_910 : vector<1x16xf32> to vector<16xf32>
      %swap3A_912 = vector.shape_cast %add3A_907 : vector<16xf32> to vector<1x16xf32>
      tpu.vector_store %arg7[%swap3A_908, %swap3A_909], %swap3A_912 {strides = array<i32>} : memref<32x768xf32, #tpu.memory_space<vmem>>, vector<1x16xf32>,
      %get3A_913 = arith.index_cast %scan3A_44 : i32 to index
      %get3A_914 = arith.constant 656 : index
      %get3A_915 = tpu.vector_load %arg7[%get3A_913, %get3A_914] {strides = array<i32>} : memref<32x768xf32, #tpu.memory_space<vmem>>, vector<1x16xf32>,
      %get3A_916 = vector.shape_cast %get3A_915 : vector<1x16xf32> to vector<16xf32>
      %get3A_917 = arith.index_cast %scan3A_44 : i32 to index
      %get3A_918 = arith.constant 656 : index
      %get3A_919 = tpu.vector_load %arg8[%get3A_917, %get3A_918] {strides = array<i32>} : memref<32x768xf32, #tpu.memory_space<vmem>>, vector<1x16xf32>,
      %get3A_920 = vector.shape_cast %get3A_919 : vector<1x16xf32> to vector<16xf32>
      %mul3A_921 = arith.mulf %get3A_48, %get3A_920 : vector<16xf32>
      %add3A_922 = arith.addf %get3A_916, %mul3A_921 : vector<16xf32>
      %get3A_923 = arith.index_cast %scan3A_44 : i32 to index
      %get3A_924 = arith.constant 656 : index
      %get3A_925 = tpu.vector_load %arg9[%get3A_923, %get3A_924] {strides = array<i32>} : memref<32x768xf32, #tpu.memory_space<vmem>>, vector<1x16xf32>,
      %get3A_926 = vector.shape_cast %get3A_925 : vector<1x16xf32> to vector<16xf32>
      %mul3A_927 = arith.mulf %get3A_52, %get3A_926 : vector<16xf32>
      %add3A_928 = arith.addf %add3A_922, %mul3A_927 : vector<16xf32>
      %swap3A_929 = arith.index_cast %scan3A_44 : i32 to index
      %swap3A_930 = arith.constant 656 : index
      %swap3A_931 = tpu.vector_load %arg7[%swap3A_929, %swap3A_930] {strides = array<i32>} : memref<32x768xf32, #tpu.memory_space<vmem>>, vector<1x16xf32>,
      %swap3A_932 = vector.shape_cast %swap3A_931 : vector<1x16xf32> to vector<16xf32>
      %swap3A_933 = vector.shape_cast %add3A_928 : vector<16xf32> to vector<1x16xf32>
      tpu.vector_store %arg7[%swap3A_929, %swap3A_930], %swap3A_933 {strides = array<i32>} : memref<32x768xf32, #tpu.memory_space<vmem>>, vector<1x16xf32>,
      %get3A_934 = arith.index_cast %scan3A_44 : i32 to index
      %get3A_935 = arith.constant 672 : index
      %get3A_936 = tpu.vector_load %arg7[%get3A_934, %get3A_935] {strides = array<i32>} : memref<32x768xf32, #tpu.memory_space<vmem>>, vector<1x16xf32>,
      %get3A_937 = vector.shape_cast %get3A_936 : vector<1x16xf32> to vector<16xf32>
      %get3A_938 = arith.index_cast %scan3A_44 : i32 to index
      %get3A_939 = arith.constant 672 : index
      %get3A_940 = tpu.vector_load %arg8[%get3A_938, %get3A_939] {strides = array<i32>} : memref<32x768xf32, #tpu.memory_space<vmem>>, vector<1x16xf32>,
      %get3A_941 = vector.shape_cast %get3A_940 : vector<1x16xf32> to vector<16xf32>
      %mul3A_942 = arith.mulf %get3A_48, %get3A_941 : vector<16xf32>
      %add3A_943 = arith.addf %get3A_937, %mul3A_942 : vector<16xf32>
      %get3A_944 = arith.index_cast %scan3A_44 : i32 to index
      %get3A_945 = arith.constant 672 : index
      %get3A_946 = tpu.vector_load %arg9[%get3A_944, %get3A_945] {strides = array<i32>} : memref<32x768xf32, #tpu.memory_space<vmem>>, vector<1x16xf32>,
      %get3A_947 = vector.shape_cast %get3A_946 : vector<1x16xf32> to vector<16xf32>
      %mul3A_948 = arith.mulf %get3A_52, %get3A_947 : vector<16xf32>
      %add3A_949 = arith.addf %add3A_943, %mul3A_948 : vector<16xf32>
      %swap3A_950 = arith.index_cast %scan3A_44 : i32 to index
      %swap3A_951 = arith.constant 672 : index
      %swap3A_952 = tpu.vector_load %arg7[%swap3A_950, %swap3A_951] {strides = array<i32>} : memref<32x768xf32, #tpu.memory_space<vmem>>, vector<1x16xf32>,
      %swap3A_953 = vector.shape_cast %swap3A_952 : vector<1x16xf32> to vector<16xf32>
      %swap3A_954 = vector.shape_cast %add3A_949 : vector<16xf32> to vector<1x16xf32>
      tpu.vector_store %arg7[%swap3A_950, %swap3A_951], %swap3A_954 {strides = array<i32>} : memref<32x768xf32, #tpu.memory_space<vmem>>, vector<1x16xf32>,
      %get3A_955 = arith.index_cast %scan3A_44 : i32 to index
      %get3A_956 = arith.constant 688 : index
      %get3A_957 = tpu.vector_load %arg7[%get3A_955, %get3A_956] {strides = array<i32>} : memref<32x768xf32, #tpu.memory_space<vmem>>, vector<1x16xf32>,
      %get3A_958 = vector.shape_cast %get3A_957 : vector<1x16xf32> to vector<16xf32>
      %get3A_959 = arith.index_cast %scan3A_44 : i32 to index
      %get3A_960 = arith.constant 688 : index
      %get3A_961 = tpu.vector_load %arg8[%get3A_959, %get3A_960] {strides = array<i32>} : memref<32x768xf32, #tpu.memory_space<vmem>>, vector<1x16xf32>,
      %get3A_962 = vector.shape_cast %get3A_961 : vector<1x16xf32> to vector<16xf32>
      %mul3A_963 = arith.mulf %get3A_48, %get3A_962 : vector<16xf32>
      %add3A_964 = arith.addf %get3A_958, %mul3A_963 : vector<16xf32>
      %get3A_965 = arith.index_cast %scan3A_44 : i32 to index
      %get3A_966 = arith.constant 688 : index
      %get3A_967 = tpu.vector_load %arg9[%get3A_965, %get3A_966] {strides = array<i32>} : memref<32x768xf32, #tpu.memory_space<vmem>>, vector<1x16xf32>,
      %get3A_968 = vector.shape_cast %get3A_967 : vector<1x16xf32> to vector<16xf32>
      %mul3A_969 = arith.mulf %get3A_52, %get3A_968 : vector<16xf32>
      %add3A_970 = arith.addf %add3A_964, %mul3A_969 : vector<16xf32>
      %swap3A_971 = arith.index_cast %scan3A_44 : i32 to index
      %swap3A_972 = arith.constant 688 : index
      %swap3A_973 = tpu.vector_load %arg7[%swap3A_971, %swap3A_972] {strides = array<i32>} : memref<32x768xf32, #tpu.memory_space<vmem>>, vector<1x16xf32>,
      %swap3A_974 = vector.shape_cast %swap3A_973 : vector<1x16xf32> to vector<16xf32>
      %swap3A_975 = vector.shape_cast %add3A_970 : vector<16xf32> to vector<1x16xf32>
      tpu.vector_store %arg7[%swap3A_971, %swap3A_972], %swap3A_975 {strides = array<i32>} : memref<32x768xf32, #tpu.memory_space<vmem>>, vector<1x16xf32>,
      %get3A_976 = arith.index_cast %scan3A_44 : i32 to index
      %get3A_977 = arith.constant 704 : index
      %get3A_978 = tpu.vector_load %arg7[%get3A_976, %get3A_977] {strides = array<i32>} : memref<32x768xf32, #tpu.memory_space<vmem>>, vector<1x16xf32>,
      %get3A_979 = vector.shape_cast %get3A_978 : vector<1x16xf32> to vector<16xf32>
      %get3A_980 = arith.index_cast %scan3A_44 : i32 to index
      %get3A_981 = arith.constant 704 : index
      %get3A_982 = tpu.vector_load %arg8[%get3A_980, %get3A_981] {strides = array<i32>} : memref<32x768xf32, #tpu.memory_space<vmem>>, vector<1x16xf32>,
      %get3A_983 = vector.shape_cast %get3A_982 : vector<1x16xf32> to vector<16xf32>
      %mul3A_984 = arith.mulf %get3A_48, %get3A_983 : vector<16xf32>
      %add3A_985 = arith.addf %get3A_979, %mul3A_984 : vector<16xf32>
      %get3A_986 = arith.index_cast %scan3A_44 : i32 to index
      %get3A_987 = arith.constant 704 : index
      %get3A_988 = tpu.vector_load %arg9[%get3A_986, %get3A_987] {strides = array<i32>} : memref<32x768xf32, #tpu.memory_space<vmem>>, vector<1x16xf32>,
      %get3A_989 = vector.shape_cast %get3A_988 : vector<1x16xf32> to vector<16xf32>
      %mul3A_990 = arith.mulf %get3A_52, %get3A_989 : vector<16xf32>
      %add3A_991 = arith.addf %add3A_985, %mul3A_990 : vector<16xf32>
      %swap3A_992 = arith.index_cast %scan3A_44 : i32 to index
      %swap3A_993 = arith.constant 704 : index
      %swap3A_994 = tpu.vector_load %arg7[%swap3A_992, %swap3A_993] {strides = array<i32>} : memref<32x768xf32, #tpu.memory_space<vmem>>, vector<1x16xf32>,
      %swap3A_995 = vector.shape_cast %swap3A_994 : vector<1x16xf32> to vector<16xf32>
      %swap3A_996 = vector.shape_cast %add3A_991 : vector<16xf32> to vector<1x16xf32>
      tpu.vector_store %arg7[%swap3A_992, %swap3A_993], %swap3A_996 {strides = array<i32>} : memref<32x768xf32, #tpu.memory_space<vmem>>, vector<1x16xf32>,
      %get3A_997 = arith.index_cast %scan3A_44 : i32 to index
      %get3A_998 = arith.constant 720 : index
      %get3A_999 = tpu.vector_load %arg7[%get3A_997, %get3A_998] {strides = array<i32>} : memref<32x768xf32, #tpu.memory_space<vmem>>, vector<1x16xf32>,
      %get3A_1000 = vector.shape_cast %get3A_999 : vector<1x16xf32> to vector<16xf32>
      %get3A_1001 = arith.index_cast %scan3A_44 : i32 to index
      %get3A_1002 = arith.constant 720 : index
      %get3A_1003 = tpu.vector_load %arg8[%get3A_1001, %get3A_1002] {strides = array<i32>} : memref<32x768xf32, #tpu.memory_space<vmem>>, vector<1x16xf32>,
      %get3A_1004 = vector.shape_cast %get3A_1003 : vector<1x16xf32> to vector<16xf32>
      %mul3A_1005 = arith.mulf %get3A_48, %get3A_1004 : vector<16xf32>
      %add3A_1006 = arith.addf %get3A_1000, %mul3A_1005 : vector<16xf32>
      %get3A_1007 = arith.index_cast %scan3A_44 : i32 to index
      %get3A_1008 = arith.constant 720 : index
      %get3A_1009 = tpu.vector_load %arg9[%get3A_1007, %get3A_1008] {strides = array<i32>} : memref<32x768xf32, #tpu.memory_space<vmem>>, vector<1x16xf32>,
      %get3A_1010 = vector.shape_cast %get3A_1009 : vector<1x16xf32> to vector<16xf32>
      %mul3A_1011 = arith.mulf %get3A_52, %get3A_1010 : vector<16xf32>
      %add3A_1012 = arith.addf %add3A_1006, %mul3A_1011 : vector<16xf32>
      %swap3A_1013 = arith.index_cast %scan3A_44 : i32 to index
      %swap3A_1014 = arith.constant 720 : index
      %swap3A_1015 = tpu.vector_load %arg7[%swap3A_1013, %swap3A_1014] {strides = array<i32>} : memref<32x768xf32, #tpu.memory_space<vmem>>, vector<1x16xf32>,
      %swap3A_1016 = vector.shape_cast %swap3A_1015 : vector<1x16xf32> to vector<16xf32>
      %swap3A_1017 = vector.shape_cast %add3A_1012 : vector<16xf32> to vector<1x16xf32>
      tpu.vector_store %arg7[%swap3A_1013, %swap3A_1014], %swap3A_1017 {strides = array<i32>} : memref<32x768xf32, #tpu.memory_space<vmem>>, vector<1x16xf32>,
      %get3A_1018 = arith.index_cast %scan3A_44 : i32 to index
      %get3A_1019 = arith.constant 736 : index
      %get3A_1020 = tpu.vector_load %arg7[%get3A_1018, %get3A_1019] {strides = array<i32>} : memref<32x768xf32, #tpu.memory_space<vmem>>, vector<1x16xf32>,
      %get3A_1021 = vector.shape_cast %get3A_1020 : vector<1x16xf32> to vector<16xf32>
      %get3A_1022 = arith.index_cast %scan3A_44 : i32 to index
      %get3A_1023 = arith.constant 736 : index
      %get3A_1024 = tpu.vector_load %arg8[%get3A_1022, %get3A_1023] {strides = array<i32>} : memref<32x768xf32, #tpu.memory_space<vmem>>, vector<1x16xf32>,
      %get3A_1025 = vector.shape_cast %get3A_1024 : vector<1x16xf32> to vector<16xf32>
      %mul3A_1026 = arith.mulf %get3A_48, %get3A_1025 : vector<16xf32>
      %add3A_1027 = arith.addf %get3A_1021, %mul3A_1026 : vector<16xf32>
      %get3A_1028 = arith.index_cast %scan3A_44 : i32 to index
      %get3A_1029 = arith.constant 736 : index
      %get3A_1030 = tpu.vector_load %arg9[%get3A_1028, %get3A_1029] {strides = array<i32>} : memref<32x768xf32, #tpu.memory_space<vmem>>, vector<1x16xf32>,
      %get3A_1031 = vector.shape_cast %get3A_1030 : vector<1x16xf32> to vector<16xf32>
      %mul3A_1032 = arith.mulf %get3A_52, %get3A_1031 : vector<16xf32>
      %add3A_1033 = arith.addf %add3A_1027, %mul3A_1032 : vector<16xf32>
      %swap3A_1034 = arith.index_cast %scan3A_44 : i32 to index
      %swap3A_1035 = arith.constant 736 : index
      %swap3A_1036 = tpu.vector_load %arg7[%swap3A_1034, %swap3A_1035] {strides = array<i32>} : memref<32x768xf32, #tpu.memory_space<vmem>>, vector<1x16xf32>,
      %swap3A_1037 = vector.shape_cast %swap3A_1036 : vector<1x16xf32> to vector<16xf32>
      %swap3A_1038 = vector.shape_cast %add3A_1033 : vector<16xf32> to vector<1x16xf32>
      tpu.vector_store %arg7[%swap3A_1034, %swap3A_1035], %swap3A_1038 {strides = array<i32>} : memref<32x768xf32, #tpu.memory_space<vmem>>, vector<1x16xf32>,
      %get3A_1039 = arith.index_cast %scan3A_44 : i32 to index
      %get3A_1040 = arith.constant 752 : index
      %get3A_1041 = tpu.vector_load %arg7[%get3A_1039, %get3A_1040] {strides = array<i32>} : memref<32x768xf32, #tpu.memory_space<vmem>>, vector<1x16xf32>,
      %get3A_1042 = vector.shape_cast %get3A_1041 : vector<1x16xf32> to vector<16xf32>
      %get3A_1043 = arith.index_cast %scan3A_44 : i32 to index
      %get3A_1044 = arith.constant 752 : index
      %get3A_1045 = tpu.vector_load %arg8[%get3A_1043, %get3A_1044] {strides = array<i32>} : memref<32x768xf32, #tpu.memory_space<vmem>>, vector<1x16xf32>,
      %get3A_1046 = vector.shape_cast %get3A_1045 : vector<1x16xf32> to vector<16xf32>
      %mul3A_1047 = arith.mulf %get3A_48, %get3A_1046 : vector<16xf32>
      %add3A_1048 = arith.addf %get3A_1042, %mul3A_1047 : vector<16xf32>
      %get3A_1049 = arith.index_cast %scan3A_44 : i32 to index
      %get3A_1050 = arith.constant 752 : index
      %get3A_1051 = tpu.vector_load %arg9[%get3A_1049, %get3A_1050] {strides = array<i32>} : memref<32x768xf32, #tpu.memory_space<vmem>>, vector<1x16xf32>,
      %get3A_1052 = vector.shape_cast %get3A_1051 : vector<1x16xf32> to vector<16xf32>
      %mul3A_1053 = arith.mulf %get3A_52, %get3A_1052 : vector<16xf32>
      %add3A_1054 = arith.addf %add3A_1048, %mul3A_1053 : vector<16xf32>
      %swap3A_1055 = arith.index_cast %scan3A_44 : i32 to index
      %swap3A_1056 = arith.constant 752 : index
      %swap3A_1057 = tpu.vector_load %arg7[%swap3A_1055, %swap3A_1056] {strides = array<i32>} : memref<32x768xf32, #tpu.memory_space<vmem>>, vector<1x16xf32>,
      %swap3A_1058 = vector.shape_cast %swap3A_1057 : vector<1x16xf32> to vector<16xf32>
      %swap3A_1059 = vector.shape_cast %add3A_1054 : vector<16xf32> to vector<1x16xf32>
      tpu.vector_store %arg7[%swap3A_1055, %swap3A_1056], %swap3A_1059 {strides = array<i32>} : memref<32x768xf32, #tpu.memory_space<vmem>>, vector<1x16xf32>,
      %scan3A_1060 = arith.constant 0 : i32
      scf.yield %scan3A_1060 : i32
    }
    %scan3A_43 = arith.constant 32 : i32
    "tpu.region"() ({
      %run_scoped3A = tpu.sem_alloc : memref<!tpu.dma_semaphore, #tpu.memory_space<semaphore_mem>>
      %dma_start3A_44 = arith.constant 0 : i32
      %dma_start3A_45 = tpu.memref_slice %arg6[%add3A_24, %dma_start3A_44] : memref<2048x768xf32, #tpu.memory_space<hbm>> -> memref<32x768xf32, #tpu.memory_space<hbm>>
      %dma_start3A_46 = arith.constant 0 : i32
      %dma_start3A_47 = tpu.memref_slice %arg6[%add3A_24, %dma_start3A_46] : memref<2048x768xf32, #tpu.memory_space<hbm>> -> memref<32x768xf32, #tpu.memory_space<hbm>>
      tpu.enqueue_dma source(%arg7 : memref<32x768xf32, #tpu.memory_space<vmem>>) target(%dma_start3A_47 : memref<32x768xf32, #tpu.memory_space<hbm>>) target_semaphore(%run_scoped3A : memref<!tpu.dma_semaphore, #tpu.memory_space<semaphore_mem>>)
      %dma_wait3A_48 = arith.constant 0 : i32
      %dma_wait3A_49 = tpu.memref_slice %arg6[%add3A_24, %dma_wait3A_48] : memref<2048x768xf32, #tpu.memory_space<hbm>> -> memref<32x768xf32, #tpu.memory_space<hbm>>
      %dma_wait3A_50 = arith.constant 0 : i32
      %dma_wait3A_51 = tpu.memref_slice %arg6[%add3A_24, %dma_wait3A_50] : memref<2048x768xf32, #tpu.memory_space<hbm>> -> memref<32x768xf32, #tpu.memory_space<hbm>>
      tpu.wait_dma2 semaphore(%run_scoped3A : memref<!tpu.dma_semaphore, #tpu.memory_space<semaphore_mem>>) src(%arg7 : memref<32x768xf32, #tpu.memory_space<vmem>>) dst(%dma_wait3A_51 : memref<32x768xf32, #tpu.memory_space<hbm>>)
      tpu.yield
    }) : () -> ()
    return
  }
}

module attributes {stable_mosaic.version = 14 : i64} {
  func.func @_gemm_body(%arg0: i32, %arg1: memref<128x8xi32, #tpu.memory_space<smem>>, %arg2: memref<128x768xf32, #tpu.memory_space<vmem>>, %arg3: memref<1x768x384xf32, #tpu.memory_space<vmem>>, %arg4: memref<1x768x384xf32, #tpu.memory_space<vmem>>, %arg5: memref<1x384x768xf32, #tpu.memory_space<vmem>>, %arg6: memref<768x384xf32, #tpu.memory_space<vmem>>, %arg7: memref<768x384xf32, #tpu.memory_space<vmem>>, %arg8: memref<384x768xf32, #tpu.memory_space<vmem>>, %arg9: memref<128x768xf32, #tpu.memory_space<vmem>>, %arg10: memref<768x384xbf16, #tpu.memory_space<vmem>>, %arg11: memref<768x384xbf16, #tpu.memory_space<vmem>>, %arg12: memref<384x768xbf16, #tpu.memory_space<vmem>>) attributes {dimension_semantics = [#tpu.dimension_semantics<arbitrary>], iteration_bounds = array<i64: 55>, scalar_prefetch = 1 : i64, scratch_operands = 3 : i64, tpu.core_type = #tpu.core_type<tc>, window_params = [{transform_indices = @transform_0, window_bounds = array<i64: 128, 768>}, {transform_indices = @transform_1, window_bounds = array<i64: 1, 768, 384>}, {transform_indices = @transform_2, window_bounds = array<i64: 1, 768, 384>}, {transform_indices = @transform_3, window_bounds = array<i64: 1, 384, 768>}, {pipeline_mode = #tpu.pipeline_mode<synchronous>, transform_indices = @transform_4, window_bounds = array<i64: 768, 384>}, {pipeline_mode = #tpu.pipeline_mode<synchronous>, transform_indices = @transform_5, window_bounds = array<i64: 768, 384>}, {pipeline_mode = #tpu.pipeline_mode<synchronous>, transform_indices = @transform_6, window_bounds = array<i64: 384, 768>}, {transform_indices = @transform_7, window_bounds = array<i64: 128, 768>}]} {
    %get3A = arith.index_cast %arg0 : i32 to index
    %get3A_0 = arith.constant 0 : index
    %get3A_1 = memref.load %arg1[%get3A, %get3A_0] : memref<128x8xi32, #tpu.memory_space<smem>>
    %eq3A = arith.constant 0 : i32
    %eq3A_2 = arith.cmpi eq, %arg0, %eq3A : i32
    %sub3A = arith.constant 1 : i32
    %sub3A_3 = arith.subi %arg0, %sub3A : i32
    %max3A = arith.constant 0 : i32
    %max3A_4 = arith.maxsi %sub3A_3, %max3A : i32
    %get3A_5 = arith.index_cast %max3A_4 : i32 to index
    %get3A_6 = arith.constant 0 : index
    %get3A_7 = memref.load %arg1[%get3A_5, %get3A_6] : memref<128x8xi32, #tpu.memory_space<smem>>
    %ne3A = arith.cmpi ne, %get3A_1, %get3A_7 : i32
    %or3A = arith.ori %eq3A_2, %ne3A : i1
    %convert_element_type3A = arith.extui %or3A : i1 to i32
    %cond3A = arith.constant 0 : i32
    %cond3A_8 = arith.cmpi ne, %convert_element_type3A, %cond3A : i32
    scf.if %cond3A_8 {
      %eq3A_36 = arith.constant 7 : i32
      %eq3A_37 = arith.cmpi eq, %get3A_1, %eq3A_36 : i32
      %convert_element_type3A_38 = arith.extui %eq3A_37 : i1 to i32
      %cond3A_39 = arith.constant 0 : i32
      %cond3A_40 = arith.cmpi ne, %convert_element_type3A_38, %cond3A_39 : i32
      scf.if %cond3A_40 {
        %get3A_46 = arith.constant 0 : index
        %get3A_47 = arith.constant 0 : index
        %get3A_48 = vector.load %arg6[%get3A_46, %get3A_47] : memref<768x384xf32, #tpu.memory_space<vmem>>, vector<768x384xf32>
        %convert_element_type3A_49 = arith.truncf %get3A_48 : vector<768x384xf32> to vector<768x384xbf16>
        %swap3A_50 = arith.constant 0 : index
        %swap3A_51 = arith.constant 0 : index
        %swap3A_52 = vector.load %arg10[%swap3A_50, %swap3A_51] : memref<768x384xbf16, #tpu.memory_space<vmem>>, vector<768x384xbf16>
        tpu.vector_store %arg10[%swap3A_50, %swap3A_51], %convert_element_type3A_49 {strides = array<i32>} : memref<768x384xbf16, #tpu.memory_space<vmem>>, vector<768x384xbf16>,
        %get3A_53 = arith.constant 0 : index
        %get3A_54 = arith.constant 0 : index
        %get3A_55 = vector.load %arg7[%get3A_53, %get3A_54] : memref<768x384xf32, #tpu.memory_space<vmem>>, vector<768x384xf32>
        %convert_element_type3A_56 = arith.truncf %get3A_55 : vector<768x384xf32> to vector<768x384xbf16>
        %swap3A_57 = arith.constant 0 : index
        %swap3A_58 = arith.constant 0 : index
        %swap3A_59 = vector.load %arg11[%swap3A_57, %swap3A_58] : memref<768x384xbf16, #tpu.memory_space<vmem>>, vector<768x384xbf16>
        tpu.vector_store %arg11[%swap3A_57, %swap3A_58], %convert_element_type3A_56 {strides = array<i32>} : memref<768x384xbf16, #tpu.memory_space<vmem>>, vector<768x384xbf16>,
        %get3A_60 = arith.constant 0 : index
        %get3A_61 = arith.constant 0 : index
        %get3A_62 = vector.load %arg8[%get3A_60, %get3A_61] : memref<384x768xf32, #tpu.memory_space<vmem>>, vector<384x768xf32>
        %convert_element_type3A_63 = arith.truncf %get3A_62 : vector<384x768xf32> to vector<384x768xbf16>
        %swap3A_64 = arith.constant 0 : index
        %swap3A_65 = arith.constant 0 : index
        %swap3A_66 = vector.load %arg12[%swap3A_64, %swap3A_65] : memref<384x768xbf16, #tpu.memory_space<vmem>>, vector<384x768xbf16>
        tpu.vector_store %arg12[%swap3A_64, %swap3A_65], %convert_element_type3A_63 {strides = array<i32>} : memref<384x768xbf16, #tpu.memory_space<vmem>>, vector<384x768xbf16>,
      } else {
      }
      %ne3A_41 = arith.constant 7 : i32
      %ne3A_42 = arith.cmpi ne, %get3A_1, %ne3A_41 : i32
      %convert_element_type3A_43 = arith.extui %ne3A_42 : i1 to i32
      %cond3A_44 = arith.constant 0 : i32
      %cond3A_45 = arith.cmpi ne, %convert_element_type3A_43, %cond3A_44 : i32
      scf.if %cond3A_45 {
        %get3A_46 = arith.constant 0 : index
        %get3A_47 = arith.constant 0 : index
        %get3A_48 = arith.constant 0 : index
        %get3A_49 = vector.load %arg3[%get3A_46, %get3A_47, %get3A_48] : memref<1x768x384xf32, #tpu.memory_space<vmem>>, vector<1x768x384xf32>
        %get3A_50 = vector.shape_cast %get3A_49 : vector<1x768x384xf32> to vector<768x384xf32>
        %convert_element_type3A_51 = arith.truncf %get3A_50 : vector<768x384xf32> to vector<768x384xbf16>
        %swap3A_52 = arith.constant 0 : index
        %swap3A_53 = arith.constant 0 : index
        %swap3A_54 = vector.load %arg10[%swap3A_52, %swap3A_53] : memref<768x384xbf16, #tpu.memory_space<vmem>>, vector<768x384xbf16>
        tpu.vector_store %arg10[%swap3A_52, %swap3A_53], %convert_element_type3A_51 {strides = array<i32>} : memref<768x384xbf16, #tpu.memory_space<vmem>>, vector<768x384xbf16>,
        %get3A_55 = arith.constant 0 : index
        %get3A_56 = arith.constant 0 : index
        %get3A_57 = arith.constant 0 : index
        %get3A_58 = vector.load %arg4[%get3A_55, %get3A_56, %get3A_57] : memref<1x768x384xf32, #tpu.memory_space<vmem>>, vector<1x768x384xf32>
        %get3A_59 = vector.shape_cast %get3A_58 : vector<1x768x384xf32> to vector<768x384xf32>
        %convert_element_type3A_60 = arith.truncf %get3A_59 : vector<768x384xf32> to vector<768x384xbf16>
        %swap3A_61 = arith.constant 0 : index
        %swap3A_62 = arith.constant 0 : index
        %swap3A_63 = vector.load %arg11[%swap3A_61, %swap3A_62] : memref<768x384xbf16, #tpu.memory_space<vmem>>, vector<768x384xbf16>
        tpu.vector_store %arg11[%swap3A_61, %swap3A_62], %convert_element_type3A_60 {strides = array<i32>} : memref<768x384xbf16, #tpu.memory_space<vmem>>, vector<768x384xbf16>,
        %get3A_64 = arith.constant 0 : index
        %get3A_65 = arith.constant 0 : index
        %get3A_66 = arith.constant 0 : index
        %get3A_67 = vector.load %arg5[%get3A_64, %get3A_65, %get3A_66] : memref<1x384x768xf32, #tpu.memory_space<vmem>>, vector<1x384x768xf32>
        %get3A_68 = vector.shape_cast %get3A_67 : vector<1x384x768xf32> to vector<384x768xf32>
        %convert_element_type3A_69 = arith.truncf %get3A_68 : vector<384x768xf32> to vector<384x768xbf16>
        %swap3A_70 = arith.constant 0 : index
        %swap3A_71 = arith.constant 0 : index
        %swap3A_72 = vector.load %arg12[%swap3A_70, %swap3A_71] : memref<384x768xbf16, #tpu.memory_space<vmem>>, vector<384x768xbf16>
        tpu.vector_store %arg12[%swap3A_70, %swap3A_71], %convert_element_type3A_69 {strides = array<i32>} : memref<384x768xbf16, #tpu.memory_space<vmem>>, vector<384x768xbf16>,
      } else {
      }
    } else {
    }
    %get3A_9 = arith.constant 0 : index
    %get3A_10 = arith.constant 0 : index
    %get3A_11 = vector.load %arg2[%get3A_9, %get3A_10] : memref<128x768xf32, #tpu.memory_space<vmem>>, vector<128x768xf32>
    %convert_element_type3A_12 = arith.truncf %get3A_11 : vector<128x768xf32> to vector<128x768xbf16>
    %get3A_13 = arith.constant 0 : index
    %get3A_14 = arith.constant 0 : index
    %get3A_15 = vector.load %arg10[%get3A_13, %get3A_14] : memref<768x384xbf16, #tpu.memory_space<vmem>>, vector<768x384xbf16>
    %dot_general3A = arith.constant dense<0.000000e+00> : vector<128x384xf32>
    %dot_general3A_16 = tpu.matmul %convert_element_type3A_12, %get3A_15, %dot_general3A {dimension_numbers = #tpu.dot_dimension_numbers<[1], [0], [0], [1], [0, 0, 1, 1], [], []>, transpose_lhs_hint = false} : vector<128x768xbf16>, vector<768x384xbf16>, vector<128x384xf32> -> vector<128x384xf32>
    %logistic3A = arith.negf %dot_general3A_16 : vector<128x384xf32>
    %logistic3A_17 = math.exp %logistic3A : vector<128x384xf32>
    %logistic3A_18 = arith.constant 1.000000e+00 : f32
    %logistic3A_19 = vector.broadcast %logistic3A_18 : f32 to vector<128x384xf32>
    %logistic3A_20 = arith.addf %logistic3A_19, %logistic3A_17 : vector<128x384xf32>
    %logistic3A_21 = arith.divf %logistic3A_19, %logistic3A_20 : vector<128x384xf32>
    %mul3A = arith.mulf %dot_general3A_16, %logistic3A_21 : vector<128x384xf32>
    %get3A_22 = arith.constant 0 : index
    %get3A_23 = arith.constant 0 : index
    %get3A_24 = vector.load %arg11[%get3A_22, %get3A_23] : memref<768x384xbf16, #tpu.memory_space<vmem>>, vector<768x384xbf16>
    %dot_general3A_25 = arith.constant dense<0.000000e+00> : vector<128x384xf32>
    %dot_general3A_26 = tpu.matmul %convert_element_type3A_12, %get3A_24, %dot_general3A_25 {dimension_numbers = #tpu.dot_dimension_numbers<[1], [0], [0], [1], [0, 0, 1, 1], [], []>, transpose_lhs_hint = false} : vector<128x768xbf16>, vector<768x384xbf16>, vector<128x384xf32> -> vector<128x384xf32>
    %mul3A_27 = arith.mulf %mul3A, %dot_general3A_26 : vector<128x384xf32>
    %convert_element_type3A_28 = arith.truncf %mul3A_27 : vector<128x384xf32> to vector<128x384xbf16>
    %get3A_29 = arith.constant 0 : index
    %get3A_30 = arith.constant 0 : index
    %get3A_31 = vector.load %arg12[%get3A_29, %get3A_30] : memref<384x768xbf16, #tpu.memory_space<vmem>>, vector<384x768xbf16>
    %dot_general3A_32 = arith.constant dense<0.000000e+00> : vector<128x768xf32>
    %dot_general3A_33 = tpu.matmul %convert_element_type3A_28, %get3A_31, %dot_general3A_32 {dimension_numbers = #tpu.dot_dimension_numbers<[1], [0], [0], [1], [0, 0, 1, 1], [], []>, transpose_lhs_hint = false} : vector<128x384xbf16>, vector<384x768xbf16>, vector<128x768xf32> -> vector<128x768xf32>
    %swap3A = arith.constant 0 : index
    %swap3A_34 = arith.constant 0 : index
    %swap3A_35 = vector.load %arg9[%swap3A, %swap3A_34] : memref<128x768xf32, #tpu.memory_space<vmem>>, vector<128x768xf32>
    tpu.vector_store %arg9[%swap3A, %swap3A_34], %dot_general3A_33 {strides = array<i32>} : memref<128x768xf32, #tpu.memory_space<vmem>>, vector<128x768xf32>,
    return
  }
  func.func @transform_0(%arg0: i32, %arg1: memref<128x8xi32, #tpu.memory_space<smem>>) -> (i32, i32) {
    %c0_i32 = arith.constant 0 : i32
    %c0_i32_0 = arith.constant 0 : i32
    return %arg0, %c0_i32 : i32, i32
  }
  func.func @transform_1(%arg0: i32, %arg1: memref<128x8xi32, #tpu.memory_space<smem>>) -> (i32, i32, i32) {
    %get3A = arith.index_cast %arg0 : i32 to index
    %get3A_0 = arith.constant 0 : index
    %get3A_1 = memref.load %arg1[%get3A, %get3A_0] : memref<128x8xi32, #tpu.memory_space<smem>>
    %eq3A = arith.constant 7 : i32
    %eq3A_2 = arith.cmpi eq, %get3A_1, %eq3A : i32
    %get3A_3 = arith.index_cast %arg0 : i32 to index
    %get3A_4 = arith.constant 0 : index
    %get3A_5 = memref.load %arg1[%get3A_3, %get3A_4] : memref<128x8xi32, #tpu.memory_space<smem>>
    %jit3A = arith.constant 0 : i32
    %select_n3A = arith.select %eq3A_2, %jit3A, %get3A_5 : i32
    %c0_i32 = arith.constant 0 : i32
    %c0_i32_6 = arith.constant 0 : i32
    %c0_i32_7 = arith.constant 0 : i32
    return %select_n3A, %c0_i32, %c0_i32_6 : i32, i32, i32
  }
  func.func @transform_2(%arg0: i32, %arg1: memref<128x8xi32, #tpu.memory_space<smem>>) -> (i32, i32, i32) {
    %get3A = arith.index_cast %arg0 : i32 to index
    %get3A_0 = arith.constant 0 : index
    %get3A_1 = memref.load %arg1[%get3A, %get3A_0] : memref<128x8xi32, #tpu.memory_space<smem>>
    %eq3A = arith.constant 7 : i32
    %eq3A_2 = arith.cmpi eq, %get3A_1, %eq3A : i32
    %get3A_3 = arith.index_cast %arg0 : i32 to index
    %get3A_4 = arith.constant 0 : index
    %get3A_5 = memref.load %arg1[%get3A_3, %get3A_4] : memref<128x8xi32, #tpu.memory_space<smem>>
    %jit3A = arith.constant 0 : i32
    %select_n3A = arith.select %eq3A_2, %jit3A, %get3A_5 : i32
    %c0_i32 = arith.constant 0 : i32
    %c0_i32_6 = arith.constant 0 : i32
    %c0_i32_7 = arith.constant 0 : i32
    return %select_n3A, %c0_i32, %c0_i32_6 : i32, i32, i32
  }
  func.func @transform_3(%arg0: i32, %arg1: memref<128x8xi32, #tpu.memory_space<smem>>) -> (i32, i32, i32) {
    %get3A = arith.index_cast %arg0 : i32 to index
    %get3A_0 = arith.constant 0 : index
    %get3A_1 = memref.load %arg1[%get3A, %get3A_0] : memref<128x8xi32, #tpu.memory_space<smem>>
    %eq3A = arith.constant 7 : i32
    %eq3A_2 = arith.cmpi eq, %get3A_1, %eq3A : i32
    %get3A_3 = arith.index_cast %arg0 : i32 to index
    %get3A_4 = arith.constant 0 : index
    %get3A_5 = memref.load %arg1[%get3A_3, %get3A_4] : memref<128x8xi32, #tpu.memory_space<smem>>
    %jit3A = arith.constant 0 : i32
    %select_n3A = arith.select %eq3A_2, %jit3A, %get3A_5 : i32
    %c0_i32 = arith.constant 0 : i32
    %c0_i32_6 = arith.constant 0 : i32
    %c0_i32_7 = arith.constant 0 : i32
    return %select_n3A, %c0_i32, %c0_i32_6 : i32, i32, i32
  }
  func.func @transform_4(%arg0: i32, %arg1: memref<128x8xi32, #tpu.memory_space<smem>>) -> (i32, i32) {
    %c0_i32 = arith.constant 0 : i32
    %c0_i32_0 = arith.constant 0 : i32
    %c0_i32_1 = arith.constant 0 : i32
    return %c0_i32, %c0_i32_0 : i32, i32
  }
  func.func @transform_5(%arg0: i32, %arg1: memref<128x8xi32, #tpu.memory_space<smem>>) -> (i32, i32) {
    %c0_i32 = arith.constant 0 : i32
    %c0_i32_0 = arith.constant 0 : i32
    %c0_i32_1 = arith.constant 0 : i32
    return %c0_i32, %c0_i32_0 : i32, i32
  }
  func.func @transform_6(%arg0: i32, %arg1: memref<128x8xi32, #tpu.memory_space<smem>>) -> (i32, i32) {
    %c0_i32 = arith.constant 0 : i32
    %c0_i32_0 = arith.constant 0 : i32
    %c0_i32_1 = arith.constant 0 : i32
    return %c0_i32, %c0_i32_0 : i32, i32
  }
  func.func @transform_7(%arg0: i32, %arg1: memref<128x8xi32, #tpu.memory_space<smem>>) -> (i32, i32) {
    %c0_i32 = arith.constant 0 : i32
    %c0_i32_0 = arith.constant 0 : i32
    return %arg0, %c0_i32 : i32, i32
  }
}

module attributes {stable_mosaic.version = 14 : i64} {
  func.func @_router_body(%arg0: memref<2048x768xf32, #tpu.memory_space<vmem>>, %arg1: memref<768x128xf32, #tpu.memory_space<vmem>>, %arg2: memref<1x128xf32, #tpu.memory_space<vmem>>, %arg3: memref<2048x32xf32, #tpu.memory_space<vmem>>, %arg4: memref<2048x8xi32, #tpu.memory_space<vmem>>, %arg5: memref<128x8xi32, #tpu.memory_space<vmem>>) attributes {dimension_semantics = [], scalar_prefetch = 0 : i64, scratch_operands = 0 : i64, tpu.core_type = #tpu.core_type<tc>} {
    %get3A = arith.constant 0 : index
    %get3A_0 = arith.constant 0 : index
    %get3A_1 = vector.load %arg0[%get3A, %get3A_0] : memref<2048x768xf32, #tpu.memory_space<vmem>>, vector<2048x768xf32>
    %get3A_2 = arith.constant 0 : index
    %get3A_3 = arith.constant 0 : index
    %get3A_4 = vector.load %arg1[%get3A_2, %get3A_3] : memref<768x128xf32, #tpu.memory_space<vmem>>, vector<768x128xf32>
    %dot_general3A = arith.constant dense<0.000000e+00> : vector<2048x128xf32>
    %dot_general3A_5 = tpu.matmul %get3A_1, %get3A_4, %dot_general3A {dimension_numbers = #tpu.dot_dimension_numbers<[1], [0], [0], [1], [0, 0, 1, 1], [], []>, transpose_lhs_hint = false} : vector<2048x768xf32>, vector<768x128xf32>, vector<2048x128xf32> -> vector<2048x128xf32>
    %get3A_6 = arith.constant 0 : index
    %get3A_7 = arith.constant 0 : index
    %get3A_8 = vector.load %arg2[%get3A_6, %get3A_7] : memref<1x128xf32, #tpu.memory_space<vmem>>, vector<1x128xf32>
    %add3A = vector.broadcast %get3A_8 : vector<1x128xf32> to vector<2048x128xf32>
    %add3A_9 = arith.addf %dot_general3A_5, %add3A : vector<2048x128xf32>
    %logistic3A = arith.negf %add3A_9 : vector<2048x128xf32>
    %logistic3A_10 = math.exp %logistic3A : vector<2048x128xf32>
    %logistic3A_11 = arith.constant 1.000000e+00 : f32
    %logistic3A_12 = vector.broadcast %logistic3A_11 : f32 to vector<2048x128xf32>
    %logistic3A_13 = arith.addf %logistic3A_12, %logistic3A_10 : vector<2048x128xf32>
    %logistic3A_14 = arith.divf %logistic3A_12, %logistic3A_13 : vector<2048x128xf32>
    %iota3A = tpu.iota {dimensions = array<i32: 1>} : vector<2048x128xi32>
    %reduce_max3A = arith.constant dense<0xFF800000> : vector<2048xf32>
    %reduce_max3A_15 = vector.multi_reduction <maximumf>, %logistic3A_14, %reduce_max3A [1] : vector<2048x128xf32> to vector<2048xf32>
    %broadcast_in_dim3A = vector.shape_cast %reduce_max3A_15 : vector<2048xf32> to vector<2048x1xf32>
    %eq3A = vector.broadcast %broadcast_in_dim3A : vector<2048x1xf32> to vector<2048x128xf32>
    %eq3A_16 = arith.cmpf oeq, %logistic3A_14, %eq3A : vector<2048x128xf32>
    %jit3A = arith.constant 128 : i32
    %broadcast_in_dim3A_17 = vector.broadcast %jit3A : i32 to vector<2048x128xi32>
    %select_n3A = arith.select %eq3A_16, %iota3A, %broadcast_in_dim3A_17 : vector<2048x128xi1>, vector<2048x128xi32>
    %reduce_min3A = arith.constant dense<2147483647> : vector<2048xi32>
    %reduce_min3A_18 = vector.multi_reduction <minsi>, %select_n3A, %reduce_min3A [1] : vector<2048x128xi32> to vector<2048xi32>
    %broadcast_in_dim3A_19 = vector.shape_cast %reduce_min3A_18 : vector<2048xi32> to vector<2048x1xi32>
    %eq3A_20 = vector.broadcast %broadcast_in_dim3A_19 : vector<2048x1xi32> to vector<2048x128xi32>
    %eq3A_21 = arith.cmpi eq, %iota3A, %eq3A_20 : vector<2048x128xi32>
    %jit3A_22 = arith.constant -1.000000e+30 : f32
    %broadcast_in_dim3A_23 = vector.broadcast %jit3A_22 : f32 to vector<2048x128xf32>
    %select_n3A_24 = arith.select %eq3A_21, %broadcast_in_dim3A_23, %logistic3A_14 : vector<2048x128xi1>, vector<2048x128xf32>
    %reduce_max3A_25 = arith.constant dense<0xFF800000> : vector<2048xf32>
    %reduce_max3A_26 = vector.multi_reduction <maximumf>, %select_n3A_24, %reduce_max3A_25 [1] : vector<2048x128xf32> to vector<2048xf32>
    %broadcast_in_dim3A_27 = vector.shape_cast %reduce_max3A_26 : vector<2048xf32> to vector<2048x1xf32>
    %eq3A_28 = vector.broadcast %broadcast_in_dim3A_27 : vector<2048x1xf32> to vector<2048x128xf32>
    %eq3A_29 = arith.cmpf oeq, %select_n3A_24, %eq3A_28 : vector<2048x128xf32>
    %jit3A_30 = arith.constant 128 : i32
    %broadcast_in_dim3A_31 = vector.broadcast %jit3A_30 : i32 to vector<2048x128xi32>
    %select_n3A_32 = arith.select %eq3A_29, %iota3A, %broadcast_in_dim3A_31 : vector<2048x128xi1>, vector<2048x128xi32>
    %reduce_min3A_33 = arith.constant dense<2147483647> : vector<2048xi32>
    %reduce_min3A_34 = vector.multi_reduction <minsi>, %select_n3A_32, %reduce_min3A_33 [1] : vector<2048x128xi32> to vector<2048xi32>
    %broadcast_in_dim3A_35 = vector.shape_cast %reduce_min3A_34 : vector<2048xi32> to vector<2048x1xi32>
    %iota3A_36 = tpu.iota {dimensions = array<i32: 1>} : vector<2048x32xi32>
    %lt3A = arith.constant 16 : i32
    %lt3A_37 = vector.broadcast %lt3A : i32 to vector<2048x32xi32>
    %lt3A_38 = arith.cmpi slt, %iota3A_36, %lt3A_37 : vector<2048x32xi32>
    %broadcast_in_dim3A_39 = vector.shape_cast %broadcast_in_dim3A : vector<2048x1xf32> to vector<2048x1xf32>
    %broadcast_in_dim3A_40 = vector.broadcast %broadcast_in_dim3A_39 : vector<2048x1xf32> to vector<2048x32xf32>
    %broadcast_in_dim3A_41 = vector.shape_cast %broadcast_in_dim3A_27 : vector<2048x1xf32> to vector<2048x1xf32>
    %broadcast_in_dim3A_42 = vector.broadcast %broadcast_in_dim3A_41 : vector<2048x1xf32> to vector<2048x32xf32>
    %select_n3A_43 = arith.select %lt3A_38, %broadcast_in_dim3A_40, %broadcast_in_dim3A_42 : vector<2048x32xi1>, vector<2048x32xf32>
    %swap3A = arith.constant 0 : index
    %swap3A_44 = arith.constant 0 : index
    %swap3A_45 = vector.load %arg3[%swap3A, %swap3A_44] : memref<2048x32xf32, #tpu.memory_space<vmem>>, vector<2048x32xf32>
    tpu.vector_store %arg3[%swap3A, %swap3A_44], %select_n3A_43 {strides = array<i32>} : memref<2048x32xf32, #tpu.memory_space<vmem>>, vector<2048x32xf32>,
    %eq3A_46 = vector.broadcast %broadcast_in_dim3A_19 : vector<2048x1xi32> to vector<2048x128xi32>
    %eq3A_47 = arith.cmpi eq, %iota3A, %eq3A_46 : vector<2048x128xi32>
    %convert_element_type3A = arith.extui %eq3A_47 : vector<2048x128xi1> to vector<2048x128xi32>
    %convert_element_type3A_48 = arith.sitofp %convert_element_type3A : vector<2048x128xi32> to vector<2048x128xf32>
    %eq3A_49 = vector.broadcast %broadcast_in_dim3A_35 : vector<2048x1xi32> to vector<2048x128xi32>
    %eq3A_50 = arith.cmpi eq, %iota3A, %eq3A_49 : vector<2048x128xi32>
    %convert_element_type3A_51 = arith.extui %eq3A_50 : vector<2048x128xi1> to vector<2048x128xi32>
    %convert_element_type3A_52 = arith.sitofp %convert_element_type3A_51 : vector<2048x128xi32> to vector<2048x128xf32>
    %iota3A_53 = tpu.iota {dimensions = array<i32: 0>} : vector<128x128xi32>
    %iota3A_54 = tpu.iota {dimensions = array<i32: 1>} : vector<128x128xi32>
    %lt3A_55 = arith.cmpi slt, %iota3A_54, %iota3A_53 : vector<128x128xi32>
    %convert_element_type3A_56 = arith.extui %lt3A_55 : vector<128x128xi1> to vector<128x128xi32>
    %convert_element_type3A_57 = arith.sitofp %convert_element_type3A_56 : vector<128x128xi32> to vector<128x128xf32>
    %broadcast_in_dim3A_58 = arith.constant 1.000000e+00 : f32
    %broadcast_in_dim3A_59 = vector.broadcast %broadcast_in_dim3A_58 : f32 to vector<1x128xf32>
    %broadcast_in_dim3A_60 = arith.constant 0.000000e+00 : f32
    %broadcast_in_dim3A_61 = vector.broadcast %broadcast_in_dim3A_60 : f32 to vector<1x128xf32>
    %slice3A = vector.extract_strided_slice %convert_element_type3A_48 {offsets = [0, 0], sizes = [128, 128], strides = [1, 1]} : vector<2048x128xf32> to vector<128x128xf32>
    %dot_general3A_62 = arith.constant dense<0.000000e+00> : vector<128x128xf32>
    %dot_general3A_63 = tpu.matmul %convert_element_type3A_57, %slice3A, %dot_general3A_62 {dimension_numbers = #tpu.dot_dimension_numbers<[1], [0], [0], [1], [0, 0, 1, 1], [], []>, transpose_lhs_hint = false} : vector<128x128xf32>, vector<128x128xf32>, vector<128x128xf32> -> vector<128x128xf32>
    %add3A_64 = vector.broadcast %broadcast_in_dim3A_61 : vector<1x128xf32> to vector<128x128xf32>
    %add3A_65 = arith.addf %dot_general3A_63, %add3A_64 : vector<128x128xf32>
    %dot_general3A_66 = arith.constant dense<0.000000e+00> : vector<1x128xf32>
    %dot_general3A_67 = tpu.matmul %broadcast_in_dim3A_59, %slice3A, %dot_general3A_66 {dimension_numbers = #tpu.dot_dimension_numbers<[1], [0], [0], [1], [0, 0, 1, 1], [], []>, transpose_lhs_hint = false} : vector<1x128xf32>, vector<128x128xf32>, vector<1x128xf32> -> vector<1x128xf32>
    %add3A_68 = arith.addf %broadcast_in_dim3A_61, %dot_general3A_67 : vector<1x128xf32>
    %slice3A_69 = vector.extract_strided_slice %convert_element_type3A_48 {offsets = [128, 0], sizes = [128, 128], strides = [1, 1]} : vector<2048x128xf32> to vector<128x128xf32>
    %dot_general3A_70 = arith.constant dense<0.000000e+00> : vector<128x128xf32>
    %dot_general3A_71 = tpu.matmul %convert_element_type3A_57, %slice3A_69, %dot_general3A_70 {dimension_numbers = #tpu.dot_dimension_numbers<[1], [0], [0], [1], [0, 0, 1, 1], [], []>, transpose_lhs_hint = false} : vector<128x128xf32>, vector<128x128xf32>, vector<128x128xf32> -> vector<128x128xf32>
    %add3A_72 = vector.broadcast %add3A_68 : vector<1x128xf32> to vector<128x128xf32>
    %add3A_73 = arith.addf %dot_general3A_71, %add3A_72 : vector<128x128xf32>
    %dot_general3A_74 = arith.constant dense<0.000000e+00> : vector<1x128xf32>
    %dot_general3A_75 = tpu.matmul %broadcast_in_dim3A_59, %slice3A_69, %dot_general3A_74 {dimension_numbers = #tpu.dot_dimension_numbers<[1], [0], [0], [1], [0, 0, 1, 1], [], []>, transpose_lhs_hint = false} : vector<1x128xf32>, vector<128x128xf32>, vector<1x128xf32> -> vector<1x128xf32>
    %add3A_76 = arith.addf %add3A_68, %dot_general3A_75 : vector<1x128xf32>
    %slice3A_77 = vector.extract_strided_slice %convert_element_type3A_48 {offsets = [256, 0], sizes = [128, 128], strides = [1, 1]} : vector<2048x128xf32> to vector<128x128xf32>
    %dot_general3A_78 = arith.constant dense<0.000000e+00> : vector<128x128xf32>
    %dot_general3A_79 = tpu.matmul %convert_element_type3A_57, %slice3A_77, %dot_general3A_78 {dimension_numbers = #tpu.dot_dimension_numbers<[1], [0], [0], [1], [0, 0, 1, 1], [], []>, transpose_lhs_hint = false} : vector<128x128xf32>, vector<128x128xf32>, vector<128x128xf32> -> vector<128x128xf32>
    %add3A_80 = vector.broadcast %add3A_76 : vector<1x128xf32> to vector<128x128xf32>
    %add3A_81 = arith.addf %dot_general3A_79, %add3A_80 : vector<128x128xf32>
    %dot_general3A_82 = arith.constant dense<0.000000e+00> : vector<1x128xf32>
    %dot_general3A_83 = tpu.matmul %broadcast_in_dim3A_59, %slice3A_77, %dot_general3A_82 {dimension_numbers = #tpu.dot_dimension_numbers<[1], [0], [0], [1], [0, 0, 1, 1], [], []>, transpose_lhs_hint = false} : vector<1x128xf32>, vector<128x128xf32>, vector<1x128xf32> -> vector<1x128xf32>
    %add3A_84 = arith.addf %add3A_76, %dot_general3A_83 : vector<1x128xf32>
    %slice3A_85 = vector.extract_strided_slice %convert_element_type3A_48 {offsets = [384, 0], sizes = [128, 128], strides = [1, 1]} : vector<2048x128xf32> to vector<128x128xf32>
    %dot_general3A_86 = arith.constant dense<0.000000e+00> : vector<128x128xf32>
    %dot_general3A_87 = tpu.matmul %convert_element_type3A_57, %slice3A_85, %dot_general3A_86 {dimension_numbers = #tpu.dot_dimension_numbers<[1], [0], [0], [1], [0, 0, 1, 1], [], []>, transpose_lhs_hint = false} : vector<128x128xf32>, vector<128x128xf32>, vector<128x128xf32> -> vector<128x128xf32>
    %add3A_88 = vector.broadcast %add3A_84 : vector<1x128xf32> to vector<128x128xf32>
    %add3A_89 = arith.addf %dot_general3A_87, %add3A_88 : vector<128x128xf32>
    %dot_general3A_90 = arith.constant dense<0.000000e+00> : vector<1x128xf32>
    %dot_general3A_91 = tpu.matmul %broadcast_in_dim3A_59, %slice3A_85, %dot_general3A_90 {dimension_numbers = #tpu.dot_dimension_numbers<[1], [0], [0], [1], [0, 0, 1, 1], [], []>, transpose_lhs_hint = false} : vector<1x128xf32>, vector<128x128xf32>, vector<1x128xf32> -> vector<1x128xf32>
    %add3A_92 = arith.addf %add3A_84, %dot_general3A_91 : vector<1x128xf32>
    %slice3A_93 = vector.extract_strided_slice %convert_element_type3A_48 {offsets = [512, 0], sizes = [128, 128], strides = [1, 1]} : vector<2048x128xf32> to vector<128x128xf32>
    %dot_general3A_94 = arith.constant dense<0.000000e+00> : vector<128x128xf32>
    %dot_general3A_95 = tpu.matmul %convert_element_type3A_57, %slice3A_93, %dot_general3A_94 {dimension_numbers = #tpu.dot_dimension_numbers<[1], [0], [0], [1], [0, 0, 1, 1], [], []>, transpose_lhs_hint = false} : vector<128x128xf32>, vector<128x128xf32>, vector<128x128xf32> -> vector<128x128xf32>
    %add3A_96 = vector.broadcast %add3A_92 : vector<1x128xf32> to vector<128x128xf32>
    %add3A_97 = arith.addf %dot_general3A_95, %add3A_96 : vector<128x128xf32>
    %dot_general3A_98 = arith.constant dense<0.000000e+00> : vector<1x128xf32>
    %dot_general3A_99 = tpu.matmul %broadcast_in_dim3A_59, %slice3A_93, %dot_general3A_98 {dimension_numbers = #tpu.dot_dimension_numbers<[1], [0], [0], [1], [0, 0, 1, 1], [], []>, transpose_lhs_hint = false} : vector<1x128xf32>, vector<128x128xf32>, vector<1x128xf32> -> vector<1x128xf32>
    %add3A_100 = arith.addf %add3A_92, %dot_general3A_99 : vector<1x128xf32>
    %slice3A_101 = vector.extract_strided_slice %convert_element_type3A_48 {offsets = [640, 0], sizes = [128, 128], strides = [1, 1]} : vector<2048x128xf32> to vector<128x128xf32>
    %dot_general3A_102 = arith.constant dense<0.000000e+00> : vector<128x128xf32>
    %dot_general3A_103 = tpu.matmul %convert_element_type3A_57, %slice3A_101, %dot_general3A_102 {dimension_numbers = #tpu.dot_dimension_numbers<[1], [0], [0], [1], [0, 0, 1, 1], [], []>, transpose_lhs_hint = false} : vector<128x128xf32>, vector<128x128xf32>, vector<128x128xf32> -> vector<128x128xf32>
    %add3A_104 = vector.broadcast %add3A_100 : vector<1x128xf32> to vector<128x128xf32>
    %add3A_105 = arith.addf %dot_general3A_103, %add3A_104 : vector<128x128xf32>
    %dot_general3A_106 = arith.constant dense<0.000000e+00> : vector<1x128xf32>
    %dot_general3A_107 = tpu.matmul %broadcast_in_dim3A_59, %slice3A_101, %dot_general3A_106 {dimension_numbers = #tpu.dot_dimension_numbers<[1], [0], [0], [1], [0, 0, 1, 1], [], []>, transpose_lhs_hint = false} : vector<1x128xf32>, vector<128x128xf32>, vector<1x128xf32> -> vector<1x128xf32>
    %add3A_108 = arith.addf %add3A_100, %dot_general3A_107 : vector<1x128xf32>
    %slice3A_109 = vector.extract_strided_slice %convert_element_type3A_48 {offsets = [768, 0], sizes = [128, 128], strides = [1, 1]} : vector<2048x128xf32> to vector<128x128xf32>
    %dot_general3A_110 = arith.constant dense<0.000000e+00> : vector<128x128xf32>
    %dot_general3A_111 = tpu.matmul %convert_element_type3A_57, %slice3A_109, %dot_general3A_110 {dimension_numbers = #tpu.dot_dimension_numbers<[1], [0], [0], [1], [0, 0, 1, 1], [], []>, transpose_lhs_hint = false} : vector<128x128xf32>, vector<128x128xf32>, vector<128x128xf32> -> vector<128x128xf32>
    %add3A_112 = vector.broadcast %add3A_108 : vector<1x128xf32> to vector<128x128xf32>
    %add3A_113 = arith.addf %dot_general3A_111, %add3A_112 : vector<128x128xf32>
    %dot_general3A_114 = arith.constant dense<0.000000e+00> : vector<1x128xf32>
    %dot_general3A_115 = tpu.matmul %broadcast_in_dim3A_59, %slice3A_109, %dot_general3A_114 {dimension_numbers = #tpu.dot_dimension_numbers<[1], [0], [0], [1], [0, 0, 1, 1], [], []>, transpose_lhs_hint = false} : vector<1x128xf32>, vector<128x128xf32>, vector<1x128xf32> -> vector<1x128xf32>
    %add3A_116 = arith.addf %add3A_108, %dot_general3A_115 : vector<1x128xf32>
    %slice3A_117 = vector.extract_strided_slice %convert_element_type3A_48 {offsets = [896, 0], sizes = [128, 128], strides = [1, 1]} : vector<2048x128xf32> to vector<128x128xf32>
    %dot_general3A_118 = arith.constant dense<0.000000e+00> : vector<128x128xf32>
    %dot_general3A_119 = tpu.matmul %convert_element_type3A_57, %slice3A_117, %dot_general3A_118 {dimension_numbers = #tpu.dot_dimension_numbers<[1], [0], [0], [1], [0, 0, 1, 1], [], []>, transpose_lhs_hint = false} : vector<128x128xf32>, vector<128x128xf32>, vector<128x128xf32> -> vector<128x128xf32>
    %add3A_120 = vector.broadcast %add3A_116 : vector<1x128xf32> to vector<128x128xf32>
    %add3A_121 = arith.addf %dot_general3A_119, %add3A_120 : vector<128x128xf32>
    %dot_general3A_122 = arith.constant dense<0.000000e+00> : vector<1x128xf32>
    %dot_general3A_123 = tpu.matmul %broadcast_in_dim3A_59, %slice3A_117, %dot_general3A_122 {dimension_numbers = #tpu.dot_dimension_numbers<[1], [0], [0], [1], [0, 0, 1, 1], [], []>, transpose_lhs_hint = false} : vector<1x128xf32>, vector<128x128xf32>, vector<1x128xf32> -> vector<1x128xf32>
    %add3A_124 = arith.addf %add3A_116, %dot_general3A_123 : vector<1x128xf32>
    %slice3A_125 = vector.extract_strided_slice %convert_element_type3A_48 {offsets = [1024, 0], sizes = [128, 128], strides = [1, 1]} : vector<2048x128xf32> to vector<128x128xf32>
    %dot_general3A_126 = arith.constant dense<0.000000e+00> : vector<128x128xf32>
    %dot_general3A_127 = tpu.matmul %convert_element_type3A_57, %slice3A_125, %dot_general3A_126 {dimension_numbers = #tpu.dot_dimension_numbers<[1], [0], [0], [1], [0, 0, 1, 1], [], []>, transpose_lhs_hint = false} : vector<128x128xf32>, vector<128x128xf32>, vector<128x128xf32> -> vector<128x128xf32>
    %add3A_128 = vector.broadcast %add3A_124 : vector<1x128xf32> to vector<128x128xf32>
    %add3A_129 = arith.addf %dot_general3A_127, %add3A_128 : vector<128x128xf32>
    %dot_general3A_130 = arith.constant dense<0.000000e+00> : vector<1x128xf32>
    %dot_general3A_131 = tpu.matmul %broadcast_in_dim3A_59, %slice3A_125, %dot_general3A_130 {dimension_numbers = #tpu.dot_dimension_numbers<[1], [0], [0], [1], [0, 0, 1, 1], [], []>, transpose_lhs_hint = false} : vector<1x128xf32>, vector<128x128xf32>, vector<1x128xf32> -> vector<1x128xf32>
    %add3A_132 = arith.addf %add3A_124, %dot_general3A_131 : vector<1x128xf32>
    %slice3A_133 = vector.extract_strided_slice %convert_element_type3A_48 {offsets = [1152, 0], sizes = [128, 128], strides = [1, 1]} : vector<2048x128xf32> to vector<128x128xf32>
    %dot_general3A_134 = arith.constant dense<0.000000e+00> : vector<128x128xf32>
    %dot_general3A_135 = tpu.matmul %convert_element_type3A_57, %slice3A_133, %dot_general3A_134 {dimension_numbers = #tpu.dot_dimension_numbers<[1], [0], [0], [1], [0, 0, 1, 1], [], []>, transpose_lhs_hint = false} : vector<128x128xf32>, vector<128x128xf32>, vector<128x128xf32> -> vector<128x128xf32>
    %add3A_136 = vector.broadcast %add3A_132 : vector<1x128xf32> to vector<128x128xf32>
    %add3A_137 = arith.addf %dot_general3A_135, %add3A_136 : vector<128x128xf32>
    %dot_general3A_138 = arith.constant dense<0.000000e+00> : vector<1x128xf32>
    %dot_general3A_139 = tpu.matmul %broadcast_in_dim3A_59, %slice3A_133, %dot_general3A_138 {dimension_numbers = #tpu.dot_dimension_numbers<[1], [0], [0], [1], [0, 0, 1, 1], [], []>, transpose_lhs_hint = false} : vector<1x128xf32>, vector<128x128xf32>, vector<1x128xf32> -> vector<1x128xf32>
    %add3A_140 = arith.addf %add3A_132, %dot_general3A_139 : vector<1x128xf32>
    %slice3A_141 = vector.extract_strided_slice %convert_element_type3A_48 {offsets = [1280, 0], sizes = [128, 128], strides = [1, 1]} : vector<2048x128xf32> to vector<128x128xf32>
    %dot_general3A_142 = arith.constant dense<0.000000e+00> : vector<128x128xf32>
    %dot_general3A_143 = tpu.matmul %convert_element_type3A_57, %slice3A_141, %dot_general3A_142 {dimension_numbers = #tpu.dot_dimension_numbers<[1], [0], [0], [1], [0, 0, 1, 1], [], []>, transpose_lhs_hint = false} : vector<128x128xf32>, vector<128x128xf32>, vector<128x128xf32> -> vector<128x128xf32>
    %add3A_144 = vector.broadcast %add3A_140 : vector<1x128xf32> to vector<128x128xf32>
    %add3A_145 = arith.addf %dot_general3A_143, %add3A_144 : vector<128x128xf32>
    %dot_general3A_146 = arith.constant dense<0.000000e+00> : vector<1x128xf32>
    %dot_general3A_147 = tpu.matmul %broadcast_in_dim3A_59, %slice3A_141, %dot_general3A_146 {dimension_numbers = #tpu.dot_dimension_numbers<[1], [0], [0], [1], [0, 0, 1, 1], [], []>, transpose_lhs_hint = false} : vector<1x128xf32>, vector<128x128xf32>, vector<1x128xf32> -> vector<1x128xf32>
    %add3A_148 = arith.addf %add3A_140, %dot_general3A_147 : vector<1x128xf32>
    %slice3A_149 = vector.extract_strided_slice %convert_element_type3A_48 {offsets = [1408, 0], sizes = [128, 128], strides = [1, 1]} : vector<2048x128xf32> to vector<128x128xf32>
    %dot_general3A_150 = arith.constant dense<0.000000e+00> : vector<128x128xf32>
    %dot_general3A_151 = tpu.matmul %convert_element_type3A_57, %slice3A_149, %dot_general3A_150 {dimension_numbers = #tpu.dot_dimension_numbers<[1], [0], [0], [1], [0, 0, 1, 1], [], []>, transpose_lhs_hint = false} : vector<128x128xf32>, vector<128x128xf32>, vector<128x128xf32> -> vector<128x128xf32>
    %add3A_152 = vector.broadcast %add3A_148 : vector<1x128xf32> to vector<128x128xf32>
    %add3A_153 = arith.addf %dot_general3A_151, %add3A_152 : vector<128x128xf32>
    %dot_general3A_154 = arith.constant dense<0.000000e+00> : vector<1x128xf32>
    %dot_general3A_155 = tpu.matmul %broadcast_in_dim3A_59, %slice3A_149, %dot_general3A_154 {dimension_numbers = #tpu.dot_dimension_numbers<[1], [0], [0], [1], [0, 0, 1, 1], [], []>, transpose_lhs_hint = false} : vector<1x128xf32>, vector<128x128xf32>, vector<1x128xf32> -> vector<1x128xf32>
    %add3A_156 = arith.addf %add3A_148, %dot_general3A_155 : vector<1x128xf32>
    %slice3A_157 = vector.extract_strided_slice %convert_element_type3A_48 {offsets = [1536, 0], sizes = [128, 128], strides = [1, 1]} : vector<2048x128xf32> to vector<128x128xf32>
    %dot_general3A_158 = arith.constant dense<0.000000e+00> : vector<128x128xf32>
    %dot_general3A_159 = tpu.matmul %convert_element_type3A_57, %slice3A_157, %dot_general3A_158 {dimension_numbers = #tpu.dot_dimension_numbers<[1], [0], [0], [1], [0, 0, 1, 1], [], []>, transpose_lhs_hint = false} : vector<128x128xf32>, vector<128x128xf32>, vector<128x128xf32> -> vector<128x128xf32>
    %add3A_160 = vector.broadcast %add3A_156 : vector<1x128xf32> to vector<128x128xf32>
    %add3A_161 = arith.addf %dot_general3A_159, %add3A_160 : vector<128x128xf32>
    %dot_general3A_162 = arith.constant dense<0.000000e+00> : vector<1x128xf32>
    %dot_general3A_163 = tpu.matmul %broadcast_in_dim3A_59, %slice3A_157, %dot_general3A_162 {dimension_numbers = #tpu.dot_dimension_numbers<[1], [0], [0], [1], [0, 0, 1, 1], [], []>, transpose_lhs_hint = false} : vector<1x128xf32>, vector<128x128xf32>, vector<1x128xf32> -> vector<1x128xf32>
    %add3A_164 = arith.addf %add3A_156, %dot_general3A_163 : vector<1x128xf32>
    %slice3A_165 = vector.extract_strided_slice %convert_element_type3A_48 {offsets = [1664, 0], sizes = [128, 128], strides = [1, 1]} : vector<2048x128xf32> to vector<128x128xf32>
    %dot_general3A_166 = arith.constant dense<0.000000e+00> : vector<128x128xf32>
    %dot_general3A_167 = tpu.matmul %convert_element_type3A_57, %slice3A_165, %dot_general3A_166 {dimension_numbers = #tpu.dot_dimension_numbers<[1], [0], [0], [1], [0, 0, 1, 1], [], []>, transpose_lhs_hint = false} : vector<128x128xf32>, vector<128x128xf32>, vector<128x128xf32> -> vector<128x128xf32>
    %add3A_168 = vector.broadcast %add3A_164 : vector<1x128xf32> to vector<128x128xf32>
    %add3A_169 = arith.addf %dot_general3A_167, %add3A_168 : vector<128x128xf32>
    %dot_general3A_170 = arith.constant dense<0.000000e+00> : vector<1x128xf32>
    %dot_general3A_171 = tpu.matmul %broadcast_in_dim3A_59, %slice3A_165, %dot_general3A_170 {dimension_numbers = #tpu.dot_dimension_numbers<[1], [0], [0], [1], [0, 0, 1, 1], [], []>, transpose_lhs_hint = false} : vector<1x128xf32>, vector<128x128xf32>, vector<1x128xf32> -> vector<1x128xf32>
    %add3A_172 = arith.addf %add3A_164, %dot_general3A_171 : vector<1x128xf32>
    %slice3A_173 = vector.extract_strided_slice %convert_element_type3A_48 {offsets = [1792, 0], sizes = [128, 128], strides = [1, 1]} : vector<2048x128xf32> to vector<128x128xf32>
    %dot_general3A_174 = arith.constant dense<0.000000e+00> : vector<128x128xf32>
    %dot_general3A_175 = tpu.matmul %convert_element_type3A_57, %slice3A_173, %dot_general3A_174 {dimension_numbers = #tpu.dot_dimension_numbers<[1], [0], [0], [1], [0, 0, 1, 1], [], []>, transpose_lhs_hint = false} : vector<128x128xf32>, vector<128x128xf32>, vector<128x128xf32> -> vector<128x128xf32>
    %add3A_176 = vector.broadcast %add3A_172 : vector<1x128xf32> to vector<128x128xf32>
    %add3A_177 = arith.addf %dot_general3A_175, %add3A_176 : vector<128x128xf32>
    %dot_general3A_178 = arith.constant dense<0.000000e+00> : vector<1x128xf32>
    %dot_general3A_179 = tpu.matmul %broadcast_in_dim3A_59, %slice3A_173, %dot_general3A_178 {dimension_numbers = #tpu.dot_dimension_numbers<[1], [0], [0], [1], [0, 0, 1, 1], [], []>, transpose_lhs_hint = false} : vector<1x128xf32>, vector<128x128xf32>, vector<1x128xf32> -> vector<1x128xf32>
    %add3A_180 = arith.addf %add3A_172, %dot_general3A_179 : vector<1x128xf32>
    %slice3A_181 = vector.extract_strided_slice %convert_element_type3A_48 {offsets = [1920, 0], sizes = [128, 128], strides = [1, 1]} : vector<2048x128xf32> to vector<128x128xf32>
    %dot_general3A_182 = arith.constant dense<0.000000e+00> : vector<128x128xf32>
    %dot_general3A_183 = tpu.matmul %convert_element_type3A_57, %slice3A_181, %dot_general3A_182 {dimension_numbers = #tpu.dot_dimension_numbers<[1], [0], [0], [1], [0, 0, 1, 1], [], []>, transpose_lhs_hint = false} : vector<128x128xf32>, vector<128x128xf32>, vector<128x128xf32> -> vector<128x128xf32>
    %add3A_184 = vector.broadcast %add3A_180 : vector<1x128xf32> to vector<128x128xf32>
    %add3A_185 = arith.addf %dot_general3A_183, %add3A_184 : vector<128x128xf32>
    %dot_general3A_186 = arith.constant dense<0.000000e+00> : vector<1x128xf32>
    %dot_general3A_187 = tpu.matmul %broadcast_in_dim3A_59, %slice3A_181, %dot_general3A_186 {dimension_numbers = #tpu.dot_dimension_numbers<[1], [0], [0], [1], [0, 0, 1, 1], [], []>, transpose_lhs_hint = false} : vector<1x128xf32>, vector<128x128xf32>, vector<1x128xf32> -> vector<1x128xf32>
    %add3A_188 = arith.addf %add3A_180, %dot_general3A_187 : vector<1x128xf32>
    %concatenate3A = tpu.concatenate %add3A_65, %add3A_73, %add3A_81, %add3A_89, %add3A_97, %add3A_105, %add3A_113, %add3A_121, %add3A_129, %add3A_137, %add3A_145, %add3A_153, %add3A_161, %add3A_169, %add3A_177, %add3A_185 in 0 : vector<128x128xf32>, vector<128x128xf32>, vector<128x128xf32>, vector<128x128xf32>, vector<128x128xf32>, vector<128x128xf32>, vector<128x128xf32>, vector<128x128xf32>, vector<128x128xf32>, vector<128x128xf32>, vector<128x128xf32>, vector<128x128xf32>, vector<128x128xf32>, vector<128x128xf32>, vector<128x128xf32>, vector<128x128xf32> -> vector<2048x128xf32>
    %slice3A_189 = vector.extract_strided_slice %convert_element_type3A_52 {offsets = [0, 0], sizes = [128, 128], strides = [1, 1]} : vector<2048x128xf32> to vector<128x128xf32>
    %dot_general3A_190 = arith.constant dense<0.000000e+00> : vector<128x128xf32>
    %dot_general3A_191 = tpu.matmul %convert_element_type3A_57, %slice3A_189, %dot_general3A_190 {dimension_numbers = #tpu.dot_dimension_numbers<[1], [0], [0], [1], [0, 0, 1, 1], [], []>, transpose_lhs_hint = false} : vector<128x128xf32>, vector<128x128xf32>, vector<128x128xf32> -> vector<128x128xf32>
    %add3A_192 = vector.broadcast %add3A_188 : vector<1x128xf32> to vector<128x128xf32>
    %add3A_193 = arith.addf %dot_general3A_191, %add3A_192 : vector<128x128xf32>
    %dot_general3A_194 = arith.constant dense<0.000000e+00> : vector<1x128xf32>
    %dot_general3A_195 = tpu.matmul %broadcast_in_dim3A_59, %slice3A_189, %dot_general3A_194 {dimension_numbers = #tpu.dot_dimension_numbers<[1], [0], [0], [1], [0, 0, 1, 1], [], []>, transpose_lhs_hint = false} : vector<1x128xf32>, vector<128x128xf32>, vector<1x128xf32> -> vector<1x128xf32>
    %add3A_196 = arith.addf %add3A_188, %dot_general3A_195 : vector<1x128xf32>
    %slice3A_197 = vector.extract_strided_slice %convert_element_type3A_52 {offsets = [128, 0], sizes = [128, 128], strides = [1, 1]} : vector<2048x128xf32> to vector<128x128xf32>
    %dot_general3A_198 = arith.constant dense<0.000000e+00> : vector<128x128xf32>
    %dot_general3A_199 = tpu.matmul %convert_element_type3A_57, %slice3A_197, %dot_general3A_198 {dimension_numbers = #tpu.dot_dimension_numbers<[1], [0], [0], [1], [0, 0, 1, 1], [], []>, transpose_lhs_hint = false} : vector<128x128xf32>, vector<128x128xf32>, vector<128x128xf32> -> vector<128x128xf32>
    %add3A_200 = vector.broadcast %add3A_196 : vector<1x128xf32> to vector<128x128xf32>
    %add3A_201 = arith.addf %dot_general3A_199, %add3A_200 : vector<128x128xf32>
    %dot_general3A_202 = arith.constant dense<0.000000e+00> : vector<1x128xf32>
    %dot_general3A_203 = tpu.matmul %broadcast_in_dim3A_59, %slice3A_197, %dot_general3A_202 {dimension_numbers = #tpu.dot_dimension_numbers<[1], [0], [0], [1], [0, 0, 1, 1], [], []>, transpose_lhs_hint = false} : vector<1x128xf32>, vector<128x128xf32>, vector<1x128xf32> -> vector<1x128xf32>
    %add3A_204 = arith.addf %add3A_196, %dot_general3A_203 : vector<1x128xf32>
    %slice3A_205 = vector.extract_strided_slice %convert_element_type3A_52 {offsets = [256, 0], sizes = [128, 128], strides = [1, 1]} : vector<2048x128xf32> to vector<128x128xf32>
    %dot_general3A_206 = arith.constant dense<0.000000e+00> : vector<128x128xf32>
    %dot_general3A_207 = tpu.matmul %convert_element_type3A_57, %slice3A_205, %dot_general3A_206 {dimension_numbers = #tpu.dot_dimension_numbers<[1], [0], [0], [1], [0, 0, 1, 1], [], []>, transpose_lhs_hint = false} : vector<128x128xf32>, vector<128x128xf32>, vector<128x128xf32> -> vector<128x128xf32>
    %add3A_208 = vector.broadcast %add3A_204 : vector<1x128xf32> to vector<128x128xf32>
    %add3A_209 = arith.addf %dot_general3A_207, %add3A_208 : vector<128x128xf32>
    %dot_general3A_210 = arith.constant dense<0.000000e+00> : vector<1x128xf32>
    %dot_general3A_211 = tpu.matmul %broadcast_in_dim3A_59, %slice3A_205, %dot_general3A_210 {dimension_numbers = #tpu.dot_dimension_numbers<[1], [0], [0], [1], [0, 0, 1, 1], [], []>, transpose_lhs_hint = false} : vector<1x128xf32>, vector<128x128xf32>, vector<1x128xf32> -> vector<1x128xf32>
    %add3A_212 = arith.addf %add3A_204, %dot_general3A_211 : vector<1x128xf32>
    %slice3A_213 = vector.extract_strided_slice %convert_element_type3A_52 {offsets = [384, 0], sizes = [128, 128], strides = [1, 1]} : vector<2048x128xf32> to vector<128x128xf32>
    %dot_general3A_214 = arith.constant dense<0.000000e+00> : vector<128x128xf32>
    %dot_general3A_215 = tpu.matmul %convert_element_type3A_57, %slice3A_213, %dot_general3A_214 {dimension_numbers = #tpu.dot_dimension_numbers<[1], [0], [0], [1], [0, 0, 1, 1], [], []>, transpose_lhs_hint = false} : vector<128x128xf32>, vector<128x128xf32>, vector<128x128xf32> -> vector<128x128xf32>
    %add3A_216 = vector.broadcast %add3A_212 : vector<1x128xf32> to vector<128x128xf32>
    %add3A_217 = arith.addf %dot_general3A_215, %add3A_216 : vector<128x128xf32>
    %dot_general3A_218 = arith.constant dense<0.000000e+00> : vector<1x128xf32>
    %dot_general3A_219 = tpu.matmul %broadcast_in_dim3A_59, %slice3A_213, %dot_general3A_218 {dimension_numbers = #tpu.dot_dimension_numbers<[1], [0], [0], [1], [0, 0, 1, 1], [], []>, transpose_lhs_hint = false} : vector<1x128xf32>, vector<128x128xf32>, vector<1x128xf32> -> vector<1x128xf32>
    %add3A_220 = arith.addf %add3A_212, %dot_general3A_219 : vector<1x128xf32>
    %slice3A_221 = vector.extract_strided_slice %convert_element_type3A_52 {offsets = [512, 0], sizes = [128, 128], strides = [1, 1]} : vector<2048x128xf32> to vector<128x128xf32>
    %dot_general3A_222 = arith.constant dense<0.000000e+00> : vector<128x128xf32>
    %dot_general3A_223 = tpu.matmul %convert_element_type3A_57, %slice3A_221, %dot_general3A_222 {dimension_numbers = #tpu.dot_dimension_numbers<[1], [0], [0], [1], [0, 0, 1, 1], [], []>, transpose_lhs_hint = false} : vector<128x128xf32>, vector<128x128xf32>, vector<128x128xf32> -> vector<128x128xf32>
    %add3A_224 = vector.broadcast %add3A_220 : vector<1x128xf32> to vector<128x128xf32>
    %add3A_225 = arith.addf %dot_general3A_223, %add3A_224 : vector<128x128xf32>
    %dot_general3A_226 = arith.constant dense<0.000000e+00> : vector<1x128xf32>
    %dot_general3A_227 = tpu.matmul %broadcast_in_dim3A_59, %slice3A_221, %dot_general3A_226 {dimension_numbers = #tpu.dot_dimension_numbers<[1], [0], [0], [1], [0, 0, 1, 1], [], []>, transpose_lhs_hint = false} : vector<1x128xf32>, vector<128x128xf32>, vector<1x128xf32> -> vector<1x128xf32>
    %add3A_228 = arith.addf %add3A_220, %dot_general3A_227 : vector<1x128xf32>
    %slice3A_229 = vector.extract_strided_slice %convert_element_type3A_52 {offsets = [640, 0], sizes = [128, 128], strides = [1, 1]} : vector<2048x128xf32> to vector<128x128xf32>
    %dot_general3A_230 = arith.constant dense<0.000000e+00> : vector<128x128xf32>
    %dot_general3A_231 = tpu.matmul %convert_element_type3A_57, %slice3A_229, %dot_general3A_230 {dimension_numbers = #tpu.dot_dimension_numbers<[1], [0], [0], [1], [0, 0, 1, 1], [], []>, transpose_lhs_hint = false} : vector<128x128xf32>, vector<128x128xf32>, vector<128x128xf32> -> vector<128x128xf32>
    %add3A_232 = vector.broadcast %add3A_228 : vector<1x128xf32> to vector<128x128xf32>
    %add3A_233 = arith.addf %dot_general3A_231, %add3A_232 : vector<128x128xf32>
    %dot_general3A_234 = arith.constant dense<0.000000e+00> : vector<1x128xf32>
    %dot_general3A_235 = tpu.matmul %broadcast_in_dim3A_59, %slice3A_229, %dot_general3A_234 {dimension_numbers = #tpu.dot_dimension_numbers<[1], [0], [0], [1], [0, 0, 1, 1], [], []>, transpose_lhs_hint = false} : vector<1x128xf32>, vector<128x128xf32>, vector<1x128xf32> -> vector<1x128xf32>
    %add3A_236 = arith.addf %add3A_228, %dot_general3A_235 : vector<1x128xf32>
    %slice3A_237 = vector.extract_strided_slice %convert_element_type3A_52 {offsets = [768, 0], sizes = [128, 128], strides = [1, 1]} : vector<2048x128xf32> to vector<128x128xf32>
    %dot_general3A_238 = arith.constant dense<0.000000e+00> : vector<128x128xf32>
    %dot_general3A_239 = tpu.matmul %convert_element_type3A_57, %slice3A_237, %dot_general3A_238 {dimension_numbers = #tpu.dot_dimension_numbers<[1], [0], [0], [1], [0, 0, 1, 1], [], []>, transpose_lhs_hint = false} : vector<128x128xf32>, vector<128x128xf32>, vector<128x128xf32> -> vector<128x128xf32>
    %add3A_240 = vector.broadcast %add3A_236 : vector<1x128xf32> to vector<128x128xf32>
    %add3A_241 = arith.addf %dot_general3A_239, %add3A_240 : vector<128x128xf32>
    %dot_general3A_242 = arith.constant dense<0.000000e+00> : vector<1x128xf32>
    %dot_general3A_243 = tpu.matmul %broadcast_in_dim3A_59, %slice3A_237, %dot_general3A_242 {dimension_numbers = #tpu.dot_dimension_numbers<[1], [0], [0], [1], [0, 0, 1, 1], [], []>, transpose_lhs_hint = false} : vector<1x128xf32>, vector<128x128xf32>, vector<1x128xf32> -> vector<1x128xf32>
    %add3A_244 = arith.addf %add3A_236, %dot_general3A_243 : vector<1x128xf32>
    %slice3A_245 = vector.extract_strided_slice %convert_element_type3A_52 {offsets = [896, 0], sizes = [128, 128], strides = [1, 1]} : vector<2048x128xf32> to vector<128x128xf32>
    %dot_general3A_246 = arith.constant dense<0.000000e+00> : vector<128x128xf32>
    %dot_general3A_247 = tpu.matmul %convert_element_type3A_57, %slice3A_245, %dot_general3A_246 {dimension_numbers = #tpu.dot_dimension_numbers<[1], [0], [0], [1], [0, 0, 1, 1], [], []>, transpose_lhs_hint = false} : vector<128x128xf32>, vector<128x128xf32>, vector<128x128xf32> -> vector<128x128xf32>
    %add3A_248 = vector.broadcast %add3A_244 : vector<1x128xf32> to vector<128x128xf32>
    %add3A_249 = arith.addf %dot_general3A_247, %add3A_248 : vector<128x128xf32>
    %dot_general3A_250 = arith.constant dense<0.000000e+00> : vector<1x128xf32>
    %dot_general3A_251 = tpu.matmul %broadcast_in_dim3A_59, %slice3A_245, %dot_general3A_250 {dimension_numbers = #tpu.dot_dimension_numbers<[1], [0], [0], [1], [0, 0, 1, 1], [], []>, transpose_lhs_hint = false} : vector<1x128xf32>, vector<128x128xf32>, vector<1x128xf32> -> vector<1x128xf32>
    %add3A_252 = arith.addf %add3A_244, %dot_general3A_251 : vector<1x128xf32>
    %slice3A_253 = vector.extract_strided_slice %convert_element_type3A_52 {offsets = [1024, 0], sizes = [128, 128], strides = [1, 1]} : vector<2048x128xf32> to vector<128x128xf32>
    %dot_general3A_254 = arith.constant dense<0.000000e+00> : vector<128x128xf32>
    %dot_general3A_255 = tpu.matmul %convert_element_type3A_57, %slice3A_253, %dot_general3A_254 {dimension_numbers = #tpu.dot_dimension_numbers<[1], [0], [0], [1], [0, 0, 1, 1], [], []>, transpose_lhs_hint = false} : vector<128x128xf32>, vector<128x128xf32>, vector<128x128xf32> -> vector<128x128xf32>
    %add3A_256 = vector.broadcast %add3A_252 : vector<1x128xf32> to vector<128x128xf32>
    %add3A_257 = arith.addf %dot_general3A_255, %add3A_256 : vector<128x128xf32>
    %dot_general3A_258 = arith.constant dense<0.000000e+00> : vector<1x128xf32>
    %dot_general3A_259 = tpu.matmul %broadcast_in_dim3A_59, %slice3A_253, %dot_general3A_258 {dimension_numbers = #tpu.dot_dimension_numbers<[1], [0], [0], [1], [0, 0, 1, 1], [], []>, transpose_lhs_hint = false} : vector<1x128xf32>, vector<128x128xf32>, vector<1x128xf32> -> vector<1x128xf32>
    %add3A_260 = arith.addf %add3A_252, %dot_general3A_259 : vector<1x128xf32>
    %slice3A_261 = vector.extract_strided_slice %convert_element_type3A_52 {offsets = [1152, 0], sizes = [128, 128], strides = [1, 1]} : vector<2048x128xf32> to vector<128x128xf32>
    %dot_general3A_262 = arith.constant dense<0.000000e+00> : vector<128x128xf32>
    %dot_general3A_263 = tpu.matmul %convert_element_type3A_57, %slice3A_261, %dot_general3A_262 {dimension_numbers = #tpu.dot_dimension_numbers<[1], [0], [0], [1], [0, 0, 1, 1], [], []>, transpose_lhs_hint = false} : vector<128x128xf32>, vector<128x128xf32>, vector<128x128xf32> -> vector<128x128xf32>
    %add3A_264 = vector.broadcast %add3A_260 : vector<1x128xf32> to vector<128x128xf32>
    %add3A_265 = arith.addf %dot_general3A_263, %add3A_264 : vector<128x128xf32>
    %dot_general3A_266 = arith.constant dense<0.000000e+00> : vector<1x128xf32>
    %dot_general3A_267 = tpu.matmul %broadcast_in_dim3A_59, %slice3A_261, %dot_general3A_266 {dimension_numbers = #tpu.dot_dimension_numbers<[1], [0], [0], [1], [0, 0, 1, 1], [], []>, transpose_lhs_hint = false} : vector<1x128xf32>, vector<128x128xf32>, vector<1x128xf32> -> vector<1x128xf32>
    %add3A_268 = arith.addf %add3A_260, %dot_general3A_267 : vector<1x128xf32>
    %slice3A_269 = vector.extract_strided_slice %convert_element_type3A_52 {offsets = [1280, 0], sizes = [128, 128], strides = [1, 1]} : vector<2048x128xf32> to vector<128x128xf32>
    %dot_general3A_270 = arith.constant dense<0.000000e+00> : vector<128x128xf32>
    %dot_general3A_271 = tpu.matmul %convert_element_type3A_57, %slice3A_269, %dot_general3A_270 {dimension_numbers = #tpu.dot_dimension_numbers<[1], [0], [0], [1], [0, 0, 1, 1], [], []>, transpose_lhs_hint = false} : vector<128x128xf32>, vector<128x128xf32>, vector<128x128xf32> -> vector<128x128xf32>
    %add3A_272 = vector.broadcast %add3A_268 : vector<1x128xf32> to vector<128x128xf32>
    %add3A_273 = arith.addf %dot_general3A_271, %add3A_272 : vector<128x128xf32>
    %dot_general3A_274 = arith.constant dense<0.000000e+00> : vector<1x128xf32>
    %dot_general3A_275 = tpu.matmul %broadcast_in_dim3A_59, %slice3A_269, %dot_general3A_274 {dimension_numbers = #tpu.dot_dimension_numbers<[1], [0], [0], [1], [0, 0, 1, 1], [], []>, transpose_lhs_hint = false} : vector<1x128xf32>, vector<128x128xf32>, vector<1x128xf32> -> vector<1x128xf32>
    %add3A_276 = arith.addf %add3A_268, %dot_general3A_275 : vector<1x128xf32>
    %slice3A_277 = vector.extract_strided_slice %convert_element_type3A_52 {offsets = [1408, 0], sizes = [128, 128], strides = [1, 1]} : vector<2048x128xf32> to vector<128x128xf32>
    %dot_general3A_278 = arith.constant dense<0.000000e+00> : vector<128x128xf32>
    %dot_general3A_279 = tpu.matmul %convert_element_type3A_57, %slice3A_277, %dot_general3A_278 {dimension_numbers = #tpu.dot_dimension_numbers<[1], [0], [0], [1], [0, 0, 1, 1], [], []>, transpose_lhs_hint = false} : vector<128x128xf32>, vector<128x128xf32>, vector<128x128xf32> -> vector<128x128xf32>
    %add3A_280 = vector.broadcast %add3A_276 : vector<1x128xf32> to vector<128x128xf32>
    %add3A_281 = arith.addf %dot_general3A_279, %add3A_280 : vector<128x128xf32>
    %dot_general3A_282 = arith.constant dense<0.000000e+00> : vector<1x128xf32>
    %dot_general3A_283 = tpu.matmul %broadcast_in_dim3A_59, %slice3A_277, %dot_general3A_282 {dimension_numbers = #tpu.dot_dimension_numbers<[1], [0], [0], [1], [0, 0, 1, 1], [], []>, transpose_lhs_hint = false} : vector<1x128xf32>, vector<128x128xf32>, vector<1x128xf32> -> vector<1x128xf32>
    %add3A_284 = arith.addf %add3A_276, %dot_general3A_283 : vector<1x128xf32>
    %slice3A_285 = vector.extract_strided_slice %convert_element_type3A_52 {offsets = [1536, 0], sizes = [128, 128], strides = [1, 1]} : vector<2048x128xf32> to vector<128x128xf32>
    %dot_general3A_286 = arith.constant dense<0.000000e+00> : vector<128x128xf32>
    %dot_general3A_287 = tpu.matmul %convert_element_type3A_57, %slice3A_285, %dot_general3A_286 {dimension_numbers = #tpu.dot_dimension_numbers<[1], [0], [0], [1], [0, 0, 1, 1], [], []>, transpose_lhs_hint = false} : vector<128x128xf32>, vector<128x128xf32>, vector<128x128xf32> -> vector<128x128xf32>
    %add3A_288 = vector.broadcast %add3A_284 : vector<1x128xf32> to vector<128x128xf32>
    %add3A_289 = arith.addf %dot_general3A_287, %add3A_288 : vector<128x128xf32>
    %dot_general3A_290 = arith.constant dense<0.000000e+00> : vector<1x128xf32>
    %dot_general3A_291 = tpu.matmul %broadcast_in_dim3A_59, %slice3A_285, %dot_general3A_290 {dimension_numbers = #tpu.dot_dimension_numbers<[1], [0], [0], [1], [0, 0, 1, 1], [], []>, transpose_lhs_hint = false} : vector<1x128xf32>, vector<128x128xf32>, vector<1x128xf32> -> vector<1x128xf32>
    %add3A_292 = arith.addf %add3A_284, %dot_general3A_291 : vector<1x128xf32>
    %slice3A_293 = vector.extract_strided_slice %convert_element_type3A_52 {offsets = [1664, 0], sizes = [128, 128], strides = [1, 1]} : vector<2048x128xf32> to vector<128x128xf32>
    %dot_general3A_294 = arith.constant dense<0.000000e+00> : vector<128x128xf32>
    %dot_general3A_295 = tpu.matmul %convert_element_type3A_57, %slice3A_293, %dot_general3A_294 {dimension_numbers = #tpu.dot_dimension_numbers<[1], [0], [0], [1], [0, 0, 1, 1], [], []>, transpose_lhs_hint = false} : vector<128x128xf32>, vector<128x128xf32>, vector<128x128xf32> -> vector<128x128xf32>
    %add3A_296 = vector.broadcast %add3A_292 : vector<1x128xf32> to vector<128x128xf32>
    %add3A_297 = arith.addf %dot_general3A_295, %add3A_296 : vector<128x128xf32>
    %dot_general3A_298 = arith.constant dense<0.000000e+00> : vector<1x128xf32>
    %dot_general3A_299 = tpu.matmul %broadcast_in_dim3A_59, %slice3A_293, %dot_general3A_298 {dimension_numbers = #tpu.dot_dimension_numbers<[1], [0], [0], [1], [0, 0, 1, 1], [], []>, transpose_lhs_hint = false} : vector<1x128xf32>, vector<128x128xf32>, vector<1x128xf32> -> vector<1x128xf32>
    %add3A_300 = arith.addf %add3A_292, %dot_general3A_299 : vector<1x128xf32>
    %slice3A_301 = vector.extract_strided_slice %convert_element_type3A_52 {offsets = [1792, 0], sizes = [128, 128], strides = [1, 1]} : vector<2048x128xf32> to vector<128x128xf32>
    %dot_general3A_302 = arith.constant dense<0.000000e+00> : vector<128x128xf32>
    %dot_general3A_303 = tpu.matmul %convert_element_type3A_57, %slice3A_301, %dot_general3A_302 {dimension_numbers = #tpu.dot_dimension_numbers<[1], [0], [0], [1], [0, 0, 1, 1], [], []>, transpose_lhs_hint = false} : vector<128x128xf32>, vector<128x128xf32>, vector<128x128xf32> -> vector<128x128xf32>
    %add3A_304 = vector.broadcast %add3A_300 : vector<1x128xf32> to vector<128x128xf32>
    %add3A_305 = arith.addf %dot_general3A_303, %add3A_304 : vector<128x128xf32>
    %dot_general3A_306 = arith.constant dense<0.000000e+00> : vector<1x128xf32>
    %dot_general3A_307 = tpu.matmul %broadcast_in_dim3A_59, %slice3A_301, %dot_general3A_306 {dimension_numbers = #tpu.dot_dimension_numbers<[1], [0], [0], [1], [0, 0, 1, 1], [], []>, transpose_lhs_hint = false} : vector<1x128xf32>, vector<128x128xf32>, vector<1x128xf32> -> vector<1x128xf32>
    %add3A_308 = arith.addf %add3A_300, %dot_general3A_307 : vector<1x128xf32>
    %slice3A_309 = vector.extract_strided_slice %convert_element_type3A_52 {offsets = [1920, 0], sizes = [128, 128], strides = [1, 1]} : vector<2048x128xf32> to vector<128x128xf32>
    %dot_general3A_310 = arith.constant dense<0.000000e+00> : vector<128x128xf32>
    %dot_general3A_311 = tpu.matmul %convert_element_type3A_57, %slice3A_309, %dot_general3A_310 {dimension_numbers = #tpu.dot_dimension_numbers<[1], [0], [0], [1], [0, 0, 1, 1], [], []>, transpose_lhs_hint = false} : vector<128x128xf32>, vector<128x128xf32>, vector<128x128xf32> -> vector<128x128xf32>
    %add3A_312 = vector.broadcast %add3A_308 : vector<1x128xf32> to vector<128x128xf32>
    %add3A_313 = arith.addf %dot_general3A_311, %add3A_312 : vector<128x128xf32>
    %dot_general3A_314 = arith.constant dense<0.000000e+00> : vector<1x128xf32>
    %dot_general3A_315 = tpu.matmul %broadcast_in_dim3A_59, %slice3A_309, %dot_general3A_314 {dimension_numbers = #tpu.dot_dimension_numbers<[1], [0], [0], [1], [0, 0, 1, 1], [], []>, transpose_lhs_hint = false} : vector<1x128xf32>, vector<128x128xf32>, vector<1x128xf32> -> vector<1x128xf32>
    %add3A_316 = arith.addf %add3A_308, %dot_general3A_315 : vector<1x128xf32>
    %concatenate3A_317 = tpu.concatenate %add3A_193, %add3A_201, %add3A_209, %add3A_217, %add3A_225, %add3A_233, %add3A_241, %add3A_249, %add3A_257, %add3A_265, %add3A_273, %add3A_281, %add3A_289, %add3A_297, %add3A_305, %add3A_313 in 0 : vector<128x128xf32>, vector<128x128xf32>, vector<128x128xf32>, vector<128x128xf32>, vector<128x128xf32>, vector<128x128xf32>, vector<128x128xf32>, vector<128x128xf32>, vector<128x128xf32>, vector<128x128xf32>, vector<128x128xf32>, vector<128x128xf32>, vector<128x128xf32>, vector<128x128xf32>, vector<128x128xf32>, vector<128x128xf32> -> vector<2048x128xf32>
    %add3A_318 = arith.constant 1.270000e+02 : f32
    %add3A_319 = vector.broadcast %add3A_318 : f32 to vector<1x128xf32>
    %add3A_320 = arith.addf %add3A_316, %add3A_319 : vector<1x128xf32>
    %mul3A = arith.constant 7.812500e-03 : f32
    %mul3A_321 = vector.broadcast %mul3A : f32 to vector<1x128xf32>
    %mul3A_322 = arith.mulf %add3A_320, %mul3A_321 : vector<1x128xf32>
    %floor3A = math.floor %mul3A_322 : vector<1x128xf32>
    %le3A = arith.cmpi sle, %iota3A_53, %iota3A_54 : vector<128x128xi32>
    %convert_element_type3A_323 = arith.extui %le3A : vector<128x128xi1> to vector<128x128xi32>
    %convert_element_type3A_324 = arith.sitofp %convert_element_type3A_323 : vector<128x128xi32> to vector<128x128xf32>
    %dot_general3A_325 = arith.constant dense<0.000000e+00> : vector<1x128xf32>
    %dot_general3A_326 = tpu.matmul %floor3A, %convert_element_type3A_324, %dot_general3A_325 {dimension_numbers = #tpu.dot_dimension_numbers<[1], [0], [0], [1], [0, 0, 1, 1], [], []>, transpose_lhs_hint = false} : vector<1x128xf32>, vector<128x128xf32>, vector<1x128xf32> -> vector<1x128xf32>
    %sub3A = arith.subf %dot_general3A_326, %floor3A : vector<1x128xf32>
    %mul3A_327 = arith.constant 1.280000e+02 : f32
    %mul3A_328 = vector.broadcast %mul3A_327 : f32 to vector<1x128xf32>
    %mul3A_329 = arith.mulf %sub3A, %mul3A_328 : vector<1x128xf32>
    %add3A_330 = arith.constant 2.048000e+03 : f32
    %add3A_331 = vector.broadcast %add3A_330 : f32 to vector<1x128xf32>
    %add3A_332 = arith.addf %mul3A_329, %add3A_331 : vector<1x128xf32>
    %add3A_333 = vector.broadcast %add3A_332 : vector<1x128xf32> to vector<2048x128xf32>
    %add3A_334 = arith.addf %concatenate3A, %add3A_333 : vector<2048x128xf32>
    %mul3A_335 = arith.mulf %add3A_334, %convert_element_type3A_48 : vector<2048x128xf32>
    %reduce_sum3A = arith.constant dense<0.000000e+00> : vector<2048xf32>
    %reduce_sum3A_336 = vector.multi_reduction <add>, %mul3A_335, %reduce_sum3A [1] : vector<2048x128xf32> to vector<2048xf32>
    %broadcast_in_dim3A_337 = vector.shape_cast %reduce_sum3A_336 : vector<2048xf32> to vector<2048x1xf32>
    %add3A_338 = vector.broadcast %add3A_332 : vector<1x128xf32> to vector<2048x128xf32>
    %add3A_339 = arith.addf %concatenate3A_317, %add3A_338 : vector<2048x128xf32>
    %mul3A_340 = arith.mulf %add3A_339, %convert_element_type3A_52 : vector<2048x128xf32>
    %reduce_sum3A_341 = arith.constant dense<0.000000e+00> : vector<2048xf32>
    %reduce_sum3A_342 = vector.multi_reduction <add>, %mul3A_340, %reduce_sum3A_341 [1] : vector<2048x128xf32> to vector<2048xf32>
    %broadcast_in_dim3A_343 = vector.shape_cast %reduce_sum3A_342 : vector<2048xf32> to vector<2048x1xf32>
    %iota3A_344 = tpu.iota {dimensions = array<i32: 1>} : vector<2048x8xi32>
    %eq3A_345 = arith.constant 0 : i32
    %eq3A_346 = vector.broadcast %eq3A_345 : i32 to vector<2048x8xi32>
    %eq3A_347 = arith.cmpi eq, %iota3A_344, %eq3A_346 : vector<2048x8xi32>
    %convert_element_type3A_348 = arith.fptosi %broadcast_in_dim3A_337 : vector<2048x1xf32> to vector<2048x1xi32>
    %eq3A_349 = arith.constant 1 : i32
    %eq3A_350 = vector.broadcast %eq3A_349 : i32 to vector<2048x8xi32>
    %eq3A_351 = arith.cmpi eq, %iota3A_344, %eq3A_350 : vector<2048x8xi32>
    %convert_element_type3A_352 = arith.fptosi %broadcast_in_dim3A_343 : vector<2048x1xf32> to vector<2048x1xi32>
    %jit3A_353 = arith.constant 0 : i32
    %broadcast_in_dim3A_354 = vector.shape_cast %convert_element_type3A_352 : vector<2048x1xi32> to vector<2048x1xi32>
    %broadcast_in_dim3A_355 = vector.broadcast %broadcast_in_dim3A_354 : vector<2048x1xi32> to vector<2048x8xi32>
    %broadcast_in_dim3A_356 = vector.broadcast %jit3A_353 : i32 to vector<2048x8xi32>
    %select_n3A_357 = arith.select %eq3A_351, %broadcast_in_dim3A_355, %broadcast_in_dim3A_356 : vector<2048x8xi1>, vector<2048x8xi32>
    %broadcast_in_dim3A_358 = vector.shape_cast %convert_element_type3A_348 : vector<2048x1xi32> to vector<2048x1xi32>
    %broadcast_in_dim3A_359 = vector.broadcast %broadcast_in_dim3A_358 : vector<2048x1xi32> to vector<2048x8xi32>
    %select_n3A_360 = arith.select %eq3A_347, %broadcast_in_dim3A_359, %select_n3A_357 : vector<2048x8xi1>, vector<2048x8xi32>
    %swap3A_361 = arith.constant 0 : index
    %swap3A_362 = arith.constant 0 : index
    %swap3A_363 = vector.load %arg4[%swap3A_361, %swap3A_362] : memref<2048x8xi32, #tpu.memory_space<vmem>>, vector<2048x8xi32>
    tpu.vector_store %arg4[%swap3A_361, %swap3A_362], %select_n3A_360 {strides = array<i32>} : memref<2048x8xi32, #tpu.memory_space<vmem>>, vector<2048x8xi32>,
    %iota3A_364 = tpu.iota {dimensions = array<i32: 0>} : vector<128x128xi32>
    %iota3A_365 = tpu.iota {dimensions = array<i32: 1>} : vector<128x128xi32>
    %sub3A_366 = arith.constant 16 : i32
    %sub3A_367 = vector.broadcast %sub3A_366 : i32 to vector<128x128xi32>
    %sub3A_368 = arith.subi %iota3A_364, %sub3A_367 : vector<128x128xi32>
    %convert_element_type3A_369 = arith.sitofp %sub3A_368 : vector<128x128xi32> to vector<128x128xf32>
    %broadcast_in_dim3A_370 = vector.shape_cast %dot_general3A_326 : vector<1x128xf32> to vector<1x128xf32>
    %broadcast_in_dim3A_371 = vector.broadcast %broadcast_in_dim3A_370 : vector<1x128xf32> to vector<128x128xf32>
    %le3A_372 = arith.cmpf ole, %broadcast_in_dim3A_371, %convert_element_type3A_369 : vector<128x128xf32>
    %lt3A_373 = arith.constant 7 : i32
    %lt3A_374 = vector.broadcast %lt3A_373 : i32 to vector<128x128xi32>
    %lt3A_375 = arith.cmpi slt, %iota3A_365, %lt3A_374 : vector<128x128xi32>
    %and3A = arith.andi %le3A_372, %lt3A_375 : vector<128x128xi1>
    %convert_element_type3A_376 = arith.extui %and3A : vector<128x128xi1> to vector<128x128xi32>
    %convert_element_type3A_377 = arith.sitofp %convert_element_type3A_376 : vector<128x128xi32> to vector<128x128xf32>
    %reduce_sum3A_378 = arith.constant dense<0.000000e+00> : vector<128xf32>
    %reduce_sum3A_379 = vector.multi_reduction <add>, %convert_element_type3A_377, %reduce_sum3A_378 [1] : vector<128x128xf32> to vector<128xf32>
    %broadcast_in_dim3A_380 = vector.shape_cast %reduce_sum3A_379 : vector<128xf32> to vector<128x1xf32>
    %iota3A_381 = tpu.iota {dimensions = array<i32: 1>} : vector<1x128xi32>
    %eq3A_382 = arith.constant 6 : i32
    %eq3A_383 = vector.broadcast %eq3A_382 : i32 to vector<1x128xi32>
    %eq3A_384 = arith.cmpi eq, %iota3A_381, %eq3A_383 : vector<1x128xi32>
    %convert_element_type3A_385 = arith.extui %eq3A_384 : vector<1x128xi1> to vector<1x128xi32>
    %convert_element_type3A_386 = arith.sitofp %convert_element_type3A_385 : vector<1x128xi32> to vector<1x128xf32>
    %mul3A_387 = arith.mulf %dot_general3A_326, %convert_element_type3A_386 : vector<1x128xf32>
    %reduce_sum3A_388 = arith.constant dense<0.000000e+00> : vector<1xf32>
    %reduce_sum3A_389 = vector.multi_reduction <add>, %mul3A_387, %reduce_sum3A_388 [1] : vector<1x128xf32> to vector<1xf32>
    %broadcast_in_dim3A_390 = vector.shape_cast %reduce_sum3A_389 : vector<1xf32> to vector<1x1xf32>
    %slice3A_391 = vector.extract_strided_slice %iota3A_364 {offsets = [0, 0], sizes = [128, 1], strides = [1, 1]} : vector<128x128xi32> to vector<128x1xi32>
    %lt3A_392 = arith.constant 16 : i32
    %lt3A_393 = vector.broadcast %lt3A_392 : i32 to vector<128x1xi32>
    %lt3A_394 = arith.cmpi slt, %slice3A_391, %lt3A_393 : vector<128x1xi32>
    %slice3A_395 = vector.extract_strided_slice %iota3A_364 {offsets = [0, 0], sizes = [128, 1], strides = [1, 1]} : vector<128x128xi32> to vector<128x1xi32>
    %sub3A_396 = arith.constant 16 : i32
    %sub3A_397 = vector.broadcast %sub3A_396 : i32 to vector<128x1xi32>
    %sub3A_398 = arith.subi %slice3A_395, %sub3A_397 : vector<128x1xi32>
    %convert_element_type3A_399 = arith.sitofp %sub3A_398 : vector<128x1xi32> to vector<128x1xf32>
    %convert_element_type3A_400 = arith.fptosi %broadcast_in_dim3A_380 : vector<128x1xf32> to vector<128x1xi32>
    %jit3A_401 = arith.constant 0 : i32
    %jit3A_402 = arith.constant 6 : i32
    %max3A = vector.broadcast %jit3A_401 : i32 to vector<128x1xi32>
    %max3A_403 = arith.maxsi %max3A, %convert_element_type3A_400 : vector<128x1xi32>
    %min3A = vector.broadcast %jit3A_402 : i32 to vector<128x1xi32>
    %min3A_404 = arith.minsi %min3A, %max3A_403 : vector<128x1xi32>
    %jit3A_405 = arith.constant 7 : i32
    %broadcast_in_dim3A_406 = vector.broadcast %jit3A_405 : i32 to vector<128x1xi32>
    %select_n3A_407 = arith.select %lt3A_394, %broadcast_in_dim3A_406, %min3A_404 : vector<128x1xi1>, vector<128x1xi32>
    %broadcast_in_dim3A_408 = vector.shape_cast %broadcast_in_dim3A_390 : vector<1x1xf32> to vector<1x1xf32>
    %broadcast_in_dim3A_409 = vector.broadcast %broadcast_in_dim3A_408 : vector<1x1xf32> to vector<128x1xf32>
    %lt3A_410 = arith.cmpf olt, %convert_element_type3A_399, %broadcast_in_dim3A_409 : vector<128x1xf32>
    %or3A = arith.ori %lt3A_394, %lt3A_410 : vector<128x1xi1>
    %jit3A_411 = arith.constant 1 : i32
    %jit3A_412 = arith.constant 0 : i32
    %broadcast_in_dim3A_413 = vector.broadcast %jit3A_411 : i32 to vector<128x1xi32>
    %broadcast_in_dim3A_414 = vector.broadcast %jit3A_412 : i32 to vector<128x1xi32>
    %select_n3A_415 = arith.select %or3A, %broadcast_in_dim3A_413, %broadcast_in_dim3A_414 : vector<128x1xi1>, vector<128x1xi32>
    %iota3A_416 = tpu.iota {dimensions = array<i32: 1>} : vector<128x8xi32>
    %eq3A_417 = arith.constant 0 : i32
    %eq3A_418 = vector.broadcast %eq3A_417 : i32 to vector<128x8xi32>
    %eq3A_419 = arith.cmpi eq, %iota3A_416, %eq3A_418 : vector<128x8xi32>
    %eq3A_420 = arith.constant 1 : i32
    %eq3A_421 = vector.broadcast %eq3A_420 : i32 to vector<128x8xi32>
    %eq3A_422 = arith.cmpi eq, %iota3A_416, %eq3A_421 : vector<128x8xi32>
    %jit3A_423 = arith.constant 0 : i32
    %broadcast_in_dim3A_424 = vector.shape_cast %select_n3A_415 : vector<128x1xi32> to vector<128x1xi32>
    %broadcast_in_dim3A_425 = vector.broadcast %broadcast_in_dim3A_424 : vector<128x1xi32> to vector<128x8xi32>
    %broadcast_in_dim3A_426 = vector.broadcast %jit3A_423 : i32 to vector<128x8xi32>
    %select_n3A_427 = arith.select %eq3A_422, %broadcast_in_dim3A_425, %broadcast_in_dim3A_426 : vector<128x8xi1>, vector<128x8xi32>
    %broadcast_in_dim3A_428 = vector.shape_cast %select_n3A_407 : vector<128x1xi32> to vector<128x1xi32>
    %broadcast_in_dim3A_429 = vector.broadcast %broadcast_in_dim3A_428 : vector<128x1xi32> to vector<128x8xi32>
    %select_n3A_430 = arith.select %eq3A_419, %broadcast_in_dim3A_429, %select_n3A_427 : vector<128x8xi1>, vector<128x8xi32>
    %swap3A_431 = arith.constant 0 : index
    %swap3A_432 = arith.constant 0 : index
    %swap3A_433 = vector.load %arg5[%swap3A_431, %swap3A_432] : memref<128x8xi32, #tpu.memory_space<vmem>>, vector<128x8xi32>
    tpu.vector_store %arg5[%swap3A_431, %swap3A_432], %select_n3A_430 {strides = array<i32>} : memref<128x8xi32, #tpu.memory_space<vmem>>, vector<128x8xi32>,
    return
  }
}

</mosaic_0001>

<sc_bundles>
// kernel: kernel.6.cloned.1.call-start
scs
__scs_entry_jumppad:
0x0: {  	(pc) =	sbr.rel $0x88, $3  }
0x1: {  	(tag) =	ssettag $0x0;
	lr =	simm.s32 $0x1  }
0x2: {  	[smem:$0x3F98] =	sst lr;
	_ =	strace $0xD0000000  }
0x3: {  	_ = 	snop  }
0x4: {  	_ = 	snop  }
0x5: {  	_ = 	snop  }
0x6: {  	_ = 	snop  }
0x7: {  	_ = 	snop  }
__scs_overlays_trampoline_lowered:
0x8: {  	[smem:$0x3FA7] =	sst s0  }
0x9: {  	[smem:$0x3FA8] =	sst s1  }
0xa: {  	[smem:$0x3FA9] =	sst s2  }
0xb: {  	[smem:$0x3FAA] =	sst s3  }
0xc: {  	[smem:$0x3FAB] =	sst s4  }
0xd: {  	[smem:$0x3FAC] =	sst s5  }
0xe: {  	[smem:$0x3FAD] =	sst s6  }
0xf: {  	[smem:$0x3FAE] =	sst s7  }
0x10: {  	[smem:$0x3FAF] =	sst s8  }
0x11: {  	[smem:$0x3FB0] =	sst s9;
	s0 =	simm.s32 @!p0 $0x0  }
0x12: {  	s1 =	sld [smem:$0x3F96];
	s0 =	simm.s32 @p0 $0x1  }
0x13: {  	[smem:$0x3FB1] =	sst s0;
	s0 =	simm.s32 @!p1 $0x0  }
0x14: {  	s2 =	sld [smem:$0x3F95];
	s0 =	simm.s32 @p1 $0x1  }
0x15: {  	[smem:$0x3FB2] =	sst s0;
	s0 =	simm.s32 @!p2 $0x0  }
0x16: {  	s3 =	sld [smem:$0x3FDB];
	s0 =	simm.s32 @p2 $0x1  }
0x17: {  	s4 =	simm.s32 $0x1BF5;
	[smem:$0x3FB4] =	sst s0  }
0x18: {  	s0 =	sld [smem:$0x3F97];
	_ =	swait.ge [sflag:s4], $0x0  }
0x19: {  	s7 =	sld [smem:$0x3F98]  }
0x1a: {  	s8 =	sadd.s32 $0xFFFFE003, lr  }
0x1b: {  	s9 =	sadd.s32 $0xFFFFFEF7, lr;
	s5 =	simm.s32 $0xFFFFFFFF;
	p2 =	slt.u32 s8, $0xFFFFF086  }
0x1c: {  	p1 =	slt.u32 s9, $0xF7A;
	s5 =	simm.s32 @!p2 $0x0  }
0x1d: {  	s5 =	simm.s32 @p1 $0x1;
	p0 =	seq.s32 s7, s2  }
0x1e: {  	s7 =	smul.u32 @!p0 $0xF7A, s2;
	p2 =	seq.s32 @!p0 s5, $0x0  }
0x1f: {  	s9 =	smul.u32 $0xF7A, s1;
	s8 =	simm.s32 @!p0 $0x1BF5;
	p2 =	por !p2, p0  }
0x20: {  	[sflag:s8] =	ssyncset.s32 @!p0 $0xFFFFF086;
	s6 =	sadd.s32 @!p0 s3, s7;
	s7 =	simm.s32 @!p0 $0x108  }
0x21: {  	s3 =	sadd.s32 s3, s9;
	s6 =	sadd.s32 @!p0 $0x88, s6;
	s7 =	simm.s32 @p2 $0x1082  }
0x22: {  	[simem:s7], [sflag:s8] =	dma.local @!p0 [hbm:s6], $0xF7A  }
0x23: {  	s9 =	sor.u32 $0xD0000000, s2;
	s6 =	simm.s32 $0x108;
	_ =	swait.ge @!p0 [sflag:s8], $0x0  }
0x24: {  	s3 =	sadd.s32 $0x88, s3;
	s6 =	simm.s32 @!p1 $0x1082;
	[sflag:s4] =	ssyncset.s32 $0xFFFFF086  }
0x25: {  	[simem:s6], [sflag:s4] =	dma.local [hbm:s3], $0xF7A  }
0x26: {  	[smem:$0x3F98] =	sst s1;
	(tag) =	ssettag s2;
	_ =	strace s9  }
0x27: {  	s1 =	sld [smem:$0x3FA8]  }
0x28: {  	s2 =	sld [smem:$0x3FA9]  }
0x29: {  	s4 =	sld [smem:$0x3FAB]  }
0x2a: {  	p0 =	seq.s32 s5, $0x0;
	s5 =	sld [smem:$0x3FAC]  }
0x2b: {  	s6 =	sld [smem:$0x3FAD]  }
0x2c: {  	s7 =	sld [smem:$0x3FAE]  }
0x2d: {  	s3 =	simm.s32 $0x108;
	s8 =	sld [smem:$0x3FAF]  }
0x2e: {  	s3 =	simm.s32 @!p0 $0x1082;
	s9 =	sld [smem:$0x3FB0]  }
0x2f: {  	lr =	sadd.s32 s0, s3;
	s0 =	sld [smem:$0x3FA7]  }
0x30: {  	s3 =	sld [smem:$0x3FAA]  }
0x31: {  	[smem:$0x3FB3] =	sst s10  }
0x32: {  	s10 =	sld [smem:$0x3FB1];
	_ =	sdelay $0x3  }
0x33: {  	p0 =	seq.s32 s10, $0x1;
	s10 =	sld [smem:$0x3FB3];
	_ =	sdelay $0x3  }
0x34: {  	[smem:$0x3FB3] =	sst s10  }
0x35: {  	s10 =	sld [smem:$0x3FB2];
	_ =	sdelay $0x3  }
0x36: {  	p1 =	seq.s32 s10, $0x1;
	s10 =	sld [smem:$0x3FB3];
	_ =	sdelay $0x3  }
0x37: {  	[smem:$0x3FB3] =	sst s10  }
0x38: {  	s10 =	sld [smem:$0x3FB4]  }
0x39: {  	_ = 	snop;
	(pc) =	sbr.ind lr, $3  }
0x3a: {  	_ = 	snop  }
0x3b: {  	_ = 	snop  }
0x3c: {  	p2 =	seq.s32 s10, $0x1;
	s10 =	sld [smem:$0x3FB3]  }
0x3d: {  	_ =	shalt  }
0x3e: {  	_ =	shalt  }
0x3f: {  	_ =	shalt  }
0x40: {  	_ =	shalt  }
0x41: {  	_ =	shalt  }
0x42: {  	_ =	shalt  }
0x43: {  	_ =	shalt  }
0x44: {  	_ =	shalt  }
0x45: {  	_ =	shalt  }
0x46: {  	_ =	shalt  }
0x47: {  	_ =	shalt  }
0x48: {  	_ =	shalt  }
0x49: {  	_ =	shalt  }
0x4a: {  	_ =	shalt  }
0x4b: {  	_ =	shalt  }
0x4c: {  	_ =	shalt  }
0x4d: {  	_ =	shalt  }
0x4e: {  	_ =	shalt  }
0x4f: {  	_ =	shalt  }
0x50: {  	_ =	shalt  }
0x51: {  	_ =	shalt  }
0x52: {  	_ =	shalt  }
0x53: {  	_ =	shalt  }
0x54: {  	_ =	shalt  }
0x55: {  	_ =	shalt  }
0x56: {  	_ =	shalt  }
0x57: {  	_ =	shalt  }
0x58: {  	_ =	shalt  }
0x59: {  	_ =	shalt  }
0x5a: {  	_ =	shalt  }
0x5b: {  	_ =	shalt  }
0x5c: {  	_ =	shalt  }
0x5d: {  	_ =	shalt  }
0x5e: {  	_ =	shalt  }
0x5f: {  	_ =	shalt  }
0x60: {  	_ =	shalt  }
0x61: {  	_ =	shalt  }
0x62: {  	_ =	shalt  }
0x63: {  	_ =	shalt  }
0x64: {  	_ =	shalt  }
0x65: {  	_ =	shalt  }
0x66: {  	_ =	shalt  }
0x67: {  	_ =	shalt  }
0x68: {  	_ =	shalt  }
0x69: {  	_ =	shalt  }
0x6a: {  	_ =	shalt  }
0x6b: {  	_ =	shalt  }
0x6c: {  	_ =	shalt  }
0x6d: {  	_ =	shalt  }
0x6e: {  	_ =	shalt  }
0x6f: {  	_ =	shalt  }
0x70: {  	_ =	shalt  }
0x71: {  	_ =	shalt  }
0x72: {  	_ =	shalt  }
0x73: {  	_ =	shalt  }
0x74: {  	_ =	shalt  }
0x75: {  	_ =	shalt  }
0x76: {  	_ =	shalt  }
0x77: {  	_ =	shalt  }
0x78: {  	_ =	shalt  }
0x79: {  	_ =	shalt  }
0x7a: {  	_ =	shalt  }
0x7b: {  	_ =	shalt  }
0x7c: {  	_ =	shalt  }
0x7d: {  	_ =	shalt  }
0x7e: {  	_ =	shalt  }
0x7f: {  	_ =	shalt  }
0x80: {  	_ =	shalt  }
0x81: {  	_ =	shalt  }
0x82: {  	_ =	shalt  }
0x83: {  	_ =	shalt  }
0x84: {  	_ =	shalt  }
0x85: {  	_ =	shalt  }
0x86: {  	_ =	shalt  }
0x87: {  	_ =	shalt  }
.Lfunc_end0:
.L_simem_size_0:
called_computation_lowered:
.L_overlay_start_0:
0x88: {  	s2 =	sld [smem:$0x3FD9]  }
0x89: {  	s3 =	sld [smem:$0x3FFE];
	_ =	sdelay $0x1  }
0x8a: {  	s1 =	srdreg.scid  }
0x8b: {  	s0 =	sand.u32 $0x1, s1  }
0x8c: {  	s17 =	sshll.u32 s0, $0xA;
	s2 =	sadd.s32 s3, s2  }
0x8d: {  	s2 =	sadd.s32 s2, s17  }
0x8e: {  	[smem:$0x3FBF] =	sst s2  }
0x8f: {  	_ = 	snop  }
0x90: {  	s2 =	sld [smem:$0x3FC9];
	(tm) =	ssettm $0x1  }
0x91: {  	s18 =	sld [smem:$0x3FFB];
	_ =	sdelay $0x3  }
0x92: {  	_ =	strace s18  }
0x93: {  	s3 =	sld [smem:$0x3FFC];
	_ =	sdelay $0x3  }
0x94: {  	_ =	strace s3  }
0x95: {  	s3 =	sld [smem:$0x3FFD];
	_ =	sdelay $0x3  }
0x96: {  	_ =	strace s3  }
0x97: {  	_ =	strace $0x8FFFFFFF  }
0x98: {  	s19 =	sld [smem:$0x3FDB];
	_ =	sdelay $0x1  }
0x99: {  	s4 =	simm.s32 $_scs_section_size  }
0x9a: {  	s5 =	simm.s32 $_size__tile_overlayer_lowered;
	s6 =	simm.s32 $_tile_overlayer_lowered  }
0x9b: {  	s22 =	simm.s32 $0x1BFF;
	s21 =	sshll.u32 s6, $0x1;
	s3 =	sadd.s32 s4, s19  }
0x9c: {  	s7 =	simm.s32 $0x0;
	s20 =	sshll.u32 s5, $0x1;
	s5 =	sadd.s32 s21, s3  }
0x9d: {  	[timem:s7], [sflag:s22] =	dma.local [hbm:s5], s20  }
0x9e: {  	_ =	swait.ge [sflag:s22], s20  }
0x9f: {  	s4 =	ssub.s32 $0x0, s20;
	[sflag:s22] =	ssyncset.done $0x0  }
0xa0: {  	[sflag:s22] =	ssyncadd.s32 s4;
	_ =	sdelay $0x1  }
0xa1: {  	s23 =	simm.s32 $0x1B8B  }
0xa2: {  	_ =	swait.ge [sflag:s23], $0x1  }
0xa3: {  	[sflag:s23] =	ssyncset.done $0x0  }
0xa4: {  	s25 =	simm.s32 $0x1B8E;
	s24 =	sld [smem:$0x3FFE];
	[sflag:s23] =	ssyncadd.s32 $0xFFFFFFFF  }
0xa5: {  	s26 =	simm.s32 $execute0_lowered;
	[smem:$0x3FD2] =	sst s25  }
0xa6: {  	s5 =	sshll.u32 s26, $0x1;
	_ =	strace $0x80000046;
	[dreg:$0x1] =	wrdreg $0xFFFFFFFF  }
0xa7: {  	s28 =	simm.s32 $_size_execute0_lowered;
	s3 =	sadd.s32 s3, s5;
	[dreg:$0x0] =	wrdreg $0x0  }
0xa8: {  	s5 =	sshll.u32 s28, $0x1;
	[dreg:$0x2] =	wrdreg s3  }
0xa9: {  	[dreg:$0x3] =	wrdreg s5  }
0xaa: {  	[dreg:$0x4] =	wrdreg $0xC0  }
0xab: {  	_ =	task [dreg:s7], $0x5FFFF  }
0xac: {  	[dreg:$0x1] =	wrdreg $0xFFFFFFFF  }
0xad: {  	[dreg:$0x0] =	wrdreg $0x60  }
0xae: {  	[dreg:$0x2] =	wrdreg s2  }
0xaf: {  	[dreg:$0x3] =	wrdreg s24  }
0xb0: {  	[dreg:$0x4] =	wrdreg $0x9  }
0xb1: {  	_ =	task.clear_ibuf [dreg:s7], $0x5FFFF;
	_ =	strace $0x90000046  }
0xb2: {  	s29 =	simm.s32 $0x9;
	_ =	strace $0x80000048  }
0xb3: {  	_ =	swait.ge [sflag:s29], $0x1  }
0xb4: {  	[sflag:s29] =	ssyncadd.s32 $0xFFFFFFFF  }
0xb5: {  	_ =	strace $0x90000048  }
0xb6: {  	_ =	sfence  }
0xb7: {  	s30 =	sld [smem:$0x0];
	_ =	sdelay $0x2  }
0xb8: {  	s31 =	sshll.u32 s1, $0xD;
	s1 =	sshrl.u32 s1, $0x2  }
0xb9: {  	s3 =	sand.u32 $0x4000, s31;
	s1 =	sadd.s32 s1, s30  }
0xba: {  	s0 =	sor.u32 s3, s0;
	s1 =	sshll.u32 s1, $0x11  }
0xbb: {  	s0 =	sor.u32 s1, s0  }
0xbc: {  	s0 =	sadd.s32 $0x8F2B, s0  }
0xbd: {  	[sflag:s0] =	ssyncadd.remote.s32 $0x1  }
0xbe: {  	_ =	sfence.sel $0xFFFF  }
0xbf: {  	[dreg:$0x0] =	wrdreg $0xFFFFFFFF;
	(pc) =	sbr.abs _section_cstart, $3  }
0xc0: {  	[dreg:$0x1] =	wrdreg $0xFFFFFFFF  }
0xc1: {  	_ =	task.clear_ibuf [dreg:s7], $0x2FFFF;
	_ =	strace $0x9FFFFFFF  }
0xc2: {  	(tm) =	ssettm $0x7FFFFFFF  }
0xc3: {  	_ =	shalt  }
tec
execute0_lowered:
.L_overlay_start_1:
0x0: {  	(tag) =	ssettag $0x1  }
0x1: {  	s0 =	rddreg [dreg:$0x0]  }
0x2: {  	s1 =	rddreg [dreg:$0x1]  }
0x3: {  	s2 =	srdreg.scid;
	s3 =	stileid.u32;
	s26 =	simm.s32 $0x80  }
0x4: {  	s8 =	simm.s32 $0x100;
	s9 =	simm.s32 $0x2;
	s12 =	simm.s32 $0x1900  }
0x5: {  	s13 =	simm.s32 $0x2100;
	s14 =	simm.s32 $0x2900;
	s15 =	simm.s32 $0x3100  }
0x6: {  	s16 =	simm.s32 $0x3900;
	s17 =	simm.s32 $0x4100;
	s18 =	simm.s32 $0x4900  }
0x7: {  	s19 =	simm.s32 $0x5100;
	s20 =	simm.s32 $0x5900;
	s21 =	simm.s32 $0x6100  }
0x8: {  	s22 =	simm.s32 $0x6900;
	s28 =	simm.s32 $0x9100;
	s29 =	simm.s32 $0x9900  }
0x9: {  	s30 =	simm.s32 $0xA100;
	s31 =	simm.s32 $0xA900;
	s4 =	sand.u32 $0x1, s2  }
0xa: {  	s2 =	simm.s32 $0x0;
	s3 =	sshll.u32 s3, $0x4;
	s5 =	sshll.u32 s4, $0x3  }
0xb: {  	[smem:$0x7FF] =	sst s2;
	s4 =	ssub.s32 $0x2, s4;
	s5 =	sor.u32 s5, s3  }
0xc: {  	_ =	strace $0x80000047;
	s3 =	sadd.s32 $0x9A00, s1;
	s23 =	sshrl.u32 s4, $0x1  }
0xd: {  	[dreg:$0x7] =	wrdreg s26;
	s26 =	simm.s32 $0x8900;
	s6 =	sadd.s32 s5, s1  }
0xe: {  	s5 =	smul.u32 $0x300, s5;
	s24 =	ssub.s32 s4, s23;
	s7 =	sadd.s32 $0x9800, s6  }
0xf: {  	s4 =	sadd.s32 $0x9B00, s1;
	s6 =	sadd.s32 $0x9600, s6;
	[dreg:$0x3] =	wrdreg s7  }
0x10: {  	s23 =	simm.s32 $0x7100;
	[dreg:$0x4] =	wrdreg s6;
	s0 =	sadd.s32 s0, s5  }
0x11: {  	v2 =	vlaneseq.u32;
	s25 =	sadd.s32 s3, s5;
	s5 =	sadd.s32 $0x9C00, s1;
	s6 =	smax.u32 s24, $0x1  }
0x12: {  	vm0 =	vmmov $0xffff;
	v1 =	vshrl.u32 v2, $0x3;
	s7 =	simm.s32 $0x3;
	s24 =	simm.s32 $0x7900;
	[dreg:$0x5] =	wrdreg s0  }
0x13: {  	v0 =	vand.u32 $0x7, v2;
	v2 =	vor.u32 $0x8, v2;
	v1 =	vmul.u32 $0x8, v1;
	s1 =	simm.s32 $0xB900;
	[dreg:$0x6] =	wrdreg s25;
	s25 =	simm.s32 $0x8100  }
.LBB2_1:
0x14: {  	s10 =	rddreg [dreg:$0x3]  }
0x15: {  	[tilespmem:s2], [sflag:$0x3] =	stream.linear.gather [hbm4b:s10+s2], $0x40, $0x38;
	[tilespmem:$0xC100] =	vst v63  }
0x16: {  	_ =	swait.ge [sflag:s7], $0x40  }
0x17: {  	s0 =	rddreg [dreg:$0x4];
	[sflag:s7] =	ssyncset.done $0x0  }
0x18: {  	s11 =	rddreg [dreg:$0x7];
	[sflag:s7] =	ssyncadd.s32 $0xFFFFFFC0  }
0x19: {  	[tilespmem:s11], [sflag:$0x3] =	stream.linear.gather [hbm4b:s0+s2], $0x40, $0x38;
	[tilespmem:$0xC100] =	vst v63  }
0x1a: {  	_ =	swait.ge [sflag:s7], $0x40  }
0x1b: {  	[sflag:s7] =	ssyncset.done $0x0  }
0x1c: {  	s11 =	rddreg [dreg:$0x5];
	[sflag:s7] =	ssyncadd.s32 $0xFFFFFFC0  }
0x1d: {  	[tilespmem:s8], [sflag:$0x3] =	stream.linear.gather [hbm4b:s11+s2], $0xC000, $0x38;
	[tilespmem:$0xC100] =	vst v63  }
0x1e: {  	_ =	swait.ge [sflag:s7], $0xC000  }
0x1f: {  	[sflag:s7] =	ssyncset.done $0x0  }
0x20: {  	[sflag:s7] =	ssyncadd.s32 $0xFFFF4000  }
0x21: {  	v3 =	vld [tilespmem:$0x0];
	_ =	sdelay $0x4  }
0x22: {  	v4 =	vshrl.u32 v3, $0x3  }
0x23: {  	v4 =	vmul.u32 $0x30, v4  }
0x24: {  	v3 =	vand.u32 $0x7, v3  }
0x25: {  	v3 =	vor.u32 v3, v4  }
0x26: {  	v4 =	vperm.xlane v3, v0;
	_ =	sdelay $0x1  }
0x27: {  	v4 =	vadd.s32 v1, v4;
	_ =	sdelay $0x3  }
0x28: {  	v3 =	vperm.xlane v3, v2  }
0x29: {  	[hbm4b:s3+s2] =	stream.indirect_vreg.scatter [tilespmem:s8], [sflag:$0x1], $0x80, v4, vm0, $0xb8;
	[tilespmem:$0xC100] =	vst v63  }
0x2a: {  	s10 =	simm.s32 $0x900;
	v3 =	vadd.s32 v1, v3  }
0x2b: {  	[hbm4b:s4+s2] =	stream.indirect_vreg.scatter [tilespmem:s10], [sflag:$0x1], $0x80, v4, vm0, $0xb8;
	[tilespmem:$0xC100] =	vst v63  }
0x2c: {  	s11 =	simm.s32 $0x1100  }
0x2d: {  	[hbm4b:s5+s2] =	stream.indirect_vreg.scatter [tilespmem:s11], [sflag:$0x1], $0x80, v4, vm0, $0xb8;
	[tilespmem:$0xC100] =	vst v63  }
0x2e: {  	_ = 	snop  }
0x2f: {  	[hbm4b:s3+s2] =	stream.indirect_vreg.scatter [tilespmem:s12], [sflag:$0x1], $0x80, v3, vm0, $0xb8;
	[tilespmem:$0xC100] =	vst v63  }
0x30: {  	_ = 	snop  }
0x31: {  	[hbm4b:s4+s2] =	stream.indirect_vreg.scatter [tilespmem:s13], [sflag:$0x1], $0x80, v3, vm0, $0xb8;
	[tilespmem:$0xC100] =	vst v63  }
0x32: {  	_ = 	snop  }
0x33: {  	[hbm4b:s5+s2] =	stream.indirect_vreg.scatter [tilespmem:s14], [sflag:$0x1], $0x80, v3, vm0, $0xb8;
	[tilespmem:$0xC100] =	vst v63  }
0x34: {  	v3 =	vld [tilespmem:$0x10];
	_ =	sdelay $0x4  }
0x35: {  	v57 =	vshrl.u32 v3, $0x3  }
0x36: {  	v4 =	vmul.u32 $0x30, v57  }
0x37: {  	v3 =	vand.u32 $0x7, v3  }
0x38: {  	v3 =	vor.u32 v3, v4  }
0x39: {  	v4 =	vperm.xlane v3, v0;
	_ =	sdelay $0x1  }
0x3a: {  	v4 =	vadd.s32 v1, v4;
	_ =	sdelay $0x3  }
0x3b: {  	v3 =	vperm.xlane v3, v2  }
0x3c: {  	[hbm4b:s3+s2] =	stream.indirect_vreg.scatter [tilespmem:s15], [sflag:$0x1], $0x80, v4, vm0, $0xb8;
	[tilespmem:$0xC100] =	vst v63  }
0x3d: {  	v3 =	vadd.s32 v1, v3  }
0x3e: {  	[hbm4b:s4+s2] =	stream.indirect_vreg.scatter [tilespmem:s16], [sflag:$0x1], $0x80, v4, vm0, $0xb8;
	[tilespmem:$0xC100] =	vst v63  }
0x3f: {  	_ = 	snop  }
0x40: {  	[hbm4b:s5+s2] =	stream.indirect_vreg.scatter [tilespmem:s17], [sflag:$0x1], $0x80, v4, vm0, $0xb8;
	[tilespmem:$0xC100] =	vst v63  }
0x41: {  	_ = 	snop  }
0x42: {  	[hbm4b:s3+s2] =	stream.indirect_vreg.scatter [tilespmem:s18], [sflag:$0x1], $0x80, v3, vm0, $0xb8;
	[tilespmem:$0xC100] =	vst v63  }
0x43: {  	_ = 	snop  }
0x44: {  	[hbm4b:s4+s2] =	stream.indirect_vreg.scatter [tilespmem:s19], [sflag:$0x1], $0x80, v3, vm0, $0xb8;
	[tilespmem:$0xC100] =	vst v63  }
0x45: {  	_ = 	snop  }
0x46: {  	[hbm4b:s5+s2] =	stream.indirect_vreg.scatter [tilespmem:s20], [sflag:$0x1], $0x80, v3, vm0, $0xb8;
	[tilespmem:$0xC100] =	vst v63  }
0x47: {  	v3 =	vld [tilespmem:$0x20];
	_ =	sdelay $0x4  }
0x48: {  	v58 =	vshrl.u32 v3, $0x3  }
0x49: {  	v4 =	vmul.u32 $0x30, v58  }
0x4a: {  	v3 =	vand.u32 $0x7, v3  }
0x4b: {  	v3 =	vor.u32 v3, v4  }
0x4c: {  	v4 =	vperm.xlane v3, v0;
	_ =	sdelay $0x1  }
0x4d: {  	v4 =	vadd.s32 v1, v4;
	_ =	sdelay $0x3  }
0x4e: {  	v3 =	vperm.xlane v3, v2  }
0x4f: {  	[hbm4b:s3+s2] =	stream.indirect_vreg.scatter [tilespmem:s21], [sflag:$0x1], $0x80, v4, vm0, $0xb8;
	[tilespmem:$0xC100] =	vst v63  }
0x50: {  	v3 =	vadd.s32 v1, v3  }
0x51: {  	[hbm4b:s4+s2] =	stream.indirect_vreg.scatter [tilespmem:s22], [sflag:$0x1], $0x80, v4, vm0, $0xb8;
	[tilespmem:$0xC100] =	vst v63  }
0x52: {  	_ = 	snop  }
0x53: {  	[hbm4b:s5+s2] =	stream.indirect_vreg.scatter [tilespmem:s23], [sflag:$0x1], $0x80, v4, vm0, $0xb8;
	[tilespmem:$0xC100] =	vst v63  }
0x54: {  	_ = 	snop  }
0x55: {  	[hbm4b:s3+s2] =	stream.indirect_vreg.scatter [tilespmem:s24], [sflag:$0x1], $0x80, v3, vm0, $0xb8;
	[tilespmem:$0xC100] =	vst v63  }
0x56: {  	_ = 	snop  }
0x57: {  	[hbm4b:s4+s2] =	stream.indirect_vreg.scatter [tilespmem:s25], [sflag:$0x1], $0x80, v3, vm0, $0xb8;
	[tilespmem:$0xC100] =	vst v63  }
0x58: {  	_ = 	snop  }
0x59: {  	[hbm4b:s5+s2] =	stream.indirect_vreg.scatter [tilespmem:s26], [sflag:$0x1], $0x80, v3, vm0, $0xb8;
	[tilespmem:$0xC100] =	vst v63  }
0x5a: {  	v3 =	vld [tilespmem:$0x30];
	_ =	sdelay $0x4  }
0x5b: {  	v59 =	vshrl.u32 v3, $0x3  }
0x5c: {  	v4 =	vmul.u32 $0x30, v59  }
0x5d: {  	v3 =	vand.u32 $0x7, v3  }
0x5e: {  	v3 =	vor.u32 v3, v4  }
0x5f: {  	v4 =	vperm.xlane v3, v0;
	_ =	sdelay $0x1  }
0x60: {  	v4 =	vadd.s32 v1, v4;
	_ =	sdelay $0x3  }
0x61: {  	v3 =	vperm.xlane v3, v2  }
0x62: {  	[hbm4b:s3+s2] =	stream.indirect_vreg.scatter [tilespmem:s28], [sflag:$0x1], $0x80, v4, vm0, $0xb8;
	[tilespmem:$0xC100] =	vst v63  }
0x63: {  	v3 =	vadd.s32 v1, v3  }
0x64: {  	[hbm4b:s4+s2] =	stream.indirect_vreg.scatter [tilespmem:s29], [sflag:$0x1], $0x80, v4, vm0, $0xb8;
	[tilespmem:$0xC100] =	vst v63  }
0x65: {  	_ = 	snop  }
0x66: {  	[hbm4b:s5+s2] =	stream.indirect_vreg.scatter [tilespmem:s30], [sflag:$0x1], $0x80, v4, vm0, $0xb8;
	[tilespmem:$0xC100] =	vst v63  }
0x67: {  	_ = 	snop  }
0x68: {  	[hbm4b:s3+s2] =	stream.indirect_vreg.scatter [tilespmem:s31], [sflag:$0x1], $0x80, v3, vm0, $0xb8;
	[tilespmem:$0xC100] =	vst v63  }
0x69: {  	s0 =	simm.s32 $0xB100  }
0x6a: {  	[hbm4b:s4+s2] =	stream.indirect_vreg.scatter [tilespmem:s0], [sflag:$0x1], $0x80, v3, vm0, $0xb8;
	[tilespmem:$0xC100] =	vst v63  }
0x6b: {  	_ = 	snop  }
0x6c: {  	[hbm4b:s5+s2] =	stream.indirect_vreg.scatter [tilespmem:s1], [sflag:$0x1], $0x80, v3, vm0, $0xb8;
	[tilespmem:$0xC100] =	vst v63  }
0x6d: {  	v3 =	vld [tilespmem:$0x80];
	_ =	sdelay $0x4  }
0x6e: {  	v60 =	vshrl.u32 v3, $0x3  }
0x6f: {  	v4 =	vmul.u32 $0x30, v60  }
0x70: {  	v3 =	vand.u32 $0x7, v3  }
0x71: {  	v3 =	vor.u32 v3, v4  }
0x72: {  	v4 =	vperm.xlane v3, v0;
	_ =	sdelay $0x1  }
0x73: {  	v4 =	vadd.s32 v1, v4;
	_ =	sdelay $0x3  }
0x74: {  	v3 =	vperm.xlane v3, v2  }
0x75: {  	[hbm4b:s3+s2] =	stream.indirect_vreg.scatter [tilespmem:s8], [sflag:$0x2], $0x80, v4, vm0, $0xb8;
	[tilespmem:$0xC100] =	vst v63  }
0x76: {  	v3 =	vadd.s32 v1, v3  }
0x77: {  	[hbm4b:s4+s2] =	stream.indirect_vreg.scatter [tilespmem:s10], [sflag:$0x2], $0x80, v4, vm0, $0xb8;
	[tilespmem:$0xC100] =	vst v63  }
0x78: {  	_ = 	snop  }
0x79: {  	[hbm4b:s5+s2] =	stream.indirect_vreg.scatter [tilespmem:s11], [sflag:$0x2], $0x80, v4, vm0, $0xb8;
	[tilespmem:$0xC100] =	vst v63  }
0x7a: {  	_ = 	snop  }
0x7b: {  	[hbm4b:s3+s2] =	stream.indirect_vreg.scatter [tilespmem:s12], [sflag:$0x2], $0x80, v3, vm0, $0xb8;
	[tilespmem:$0xC100] =	vst v63  }
0x7c: {  	_ = 	snop  }
0x7d: {  	[hbm4b:s4+s2] =	stream.indirect_vreg.scatter [tilespmem:s13], [sflag:$0x2], $0x80, v3, vm0, $0xb8;
	[tilespmem:$0xC100] =	vst v63  }
0x7e: {  	_ = 	snop  }
0x7f: {  	[hbm4b:s5+s2] =	stream.indirect_vreg.scatter [tilespmem:s14], [sflag:$0x2], $0x80, v3, vm0, $0xb8;
	[tilespmem:$0xC100] =	vst v63  }
0x80: {  	v3 =	vld [tilespmem:$0x90];
	_ =	sdelay $0x4  }
0x81: {  	v61 =	vshrl.u32 v3, $0x3  }
0x82: {  	v4 =	vmul.u32 $0x30, v61  }
0x83: {  	v3 =	vand.u32 $0x7, v3  }
0x84: {  	v3 =	vor.u32 v3, v4  }
0x85: {  	v4 =	vperm.xlane v3, v0;
	_ =	sdelay $0x1  }
0x86: {  	v4 =	vadd.s32 v1, v4;
	_ =	sdelay $0x3  }
0x87: {  	v3 =	vperm.xlane v3, v2  }
0x88: {  	[hbm4b:s3+s2] =	stream.indirect_vreg.scatter [tilespmem:s15], [sflag:$0x2], $0x80, v4, vm0, $0xb8;
	[tilespmem:$0xC100] =	vst v63  }
0x89: {  	v3 =	vadd.s32 v1, v3  }
0x8a: {  	[hbm4b:s4+s2] =	stream.indirect_vreg.scatter [tilespmem:s16], [sflag:$0x2], $0x80, v4, vm0, $0xb8;
	[tilespmem:$0xC100] =	vst v63  }
0x8b: {  	_ = 	snop  }
0x8c: {  	[hbm4b:s5+s2] =	stream.indirect_vreg.scatter [tilespmem:s17], [sflag:$0x2], $0x80, v4, vm0, $0xb8;
	[tilespmem:$0xC100] =	vst v63  }
0x8d: {  	_ = 	snop  }
0x8e: {  	[hbm4b:s3+s2] =	stream.indirect_vreg.scatter [tilespmem:s18], [sflag:$0x2], $0x80, v3, vm0, $0xb8;
	[tilespmem:$0xC100] =	vst v63  }
0x8f: {  	_ = 	snop  }
0x90: {  	[hbm4b:s4+s2] =	stream.indirect_vreg.scatter [tilespmem:s19], [sflag:$0x2], $0x80, v3, vm0, $0xb8;
	[tilespmem:$0xC100] =	vst v63  }
0x91: {  	_ = 	snop  }
0x92: {  	[hbm4b:s5+s2] =	stream.indirect_vreg.scatter [tilespmem:s20], [sflag:$0x2], $0x80, v3, vm0, $0xb8;
	[tilespmem:$0xC100] =	vst v63  }
0x93: {  	v3 =	vld [tilespmem:$0xA0];
	_ =	sdelay $0x4  }
0x94: {  	v62 =	vshrl.u32 v3, $0x3  }
0x95: {  	v4 =	vmul.u32 $0x30, v62  }
0x96: {  	v3 =	vand.u32 $0x7, v3  }
0x97: {  	v3 =	vor.u32 v3, v4  }
0x98: {  	v4 =	vperm.xlane v3, v0;
	_ =	sdelay $0x1  }
0x99: {  	v4 =	vadd.s32 v1, v4;
	_ =	sdelay $0x3  }
0x9a: {  	v3 =	vperm.xlane v3, v2  }
0x9b: {  	[hbm4b:s3+s2] =	stream.indirect_vreg.scatter [tilespmem:s21], [sflag:$0x2], $0x80, v4, vm0, $0xb8;
	[tilespmem:$0xC100] =	vst v63  }
0x9c: {  	v3 =	vadd.s32 v1, v3  }
0x9d: {  	[hbm4b:s4+s2] =	stream.indirect_vreg.scatter [tilespmem:s22], [sflag:$0x2], $0x80, v4, vm0, $0xb8;
	[tilespmem:$0xC100] =	vst v63  }
0x9e: {  	_ = 	snop  }
0x9f: {  	[hbm4b:s5+s2] =	stream.indirect_vreg.scatter [tilespmem:s23], [sflag:$0x2], $0x80, v4, vm0, $0xb8;
	[tilespmem:$0xC100] =	vst v63  }
0xa0: {  	_ = 	snop  }
0xa1: {  	[hbm4b:s3+s2] =	stream.indirect_vreg.scatter [tilespmem:s24], [sflag:$0x2], $0x80, v3, vm0, $0xb8;
	[tilespmem:$0xC100] =	vst v63  }
0xa2: {  	_ = 	snop  }
0xa3: {  	[hbm4b:s4+s2] =	stream.indirect_vreg.scatter [tilespmem:s25], [sflag:$0x2], $0x80, v3, vm0, $0xb8;
	[tilespmem:$0xC100] =	vst v63  }
0xa4: {  	_ = 	snop  }
0xa5: {  	[hbm4b:s5+s2] =	stream.indirect_vreg.scatter [tilespmem:s26], [sflag:$0x2], $0x80, v3, vm0, $0xb8;
	[tilespmem:$0xC100] =	vst v63  }
0xa6: {  	v3 =	vld [tilespmem:$0xB0];
	_ =	sdelay $0x4  }
0xa7: {  	v63 =	vshrl.u32 v3, $0x3  }
0xa8: {  	v4 =	vmul.u32 $0x30, v63  }
0xa9: {  	v3 =	vand.u32 $0x7, v3  }
0xaa: {  	v3 =	vor.u32 v3, v4  }
0xab: {  	v4 =	vperm.xlane v3, v0;
	_ =	sdelay $0x1  }
0xac: {  	v4 =	vadd.s32 v1, v4;
	_ =	sdelay $0x3  }
0xad: {  	v3 =	vperm.xlane v3, v2  }
0xae: {  	[hbm4b:s3+s2] =	stream.indirect_vreg.scatter [tilespmem:s28], [sflag:$0x2], $0x80, v4, vm0, $0xb8;
	[tilespmem:$0xC100] =	vst v63  }
0xaf: {  	v3 =	vadd.s32 v1, v3  }
0xb0: {  	[hbm4b:s4+s2] =	stream.indirect_vreg.scatter [tilespmem:s29], [sflag:$0x2], $0x80, v4, vm0, $0xb8;
	[tilespmem:$0xC100] =	vst v63  }
0xb1: {  	_ = 	snop  }
0xb2: {  	[hbm4b:s5+s2] =	stream.indirect_vreg.scatter [tilespmem:s30], [sflag:$0x2], $0x80, v4, vm0, $0xb8;
	[tilespmem:$0xC100] =	vst v63  }
0xb3: {  	_ = 	snop  }
0xb4: {  	[hbm4b:s3+s2] =	stream.indirect_vreg.scatter [tilespmem:s31], [sflag:$0x2], $0x80, v3, vm0, $0xb8;
	[tilespmem:$0xC100] =	vst v63  }
0xb5: {  	_ = 	snop  }
0xb6: {  	[hbm4b:s4+s2] =	stream.indirect_vreg.scatter [tilespmem:s0], [sflag:$0x2], $0x80, v3, vm0, $0xb8;
	[tilespmem:$0xC100] =	vst v63  }
0xb7: {  	_ = 	snop  }
0xb8: {  	[hbm4b:s5+s2] =	stream.indirect_vreg.scatter [tilespmem:s1], [sflag:$0x2], $0x80, v3, vm0, $0xb8;
	[tilespmem:$0xC100] =	vst v63  }
0xb9: {  	s0 =	rddreg [dreg:$0x6]  }
0xba: {  	[hbm4b:s0+s2] =	stream.linear.scatter [tilespmem:s8], [sflag:$0x3], $0xC000, $0x38;
	[tilespmem:$0xC100] =	vst v63  }
0xbb: {  	_ =	swait.ge [sflag:s7], $0xC000  }
0xbc: {  	[sflag:s7] =	ssyncset.done $0x0  }
0xbd: {  	s11 =	simm.s32 $0x1;
	[sflag:s7] =	ssyncadd.s32 $0xFFFF4000  }
0xbe: {  	p0 =	sne.s32 s6, $0x1;
	_ =	swait.ge [sflag:s11], $0xC000  }
.Ltmp0:
0xbf: {  	[sflag:s11] =	ssyncset.done $0x0;
	(pc) =	sbr.rel @p0 .LBB2_1-.Ltmp0, $4  }
0xc0: {  	[sflag:s11] =	ssyncadd.s32 $0xFFFF4000  }
0xc1: {  	_ =	swait.ge [sflag:s9], $0xC000  }
0xc2: {  	[sflag:s9] =	ssyncset.done $0x0  }
0xc3: {  	s6 =	sadd.s32 $0xFFFFFFFF, s6;
	[sflag:s9] =	ssyncadd.s32 $0xFFFF4000  }
0xc4: {  	_ =	sfence.sel $0x180000  }
0xc5: {  	[bflag:$0x0] =	sbarrier.arrive $0xFFFF  }
0xc6: {  	_ =	strace $0x90000047  }
0xc7: {  	s0 =	stileid.u32;
	[bflag:$0x2] =	sbarrier.arrive $0xFFFF  }
0xc8: {  	p0 =	sne.s32 s0, $0x0;
	s0 =	rddreg [dreg:$0x2]  }
0xc9: {  	s0 =	sadd.s32 @!p0 $0x100000, s0  }
0xca: {  	[sflag:s0] =	ssyncadd.tile.s32 @!p0 $0x1;
	_ =	shalt  }
.Lfunc_end2:
_tile_overlayer_lowered:
.L_overlay_start_2:
0xcb: {  	(tag) =	ssettag $0x2  }
0xcc: {  	s0 =	rddreg [dreg:$0x0];
	s2 =	stileid.u32  }
0xcd: {  	s1 =	rddreg [dreg:$0x1];
	p0 =	sne.s32 s2, $0x0  }
0xce: {  	s3 =	rddreg [dreg:$0x2];
	[bflag:$0x3] =	sbarrier.arrive $0xFFFF;
	s2 =	simm.s32 @!p0 $0x1C03  }
0xcf: {  	[timem:s3], [sflag:s2] =	dma.local @!p0 [hbm:s0], s1  }
0xd0: {  	s0 =	simm.s32 @!p0 $0x3  }
0xd1: {  	_ =	swait.ge @!p0 [sflag:s0], s1  }
0xd2: {  	s1 =	ssub.s32 @!p0 $0x0, s1;
	[sflag:s0] =	ssyncset.done @!p0 $0x0  }
0xd3: {  	[sflag:s0] =	ssyncadd.s32 @!p0 s1  }
0xd4: {  	[bflag:$0x3] =	sbarrier.arrive $0xFFFF  }
0xd5: {  	_ =	shalt  }

// kernel: kernel.9.cloned.1.call-start
scs
__scs_entry_jumppad:
0x0: {  	(pc) =	sbr.rel $0x88, $3  }
0x1: {  	(tag) =	ssettag $0x0;
	lr =	simm.s32 $0x1  }
0x2: {  	[smem:$0x3F98] =	sst lr;
	_ =	strace $0xD0000000  }
0x3: {  	_ = 	snop  }
0x4: {  	_ = 	snop  }
0x5: {  	_ = 	snop  }
0x6: {  	_ = 	snop  }
0x7: {  	_ = 	snop  }
__scs_overlays_trampoline_lowered:
0x8: {  	[smem:$0x3FA7] =	sst s0  }
0x9: {  	[smem:$0x3FA8] =	sst s1  }
0xa: {  	[smem:$0x3FA9] =	sst s2  }
0xb: {  	[smem:$0x3FAA] =	sst s3  }
0xc: {  	[smem:$0x3FAB] =	sst s4  }
0xd: {  	[smem:$0x3FAC] =	sst s5  }
0xe: {  	[smem:$0x3FAD] =	sst s6  }
0xf: {  	[smem:$0x3FAE] =	sst s7  }
0x10: {  	[smem:$0x3FAF] =	sst s8  }
0x11: {  	[smem:$0x3FB0] =	sst s9;
	s0 =	simm.s32 @!p0 $0x0  }
0x12: {  	s1 =	sld [smem:$0x3F96];
	s0 =	simm.s32 @p0 $0x1  }
0x13: {  	[smem:$0x3FB1] =	sst s0;
	s0 =	simm.s32 @!p1 $0x0  }
0x14: {  	s2 =	sld [smem:$0x3F95];
	s0 =	simm.s32 @p1 $0x1  }
0x15: {  	[smem:$0x3FB2] =	sst s0;
	s0 =	simm.s32 @!p2 $0x0  }
0x16: {  	s3 =	sld [smem:$0x3FDB];
	s0 =	simm.s32 @p2 $0x1  }
0x17: {  	s4 =	simm.s32 $0x1BF5;
	[smem:$0x3FB4] =	sst s0  }
0x18: {  	s0 =	sld [smem:$0x3F97];
	_ =	swait.ge [sflag:s4], $0x0  }
0x19: {  	s7 =	sld [smem:$0x3F98]  }
0x1a: {  	s8 =	sadd.s32 $0xFFFFE003, lr  }
0x1b: {  	s9 =	sadd.s32 $0xFFFFFEF7, lr;
	s5 =	simm.s32 $0xFFFFFFFF;
	p2 =	slt.u32 s8, $0xFFFFF086  }
0x1c: {  	p1 =	slt.u32 s9, $0xF7A;
	s5 =	simm.s32 @!p2 $0x0  }
0x1d: {  	s5 =	simm.s32 @p1 $0x1;
	p0 =	seq.s32 s7, s2  }
0x1e: {  	s7 =	smul.u32 @!p0 $0xF7A, s2;
	p2 =	seq.s32 @!p0 s5, $0x0  }
0x1f: {  	s9 =	smul.u32 $0xF7A, s1;
	s8 =	simm.s32 @!p0 $0x1BF5;
	p2 =	por !p2, p0  }
0x20: {  	[sflag:s8] =	ssyncset.s32 @!p0 $0xFFFFF086;
	s6 =	sadd.s32 @!p0 s3, s7;
	s7 =	simm.s32 @!p0 $0x108  }
0x21: {  	s3 =	sadd.s32 s3, s9;
	s6 =	sadd.s32 @!p0 $0x88, s6;
	s7 =	simm.s32 @p2 $0x1082  }
0x22: {  	[simem:s7], [sflag:s8] =	dma.local @!p0 [hbm:s6], $0xF7A  }
0x23: {  	s9 =	sor.u32 $0xD0000000, s2;
	s6 =	simm.s32 $0x108;
	_ =	swait.ge @!p0 [sflag:s8], $0x0  }
0x24: {  	s3 =	sadd.s32 $0x88, s3;
	s6 =	simm.s32 @!p1 $0x1082;
	[sflag:s4] =	ssyncset.s32 $0xFFFFF086  }
0x25: {  	[simem:s6], [sflag:s4] =	dma.local [hbm:s3], $0xF7A  }
0x26: {  	[smem:$0x3F98] =	sst s1;
	(tag) =	ssettag s2;
	_ =	strace s9  }
0x27: {  	s1 =	sld [smem:$0x3FA8]  }
0x28: {  	s2 =	sld [smem:$0x3FA9]  }
0x29: {  	s4 =	sld [smem:$0x3FAB]  }
0x2a: {  	p0 =	seq.s32 s5, $0x0;
	s5 =	sld [smem:$0x3FAC]  }
0x2b: {  	s6 =	sld [smem:$0x3FAD]  }
0x2c: {  	s7 =	sld [smem:$0x3FAE]  }
0x2d: {  	s3 =	simm.s32 $0x108;
	s8 =	sld [smem:$0x3FAF]  }
0x2e: {  	s3 =	simm.s32 @!p0 $0x1082;
	s9 =	sld [smem:$0x3FB0]  }
0x2f: {  	lr =	sadd.s32 s0, s3;
	s0 =	sld [smem:$0x3FA7]  }
0x30: {  	s3 =	sld [smem:$0x3FAA]  }
0x31: {  	[smem:$0x3FB3] =	sst s10  }
0x32: {  	s10 =	sld [smem:$0x3FB1];
	_ =	sdelay $0x3  }
0x33: {  	p0 =	seq.s32 s10, $0x1;
	s10 =	sld [smem:$0x3FB3];
	_ =	sdelay $0x3  }
0x34: {  	[smem:$0x3FB3] =	sst s10  }
0x35: {  	s10 =	sld [smem:$0x3FB2];
	_ =	sdelay $0x3  }
0x36: {  	p1 =	seq.s32 s10, $0x1;
	s10 =	sld [smem:$0x3FB3];
	_ =	sdelay $0x3  }
0x37: {  	[smem:$0x3FB3] =	sst s10  }
0x38: {  	s10 =	sld [smem:$0x3FB4]  }
0x39: {  	_ = 	snop;
	(pc) =	sbr.ind lr, $3  }
0x3a: {  	_ = 	snop  }
0x3b: {  	_ = 	snop  }
0x3c: {  	p2 =	seq.s32 s10, $0x1;
	s10 =	sld [smem:$0x3FB3]  }
0x3d: {  	_ =	shalt  }
0x3e: {  	_ =	shalt  }
0x3f: {  	_ =	shalt  }
0x40: {  	_ =	shalt  }
0x41: {  	_ =	shalt  }
0x42: {  	_ =	shalt  }
0x43: {  	_ =	shalt  }
0x44: {  	_ =	shalt  }
0x45: {  	_ =	shalt  }
0x46: {  	_ =	shalt  }
0x47: {  	_ =	shalt  }
0x48: {  	_ =	shalt  }
0x49: {  	_ =	shalt  }
0x4a: {  	_ =	shalt  }
0x4b: {  	_ =	shalt  }
0x4c: {  	_ =	shalt  }
0x4d: {  	_ =	shalt  }
0x4e: {  	_ =	shalt  }
0x4f: {  	_ =	shalt  }
0x50: {  	_ =	shalt  }
0x51: {  	_ =	shalt  }
0x52: {  	_ =	shalt  }
0x53: {  	_ =	shalt  }
0x54: {  	_ =	shalt  }
0x55: {  	_ =	shalt  }
0x56: {  	_ =	shalt  }
0x57: {  	_ =	shalt  }
0x58: {  	_ =	shalt  }
0x59: {  	_ =	shalt  }
0x5a: {  	_ =	shalt  }
0x5b: {  	_ =	shalt  }
0x5c: {  	_ =	shalt  }
0x5d: {  	_ =	shalt  }
0x5e: {  	_ =	shalt  }
0x5f: {  	_ =	shalt  }
0x60: {  	_ =	shalt  }
0x61: {  	_ =	shalt  }
0x62: {  	_ =	shalt  }
0x63: {  	_ =	shalt  }
0x64: {  	_ =	shalt  }
0x65: {  	_ =	shalt  }
0x66: {  	_ =	shalt  }
0x67: {  	_ =	shalt  }
0x68: {  	_ =	shalt  }
0x69: {  	_ =	shalt  }
0x6a: {  	_ =	shalt  }
0x6b: {  	_ =	shalt  }
0x6c: {  	_ =	shalt  }
0x6d: {  	_ =	shalt  }
0x6e: {  	_ =	shalt  }
0x6f: {  	_ =	shalt  }
0x70: {  	_ =	shalt  }
0x71: {  	_ =	shalt  }
0x72: {  	_ =	shalt  }
0x73: {  	_ =	shalt  }
0x74: {  	_ =	shalt  }
0x75: {  	_ =	shalt  }
0x76: {  	_ =	shalt  }
0x77: {  	_ =	shalt  }
0x78: {  	_ =	shalt  }
0x79: {  	_ =	shalt  }
0x7a: {  	_ =	shalt  }
0x7b: {  	_ =	shalt  }
0x7c: {  	_ =	shalt  }
0x7d: {  	_ =	shalt  }
0x7e: {  	_ =	shalt  }
0x7f: {  	_ =	shalt  }
0x80: {  	_ =	shalt  }
0x81: {  	_ =	shalt  }
0x82: {  	_ =	shalt  }
0x83: {  	_ =	shalt  }
0x84: {  	_ =	shalt  }
0x85: {  	_ =	shalt  }
0x86: {  	_ =	shalt  }
0x87: {  	_ =	shalt  }
.Lfunc_end0:
.L_simem_size_0:
called_computation.1_lowered:
.L_overlay_start_0:
0x88: {  	s2 =	sld [smem:$0x3FD9]  }
0x89: {  	s3 =	sld [smem:$0x3FFE];
	_ =	sdelay $0x1  }
0x8a: {  	s1 =	srdreg.scid  }
0x8b: {  	s0 =	sand.u32 $0x1, s1  }
0x8c: {  	s17 =	sshll.u32 s0, $0xA;
	s2 =	sadd.s32 s3, s2  }
0x8d: {  	s2 =	sadd.s32 s2, s17  }
0x8e: {  	[smem:$0x3FBF] =	sst s2  }
0x8f: {  	_ = 	snop  }
0x90: {  	s2 =	sld [smem:$0x3FD0];
	(tm) =	ssettm $0x1  }
0x91: {  	s18 =	sld [smem:$0x3FFB];
	_ =	sdelay $0x3  }
0x92: {  	_ =	strace s18  }
0x93: {  	s3 =	sld [smem:$0x3FFC];
	_ =	sdelay $0x3  }
0x94: {  	_ =	strace s3  }
0x95: {  	s3 =	sld [smem:$0x3FFD];
	_ =	sdelay $0x3  }
0x96: {  	_ =	strace s3  }
0x97: {  	_ =	strace $0x8FFFFFFF  }
0x98: {  	s19 =	sld [smem:$0x3FDB];
	_ =	sdelay $0x1  }
0x99: {  	s4 =	simm.s32 $_scs_section_size  }
0x9a: {  	s5 =	simm.s32 $_size__tile_overlayer_lowered;
	s6 =	simm.s32 $_tile_overlayer_lowered  }
0x9b: {  	s22 =	simm.s32 $0x1BFF;
	s21 =	sshll.u32 s6, $0x1;
	s3 =	sadd.s32 s4, s19  }
0x9c: {  	s7 =	simm.s32 $0x0;
	s20 =	sshll.u32 s5, $0x1;
	s5 =	sadd.s32 s21, s3  }
0x9d: {  	[timem:s7], [sflag:s22] =	dma.local [hbm:s5], s20  }
0x9e: {  	_ =	swait.ge [sflag:s22], s20  }
0x9f: {  	s4 =	ssub.s32 $0x0, s20;
	[sflag:s22] =	ssyncset.done $0x0  }
0xa0: {  	[sflag:s22] =	ssyncadd.s32 s4;
	_ =	sdelay $0x1  }
0xa1: {  	s23 =	simm.s32 $0x1B8B  }
0xa2: {  	_ =	swait.ge [sflag:s23], $0x1  }
0xa3: {  	[sflag:s23] =	ssyncset.done $0x0  }
0xa4: {  	s25 =	simm.s32 $0x1B8E;
	s24 =	sld [smem:$0x3FFE];
	[sflag:s23] =	ssyncadd.s32 $0xFFFFFFFF  }
0xa5: {  	s26 =	simm.s32 $execute0_lowered;
	[smem:$0x3FD2] =	sst s25  }
0xa6: {  	s5 =	sshll.u32 s26, $0x1;
	_ =	strace $0x80000049;
	[dreg:$0x1] =	wrdreg $0xFFFFFFFF  }
0xa7: {  	s28 =	simm.s32 $_size_execute0_lowered;
	s3 =	sadd.s32 s3, s5;
	[dreg:$0x0] =	wrdreg $0x0  }
0xa8: {  	s5 =	sshll.u32 s28, $0x1;
	[dreg:$0x2] =	wrdreg s3  }
0xa9: {  	[dreg:$0x3] =	wrdreg s5  }
0xaa: {  	[dreg:$0x4] =	wrdreg $0xC0  }
0xab: {  	_ =	task [dreg:s7], $0x5FFFF  }
0xac: {  	[dreg:$0x1] =	wrdreg $0xFFFFFFFF  }
0xad: {  	[dreg:$0x0] =	wrdreg $0x60  }
0xae: {  	[dreg:$0x2] =	wrdreg s24  }
0xaf: {  	[dreg:$0x3] =	wrdreg s2  }
0xb0: {  	[dreg:$0x4] =	wrdreg $0x9  }
0xb1: {  	_ =	task.clear_ibuf [dreg:s7], $0x5FFFF;
	_ =	strace $0x90000049  }
0xb2: {  	s29 =	simm.s32 $0x9;
	_ =	strace $0x8000004B  }
0xb3: {  	_ =	swait.ge [sflag:s29], $0x1  }
0xb4: {  	[sflag:s29] =	ssyncadd.s32 $0xFFFFFFFF  }
0xb5: {  	_ =	strace $0x9000004B  }
0xb6: {  	_ =	sfence  }
0xb7: {  	s30 =	sld [smem:$0x0];
	_ =	sdelay $0x2  }
0xb8: {  	s31 =	sshll.u32 s1, $0xD;
	s1 =	sshrl.u32 s1, $0x2  }
0xb9: {  	s3 =	sand.u32 $0x4000, s31;
	s1 =	sadd.s32 s1, s30  }
0xba: {  	s0 =	sor.u32 s3, s0;
	s1 =	sshll.u32 s1, $0x11  }
0xbb: {  	s0 =	sor.u32 s1, s0  }
0xbc: {  	s0 =	sadd.s32 $0x8F2B, s0  }
0xbd: {  	[sflag:s0] =	ssyncadd.remote.s32 $0x1  }
0xbe: {  	_ =	sfence.sel $0xFFFF  }
0xbf: {  	[dreg:$0x0] =	wrdreg $0xFFFFFFFF;
	(pc) =	sbr.abs _section_cstart, $3  }
0xc0: {  	[dreg:$0x1] =	wrdreg $0xFFFFFFFF  }
0xc1: {  	_ =	task.clear_ibuf [dreg:s7], $0x2FFFF;
	_ =	strace $0x9FFFFFFF  }
0xc2: {  	(tm) =	ssettm $0x7FFFFFFF  }
0xc3: {  	_ =	shalt  }
tec
execute0_lowered:
.L_overlay_start_1:
0x0: {  	(tag) =	ssettag $0x1  }
0x1: {  	s0 =	rddreg [dreg:$0x0]  }
0x2: {  	s2 =	rddreg [dreg:$0x1];
	s1 =	simm.s32 $0x0  }
0x3: {  	s4 =	srdreg.scid;
	s5 =	stileid.u32;
	s18 =	simm.s32 $0x3  }
0x4: {  	s28 =	simm.s32 $0x11000;
	s29 =	simm.s32 $0x11800;
	s30 =	simm.s32 $0x12000  }
0x5: {  	s31 =	simm.s32 $0x1;
	[smem:$0x7FF] =	sst s1;
	s3 =	sadd.s32 $0xAEA00, s0  }
0x6: {  	s4 =	sand.u32 $0x1, s4;
	s11 =	sadd.s32 $0x9800, s0;
	s5 =	sshll.u32 s5, $0x7  }
0x7: {  	s12 =	sadd.s32 $0x9600, s0;
	s14 =	sadd.s32 $0x1600, s0;
	s6 =	sshll.u32 s4, $0x6  }
0x8: {  	_ =	strace $0x8000004A;
	s4 =	ssub.s32 $0x2, s4;
	s8 =	sor.u32 s6, s5  }
0x9: {  	s24 =	sshrl.u32 s4, $0x1;
	s6 =	sadd.s32 $0xAEB00, s0;
	s7 =	sshrl.u32 s8, $0x3  }
0xa: {  	s16 =	ssub.s32 s4, s24;
	s13 =	sor.u32 $0x20, s8;
	s25 =	sshll.u32 s8, $0x4  }
0xb: {  	s24 =	simm.s32 $0xF800;
	s4 =	sadd.s32 s11, s7;
	s5 =	sadd.s32 s12, s7  }
0xc: {  	s10 =	smul.u32 $0x300, s7;
	s7 =	sadd.s32 $0xAEC00, s0;
	s15 =	sshrl.u32 s13, $0x3  }
0xd: {  	v0 =	vlaneseq.u32;
	s9 =	sadd.s32 s14, s25;
	s17 =	sshll.u32 s13, $0x4;
	s16 =	smax.u32 s16, $0x1  }
0xe: {  	v1 =	vand.u32 $0x7, v0;
	v63 =	vshrl.u32 v0, $0x3;
	s25 =	simm.s32 $0x10000;
	s0 =	simm.s32 $0x2;
	s26 =	smul.u32 $0x300, s15  }
0xf: {  	v0 =	vor.u32 $0x8, v0;
	[tilespmem:$0x1FFD0] =	vst v1;
	v1 =	vmul.u32 $0x8, v63;
	s11 =	sadd.s32 s11, s15;
	s12 =	sadd.s32 s12, s15;
	s14 =	sadd.s32 s14, s17  }
0x10: {  	[tilespmem:$0x1FFF0] =	vst v0;
	s8 =	sadd.s32 s3, s10;
	s10 =	sadd.s32 s2, s10;
	s13 =	sadd.s32 s3, s26  }
0x11: {  	vm0 =	vmmov $0xffff;
	[tilespmem:$0x1FFE0] =	vst v1;
	s15 =	sadd.s32 s2, s26;
	s26 =	simm.s32 $0x10800;
	s2 =	simm.s32 $0x0  }
.LBB2_1:
0x12: {  	s17 =	simm.s32 $0x13000  }
0x13: {  	[tilespmem:s17], [sflag:$0x3] =	stream.linear.gather [hbm4b:s4+s1], $0x20, $0x38;
	[tilespmem:$0x13100] =	vst v63  }
0x14: {  	_ =	swait.ge [sflag:s18], $0x20  }
0x15: {  	[sflag:s18] =	ssyncset.done $0x0  }
0x16: {  	s22 =	simm.s32 $0x13080;
	[sflag:s18] =	ssyncadd.s32 $0xFFFFFFE0  }
0x17: {  	[tilespmem:s22], [sflag:$0x3] =	stream.linear.gather [hbm4b:s5+s1], $0x20, $0x38;
	[tilespmem:$0x13100] =	vst v63  }
0x18: {  	_ =	swait.ge [sflag:s18], $0x20  }
0x19: {  	[sflag:s18] =	ssyncset.done $0x0  }
0x1a: {  	[sflag:s18] =	ssyncadd.s32 $0xFFFFFFE0  }
0x1b: {  	v0 =	vld [tilespmem:$0x13000];
	_ =	sdelay $0x3  }
0x1c: {  	v2 =	vld [tilespmem:$0x1FFD0]  }
0x1d: {  	v1 =	vshrl.u32 v0, $0x3  }
0x1e: {  	v3 =	vld [tilespmem:$0x1FFE0];
	v1 =	vmul.u32 $0x30, v1  }
0x1f: {  	v0 =	vand.u32 $0x7, v0  }
0x20: {  	v0 =	vor.u32 v0, v1  }
0x21: {  	v1 =	vperm.xlane v0, v2  }
0x22: {  	v4 =	vld [tilespmem:$0x1FFF0]  }
0x23: {  	v1 =	vadd.s32 v3, v1;
	_ =	sdelay $0x3  }
0x24: {  	s23 =	simm.s32 $0x6000;
	v0 =	vperm.xlane v0, v4  }
0x25: {  	[tilespmem:s23], [sflag:$0x1] =	stream.indirect_vreg.gather [hbm4b:s3+s1], $0x80, v1, vm0, $0xb8;
	[tilespmem:$0x13100] =	vst v63  }
0x26: {  	s19 =	simm.s32 $0x6800;
	v0 =	vadd.s32 v3, v0  }
0x27: {  	[tilespmem:s19], [sflag:$0x1] =	stream.indirect_vreg.gather [hbm4b:s6+s1], $0x80, v1, vm0, $0xb8;
	[tilespmem:$0x13100] =	vst v63  }
0x28: {  	s20 =	simm.s32 $0x7000  }
0x29: {  	[tilespmem:s20], [sflag:$0x1] =	stream.indirect_vreg.gather [hbm4b:s7+s1], $0x80, v1, vm0, $0xb8;
	[tilespmem:$0x13100] =	vst v63  }
0x2a: {  	s21 =	simm.s32 $0x7800  }
0x2b: {  	[tilespmem:s21], [sflag:$0x1] =	stream.indirect_vreg.gather [hbm4b:s3+s1], $0x80, v0, vm0, $0xb8;
	[tilespmem:$0x13100] =	vst v63  }
0x2c: {  	s22 =	simm.s32 $0x8000  }
0x2d: {  	[tilespmem:s22], [sflag:$0x1] =	stream.indirect_vreg.gather [hbm4b:s6+s1], $0x80, v0, vm0, $0xb8;
	[tilespmem:$0x13100] =	vst v63  }
0x2e: {  	s23 =	simm.s32 $0x8800  }
0x2f: {  	[tilespmem:s23], [sflag:$0x1] =	stream.indirect_vreg.gather [hbm4b:s7+s1], $0x80, v0, vm0, $0xb8;
	[tilespmem:$0x13100] =	vst v63  }
0x30: {  	v0 =	vld [tilespmem:$0x13010];
	_ =	sdelay $0x4  }
0x31: {  	v1 =	vshrl.u32 v0, $0x3  }
0x32: {  	v1 =	vmul.u32 $0x30, v1  }
0x33: {  	v0 =	vand.u32 $0x7, v0  }
0x34: {  	v0 =	vor.u32 v0, v1  }
0x35: {  	v1 =	vperm.xlane v0, v2;
	_ =	sdelay $0x1  }
0x36: {  	v1 =	vadd.s32 v3, v1;
	_ =	sdelay $0x3  }
0x37: {  	s19 =	simm.s32 $0x9000;
	v0 =	vperm.xlane v0, v4  }
0x38: {  	[tilespmem:s19], [sflag:$0x1] =	stream.indirect_vreg.gather [hbm4b:s3+s1], $0x80, v1, vm0, $0xb8;
	[tilespmem:$0x13100] =	vst v63  }
0x39: {  	s20 =	simm.s32 $0x9800;
	v0 =	vadd.s32 v3, v0  }
0x3a: {  	[tilespmem:s20], [sflag:$0x1] =	stream.indirect_vreg.gather [hbm4b:s6+s1], $0x80, v1, vm0, $0xb8;
	[tilespmem:$0x13100] =	vst v63  }
0x3b: {  	s21 =	simm.s32 $0xA000  }
0x3c: {  	[tilespmem:s21], [sflag:$0x1] =	stream.indirect_vreg.gather [hbm4b:s7+s1], $0x80, v1, vm0, $0xb8;
	[tilespmem:$0x13100] =	vst v63  }
0x3d: {  	s22 =	simm.s32 $0xA800  }
0x3e: {  	[tilespmem:s22], [sflag:$0x1] =	stream.indirect_vreg.gather [hbm4b:s3+s1], $0x80, v0, vm0, $0xb8;
	[tilespmem:$0x13100] =	vst v63  }
0x3f: {  	s23 =	simm.s32 $0xB000  }
0x40: {  	[tilespmem:s23], [sflag:$0x1] =	stream.indirect_vreg.gather [hbm4b:s6+s1], $0x80, v0, vm0, $0xb8;
	[tilespmem:$0x13100] =	vst v63  }
0x41: {  	s19 =	simm.s32 $0xB800  }
0x42: {  	[tilespmem:s19], [sflag:$0x1] =	stream.indirect_vreg.gather [hbm4b:s7+s1], $0x80, v0, vm0, $0xb8;
	[tilespmem:$0x13100] =	vst v63  }
0x43: {  	v0 =	vld [tilespmem:$0x13080];
	_ =	sdelay $0x4  }
0x44: {  	v1 =	vshrl.u32 v0, $0x3  }
0x45: {  	v1 =	vmul.u32 $0x30, v1  }
0x46: {  	v0 =	vand.u32 $0x7, v0  }
0x47: {  	v0 =	vor.u32 v0, v1  }
0x48: {  	v1 =	vperm.xlane v0, v2;
	_ =	sdelay $0x1  }
0x49: {  	v1 =	vadd.s32 v3, v1;
	_ =	sdelay $0x3  }
0x4a: {  	s20 =	simm.s32 $0xC000;
	v0 =	vperm.xlane v0, v4  }
0x4b: {  	[tilespmem:s20], [sflag:$0x2] =	stream.indirect_vreg.gather [hbm4b:s3+s1], $0x80, v1, vm0, $0xb8;
	[tilespmem:$0x13100] =	vst v63  }
0x4c: {  	s21 =	simm.s32 $0xC800;
	v0 =	vadd.s32 v3, v0  }
0x4d: {  	[tilespmem:s21], [sflag:$0x2] =	stream.indirect_vreg.gather [hbm4b:s6+s1], $0x80, v1, vm0, $0xb8;
	[tilespmem:$0x13100] =	vst v63  }
0x4e: {  	s22 =	simm.s32 $0xD000  }
0x4f: {  	[tilespmem:s22], [sflag:$0x2] =	stream.indirect_vreg.gather [hbm4b:s7+s1], $0x80, v1, vm0, $0xb8;
	[tilespmem:$0x13100] =	vst v63  }
0x50: {  	s23 =	simm.s32 $0xD800  }
0x51: {  	[tilespmem:s23], [sflag:$0x2] =	stream.indirect_vreg.gather [hbm4b:s3+s1], $0x80, v0, vm0, $0xb8;
	[tilespmem:$0x13100] =	vst v63  }
0x52: {  	s19 =	simm.s32 $0xE000  }
0x53: {  	[tilespmem:s19], [sflag:$0x2] =	stream.indirect_vreg.gather [hbm4b:s6+s1], $0x80, v0, vm0, $0xb8;
	[tilespmem:$0x13100] =	vst v63  }
0x54: {  	s20 =	simm.s32 $0xE800  }
0x55: {  	[tilespmem:s20], [sflag:$0x2] =	stream.indirect_vreg.gather [hbm4b:s7+s1], $0x80, v0, vm0, $0xb8;
	[tilespmem:$0x13100] =	vst v63  }
0x56: {  	v0 =	vld [tilespmem:$0x13090];
	_ =	sdelay $0x4  }
0x57: {  	v1 =	vshrl.u32 v0, $0x3  }
0x58: {  	v1 =	vmul.u32 $0x30, v1  }
0x59: {  	v0 =	vand.u32 $0x7, v0  }
0x5a: {  	v0 =	vor.u32 v0, v1  }
0x5b: {  	v1 =	vperm.xlane v0, v2;
	_ =	sdelay $0x1  }
0x5c: {  	v1 =	vadd.s32 v3, v1;
	_ =	sdelay $0x3  }
0x5d: {  	s21 =	simm.s32 $0xF000;
	v0 =	vperm.xlane v0, v4  }
0x5e: {  	[tilespmem:s21], [sflag:$0x2] =	stream.indirect_vreg.gather [hbm4b:s3+s1], $0x80, v1, vm0, $0xb8;
	[tilespmem:$0x13100] =	vst v63  }
0x5f: {  	v0 =	vadd.s32 v3, v0  }
0x60: {  	[tilespmem:s24], [sflag:$0x2] =	stream.indirect_vreg.gather [hbm4b:s6+s1], $0x80, v1, vm0, $0xb8;
	[tilespmem:$0x13100] =	vst v63  }
0x61: {  	_ = 	snop  }
0x62: {  	[tilespmem:s25], [sflag:$0x2] =	stream.indirect_vreg.gather [hbm4b:s7+s1], $0x80, v1, vm0, $0xb8;
	[tilespmem:$0x13100] =	vst v63  }
0x63: {  	_ = 	snop  }
0x64: {  	[tilespmem:s26], [sflag:$0x2] =	stream.indirect_vreg.gather [hbm4b:s3+s1], $0x80, v0, vm0, $0xb8;
	[tilespmem:$0x13100] =	vst v63  }
0x65: {  	_ = 	snop  }
0x66: {  	[tilespmem:s28], [sflag:$0x2] =	stream.indirect_vreg.gather [hbm4b:s6+s1], $0x80, v0, vm0, $0xb8;
	[tilespmem:$0x13100] =	vst v63  }
0x67: {  	_ = 	snop  }
0x68: {  	[tilespmem:s29], [sflag:$0x2] =	stream.indirect_vreg.gather [hbm4b:s7+s1], $0x80, v0, vm0, $0xb8;
	[tilespmem:$0x13100] =	vst v63  }
0x69: {  	_ = 	snop  }
0x6a: {  	[tilespmem:s1], [sflag:$0x3] =	stream.linear.gather [hbm4b:s8+s1], $0x6000, $0x38;
	[tilespmem:$0x13100] =	vst v63  }
0x6b: {  	_ =	swait.ge [sflag:s18], $0x6000  }
0x6c: {  	[sflag:s18] =	ssyncset.done $0x0  }
0x6d: {  	[sflag:s18] =	ssyncadd.s32 $0xFFFFA000  }
0x6e: {  	[tilespmem:s30], [sflag:$0x3] =	stream.linear.gather [hbm4b:s9+s1], $0x1000, $0x38;
	[tilespmem:$0x13100] =	vst v63  }
0x6f: {  	_ =	swait.ge [sflag:s18], $0x1000  }
0x70: {  	[sflag:s18] =	ssyncset.done $0x0  }
0x71: {  	[sflag:s18] =	ssyncadd.s32 $0xFFFFF000  }
0x72: {  	_ =	swait.ge [sflag:s31], $0x6000  }
0x73: {  	[sflag:s31] =	ssyncset.done $0x0  }
0x74: {  	s22 =	simm.s32 $0x0;
	[sflag:s31] =	ssyncadd.s32 $0xFFFFA000  }
0x75: {  	s17 =	smul.u32 $0x1800, s22;
	_ =	swait.ge [sflag:s0], $0x6000  }
0x76: {  	s19 =	sand.u32 $0x380, s1;
	[sflag:s0] =	ssyncset.done $0x0  }
0x77: {  	s21 =	sor.u32 s19, s17;
	[sflag:s0] =	ssyncadd.s32 $0xFFFFA000  }
0x78: {  	v0 =	vld [tilespmem:s21+$0xC000];
	_ =	sdelay $0x4  }
0x79: {  	[tilespmem:$0x1FE70] =	vst v0;
	v0 =	vld [tilespmem:s21+$0x10];
	_ =	sdelay $0x4  }
0x7a: {  	[tilespmem:$0x1FE20] =	vst v0;
	v0 =	vld [tilespmem:s21+$0xC010];
	_ =	sdelay $0x4  }
0x7b: {  	[tilespmem:$0x1FE10] =	vst v0;
	v0 =	vld [tilespmem:s21+$0x20];
	_ =	sdelay $0x4  }
0x7c: {  	[tilespmem:$0x1FE00] =	vst v0;
	v0 =	vld [tilespmem:s21+$0xC020];
	_ =	sdelay $0x4  }
0x7d: {  	[tilespmem:$0x1FDE0] =	vst v0;
	v0 =	vld [tilespmem:s21+$0x30];
	_ =	sdelay $0x4  }
0x7e: {  	[tilespmem:$0x1FDF0] =	vst v0;
	v0 =	vld [tilespmem:s21+$0xC030];
	_ =	sdelay $0x4  }
0x7f: {  	[tilespmem:$0x1FDC0] =	vst v0;
	v0 =	vld [tilespmem:s21+$0x40];
	_ =	sdelay $0x4  }
0x80: {  	[tilespmem:$0x1FDD0] =	vst v0;
	v0 =	vld [tilespmem:s21+$0xC040]  }
0x81: {  	v27 =	vld [tilespmem:s21+$0xC430]  }
0x82: {  	v28 =	vld [tilespmem:s21+$0x440]  }
0x83: {  	v30 =	vld [tilespmem:s21+$0xC440]  }
0x84: {  	v29 =	vld [tilespmem:s21+$0x450]  }
0x85: {  	[tilespmem:$0x1FDA0] =	vst v0;
	v0 =	vld [tilespmem:s21+$0x50]  }
0x86: {  	v31 =	vld [tilespmem:s21+$0xC450]  }
0x87: {  	v25 =	vld [tilespmem:s21+$0xC460]  }
0x88: {  	v26 =	vld [tilespmem:s21+$0x470]  }
0x89: {  	v32 =	vld [tilespmem:s21+$0xC470]  }
0x8a: {  	[tilespmem:$0x1FDB0] =	vst v0;
	v0 =	vld [tilespmem:s21+$0xC050]  }
0x8b: {  	v33 =	vld [tilespmem:s21+$0x800]  }
0x8c: {  	v34 =	vld [tilespmem:s21+$0xC800]  }
0x8d: {  	v24 =	vld [tilespmem:s21+$0x810]  }
0x8e: {  	v35 =	vld [tilespmem:s21+$0x820]  }
0x8f: {  	[tilespmem:$0x1FD90] =	vst v0;
	v0 =	vld [tilespmem:s21+$0x60]  }
0x90: {  	v37 =	vld [tilespmem:s21+$0xC830]  }
0x91: {  	v38 =	vld [tilespmem:s21+$0x840]  }
0x92: {  	v40 =	vld [tilespmem:s21+$0xC840]  }
0x93: {  	v39 =	vld [tilespmem:s21+$0x850]  }
0x94: {  	[tilespmem:$0x1FD80] =	vst v0;
	v0 =	vld [tilespmem:s21+$0xC060]  }
0x95: {  	v41 =	vld [tilespmem:s21+$0xC850]  }
0x96: {  	v42 =	vld [tilespmem:s21+$0x860]  }
0x97: {  	v43 =	vld [tilespmem:s21+$0xC860]  }
0x98: {  	v44 =	vld [tilespmem:s21+$0xC870]  }
0x99: {  	[tilespmem:$0x1FD60] =	vst v0;
	v0 =	vld [tilespmem:s21+$0x70]  }
0x9a: {  	v46 =	vld [tilespmem:s21+$0xC00]  }
0x9b: {  	v45 =	vld [tilespmem:s21+$0xCC00]  }
0x9c: {  	v47 =	vld [tilespmem:s21+$0xCC10]  }
0x9d: {  	v49 =	vld [tilespmem:s21+$0xC20]  }
0x9e: {  	[tilespmem:$0x1FD70] =	vst v0;
	v0 =	vld [tilespmem:s21+$0xC070]  }
0x9f: {  	v48 =	vld [tilespmem:s21+$0xCC20]  }
0xa0: {  	v50 =	vld [tilespmem:s21+$0xC30]  }
0xa1: {  	v51 =	vld [tilespmem:s21+$0xCC30]  }
0xa2: {  	v52 =	vld [tilespmem:s21+$0xC40]  }
0xa3: {  	[tilespmem:$0x1FD40] =	vst v0;
	v0 =	vld [tilespmem:s21+$0x400]  }
0xa4: {  	v53 =	vld [tilespmem:s21+$0xCC40]  }
0xa5: {  	v54 =	vld [tilespmem:s21+$0xCC50]  }
0xa6: {  	v55 =	vld [tilespmem:s21+$0xC60]  }
0xa7: {  	v56 =	vld [tilespmem:s21+$0xCC60]  }
0xa8: {  	[tilespmem:$0x1FD50] =	vst v0;
	v0 =	vld [tilespmem:s21+$0xC400]  }
0xa9: {  	v57 =	vld [tilespmem:s21+$0xCC70]  }
0xaa: {  	v58 =	vld [tilespmem:s21+$0x1000]  }
0xab: {  	v59 =	vld [tilespmem:s21+$0xD000]  }
0xac: {  	v60 =	vld [tilespmem:s21+$0x1010]  }
0xad: {  	[tilespmem:$0x1FD20] =	vst v0;
	v0 =	vld [tilespmem:s21+$0x410]  }
0xae: {  	v61 =	vld [tilespmem:s21+$0xD010]  }
0xaf: {  	v62 =	vld [tilespmem:s21+$0x1020]  }
0xb0: {  	v63 =	vld [tilespmem:s21+$0xD020]  }
0xb1: {  	v23 =	vld [tilespmem:s21+$0xD030]  }
0xb2: {  	[tilespmem:$0x1FD30] =	vst v0;
	v0 =	vld [tilespmem:s21+$0xC410]  }
0xb3: {  	v21 =	vld [tilespmem:s21+$0x1040]  }
0xb4: {  	v20 =	vld [tilespmem:s21+$0xD050]  }
0xb5: {  	v18 =	vld [tilespmem:s21+$0x1060]  }
0xb6: {  	v19 =	vld [tilespmem:s21+$0xD060]  }
0xb7: {  	[tilespmem:$0x1FD00] =	vst v0;
	v0 =	vld [tilespmem:s21+$0x420]  }
0xb8: {  	v14 =	vld [tilespmem:s21+$0x1070]  }
0xb9: {  	v17 =	vld [tilespmem:s21+$0xD070]  }
0xba: {  	v13 =	vld [tilespmem:s21+$0x1400]  }
0xbb: {  	v10 =	vld [tilespmem:s21+$0x1410]  }
0xbc: {  	[tilespmem:$0x1FD10] =	vst v0;
	v0 =	vld [tilespmem:s21+$0xC420]  }
0xbd: {  	v12 =	vld [tilespmem:s21+$0xD410]  }
0xbe: {  	v9 =	vld [tilespmem:s21+$0xD430]  }
0xbf: {  	v6 =	vld [tilespmem:s21+$0x7400]  }
0xc0: {  	v2 =	vld [tilespmem:s21+$0x7410]  }
0xc1: {  	[tilespmem:$0x1FCE0] =	vst v0;
	v0 =	vld [tilespmem:s21+$0x430]  }
0xc2: {  	v3 =	vld [tilespmem:s21+$0x7420]  }
0xc3: {  	s19 =	simm.s32 $0x12010;
	v1 =	vld [tilespmem:s21+$0x1430]  }
0xc4: {  	v16 =	vld [tilespmem:s19+$0xFFFFFFF0]  }
0xc5: {  	v4 =	vld [tilespmem:s21+$0x1420]  }
0xc6: {  	[tilespmem:$0x1FCF0] =	vst v0;
	v0 =	vld [tilespmem:s21+$0x7430]  }
0xc7: {  	v15 =	vld [tilespmem:s19+$0x0]  }
0xc8: {  	v5 =	vld [tilespmem:s21+$0xD420]  }
0xc9: {  	v7 =	vld [tilespmem:s21+$0x7070]  }
0xca: {  	v8 =	vld [tilespmem:s21+$0x7060];
	v2 =	vmul.f32 v2, v16  }
0xcb: {  	v11 =	vld [tilespmem:s21+$0xD400];
	v0 =	vmul.f32 v0, v16  }
0xcc: {  	v2 =	vadd.f32 v2, v10;
	v10 =	vmul.f32 v12, v15;
	v12 =	vld [tilespmem:s21+$0x7040]  }
0xcd: {  	v0 =	vadd.f32 v0, v1;
	v1 =	vmul.f32 v3, v16;
	v3 =	vmul.f32 v6, v16;
	v6 =	vld [tilespmem:s21+$0x7050]  }
0xce: {  	v9 =	vmul.f32 v9, v15;
	v7 =	vmul.f32 v7, v16;
	v2 =	vadd.f32 v10, v2;
	v10 =	vld [tilespmem:s21+$0x7020]  }
0xcf: {  	v8 =	vmul.f32 v8, v16;
	v1 =	vadd.f32 v1, v4;
	v4 =	vmul.f32 v5, v15;
	v5 =	vld [tilespmem:s21+$0x1050]  }
0xd0: {  	v7 =	vadd.f32 v7, v14;
	v14 =	vmul.f32 v20, v15;
	v0 =	vadd.f32 v9, v0;
	v9 =	vld [tilespmem:s21+$0x7030]  }
0xd1: {  	v22 =	vld [tilespmem:s21+$0xD040];
	v3 =	vadd.f32 v3, v13;
	v1 =	vadd.f32 v4, v1;
	v4 =	vmul.f32 v11, v15  }
0xd2: {  	v13 =	vld [tilespmem:s21+$0x1030];
	v11 =	vmul.f32 v17, v15;
	v6 =	vmul.f32 v6, v16  }
0xd3: {  	v3 =	vadd.f32 v4, v3;
	v4 =	vadd.f32 v8, v18;
	v8 =	vmul.f32 v12, v16;
	v12 =	vld [tilespmem:s21+$0x7010]  }
0xd4: {  	v5 =	vadd.f32 v6, v5;
	v6 =	vadd.f32 v11, v7;
	v7 =	vmul.f32 v19, v15;
	v11 =	vld [tilespmem:s21+$0x7000]  }
0xd5: {  	v10 =	vmul.f32 v10, v16;
	v17 =	vld [tilespmem:s21+$0x6C70];
	v9 =	vmul.f32 v9, v16  }
0xd6: {  	v18 =	vld [tilespmem:s21+$0x6C60];
	v8 =	vadd.f32 v8, v21;
	v4 =	vadd.f32 v7, v4;
	v7 =	vmul.f32 v22, v15  }
0xd7: {  	v5 =	vadd.f32 v14, v5;
	v9 =	vadd.f32 v9, v13;
	v13 =	vmul.f32 v23, v15;
	v14 =	vld [tilespmem:s21+$0xC70]  }
0xd8: {  	v7 =	vadd.f32 v7, v8;
	v8 =	vadd.f32 v10, v62;
	v10 =	vmul.f32 v12, v16;
	v12 =	vld [tilespmem:s21+$0x6C50]  }
0xd9: {  	v19 =	vld [tilespmem:s21+$0x6C40];
	v9 =	vadd.f32 v13, v9;
	v13 =	vmul.f32 v63, v15;
	v11 =	vmul.f32 v11, v16  }
0xda: {  	v20 =	vmul.f32 v61, v15;
	v17 =	vmul.f32 v17, v16;
	v63 =	vld [tilespmem:s21+$0xC50];
	v10 =	vadd.f32 v10, v60  }
0xdb: {  	v8 =	vadd.f32 v13, v8;
	v13 =	vmul.f32 v18, v16;
	v18 =	vld [tilespmem:s21+$0x6C30];
	v11 =	vadd.f32 v11, v58  }
0xdc: {  	v14 =	vadd.f32 v17, v14;
	v17 =	vmul.f32 v59, v15;
	v10 =	vadd.f32 v20, v10;
	v20 =	vld [tilespmem:s21+$0x6C20]  }
0xdd: {  	v57 =	vmul.f32 v57, v15;
	[tilespmem:s21+$0x1410] =	vst v2;
	v58 =	vld [tilespmem:s21+$0x6C10];
	v13 =	vadd.f32 v13, v55;
	v12 =	vmul.f32 v12, v16  }
0xde: {  	[tilespmem:s21+$0x1430] =	vst v0;
	v0 =	vadd.f32 v17, v11;
	v11 =	vmul.f32 v56, v15;
	v17 =	vmul.f32 v19, v16;
	v19 =	vld [tilespmem:s21+$0x6C00]  }
0xdf: {  	[tilespmem:s21+$0x1420] =	vst v1;
	v60 =	vld [tilespmem:s21+$0x870];
	v1 =	vadd.f32 v57, v14;
	v14 =	vmul.f32 v54, v15;
	v12 =	vadd.f32 v12, v63  }
0xe0: {  	[tilespmem:s21+$0x1400] =	vst v3;
	v59 =	vld [tilespmem:s21+$0xC10];
	v2 =	vadd.f32 v11, v13;
	v11 =	vadd.f32 v17, v52;
	v13 =	vmul.f32 v18, v16  }
0xe1: {  	[tilespmem:s21+$0x1070] =	vst v6;
	v17 =	vld [tilespmem:s21+$0x6870];
	v3 =	vadd.f32 v14, v12;
	v12 =	vmul.f32 v53, v15;
	v14 =	vmul.f32 v20, v16  }
0xe2: {  	[tilespmem:s21+$0x1060] =	vst v4;
	v18 =	vld [tilespmem:s21+$0x6860];
	v6 =	vadd.f32 v13, v50;
	v13 =	vmul.f32 v51, v15;
	v20 =	vmul.f32 v58, v16  }
0xe3: {  	[tilespmem:s21+$0x1050] =	vst v5;
	v4 =	vadd.f32 v12, v11;
	v11 =	vadd.f32 v14, v49;
	v12 =	vmul.f32 v19, v16;
	v14 =	vld [tilespmem:s21+$0x6850]  }
0xe4: {  	[tilespmem:s21+$0x1040] =	vst v7;
	v6 =	vadd.f32 v13, v6;
	v13 =	vmul.f32 v48, v15;
	v19 =	vld [tilespmem:s21+$0x6840]  }
0xe5: {  	v61 =	vld [tilespmem:s21+$0x6830];
	[tilespmem:s21+$0x1030] =	vst v9;
	v5 =	vadd.f32 v20, v59;
	v7 =	vadd.f32 v12, v46;
	v12 =	vmul.f32 v47, v15  }
0xe6: {  	[tilespmem:s21+$0x1020] =	vst v8;
	v8 =	vmul.f32 v44, v15;
	v9 =	vadd.f32 v13, v11;
	v11 =	vmul.f32 v17, v16;
	v17 =	vld [tilespmem:s21+$0x6820]  }
0xe7: {  	v20 =	vmul.f32 v45, v15;
	v13 =	vmul.f32 v18, v16;
	v5 =	vadd.f32 v12, v5;
	v12 =	vld [tilespmem:s21+$0x830]  }
0xe8: {  	[tilespmem:s21+$0x1010] =	vst v10;
	v18 =	vmul.f32 v43, v15;
	v10 =	vadd.f32 v11, v60;
	v11 =	vld [tilespmem:s21+$0x6810];
	v14 =	vmul.f32 v14, v16  }
0xe9: {  	v62 =	vld [tilespmem:s21+$0xC810];
	[tilespmem:s21+$0x1000] =	vst v0;
	v7 =	vadd.f32 v20, v7;
	v13 =	vadd.f32 v13, v42;
	v19 =	vmul.f32 v19, v16  }
0xea: {  	v0 =	vmul.f32 v41, v15;
	[tilespmem:s21+$0xC60] =	vst v2;
	v20 =	vld [tilespmem:s21+$0x6800];
	v8 =	vadd.f32 v8, v10;
	v2 =	vadd.f32 v14, v39  }
0xeb: {  	[tilespmem:s21+$0xC70] =	vst v1;
	v10 =	vmul.f32 v61, v16;
	v13 =	vadd.f32 v18, v13;
	v18 =	vadd.f32 v19, v38;
	v19 =	vld [tilespmem:s21+$0x6460]  }
0xec: {  	[tilespmem:s21+$0xC50] =	vst v3;
	v0 =	vadd.f32 v0, v2;
	v2 =	vld [tilespmem:s21+$0x6450]  }
0xed: {  	[tilespmem:s21+$0xC40] =	vst v4;
	v17 =	vmul.f32 v17, v16;
	v4 =	vadd.f32 v10, v12;
	v10 =	vmul.f32 v11, v16;
	v11 =	vld [tilespmem:s21+$0x6440]  }
0xee: {  	v36 =	vld [tilespmem:s21+$0xC820];
	v1 =	vmul.f32 v40, v15;
	v3 =	vmul.f32 v37, v15;
	[tilespmem:s21+$0xC30] =	vst v6  }
0xef: {  	[tilespmem:s21+$0xC20] =	vst v9;
	v6 =	vadd.f32 v17, v35;
	v12 =	vmul.f32 v20, v16;
	v17 =	vld [tilespmem:s21+$0x460]  }
0xf0: {  	v9 =	vmul.f32 v62, v15;
	[tilespmem:s21+$0xC10] =	vst v5;
	v14 =	vld [tilespmem:s21+$0x6470];
	v1 =	vadd.f32 v1, v18;
	v3 =	vadd.f32 v3, v4  }
0xf1: {  	[tilespmem:s21+$0x860] =	vst v13;
	v18 =	vld [tilespmem:s21+$0x6420];
	v4 =	vmul.f32 v34, v15;
	v12 =	vadd.f32 v12, v33;
	v2 =	vmul.f32 v2, v16  }
0xf2: {  	v20 =	vld [tilespmem:s21+$0xD440];
	v5 =	vadd.f32 v10, v24;
	[tilespmem:s21+$0x850] =	vst v0;
	v19 =	vmul.f32 v19, v16;
	v11 =	vmul.f32 v11, v16  }
0xf3: {  	v10 =	vld [tilespmem:s21+$0x6430];
	v0 =	vmul.f32 v31, v15;
	[tilespmem:s21+$0x840] =	vst v1;
	v4 =	vadd.f32 v4, v12;
	v1 =	vadd.f32 v2, v29  }
0xf4: {  	v12 =	vld [tilespmem:s21+$0x6410];
	[tilespmem:s21+$0x830] =	vst v3;
	v13 =	vadd.f32 v19, v17;
	v17 =	vmul.f32 v30, v15;
	v3 =	vadd.f32 v11, v28  }
0xf5: {  	v5 =	vadd.f32 v9, v5;
	v0 =	vadd.f32 v0, v1;
	v1 =	vld [tilespmem:$0x1FCE0]  }
0xf6: {  	v14 =	vmul.f32 v14, v16;
	v3 =	vadd.f32 v17, v3;
	v17 =	vld [tilespmem:$0x1FD10]  }
0xf7: {  	[tilespmem:s21+$0x810] =	vst v5;
	v5 =	vld [tilespmem:$0x1FCF0]  }
0xf8: {  	v63 =	vmul.f32 v36, v15;
	[tilespmem:s21+$0xC00] =	vst v7;
	v7 =	vmul.f32 v32, v15;
	v9 =	vadd.f32 v14, v26;
	v14 =	vld [tilespmem:s21+$0x6400]  }
0xf9: {  	v19 =	vld [tilespmem:s21+$0xD470];
	v11 =	vmul.f32 v18, v16  }
0xfa: {  	v6 =	vadd.f32 v63, v6;
	[tilespmem:s21+$0x800] =	vst v4;
	v4 =	vld [tilespmem:$0x1FD00];
	v2 =	vadd.f32 v7, v9;
	v9 =	vmul.f32 v10, v16  }
0xfb: {  	v7 =	vld [tilespmem:s21+$0x6070];
	v1 =	vmul.f32 v1, v15;
	v11 =	vadd.f32 v11, v17  }
0xfc: {  	[tilespmem:s21+$0x820] =	vst v6;
	v6 =	vmul.f32 v27, v15;
	v10 =	vld [tilespmem:s21+$0x6060];
	v5 =	vadd.f32 v9, v5  }
0xfd: {  	v1 =	vadd.f32 v1, v11;
	v11 =	vld [tilespmem:$0x1FD50]  }
0xfe: {  	[tilespmem:s21+$0x470] =	vst v2;
	v2 =	vld [tilespmem:$0x1FD20];
	v5 =	vadd.f32 v6, v5  }
0xff: {  	[tilespmem:s21+$0x450] =	vst v0;
	v0 =	vld [tilespmem:$0x1FD40]  }
0x100: {  	v14 =	vmul.f32 v14, v16;
	[tilespmem:s21+$0x430] =	vst v5;
	v5 =	vld [tilespmem:$0x1FD80]  }
0x101: {  	[tilespmem:s21+$0x440] =	vst v3;
	v3 =	vld [tilespmem:$0x1FD70]  }
0x102: {  	v11 =	vadd.f32 v14, v11;
	v14 =	vld [tilespmem:$0x1FD60]  }
0x103: {  	v9 =	vld [tilespmem:s21+$0x6050];
	v10 =	vmul.f32 v10, v16  }
0x104: {  	v6 =	vmul.f32 v7, v16;
	v7 =	vld [tilespmem:$0x1FD30];
	v2 =	vmul.f32 v2, v15  }
0x105: {  	v5 =	vadd.f32 v10, v5;
	v10 =	vld [tilespmem:$0x1FD90]  }
0x106: {  	v0 =	vmul.f32 v0, v15;
	v3 =	vadd.f32 v6, v3;
	v2 =	vadd.f32 v2, v11;
	v11 =	vld [tilespmem:$0x1FDB0]  }
0x107: {  	[tilespmem:s21+$0x870] =	vst v8;
	v8 =	vmul.f32 v25, v15;
	v17 =	vld [tilespmem:s21+$0x6040];
	v14 =	vmul.f32 v14, v15  }
0x108: {  	v0 =	vadd.f32 v0, v3;
	v3 =	vld [tilespmem:$0x1FDA0]  }
0x109: {  	v8 =	vadd.f32 v8, v13;
	v6 =	vmul.f32 v9, v16;
	v5 =	vadd.f32 v14, v5;
	v14 =	vld [tilespmem:$0x1FDD0]  }
0x10a: {  	v13 =	vld [tilespmem:s21+$0xD450]  }
0x10b: {  	[tilespmem:s21+$0x460] =	vst v8;
	v8 =	vld [tilespmem:s21+$0x6030];
	v10 =	vmul.f32 v10, v15;
	v6 =	vadd.f32 v6, v11  }
0x10c: {  	v12 =	vmul.f32 v12, v16;
	v9 =	vmul.f32 v17, v16;
	v11 =	vld [tilespmem:$0x1FDC0]  }
0x10d: {  	v6 =	vadd.f32 v10, v6;
	v10 =	vld [tilespmem:$0x1FDF0]  }
0x10e: {  	v7 =	vadd.f32 v12, v7;
	v12 =	vld [tilespmem:s21+$0x6020];
	v3 =	vmul.f32 v3, v15;
	v9 =	vadd.f32 v9, v14  }
0x10f: {  	v4 =	vmul.f32 v4, v15;
	v14 =	vld [tilespmem:$0x1FDE0]  }
0x110: {  	v8 =	vmul.f32 v8, v16;
	v3 =	vadd.f32 v3, v9;
	v9 =	vld [tilespmem:$0x1FE00]  }
0x111: {  	[tilespmem:s21+$0x420] =	vst v1;
	v1 =	vld [tilespmem:s21+$0x7440];
	v4 =	vadd.f32 v4, v7  }
0x112: {  	v7 =	vld [tilespmem:s21+$0x6010];
	[tilespmem:s21+$0x70] =	vst v0;
	v11 =	vmul.f32 v11, v15;
	v8 =	vadd.f32 v8, v10  }
0x113: {  	[tilespmem:s21+$0x410] =	vst v4;
	v4 =	vld [tilespmem:s21+$0x7450];
	v12 =	vmul.f32 v12, v16  }
0x114: {  	[tilespmem:s21+$0x50] =	vst v6;
	v6 =	vadd.f32 v11, v8;
	v11 =	vld [tilespmem:$0x1FE20]  }
0x115: {  	[tilespmem:s21+$0x400] =	vst v2;
	v14 =	vmul.f32 v14, v15;
	v9 =	vadd.f32 v12, v9;
	v12 =	vld [tilespmem:$0x1FE10]  }
0x116: {  	s23 =	simm.s32 $0x0;
	v18 =	vld [tilespmem:s21+$0xD460];
	[tilespmem:s21+$0x60] =	vst v5  }
0x117: {  	s20 =	simm.s32 $0x80;
	s17 =	smul.u32 $0x1800, s23;
	v0 =	vld [tilespmem:s21+$0x1440];
	[tilespmem:s21+$0x40] =	vst v3;
	v3 =	vadd.f32 v14, v9  }
0x118: {  	s22 =	sand.u32 $0x380, s20;
	v2 =	vld [tilespmem:s21+$0x7460];
	v7 =	vmul.f32 v7, v16;
	[tilespmem:s21+$0x30] =	vst v6  }
0x119: {  	s17 =	sor.u32 s22, s17;
	v1 =	vmul.f32 v1, v16;
	v5 =	vld [tilespmem:s21+$0x7470];
	[tilespmem:s21+$0x20] =	vst v3  }
0x11a: {  	v7 =	vadd.f32 v7, v11;
	v3 =	vmul.f32 v4, v16;
	v12 =	vmul.f32 v12, v15;
	v4 =	vld [tilespmem:s17+$0xC000]  }
0x11b: {  	v10 =	vld [tilespmem:s21+$0x1450]  }
0x11c: {  	v0 =	vadd.f32 v1, v0;
	v8 =	vld [tilespmem:s21+$0x1460];
	v6 =	vmul.f32 v20, v15;
	v7 =	vadd.f32 v12, v7  }
0x11d: {  	v1 =	vld [tilespmem:s21+$0x1470]  }
0x11e: {  	v0 =	vadd.f32 v6, v0;
	v9 =	vld [tilespmem:s21+$0x6000];
	[tilespmem:s21+$0x10] =	vst v7  }
0x11f: {  	v2 =	vmul.f32 v2, v16;
	[tilespmem:$0x1FE30] =	vst v4;
	v4 =	vld [tilespmem:s21+$0x0]  }
0x120: {  	v6 =	vmul.f32 v13, v15;
	v3 =	vadd.f32 v3, v10;
	v7 =	vld [tilespmem:s17+$0x10];
	[tilespmem:s21+$0x1440] =	vst v0  }
0x121: {  	v0 =	vadd.f32 v2, v8;
	v2 =	vmul.f32 v5, v16;
	v5 =	vld [tilespmem:s17+$0xC010]  }
0x122: {  	v3 =	vadd.f32 v6, v3;
	v6 =	vld [tilespmem:s17+$0x20]  }
0x123: {  	v1 =	vadd.f32 v2, v1;
	v2 =	vld [tilespmem:$0x1FE70];
	_ =	sdelay $0x1  }
0x124: {  	[tilespmem:$0x1FE40] =	vst v7;
	v7 =	vmul.f32 v18, v15  }
0x125: {  	[tilespmem:$0x1FE50] =	vst v5;
	v5 =	vmul.f32 v9, v16  }
0x126: {  	[tilespmem:$0x1FE60] =	vst v6;
	v6 =	vmul.f32 v19, v15;
	v0 =	vadd.f32 v7, v0  }
0x127: {  	[tilespmem:s21+$0x1450] =	vst v3;
	v2 =	vmul.f32 v2, v15;
	v3 =	vadd.f32 v5, v4  }
0x128: {  	v4 =	vld [tilespmem:s17+$0xC020];
	[tilespmem:s21+$0x1460] =	vst v0;
	v0 =	vadd.f32 v6, v1  }
0x129: {  	v1 =	vadd.f32 v2, v3;
	v2 =	vld [tilespmem:s17+$0xC030]  }
0x12a: {  	[tilespmem:s21+$0x1470] =	vst v0  }
0x12b: {  	v0 =	vld [tilespmem:s17+$0x40];
	_ =	sdelay $0x2  }
0x12c: {  	[tilespmem:$0x1FE90] =	vst v2  }
0x12d: {  	v2 =	vld [tilespmem:s17+$0x30];
	[tilespmem:s21+$0x0] =	vst v1  }
0x12e: {  	[tilespmem:$0x1FEB0] =	vst v0;
	v0 =	vld [tilespmem:s17+$0xC040];
	_ =	sdelay $0x4  }
0x12f: {  	[tilespmem:$0x1FEC0] =	vst v0;
	v0 =	vld [tilespmem:s17+$0x50];
	_ =	sdelay $0x4  }
0x130: {  	[tilespmem:$0x1FED0] =	vst v0;
	v0 =	vld [tilespmem:s17+$0xC050];
	_ =	sdelay $0x4  }
0x131: {  	[tilespmem:$0x1FEE0] =	vst v0;
	v0 =	vld [tilespmem:s17+$0x60];
	_ =	sdelay $0x4  }
0x132: {  	[tilespmem:$0x1FEF0] =	vst v0;
	v0 =	vld [tilespmem:s17+$0xC060]  }
0x133: {  	v28 =	vld [tilespmem:s17+$0x450]  }
0x134: {  	v30 =	vld [tilespmem:s17+$0x460]  }
0x135: {  	v32 =	vld [tilespmem:s17+$0x470]  }
0x136: {  	v41 =	vld [tilespmem:s17+$0x840]  }
0x137: {  	[tilespmem:$0x1FF00] =	vst v0;
	v0 =	vld [tilespmem:s17+$0x70]  }
0x138: {  	v57 =	vld [tilespmem:s17+$0xC40]  }
0x139: {  	v6 =	vld [tilespmem:s17+$0x1040]  }
0x13a: {  	v29 =	vld [tilespmem:s17+$0xC450]  }
0x13b: {  	v31 =	vld [tilespmem:s17+$0xC460]  }
0x13c: {  	[tilespmem:$0x1FF10] =	vst v0;
	v0 =	vld [tilespmem:s17+$0xC070]  }
0x13d: {  	v33 =	vld [tilespmem:s17+$0xC470]  }
0x13e: {  	v34 =	vld [tilespmem:s17+$0x800]  }
0x13f: {  	v35 =	vld [tilespmem:s17+$0xC800]  }
0x140: {  	v36 =	vld [tilespmem:s17+$0x810]  }
0x141: {  	[tilespmem:$0x1FF20] =	vst v0;
	v0 =	vld [tilespmem:s17+$0x400]  }
0x142: {  	v37 =	vld [tilespmem:s17+$0xC810]  }
0x143: {  	v38 =	vld [tilespmem:s17+$0x820]  }
0x144: {  	v39 =	vld [tilespmem:s17+$0xC820]  }
0x145: {  	v40 =	vld [tilespmem:s17+$0xC830]  }
0x146: {  	[tilespmem:$0x1FF30] =	vst v0;
	v0 =	vld [tilespmem:s17+$0xC400]  }
0x147: {  	v42 =	vld [tilespmem:s17+$0xC840]  }
0x148: {  	v43 =	vld [tilespmem:s17+$0x850]  }
0x149: {  	v44 =	vld [tilespmem:s17+$0xC850]  }
0x14a: {  	v45 =	vld [tilespmem:s17+$0x860]  }
0x14b: {  	[tilespmem:$0x1FF40] =	vst v0;
	v0 =	vld [tilespmem:s17+$0x410]  }
0x14c: {  	v46 =	vld [tilespmem:s17+$0xC860]  }
0x14d: {  	v47 =	vld [tilespmem:s17+$0xC870]  }
0x14e: {  	v48 =	vld [tilespmem:s17+$0xC00]  }
0x14f: {  	v49 =	vld [tilespmem:s17+$0xCC00]  }
0x150: {  	[tilespmem:$0x1FF50] =	vst v0;
	v0 =	vld [tilespmem:s17+$0xC410]  }
0x151: {  	v50 =	vld [tilespmem:s17+$0xCC10]  }
0x152: {  	v51 =	vld [tilespmem:s17+$0xC20]  }
0x153: {  	v55 =	vld [tilespmem:s17+$0xCC20]  }
0x154: {  	v54 =	vld [tilespmem:s17+$0xC30]  }
0x155: {  	[tilespmem:$0x1FF60] =	vst v0;
	v0 =	vld [tilespmem:s17+$0x420]  }
0x156: {  	v56 =	vld [tilespmem:s17+$0xCC30]  }
0x157: {  	v58 =	vld [tilespmem:s17+$0xCC40]  }
0x158: {  	v59 =	vld [tilespmem:s17+$0xCC50]  }
0x159: {  	v60 =	vld [tilespmem:s17+$0xC60]  }
0x15a: {  	[tilespmem:$0x1FF70] =	vst v0;
	v0 =	vld [tilespmem:s17+$0xC420]  }
0x15b: {  	v61 =	vld [tilespmem:s17+$0xCC60]  }
0x15c: {  	v62 =	vld [tilespmem:s17+$0xCC70]  }
0x15d: {  	v63 =	vld [tilespmem:s17+$0x1000]  }
0x15e: {  	v1 =	vld [tilespmem:s17+$0xD010]  }
0x15f: {  	[tilespmem:$0x1FF80] =	vst v0;
	v0 =	vld [tilespmem:s17+$0x430]  }
0x160: {  	v3 =	vld [tilespmem:s17+$0x1020]  }
0x161: {  	[tilespmem:$0x1FE80] =	vst v4;
	v4 =	vld [tilespmem:s17+$0xD020]  }
0x162: {  	v5 =	vld [tilespmem:s17+$0xD030]  }
0x163: {  	v7 =	vld [tilespmem:s17+$0xD040]  }
0x164: {  	[tilespmem:$0x1FF90] =	vst v0;
	v0 =	vld [tilespmem:s17+$0xC430]  }
0x165: {  	v8 =	vld [tilespmem:s17+$0xD050]  }
0x166: {  	v9 =	vld [tilespmem:s17+$0x1060]  }
0x167: {  	v10 =	vld [tilespmem:s17+$0xD060]  }
0x168: {  	v11 =	vld [tilespmem:s17+$0x1070]  }
0x169: {  	[tilespmem:$0x1FFA0] =	vst v0;
	v0 =	vld [tilespmem:s17+$0x440]  }
0x16a: {  	v12 =	vld [tilespmem:s17+$0xD070]  }
0x16b: {  	v13 =	vld [tilespmem:s17+$0x1400]  }
0x16c: {  	v15 =	vld [tilespmem:s17+$0x1410]  }
0x16d: {  	v14 =	vld [tilespmem:s17+$0xD410]  }
0x16e: {  	[tilespmem:$0x1FFB0] =	vst v0;
	v0 =	vld [tilespmem:s17+$0xC440]  }
0x16f: {  	v17 =	vld [tilespmem:s17+$0xD430]  }
0x170: {  	v16 =	vld [tilespmem:s17+$0x7400]  }
0x171: {  	v18 =	vld [tilespmem:s17+$0x7410]  }
0x172: {  	[tilespmem:$0x1FEA0] =	vst v2;
	v2 =	vld [tilespmem:s17+$0x1010]  }
0x173: {  	s21 =	simm.s32 $0x2;
	[tilespmem:$0x1FFC0] =	vst v0;
	v0 =	vld [tilespmem:s17+$0xD000]  }
.LBB2_2:
0x174: {  	v19 =	vld [tilespmem:s17+$0x7420]  }
0x175: {  	v20 =	vld [tilespmem:s17+$0x7430]  }
0x176: {  	v21 =	vld [tilespmem:s17+$0x1430];
	s19 =	sadd.s32 $0x80, s19  }
0x177: {  	v52 =	vld [tilespmem:s19+$0xFFFFFFF0]  }
0x178: {  	v22 =	vld [tilespmem:s17+$0x1420]  }
0x179: {  	v53 =	vld [tilespmem:s19+$0x0]  }
0x17a: {  	v25 =	vld [tilespmem:s17+$0x7070]  }
0x17b: {  	v23 =	vld [tilespmem:s17+$0xD420]  }
0x17c: {  	v24 =	vld [tilespmem:s17+$0xD400];
	v19 =	vmul.f32 v19, v52;
	v20 =	vmul.f32 v20, v52  }
0x17d: {  	v26 =	vld [tilespmem:s17+$0x7060];
	v16 =	vmul.f32 v16, v52;
	v18 =	vmul.f32 v18, v52  }
0x17e: {  	v27 =	vld [tilespmem:s17+$0x7050];
	v17 =	vmul.f32 v17, v53;
	v14 =	vmul.f32 v14, v53  }
0x17f: {  	v25 =	vmul.f32 v25, v52;
	v19 =	vadd.f32 v19, v22;
	v20 =	vadd.f32 v20, v21;
	v21 =	vld [tilespmem:s17+$0x7040]  }
0x180: {  	v15 =	vadd.f32 v18, v15;
	v18 =	vmul.f32 v23, v53;
	v22 =	vld [tilespmem:s17+$0x1050];
	v13 =	vadd.f32 v16, v13  }
0x181: {  	v16 =	vmul.f32 v24, v53;
	v11 =	vadd.f32 v25, v11;
	v17 =	vadd.f32 v17, v20;
	v20 =	vld [tilespmem:s17+$0x7030]  }
0x182: {  	v12 =	vmul.f32 v12, v53;
	v14 =	vadd.f32 v14, v15;
	v15 =	vadd.f32 v18, v19;
	v18 =	vld [tilespmem:s17+$0x7020]  }
0x183: {  	v13 =	vadd.f32 v16, v13;
	v16 =	vld [tilespmem:s17+$0x1030]  }
0x184: {  	v11 =	vadd.f32 v12, v11;
	v12 =	vld [tilespmem:s17+$0x6C70];
	[tilespmem:s17+$0x1430] =	vst v17  }
0x185: {  	v19 =	vmul.f32 v26, v52;
	[tilespmem:s17+$0x1420] =	vst v15;
	v15 =	vld [tilespmem:s17+$0x7010]  }
0x186: {  	v10 =	vmul.f32 v10, v53;
	v17 =	vmul.f32 v27, v52;
	[tilespmem:s17+$0x1410] =	vst v14;
	v14 =	vld [tilespmem:s17+$0x7000]  }
0x187: {  	v8 =	vmul.f32 v8, v53;
	v9 =	vadd.f32 v19, v9;
	[tilespmem:s17+$0x1070] =	vst v11;
	v11 =	vld [tilespmem:s17+$0xC70];
	v21 =	vmul.f32 v21, v52  }
0x188: {  	v7 =	vmul.f32 v7, v53;
	v5 =	vmul.f32 v5, v53;
	v19 =	vld [tilespmem:$0x1FE40];
	v17 =	vadd.f32 v17, v22  }
0x189: {  	[tilespmem:s17+$0x1400] =	vst v13;
	v9 =	vadd.f32 v10, v9;
	v10 =	vld [tilespmem:s17+$0x6C60];
	v13 =	vmul.f32 v20, v52;
	v6 =	vadd.f32 v21, v6  }
0x18a: {  	v4 =	vmul.f32 v4, v53;
	v18 =	vmul.f32 v18, v52;
	v8 =	vadd.f32 v8, v17;
	v17 =	vld [tilespmem:$0x1FF30]  }
0x18b: {  	v12 =	vmul.f32 v12, v52;
	v13 =	vadd.f32 v13, v16;
	v6 =	vadd.f32 v7, v6;
	v7 =	vld [tilespmem:s17+$0x6C50]  }
0x18c: {  	v1 =	vmul.f32 v1, v53;
	[tilespmem:s17+$0x1060] =	vst v9;
	v9 =	vmul.f32 v15, v52;
	v3 =	vadd.f32 v18, v3;
	v15 =	vld [tilespmem:$0x1FFC0]  }
0x18d: {  	v14 =	vmul.f32 v14, v52;
	v11 =	vadd.f32 v12, v11;
	[tilespmem:s17+$0x1050] =	vst v8;
	v8 =	vld [tilespmem:s17+$0x6C40];
	v5 =	vadd.f32 v5, v13  }
0x18e: {  	v0 =	vmul.f32 v0, v53;
	[tilespmem:s17+$0x1040] =	vst v6;
	v6 =	vld [tilespmem:s17+$0xC50];
	v2 =	vadd.f32 v9, v2;
	v3 =	vadd.f32 v4, v3  }
0x18f: {  	v4 =	vld [tilespmem:s17+$0x6C30];
	v9 =	vmul.f32 v10, v52;
	v10 =	vmul.f32 v62, v53;
	v13 =	vadd.f32 v14, v63  }
0x190: {  	v12 =	vmul.f32 v59, v53;
	[tilespmem:s17+$0x1030] =	vst v5;
	v5 =	vld [tilespmem:s17+$0x6C20];
	v1 =	vadd.f32 v1, v2  }
0x191: {  	v14 =	vmul.f32 v61, v53;
	v2 =	vld [tilespmem:s17+$0x6C10];
	v0 =	vadd.f32 v0, v13;
	v10 =	vadd.f32 v10, v11  }
0x192: {  	[tilespmem:s17+$0x1020] =	vst v3;
	v11 =	vmul.f32 v58, v53;
	v3 =	vmul.f32 v7, v52;
	v7 =	vadd.f32 v9, v60;
	v9 =	vld [tilespmem:s17+$0x6C00]  }
0x193: {  	v13 =	vmul.f32 v55, v53;
	v8 =	vmul.f32 v8, v52;
	[tilespmem:s17+$0x1010] =	vst v1;
	v1 =	vld [tilespmem:s17+$0xC10]  }
0x194: {  	[tilespmem:s17+$0x1000] =	vst v0;
	v0 =	vld [tilespmem:s17+$0x6870];
	v3 =	vadd.f32 v3, v6;
	v6 =	vadd.f32 v14, v7;
	v4 =	vmul.f32 v4, v52  }
0x195: {  	[tilespmem:s17+$0xC70] =	vst v10;
	v10 =	vld [tilespmem:s17+$0x6860];
	v7 =	vmul.f32 v56, v53;
	v14 =	vmul.f32 v49, v53;
	v8 =	vadd.f32 v8, v57  }
0x196: {  	v5 =	vmul.f32 v5, v52;
	v3 =	vadd.f32 v12, v3;
	[tilespmem:s17+$0xC60] =	vst v6;
	v6 =	vld [tilespmem:s17+$0x870];
	v2 =	vmul.f32 v2, v52  }
0x197: {  	v4 =	vadd.f32 v4, v54;
	v8 =	vadd.f32 v11, v8;
	v11 =	vld [tilespmem:s17+$0x6850];
	v9 =	vmul.f32 v9, v52  }
0x198: {  	v12 =	vmul.f32 v50, v53;
	v5 =	vadd.f32 v5, v51;
	[tilespmem:s17+$0xC50] =	vst v3;
	v3 =	vld [tilespmem:s17+$0x6840];
	v1 =	vadd.f32 v2, v1  }
0x199: {  	v2 =	vadd.f32 v7, v4;
	v4 =	vld [tilespmem:s17+$0x6830];
	v0 =	vmul.f32 v0, v52;
	v7 =	vadd.f32 v9, v48  }
0x19a: {  	[tilespmem:s17+$0xC40] =	vst v8;
	v8 =	vld [tilespmem:s17+$0x6820];
	v9 =	vmul.f32 v10, v52;
	v10 =	vmul.f32 v47, v53;
	v5 =	vadd.f32 v13, v5  }
0x19b: {  	v1 =	vadd.f32 v12, v1;
	[tilespmem:s17+$0xC30] =	vst v2;
	v2 =	vld [tilespmem:s17+$0x830];
	v12 =	vmul.f32 v46, v53;
	v0 =	vadd.f32 v0, v6  }
0x19c: {  	v6 =	vadd.f32 v14, v7;
	v9 =	vadd.f32 v9, v45;
	[tilespmem:s17+$0xC20] =	vst v5;
	v5 =	vld [tilespmem:s17+$0x6810];
	v7 =	vmul.f32 v11, v52  }
0x19d: {  	v11 =	vmul.f32 v44, v53;
	[tilespmem:s17+$0xC10] =	vst v1;
	v1 =	vld [tilespmem:s17+$0x6800];
	v3 =	vmul.f32 v3, v52;
	v10 =	vadd.f32 v10, v0  }
0x19e: {  	[tilespmem:s17+$0xC00] =	vst v6;
	v4 =	vmul.f32 v4, v52;
	v6 =	vadd.f32 v7, v43;
	v7 =	vadd.f32 v12, v9;
	v9 =	vld [tilespmem:s17+$0x6470]  }
0x19f: {  	v8 =	vmul.f32 v8, v52;
	v3 =	vadd.f32 v3, v41;
	[tilespmem:s17+$0x870] =	vst v10;
	v10 =	vld [tilespmem:s17+$0x6460]  }
0x1a0: {  	v13 =	vmul.f32 v42, v53;
	v2 =	vadd.f32 v4, v2;
	v4 =	vadd.f32 v11, v6;
	v6 =	vld [tilespmem:s17+$0x6450]  }
0x1a1: {  	v16 =	vld [tilespmem:$0x1FF70];
	v14 =	vmul.f32 v39, v53;
	v12 =	vmul.f32 v40, v53;
	[tilespmem:s17+$0x860] =	vst v7;
	v7 =	vadd.f32 v8, v38  }
0x1a2: {  	v18 =	vld [tilespmem:$0x1FF10];
	v5 =	vmul.f32 v5, v52;
	v3 =	vadd.f32 v13, v3;
	v11 =	vmul.f32 v1, v52  }
0x1a3: {  	v0 =	vld [tilespmem:s17+$0xD440];
	v13 =	vmul.f32 v37, v53;
	v7 =	vadd.f32 v14, v7;
	v9 =	vmul.f32 v9, v52  }
0x1a4: {  	v8 =	vld [tilespmem:s17+$0x6440];
	v2 =	vadd.f32 v12, v2;
	v5 =	vadd.f32 v5, v36;
	[tilespmem:s17+$0x840] =	vst v3;
	v10 =	vmul.f32 v10, v52  }
0x1a5: {  	v12 =	vmul.f32 v33, v53;
	v3 =	vld [tilespmem:s17+$0x6430];
	[tilespmem:s17+$0x820] =	vst v7;
	v6 =	vmul.f32 v6, v52;
	v7 =	vadd.f32 v9, v32  }
0x1a6: {  	v14 =	vmul.f32 v31, v53;
	[tilespmem:s17+$0x830] =	vst v2;
	v2 =	vld [tilespmem:s17+$0x6420];
	v5 =	vadd.f32 v13, v5;
	v10 =	vadd.f32 v10, v30  }
0x1a7: {  	v13 =	vmul.f32 v29, v53;
	v6 =	vadd.f32 v6, v28;
	v7 =	vadd.f32 v12, v7;
	v12 =	vld [tilespmem:$0x1FFB0]  }
0x1a8: {  	[tilespmem:s17+$0x850] =	vst v4;
	v4 =	vmul.f32 v35, v53;
	v11 =	vadd.f32 v11, v34;
	v10 =	vadd.f32 v14, v10;
	v14 =	vld [tilespmem:$0x1FFA0]  }
0x1a9: {  	v6 =	vadd.f32 v13, v6;
	v13 =	vld [tilespmem:$0x1FF90]  }
0x1aa: {  	v4 =	vadd.f32 v4, v11;
	v11 =	vld [tilespmem:s17+$0x6410]  }
0x1ab: {  	v8 =	vmul.f32 v8, v52;
	[tilespmem:s17+$0x810] =	vst v5;
	v5 =	vld [tilespmem:s17+$0x6400]  }
0x1ac: {  	[tilespmem:s17+$0x800] =	vst v4;
	v4 =	vld [tilespmem:s17+$0x6070];
	v3 =	vmul.f32 v3, v52;
	v2 =	vmul.f32 v2, v52  }
0x1ad: {  	v15 =	vmul.f32 v15, v53;
	[tilespmem:s17+$0x470] =	vst v7;
	v7 =	vld [tilespmem:$0x1FF80];
	v8 =	vadd.f32 v8, v12  }
0x1ae: {  	v2 =	vadd.f32 v2, v16;
	v16 =	vld [tilespmem:$0x1FF40];
	v14 =	vmul.f32 v14, v53;
	v3 =	vadd.f32 v3, v13  }
0x1af: {  	v8 =	vadd.f32 v15, v8;
	v15 =	vld [tilespmem:$0x1FF60]  }
0x1b0: {  	v3 =	vadd.f32 v14, v3;
	v14 =	vld [tilespmem:$0x1FF50]  }
0x1b1: {  	v5 =	vmul.f32 v5, v52;
	v13 =	vld [tilespmem:s17+$0x6050]  }
0x1b2: {  	[tilespmem:s17+$0x450] =	vst v6;
	v6 =	vld [tilespmem:s17+$0x6040];
	v7 =	vmul.f32 v7, v53  }
0x1b3: {  	v11 =	vmul.f32 v11, v52;
	v12 =	vld [tilespmem:s17+$0x6060];
	v5 =	vadd.f32 v5, v17;
	v16 =	vmul.f32 v16, v53  }
0x1b4: {  	v17 =	vld [tilespmem:$0x1FF00];
	v2 =	vadd.f32 v7, v2  }
0x1b5: {  	v5 =	vadd.f32 v16, v5;
	v16 =	vld [tilespmem:$0x1FED0];
	v15 =	vmul.f32 v15, v53;
	v11 =	vadd.f32 v11, v14  }
0x1b6: {  	v4 =	vmul.f32 v4, v52;
	[tilespmem:s17+$0x420] =	vst v2;
	v2 =	vmul.f32 v13, v52;
	v13 =	vld [tilespmem:$0x1FEF0]  }
0x1b7: {  	v11 =	vadd.f32 v15, v11;
	v15 =	vld [tilespmem:$0x1FEE0]  }
0x1b8: {  	v4 =	vadd.f32 v4, v18;
	v18 =	vld [tilespmem:$0x1FE60]  }
0x1b9: {  	v12 =	vmul.f32 v12, v52;
	v14 =	vld [tilespmem:$0x1FF20]  }
0x1ba: {  	[tilespmem:s17+$0x440] =	vst v8;
	v8 =	vld [tilespmem:s17+$0x6010]  }
0x1bb: {  	v7 =	vld [tilespmem:s17+$0x6030];
	v17 =	vmul.f32 v17, v53;
	v12 =	vadd.f32 v12, v13  }
0x1bc: {  	[tilespmem:s17+$0x430] =	vst v3;
	v3 =	vld [tilespmem:s17+$0x6020];
	v2 =	vadd.f32 v2, v16;
	v15 =	vmul.f32 v15, v53  }
0x1bd: {  	v12 =	vadd.f32 v17, v12;
	v17 =	vld [tilespmem:$0x1FEB0]  }
0x1be: {  	v14 =	vmul.f32 v14, v53;
	v2 =	vadd.f32 v15, v2;
	v15 =	vld [tilespmem:$0x1FEA0]  }
0x1bf: {  	v16 =	vld [tilespmem:$0x1FE90]  }
0x1c0: {  	v6 =	vmul.f32 v6, v52;
	v4 =	vadd.f32 v14, v4;
	v14 =	vld [tilespmem:$0x1FEC0]  }
0x1c1: {  	v7 =	vmul.f32 v7, v52;
	v13 =	vld [tilespmem:s17+$0x7440]  }
0x1c2: {  	v6 =	vadd.f32 v6, v17;
	v17 =	vld [tilespmem:$0x1FE80]  }
0x1c3: {  	[tilespmem:s17+$0x460] =	vst v10;
	v7 =	vadd.f32 v7, v15;
	v15 =	vld [tilespmem:$0x1FE50]  }
0x1c4: {  	v3 =	vmul.f32 v3, v52;
	[tilespmem:s17+$0x70] =	vst v4;
	v4 =	vld [tilespmem:s17+$0x1440]  }
0x1c5: {  	[tilespmem:s17+$0x410] =	vst v11;
	v11 =	vld [tilespmem:s17+$0x7450];
	v14 =	vmul.f32 v14, v53  }
0x1c6: {  	v1 =	vld [tilespmem:s17+$0xD450];
	[tilespmem:s17+$0x400] =	vst v5;
	v8 =	vmul.f32 v8, v52;
	v3 =	vadd.f32 v3, v18;
	v16 =	vmul.f32 v16, v53  }
0x1c7: {  	[tilespmem:s17+$0x50] =	vst v2;
	v2 =	vmul.f32 v13, v52;
	v6 =	vadd.f32 v14, v6;
	v14 =	vld [tilespmem:s17+$0x1450];
	v17 =	vmul.f32 v17, v53  }
0x1c8: {  	s22 =	sshrl.u32 s21, $0x3;
	v9 =	vld [tilespmem:s17+$0xD460];
	v8 =	vadd.f32 v8, v19;
	[tilespmem:s17+$0x60] =	vst v12;
	v7 =	vadd.f32 v16, v7;
	v15 =	vmul.f32 v15, v53  }
0x1c9: {  	s20 =	sadd.s32 $0x80, s20;
	s22 =	smul.u32 $0x1800, s22;
	v0 =	vmul.f32 v0, v53;
	v2 =	vadd.f32 v2, v4;
	[tilespmem:s17+$0x40] =	vst v6;
	v3 =	vadd.f32 v17, v3  }
0x1ca: {  	s23 =	sand.u32 $0x380, s20;
	v5 =	vld [tilespmem:s17+$0x7460];
	v4 =	vmul.f32 v11, v52;
	[tilespmem:s17+$0x30] =	vst v7;
	v8 =	vadd.f32 v15, v8  }
0x1cb: {  	s22 =	sor.u32 s23, s22;
	v13 =	vld [tilespmem:s17+$0x1460];
	v0 =	vadd.f32 v0, v2;
	[tilespmem:s17+$0x20] =	vst v3  }
0x1cc: {  	v1 =	vmul.f32 v1, v53;
	v2 =	vadd.f32 v4, v14;
	v4 =	vld [tilespmem:s22+$0xC000];
	[tilespmem:s17+$0x10] =	vst v8  }
0x1cd: {  	v3 =	vmul.f32 v9, v53;
	v9 =	vld [tilespmem:s22+$0x10];
	[tilespmem:s17+$0x1440] =	vst v0  }
0x1ce: {  	v0 =	vadd.f32 v1, v2;
	v1 =	vld [tilespmem:s22+$0xC010];
	_ =	sdelay $0x1  }
0x1cf: {  	v5 =	vmul.f32 v5, v52  }
0x1d0: {  	v12 =	vld [tilespmem:s17+$0x7470]  }
0x1d1: {  	v10 =	vld [tilespmem:s17+$0xD470];
	v5 =	vadd.f32 v5, v13  }
0x1d2: {  	v6 =	vld [tilespmem:s17+$0x1470];
	[tilespmem:$0x1FE50] =	vst v1  }
0x1d3: {  	v1 =	vadd.f32 v3, v5;
	v3 =	vld [tilespmem:s22+$0x20];
	[tilespmem:s17+$0x1450] =	vst v0  }
0x1d4: {  	v0 =	vld [tilespmem:s22+$0xC020]  }
0x1d5: {  	v18 =	vld [tilespmem:s17+$0x6000];
	v7 =	vmul.f32 v12, v52  }
0x1d6: {  	v11 =	vld [tilespmem:s17+$0x0];
	v2 =	vmov v4  }
0x1d7: {  	v8 =	vmul.f32 v10, v53;
	v10 =	vld [tilespmem:$0x1FE30];
	[tilespmem:$0x1FE30] =	vst v2;
	v5 =	vadd.f32 v7, v6  }
0x1d8: {  	[tilespmem:s17+$0x1460] =	vst v1  }
0x1d9: {  	v1 =	vld [tilespmem:s22+$0x30];
	[tilespmem:$0x1FE80] =	vst v0;
	v0 =	vadd.f32 v8, v5  }
0x1da: {  	[tilespmem:$0x1FE40] =	vst v9;
	v9 =	vmul.f32 v18, v52  }
0x1db: {  	v2 =	vld [tilespmem:s22+$0xC030];
	[tilespmem:s17+$0x1470] =	vst v0  }
0x1dc: {  	v10 =	vmul.f32 v10, v53;
	[tilespmem:$0x1FE60] =	vst v3;
	v3 =	vadd.f32 v9, v11;
	v0 =	vld [tilespmem:s22+$0x40];
	_ =	sdelay $0x1  }
0x1dd: {  	[tilespmem:$0x1FEA0] =	vst v1;
	v1 =	vadd.f32 v10, v3;
	_ =	sdelay $0x1  }
0x1de: {  	[tilespmem:s17+$0x0] =	vst v1;
	s17 =	smov.u32 s22  }
0x1df: {  	[tilespmem:$0x1FEB0] =	vst v0;
	v0 =	vld [tilespmem:s17+$0xC040];
	_ =	sdelay $0x4  }
0x1e0: {  	[tilespmem:$0x1FEC0] =	vst v0;
	v0 =	vld [tilespmem:s17+$0x50];
	_ =	sdelay $0x4  }
0x1e1: {  	[tilespmem:$0x1FED0] =	vst v0;
	v0 =	vld [tilespmem:s17+$0xC050];
	_ =	sdelay $0x4  }
0x1e2: {  	[tilespmem:$0x1FEE0] =	vst v0;
	v0 =	vld [tilespmem:s17+$0x60];
	_ =	sdelay $0x4  }
0x1e3: {  	[tilespmem:$0x1FEF0] =	vst v0;
	v0 =	vld [tilespmem:s17+$0xC060]  }
0x1e4: {  	v28 =	vld [tilespmem:s17+$0x450]  }
0x1e5: {  	v29 =	vld [tilespmem:s17+$0xC450]  }
0x1e6: {  	v30 =	vld [tilespmem:s17+$0x460]  }
0x1e7: {  	v31 =	vld [tilespmem:s17+$0xC460]  }
0x1e8: {  	[tilespmem:$0x1FF00] =	vst v0;
	v0 =	vld [tilespmem:s17+$0x70]  }
0x1e9: {  	v32 =	vld [tilespmem:s17+$0x470]  }
0x1ea: {  	v33 =	vld [tilespmem:s17+$0xC470]  }
0x1eb: {  	v34 =	vld [tilespmem:s17+$0x800]  }
0x1ec: {  	v35 =	vld [tilespmem:s17+$0xC800]  }
0x1ed: {  	[tilespmem:$0x1FF10] =	vst v0;
	v0 =	vld [tilespmem:s17+$0xC070]  }
0x1ee: {  	v36 =	vld [tilespmem:s17+$0x810]  }
0x1ef: {  	v37 =	vld [tilespmem:s17+$0xC810]  }
0x1f0: {  	v38 =	vld [tilespmem:s17+$0x820]  }
0x1f1: {  	v39 =	vld [tilespmem:s17+$0xC820]  }
0x1f2: {  	[tilespmem:$0x1FF20] =	vst v0;
	v0 =	vld [tilespmem:s17+$0x400]  }
0x1f3: {  	v40 =	vld [tilespmem:s17+$0xC830]  }
0x1f4: {  	v41 =	vld [tilespmem:s17+$0x840]  }
0x1f5: {  	v42 =	vld [tilespmem:s17+$0xC840]  }
0x1f6: {  	v43 =	vld [tilespmem:s17+$0x850]  }
0x1f7: {  	[tilespmem:$0x1FF30] =	vst v0;
	v0 =	vld [tilespmem:s17+$0xC400]  }
0x1f8: {  	v44 =	vld [tilespmem:s17+$0xC850]  }
0x1f9: {  	v45 =	vld [tilespmem:s17+$0x860]  }
0x1fa: {  	v46 =	vld [tilespmem:s17+$0xC860]  }
0x1fb: {  	v47 =	vld [tilespmem:s17+$0xC870]  }
0x1fc: {  	[tilespmem:$0x1FF40] =	vst v0;
	v0 =	vld [tilespmem:s17+$0x410]  }
0x1fd: {  	v48 =	vld [tilespmem:s17+$0xC00]  }
0x1fe: {  	v49 =	vld [tilespmem:s17+$0xCC00]  }
0x1ff: {  	v50 =	vld [tilespmem:s17+$0xCC10]  }
0x200: {  	v51 =	vld [tilespmem:s17+$0xC20]  }
0x201: {  	[tilespmem:$0x1FF50] =	vst v0;
	v0 =	vld [tilespmem:s17+$0xC410]  }
0x202: {  	v55 =	vld [tilespmem:s17+$0xCC20]  }
0x203: {  	v54 =	vld [tilespmem:s17+$0xC30]  }
0x204: {  	v56 =	vld [tilespmem:s17+$0xCC30]  }
0x205: {  	v57 =	vld [tilespmem:s17+$0xC40]  }
0x206: {  	[tilespmem:$0x1FF60] =	vst v0;
	v0 =	vld [tilespmem:s17+$0x420]  }
0x207: {  	v58 =	vld [tilespmem:s17+$0xCC40]  }
0x208: {  	v59 =	vld [tilespmem:s17+$0xCC50]  }
0x209: {  	v60 =	vld [tilespmem:s17+$0xC60]  }
0x20a: {  	v61 =	vld [tilespmem:s17+$0xCC60]  }
0x20b: {  	[tilespmem:$0x1FF70] =	vst v0;
	v0 =	vld [tilespmem:s17+$0xC420]  }
0x20c: {  	v62 =	vld [tilespmem:s17+$0xCC70]  }
0x20d: {  	v63 =	vld [tilespmem:s17+$0x1000]  }
0x20e: {  	[tilespmem:$0x1FE90] =	vst v2;
	v2 =	vld [tilespmem:s17+$0x1010]  }
0x20f: {  	v1 =	vld [tilespmem:s17+$0xD010]  }
0x210: {  	[tilespmem:$0x1FF80] =	vst v0;
	v0 =	vld [tilespmem:s17+$0x430]  }
0x211: {  	v3 =	vld [tilespmem:s17+$0x1020]  }
0x212: {  	v4 =	vld [tilespmem:s17+$0xD020]  }
0x213: {  	v5 =	vld [tilespmem:s17+$0xD030]  }
0x214: {  	v6 =	vld [tilespmem:s17+$0x1040]  }
0x215: {  	[tilespmem:$0x1FF90] =	vst v0;
	v0 =	vld [tilespmem:s17+$0xC430]  }
0x216: {  	v7 =	vld [tilespmem:s17+$0xD040]  }
0x217: {  	v8 =	vld [tilespmem:s17+$0xD050]  }
0x218: {  	v9 =	vld [tilespmem:s17+$0x1060]  }
0x219: {  	v10 =	vld [tilespmem:s17+$0xD060]  }
0x21a: {  	[tilespmem:$0x1FFA0] =	vst v0;
	v0 =	vld [tilespmem:s17+$0x440]  }
0x21b: {  	v11 =	vld [tilespmem:s17+$0x1070]  }
0x21c: {  	v12 =	vld [tilespmem:s17+$0xD070]  }
0x21d: {  	v13 =	vld [tilespmem:s17+$0x1400]  }
0x21e: {  	v15 =	vld [tilespmem:s17+$0x1410]  }
0x21f: {  	p0 =	sne.s32 s21, $0x1F;
	[tilespmem:$0x1FFB0] =	vst v0;
	v0 =	vld [tilespmem:s17+$0xC440]  }
.Ltmp0:
0x220: {  	v14 =	vld [tilespmem:s17+$0xD410];
	(pc) =	sbr.rel @p0 .LBB2_2-.Ltmp0, $4  }
0x221: {  	v17 =	vld [tilespmem:s17+$0xD430]  }
0x222: {  	v16 =	vld [tilespmem:s17+$0x7400]  }
0x223: {  	v18 =	vld [tilespmem:s17+$0x7410]  }
0x224: {  	s21 =	sadd.s32 $0x1, s21;
	[tilespmem:$0x1FFC0] =	vst v0;
	v0 =	vld [tilespmem:s17+$0xD000]  }
0x225: {  	s19 =	sadd.s32 $0x80, s19  }
0x226: {  	v53 =	vld [tilespmem:s19+$0xFFFFFFF0]  }
0x227: {  	v20 =	vld [tilespmem:s17+$0x7430]  }
0x228: {  	v52 =	vld [tilespmem:s19+$0x0];
	_ =	sdelay $0x1  }
0x229: {  	v21 =	vld [tilespmem:s17+$0x1430]  }
0x22a: {  	v18 =	vmul.f32 v18, v53  }
0x22b: {  	v26 =	vld [tilespmem:s17+$0x7060]  }
0x22c: {  	v19 =	vld [tilespmem:s17+$0x7420];
	v20 =	vmul.f32 v20, v53;
	v14 =	vmul.f32 v14, v52;
	v15 =	vadd.f32 v18, v15  }
0x22d: {  	v24 =	vld [tilespmem:s17+$0xD400]  }
0x22e: {  	v20 =	vadd.f32 v20, v21;
	v21 =	vld [tilespmem:s17+$0x7040];
	v14 =	vadd.f32 v14, v15  }
0x22f: {  	v22 =	vld [tilespmem:s17+$0x1420]  }
0x230: {  	v23 =	vld [tilespmem:s17+$0xD420];
	v16 =	vmul.f32 v16, v53;
	[tilespmem:s17+$0x1410] =	vst v14;
	v14 =	vmul.f32 v26, v53  }
0x231: {  	v27 =	vld [tilespmem:s17+$0x7050];
	v10 =	vmul.f32 v10, v52  }
0x232: {  	v25 =	vld [tilespmem:s17+$0x7070];
	v13 =	vadd.f32 v16, v13;
	v15 =	vmul.f32 v24, v52;
	v9 =	vadd.f32 v14, v9  }
0x233: {  	v19 =	vmul.f32 v19, v53;
	[tilespmem:$0x1F9E0] =	vst v21;
	v21 =	vld [tilespmem:s17+$0x1050]  }
0x234: {  	v17 =	vmul.f32 v17, v52;
	v13 =	vadd.f32 v15, v13;
	v9 =	vadd.f32 v10, v9;
	v10 =	vld [tilespmem:$0x1F9E0]  }
0x235: {  	v19 =	vadd.f32 v19, v22  }
0x236: {  	v22 =	vld [tilespmem:s17+$0x7030];
	v17 =	vadd.f32 v17, v20;
	v20 =	vmul.f32 v23, v52;
	[tilespmem:s17+$0x1400] =	vst v13;
	v13 =	vmul.f32 v27, v53  }
0x237: {  	v8 =	vmul.f32 v8, v52;
	v18 =	vld [tilespmem:s17+$0x7020]  }
0x238: {  	v16 =	vmul.f32 v25, v53;
	v19 =	vadd.f32 v20, v19;
	[tilespmem:s17+$0x1430] =	vst v17;
	v17 =	vld [tilespmem:s17+$0x1030];
	v13 =	vadd.f32 v13, v21  }
0x239: {  	v10 =	vmul.f32 v10, v53  }
0x23a: {  	v12 =	vmul.f32 v12, v52;
	v11 =	vadd.f32 v16, v11;
	[tilespmem:s17+$0x1420] =	vst v19;
	v19 =	vld [tilespmem:s17+$0x7010];
	v8 =	vadd.f32 v8, v13  }
0x23b: {  	v7 =	vmul.f32 v7, v52;
	v15 =	vld [tilespmem:s17+$0x7000];
	[tilespmem:s17+$0x1060] =	vst v9;
	v9 =	vmul.f32 v22, v53;
	v6 =	vadd.f32 v10, v6  }
0x23c: {  	v11 =	vadd.f32 v12, v11;
	v12 =	vld [tilespmem:s17+$0x6C70];
	[tilespmem:s17+$0x1050] =	vst v8;
	v8 =	vmul.f32 v18, v53  }
0x23d: {  	v5 =	vmul.f32 v5, v52;
	v14 =	vld [tilespmem:s17+$0x6C60];
	v6 =	vadd.f32 v7, v6;
	v7 =	vadd.f32 v9, v17  }
0x23e: {  	v4 =	vmul.f32 v4, v52;
	[tilespmem:s17+$0x1070] =	vst v11;
	v11 =	vld [tilespmem:s17+$0xC70];
	v3 =	vadd.f32 v8, v3  }
0x23f: {  	v10 =	vld [tilespmem:s17+$0x6C50];
	v5 =	vadd.f32 v5, v7;
	v7 =	vmul.f32 v19, v53  }
0x240: {  	v9 =	vld [tilespmem:s17+$0x6C40];
	v3 =	vadd.f32 v4, v3  }
0x241: {  	v1 =	vmul.f32 v1, v52;
	v4 =	vmul.f32 v15, v53;
	[tilespmem:s17+$0x1040] =	vst v6;
	v6 =	vld [tilespmem:s17+$0xC50];
	v2 =	vadd.f32 v7, v2  }
0x242: {  	v8 =	vld [tilespmem:s17+$0x6C30];
	[tilespmem:s17+$0x1020] =	vst v3;
	v3 =	vmul.f32 v12, v53  }
0x243: {  	v0 =	vmul.f32 v0, v52;
	v4 =	vadd.f32 v4, v63;
	v1 =	vadd.f32 v1, v2  }
0x244: {  	v3 =	vadd.f32 v3, v11  }
0x245: {  	v0 =	vadd.f32 v0, v4;
	v4 =	vmul.f32 v62, v52;
	[tilespmem:s17+$0x1010] =	vst v1;
	v1 =	vmul.f32 v14, v53;
	_ =	sdelay $0x1  }
0x246: {  	v3 =	vadd.f32 v4, v3;
	[tilespmem:s17+$0x1000] =	vst v0;
	v0 =	vmul.f32 v61, v52;
	v1 =	vadd.f32 v1, v60  }
0x247: {  	[tilespmem:s17+$0x1030] =	vst v5;
	v5 =	vld [tilespmem:s17+$0x6C20]  }
0x248: {  	[tilespmem:s17+$0xC70] =	vst v3;
	v3 =	vmul.f32 v9, v53;
	v0 =	vadd.f32 v0, v1  }
0x249: {  	v2 =	vld [tilespmem:s17+$0x6C10]  }
0x24a: {  	[tilespmem:s17+$0xC60] =	vst v0;
	v0 =	vadd.f32 v3, v57;
	v3 =	vmul.f32 v58, v52  }
0x24b: {  	v11 =	vld [tilespmem:s17+$0xC10];
	v4 =	vmul.f32 v10, v53  }
0x24c: {  	v7 =	vld [tilespmem:s17+$0x6C00];
	v0 =	vadd.f32 v3, v0;
	v3 =	vmul.f32 v5, v53  }
0x24d: {  	v10 =	vld [tilespmem:s17+$0x6870];
	v1 =	vadd.f32 v4, v6;
	v4 =	vmul.f32 v59, v52  }
0x24e: {  	v12 =	vmul.f32 v55, v52;
	v6 =	vld [tilespmem:s17+$0x6860];
	[tilespmem:s17+$0xC40] =	vst v0;
	v0 =	vmul.f32 v2, v53;
	v2 =	vadd.f32 v3, v51  }
0x24f: {  	v8 =	vmul.f32 v8, v53;
	v1 =	vadd.f32 v4, v1;
	v4 =	vld [tilespmem:s17+$0x870]  }
0x250: {  	v13 =	vmul.f32 v50, v52;
	v0 =	vadd.f32 v0, v11;
	v2 =	vadd.f32 v12, v2  }
0x251: {  	v9 =	vld [tilespmem:s17+$0x6850];
	[tilespmem:s17+$0xC50] =	vst v1;
	v1 =	vmul.f32 v56, v52;
	v5 =	vadd.f32 v8, v54  }
0x252: {  	v8 =	vld [tilespmem:s17+$0x6840];
	v0 =	vadd.f32 v13, v0;
	[tilespmem:s17+$0xC20] =	vst v2;
	v2 =	vmul.f32 v10, v53  }
0x253: {  	v1 =	vadd.f32 v1, v5;
	v3 =	vld [tilespmem:s17+$0x6830];
	v5 =	vmul.f32 v7, v53  }
0x254: {  	v7 =	vld [tilespmem:s17+$0x6820];
	[tilespmem:s17+$0xC10] =	vst v0;
	v0 =	vmul.f32 v6, v53;
	v6 =	vmul.f32 v47, v52;
	v2 =	vadd.f32 v2, v4  }
0x255: {  	[tilespmem:s17+$0xC30] =	vst v1;
	v1 =	vld [tilespmem:s17+$0x830];
	v11 =	vmul.f32 v49, v52;
	v5 =	vadd.f32 v5, v48  }
0x256: {  	v2 =	vadd.f32 v6, v2;
	v6 =	vmul.f32 v9, v53  }
0x257: {  	v8 =	vmul.f32 v8, v53;
	v5 =	vadd.f32 v11, v5  }
0x258: {  	v10 =	vld [tilespmem:s17+$0x6810];
	v3 =	vmul.f32 v3, v53;
	[tilespmem:s17+$0x870] =	vst v2;
	v2 =	vmul.f32 v44, v52;
	v6 =	vadd.f32 v6, v43  }
0x259: {  	v12 =	vmul.f32 v42, v52;
	v8 =	vadd.f32 v8, v41;
	v7 =	vmul.f32 v7, v53  }
0x25a: {  	v4 =	vld [tilespmem:s17+$0x6800];
	[tilespmem:s17+$0xC00] =	vst v5;
	v5 =	vmul.f32 v46, v52;
	v1 =	vadd.f32 v3, v1;
	v2 =	vadd.f32 v2, v6  }
0x25b: {  	v11 =	vadd.f32 v0, v45;
	v9 =	vld [tilespmem:s17+$0x6470];
	v6 =	vadd.f32 v12, v8;
	v12 =	vmul.f32 v40, v52  }
0x25c: {  	v3 =	vadd.f32 v7, v38;
	[tilespmem:s17+$0x850] =	vst v2;
	v2 =	vmul.f32 v39, v52  }
0x25d: {  	v7 =	vmul.f32 v10, v53;
	v5 =	vadd.f32 v5, v11;
	v11 =	vld [tilespmem:s17+$0x6460];
	v1 =	vadd.f32 v12, v1  }
0x25e: {  	v2 =	vadd.f32 v2, v3  }
0x25f: {  	[tilespmem:s17+$0x830] =	vst v1;
	v1 =	vmul.f32 v4, v53;
	v3 =	vmul.f32 v37, v52;
	v4 =	vadd.f32 v7, v36  }
0x260: {  	[tilespmem:s17+$0x860] =	vst v5;
	v9 =	vmul.f32 v9, v53  }
0x261: {  	v5 =	vld [tilespmem:s17+$0x6450];
	[tilespmem:s17+$0x820] =	vst v2;
	v2 =	vmul.f32 v35, v52;
	v1 =	vadd.f32 v1, v34;
	v3 =	vadd.f32 v3, v4  }
0x262: {  	v11 =	vmul.f32 v11, v53  }
0x263: {  	v1 =	vadd.f32 v2, v1;
	[tilespmem:s17+$0x810] =	vst v3;
	v2 =	vmul.f32 v33, v52;
	v3 =	vadd.f32 v9, v32  }
0x264: {  	v13 =	vmul.f32 v31, v52;
	v11 =	vadd.f32 v11, v30  }
0x265: {  	v2 =	vadd.f32 v2, v3  }
0x266: {  	v8 =	vld [tilespmem:s17+$0x6440];
	[tilespmem:s17+$0x800] =	vst v1;
	v1 =	vmul.f32 v5, v53;
	v5 =	vadd.f32 v13, v11  }
0x267: {  	[tilespmem:s17+$0x470] =	vst v2;
	v2 =	vld [tilespmem:$0x1FFC0]  }
0x268: {  	[tilespmem:s17+$0x460] =	vst v5;
	v5 =	vld [tilespmem:$0x1FFB0];
	_ =	sdelay $0x1  }
0x269: {  	v7 =	vld [tilespmem:s17+$0x6420]  }
0x26a: {  	v8 =	vmul.f32 v8, v53;
	v13 =	vmul.f32 v29, v52;
	v1 =	vadd.f32 v1, v28  }
0x26b: {  	v12 =	vld [tilespmem:s17+$0x6410]  }
0x26c: {  	v16 =	vld [tilespmem:$0x1FF50];
	v1 =	vadd.f32 v13, v1;
	v2 =	vmul.f32 v2, v52;
	v5 =	vadd.f32 v8, v5  }
0x26d: {  	v10 =	vld [tilespmem:s17+$0x6430]  }
0x26e: {  	[tilespmem:s17+$0x450] =	vst v1;
	v1 =	vmul.f32 v7, v53;
	v7 =	vld [tilespmem:$0x1FF90];
	v2 =	vadd.f32 v2, v5  }
0x26f: {  	v5 =	vld [tilespmem:$0x1FFA0]  }
0x270: {  	[tilespmem:s17+$0x440] =	vst v2;
	v2 =	vmul.f32 v12, v53;
	v12 =	vld [tilespmem:$0x1FF70];
	_ =	sdelay $0x1  }
0x271: {  	v10 =	vmul.f32 v10, v53;
	v9 =	vld [tilespmem:s17+$0x6400];
	_ =	sdelay $0x1  }
0x272: {  	v7 =	vadd.f32 v10, v7;
	v2 =	vadd.f32 v2, v16;
	v16 =	vld [tilespmem:$0x1FF30];
	v5 =	vmul.f32 v5, v52  }
0x273: {  	v1 =	vadd.f32 v1, v12;
	v12 =	vld [tilespmem:$0x1FF60]  }
0x274: {  	v14 =	vld [tilespmem:$0x1FF80];
	v5 =	vadd.f32 v5, v7  }
0x275: {  	v3 =	vld [tilespmem:s17+$0x6070];
	v9 =	vmul.f32 v9, v53  }
0x276: {  	[tilespmem:s17+$0x430] =	vst v5;
	v5 =	vld [tilespmem:$0x1FF40]  }
0x277: {  	v9 =	vadd.f32 v9, v16;
	v16 =	vld [tilespmem:$0x1FF10]  }
0x278: {  	v15 =	vld [tilespmem:s17+$0x6030];
	v12 =	vmul.f32 v12, v52  }
0x279: {  	v17 =	vld [tilespmem:$0x1FEA0]  }
0x27a: {  	v3 =	vmul.f32 v3, v53;
	v2 =	vadd.f32 v12, v2;
	v12 =	vld [tilespmem:$0x1FF20]  }
0x27b: {  	v11 =	vld [tilespmem:s17+$0x6060];
	v5 =	vmul.f32 v5, v52  }
0x27c: {  	v14 =	vmul.f32 v14, v52;
	v3 =	vadd.f32 v3, v16;
	v16 =	vld [tilespmem:$0x1FEF0]  }
0x27d: {  	v5 =	vadd.f32 v5, v9;
	v9 =	vld [tilespmem:$0x1FF00]  }
0x27e: {  	v18 =	vld [tilespmem:$0x1FE50];
	v15 =	vmul.f32 v15, v53;
	v1 =	vadd.f32 v14, v1  }
0x27f: {  	v19 =	vld [tilespmem:$0x1FE60];
	v12 =	vmul.f32 v12, v52  }
0x280: {  	v15 =	vadd.f32 v15, v17;
	v17 =	vld [tilespmem:s17+$0x6000];
	[tilespmem:s17+$0x420] =	vst v1;
	v1 =	vmul.f32 v11, v53  }
0x281: {  	v0 =	vld [tilespmem:s17+$0xD440];
	v3 =	vadd.f32 v12, v3  }
0x282: {  	v13 =	vld [tilespmem:s17+$0x6050];
	v1 =	vadd.f32 v1, v16;
	v9 =	vmul.f32 v9, v52  }
0x283: {  	[tilespmem:s17+$0x70] =	vst v3;
	v3 =	vld [tilespmem:$0x1FEE0]  }
0x284: {  	v1 =	vadd.f32 v9, v1;
	v9 =	vld [tilespmem:$0x1FED0]  }
0x285: {  	[tilespmem:s17+$0x840] =	vst v6;
	v6 =	vld [tilespmem:s17+$0xD450]  }
0x286: {  	v4 =	vld [tilespmem:s17+$0xD460]  }
0x287: {  	v8 =	vld [tilespmem:s17+$0xD470];
	[tilespmem:s17+$0x400] =	vst v5;
	v5 =	vmul.f32 v13, v53  }
0x288: {  	v10 =	vld [tilespmem:s17+$0x6040]  }
0x289: {  	v7 =	vld [tilespmem:s17+$0x6010];
	v3 =	vmul.f32 v3, v52;
	v5 =	vadd.f32 v5, v9  }
0x28a: {  	v13 =	vld [tilespmem:$0x1FEB0]  }
0x28b: {  	[tilespmem:s17+$0x60] =	vst v1;
	v1 =	vadd.f32 v3, v5;
	v5 =	vld [tilespmem:$0x1FEC0]  }
0x28c: {  	v14 =	vld [tilespmem:s17+$0x6020]  }
0x28d: {  	[tilespmem:s17+$0x50] =	vst v1;
	v1 =	vld [tilespmem:$0x1FE90]  }
0x28e: {  	v10 =	vmul.f32 v10, v53;
	v11 =	vld [tilespmem:s17+$0x7440]  }
0x28f: {  	[tilespmem:s17+$0x410] =	vst v2;
	v2 =	vld [tilespmem:s17+$0x7450]  }
0x290: {  	v16 =	vld [tilespmem:$0x1FE80];
	v10 =	vadd.f32 v10, v13;
	v5 =	vmul.f32 v5, v52  }
0x291: {  	v13 =	vld [tilespmem:s17+$0x1450]  }
0x292: {  	v9 =	vld [tilespmem:s17+$0x1440];
	v1 =	vmul.f32 v1, v52;
	v5 =	vadd.f32 v5, v10  }
0x293: {  	v12 =	vld [tilespmem:s17+$0x7460]  }
0x294: {  	v2 =	vmul.f32 v2, v53;
	[tilespmem:s17+$0x40] =	vst v5;
	v5 =	vld [tilespmem:$0x1FE40];
	v1 =	vadd.f32 v1, v15  }
0x295: {  	v11 =	vmul.f32 v11, v53;
	v3 =	vld [tilespmem:s17+$0x7470]  }
0x296: {  	v6 =	vmul.f32 v6, v52;
	v14 =	vmul.f32 v14, v53;
	v10 =	vld [tilespmem:s17+$0x1460];
	[tilespmem:s17+$0x30] =	vst v1;
	v1 =	vadd.f32 v2, v13  }
0x297: {  	v0 =	vmul.f32 v0, v52;
	v7 =	vmul.f32 v7, v53;
	v9 =	vadd.f32 v11, v9;
	v11 =	vld [tilespmem:s17+$0x0]  }
0x298: {  	v14 =	vadd.f32 v14, v19;
	v16 =	vmul.f32 v16, v52;
	v1 =	vadd.f32 v6, v1;
	v6 =	vld [tilespmem:$0x1FE30]  }
0x299: {  	v18 =	vmul.f32 v18, v52;
	v12 =	vmul.f32 v12, v53;
	v5 =	vadd.f32 v7, v5;
	v7 =	vld [tilespmem:s17+$0x1470]  }
0x29a: {  	v14 =	vadd.f32 v16, v14;
	v0 =	vadd.f32 v0, v9;
	v9 =	vmul.f32 v17, v53  }
0x29b: {  	v2 =	vmul.f32 v3, v53;
	v3 =	vmul.f32 v4, v52;
	v4 =	vadd.f32 v12, v10  }
0x29c: {  	[tilespmem:s17+$0x20] =	vst v14;
	v5 =	vadd.f32 v18, v5  }
0x29d: {  	[tilespmem:s17+$0x1440] =	vst v0;
	v0 =	vadd.f32 v3, v4;
	v3 =	vadd.f32 v9, v11;
	v6 =	vmul.f32 v6, v52  }
0x29e: {  	[tilespmem:s17+$0x10] =	vst v5;
	v5 =	vmul.f32 v8, v52;
	v2 =	vadd.f32 v2, v7  }
0x29f: {  	[tilespmem:s17+$0x1460] =	vst v0;
	v0 =	vadd.f32 v6, v3  }
0x2a0: {  	[tilespmem:s17+$0x1450] =	vst v1;
	v1 =	vadd.f32 v5, v2  }
0x2a1: {  	[tilespmem:s17+$0x0] =	vst v0  }
0x2a2: {  	[tilespmem:s17+$0x1470] =	vst v1;
	s17 =	simm.s32 $0x0  }
0x2a3: {  	[hbm4b:s10+s17] =	stream.linear.scatter [tilespmem:s17], [sflag:$0x3], $0x6000, $0x38;
	[tilespmem:$0x13100] =	vst v63  }
0x2a4: {  	_ =	swait.ge [sflag:s18], $0x6000  }
0x2a5: {  	[sflag:s18] =	ssyncset.done $0x0  }
0x2a6: {  	s21 =	simm.s32 $0x13000;
	[sflag:s18] =	ssyncadd.s32 $0xFFFFA000  }
0x2a7: {  	[tilespmem:s21], [sflag:$0x3] =	stream.linear.gather [hbm4b:s11+s17], $0x20, $0x38;
	[tilespmem:$0x13100] =	vst v63  }
0x2a8: {  	_ =	swait.ge [sflag:s18], $0x20  }
0x2a9: {  	[sflag:s18] =	ssyncset.done $0x0  }
0x2aa: {  	s22 =	simm.s32 $0x13080;
	[sflag:s18] =	ssyncadd.s32 $0xFFFFFFE0  }
0x2ab: {  	[tilespmem:s22], [sflag:$0x3] =	stream.linear.gather [hbm4b:s12+s17], $0x20, $0x38;
	[tilespmem:$0x13100] =	vst v63  }
0x2ac: {  	_ =	swait.ge [sflag:s18], $0x20  }
0x2ad: {  	[sflag:s18] =	ssyncset.done $0x0  }
0x2ae: {  	[sflag:s18] =	ssyncadd.s32 $0xFFFFFFE0  }
0x2af: {  	v0 =	vld [tilespmem:$0x13000];
	_ =	sdelay $0x3  }
0x2b0: {  	v2 =	vld [tilespmem:$0x1FFD0]  }
0x2b1: {  	v1 =	vshrl.u32 v0, $0x3  }
0x2b2: {  	v3 =	vld [tilespmem:$0x1FFE0];
	v1 =	vmul.u32 $0x30, v1  }
0x2b3: {  	v0 =	vand.u32 $0x7, v0  }
0x2b4: {  	v0 =	vor.u32 v0, v1  }
0x2b5: {  	v1 =	vperm.xlane v0, v2  }
0x2b6: {  	v4 =	vld [tilespmem:$0x1FFF0]  }
0x2b7: {  	v1 =	vadd.s32 v3, v1;
	_ =	sdelay $0x3  }
0x2b8: {  	s23 =	simm.s32 $0x6000;
	v0 =	vperm.xlane v0, v4  }
0x2b9: {  	[tilespmem:s23], [sflag:$0x1] =	stream.indirect_vreg.gather [hbm4b:s3+s17], $0x80, v1, vm0, $0xb8;
	[tilespmem:$0x13100] =	vst v63  }
0x2ba: {  	s20 =	simm.s32 $0x6800;
	v0 =	vadd.s32 v3, v0  }
0x2bb: {  	[tilespmem:s20], [sflag:$0x1] =	stream.indirect_vreg.gather [hbm4b:s6+s17], $0x80, v1, vm0, $0xb8;
	[tilespmem:$0x13100] =	vst v63  }
0x2bc: {  	s21 =	simm.s32 $0x7000  }
0x2bd: {  	[tilespmem:s21], [sflag:$0x1] =	stream.indirect_vreg.gather [hbm4b:s7+s17], $0x80, v1, vm0, $0xb8;
	[tilespmem:$0x13100] =	vst v63  }
0x2be: {  	s22 =	simm.s32 $0x7800  }
0x2bf: {  	[tilespmem:s22], [sflag:$0x1] =	stream.indirect_vreg.gather [hbm4b:s3+s17], $0x80, v0, vm0, $0xb8;
	[tilespmem:$0x13100] =	vst v63  }
0x2c0: {  	s23 =	simm.s32 $0x8000  }
0x2c1: {  	[tilespmem:s23], [sflag:$0x1] =	stream.indirect_vreg.gather [hbm4b:s6+s17], $0x80, v0, vm0, $0xb8;
	[tilespmem:$0x13100] =	vst v63  }
0x2c2: {  	s20 =	simm.s32 $0x8800  }
0x2c3: {  	[tilespmem:s20], [sflag:$0x1] =	stream.indirect_vreg.gather [hbm4b:s7+s17], $0x80, v0, vm0, $0xb8;
	[tilespmem:$0x13100] =	vst v63  }
0x2c4: {  	v0 =	vld [tilespmem:$0x13010];
	_ =	sdelay $0x4  }
0x2c5: {  	v1 =	vshrl.u32 v0, $0x3  }
0x2c6: {  	v1 =	vmul.u32 $0x30, v1  }
0x2c7: {  	v0 =	vand.u32 $0x7, v0  }
0x2c8: {  	v0 =	vor.u32 v0, v1  }
0x2c9: {  	v1 =	vperm.xlane v0, v2;
	_ =	sdelay $0x1  }
0x2ca: {  	v1 =	vadd.s32 v3, v1;
	_ =	sdelay $0x3  }
0x2cb: {  	s21 =	simm.s32 $0x9000;
	v0 =	vperm.xlane v0, v4  }
0x2cc: {  	[tilespmem:s21], [sflag:$0x1] =	stream.indirect_vreg.gather [hbm4b:s3+s17], $0x80, v1, vm0, $0xb8;
	[tilespmem:$0x13100] =	vst v63  }
0x2cd: {  	s22 =	simm.s32 $0x9800;
	v0 =	vadd.s32 v3, v0  }
0x2ce: {  	[tilespmem:s22], [sflag:$0x1] =	stream.indirect_vreg.gather [hbm4b:s6+s17], $0x80, v1, vm0, $0xb8;
	[tilespmem:$0x13100] =	vst v63  }
0x2cf: {  	s23 =	simm.s32 $0xA000  }
0x2d0: {  	[tilespmem:s23], [sflag:$0x1] =	stream.indirect_vreg.gather [hbm4b:s7+s17], $0x80, v1, vm0, $0xb8;
	[tilespmem:$0x13100] =	vst v63  }
0x2d1: {  	s20 =	simm.s32 $0xA800  }
0x2d2: {  	[tilespmem:s20], [sflag:$0x1] =	stream.indirect_vreg.gather [hbm4b:s3+s17], $0x80, v0, vm0, $0xb8;
	[tilespmem:$0x13100] =	vst v63  }
0x2d3: {  	s21 =	simm.s32 $0xB000  }
0x2d4: {  	[tilespmem:s21], [sflag:$0x1] =	stream.indirect_vreg.gather [hbm4b:s6+s17], $0x80, v0, vm0, $0xb8;
	[tilespmem:$0x13100] =	vst v63  }
0x2d5: {  	s22 =	simm.s32 $0xB800  }
0x2d6: {  	[tilespmem:s22], [sflag:$0x1] =	stream.indirect_vreg.gather [hbm4b:s7+s17], $0x80, v0, vm0, $0xb8;
	[tilespmem:$0x13100] =	vst v63  }
0x2d7: {  	v0 =	vld [tilespmem:$0x13080];
	_ =	sdelay $0x4  }
0x2d8: {  	v1 =	vshrl.u32 v0, $0x3  }
0x2d9: {  	v1 =	vmul.u32 $0x30, v1  }
0x2da: {  	v0 =	vand.u32 $0x7, v0  }
0x2db: {  	v0 =	vor.u32 v0, v1  }
0x2dc: {  	v1 =	vperm.xlane v0, v2;
	_ =	sdelay $0x1  }
0x2dd: {  	v1 =	vadd.s32 v3, v1;
	_ =	sdelay $0x3  }
0x2de: {  	s23 =	simm.s32 $0xC000;
	v0 =	vperm.xlane v0, v4  }
0x2df: {  	[tilespmem:s23], [sflag:$0x2] =	stream.indirect_vreg.gather [hbm4b:s3+s17], $0x80, v1, vm0, $0xb8;
	[tilespmem:$0x13100] =	vst v63  }
0x2e0: {  	s20 =	simm.s32 $0xC800;
	v0 =	vadd.s32 v3, v0  }
0x2e1: {  	[tilespmem:s20], [sflag:$0x2] =	stream.indirect_vreg.gather [hbm4b:s6+s17], $0x80, v1, vm0, $0xb8;
	[tilespmem:$0x13100] =	vst v63  }
0x2e2: {  	s21 =	simm.s32 $0xD000  }
0x2e3: {  	[tilespmem:s21], [sflag:$0x2] =	stream.indirect_vreg.gather [hbm4b:s7+s17], $0x80, v1, vm0, $0xb8;
	[tilespmem:$0x13100] =	vst v63  }
0x2e4: {  	s22 =	simm.s32 $0xD800  }
0x2e5: {  	[tilespmem:s22], [sflag:$0x2] =	stream.indirect_vreg.gather [hbm4b:s3+s17], $0x80, v0, vm0, $0xb8;
	[tilespmem:$0x13100] =	vst v63  }
0x2e6: {  	s23 =	simm.s32 $0xE000  }
0x2e7: {  	[tilespmem:s23], [sflag:$0x2] =	stream.indirect_vreg.gather [hbm4b:s6+s17], $0x80, v0, vm0, $0xb8;
	[tilespmem:$0x13100] =	vst v63  }
0x2e8: {  	s20 =	simm.s32 $0xE800  }
0x2e9: {  	[tilespmem:s20], [sflag:$0x2] =	stream.indirect_vreg.gather [hbm4b:s7+s17], $0x80, v0, vm0, $0xb8;
	[tilespmem:$0x13100] =	vst v63  }
0x2ea: {  	v0 =	vld [tilespmem:$0x13090];
	_ =	sdelay $0x4  }
0x2eb: {  	v1 =	vshrl.u32 v0, $0x3  }
0x2ec: {  	v1 =	vmul.u32 $0x30, v1  }
0x2ed: {  	v0 =	vand.u32 $0x7, v0  }
0x2ee: {  	v0 =	vor.u32 v0, v1  }
0x2ef: {  	v1 =	vperm.xlane v0, v2;
	_ =	sdelay $0x1  }
0x2f0: {  	v1 =	vadd.s32 v3, v1;
	_ =	sdelay $0x3  }
0x2f1: {  	s21 =	simm.s32 $0xF000;
	v0 =	vperm.xlane v0, v4  }
0x2f2: {  	[tilespmem:s21], [sflag:$0x2] =	stream.indirect_vreg.gather [hbm4b:s3+s17], $0x80, v1, vm0, $0xb8;
	[tilespmem:$0x13100] =	vst v63  }
0x2f3: {  	v0 =	vadd.s32 v3, v0  }
0x2f4: {  	[tilespmem:s24], [sflag:$0x2] =	stream.indirect_vreg.gather [hbm4b:s6+s17], $0x80, v1, vm0, $0xb8;
	[tilespmem:$0x13100] =	vst v63  }
0x2f5: {  	_ = 	snop  }
0x2f6: {  	[tilespmem:s25], [sflag:$0x2] =	stream.indirect_vreg.gather [hbm4b:s7+s17], $0x80, v1, vm0, $0xb8;
	[tilespmem:$0x13100] =	vst v63  }
0x2f7: {  	_ = 	snop  }
0x2f8: {  	[tilespmem:s26], [sflag:$0x2] =	stream.indirect_vreg.gather [hbm4b:s3+s17], $0x80, v0, vm0, $0xb8;
	[tilespmem:$0x13100] =	vst v63  }
0x2f9: {  	_ = 	snop  }
0x2fa: {  	[tilespmem:s28], [sflag:$0x2] =	stream.indirect_vreg.gather [hbm4b:s6+s17], $0x80, v0, vm0, $0xb8;
	[tilespmem:$0x13100] =	vst v63  }
0x2fb: {  	_ = 	snop  }
0x2fc: {  	[tilespmem:s29], [sflag:$0x2] =	stream.indirect_vreg.gather [hbm4b:s7+s17], $0x80, v0, vm0, $0xb8;
	[tilespmem:$0x13100] =	vst v63  }
0x2fd: {  	_ = 	snop  }
0x2fe: {  	[tilespmem:s17], [sflag:$0x3] =	stream.linear.gather [hbm4b:s13+s17], $0x6000, $0x38;
	[tilespmem:$0x13100] =	vst v63  }
0x2ff: {  	_ =	swait.ge [sflag:s18], $0x6000  }
0x300: {  	[sflag:s18] =	ssyncset.done $0x0  }
0x301: {  	[sflag:s18] =	ssyncadd.s32 $0xFFFFA000  }
0x302: {  	[tilespmem:s30], [sflag:$0x3] =	stream.linear.gather [hbm4b:s14+s17], $0x1000, $0x38;
	[tilespmem:$0x13100] =	vst v63  }
0x303: {  	_ =	swait.ge [sflag:s18], $0x1000  }
0x304: {  	[sflag:s18] =	ssyncset.done $0x0  }
0x305: {  	[sflag:s18] =	ssyncadd.s32 $0xFFFFF000  }
0x306: {  	_ =	swait.ge [sflag:s31], $0x6000  }
0x307: {  	[sflag:s31] =	ssyncset.done $0x0  }
0x308: {  	s22 =	simm.s32 $0x0;
	[sflag:s31] =	ssyncadd.s32 $0xFFFFA000  }
0x309: {  	s19 =	smul.u32 $0x1800, s22;
	_ =	swait.ge [sflag:s0], $0x6000  }
0x30a: {  	s17 =	sand.u32 $0x380, s17;
	[sflag:s0] =	ssyncset.done $0x0  }
0x30b: {  	s21 =	sor.u32 s17, s19;
	[sflag:s0] =	ssyncadd.s32 $0xFFFFA000  }
0x30c: {  	v0 =	vld [tilespmem:s21+$0xC000];
	_ =	sdelay $0x4  }
0x30d: {  	[tilespmem:$0x1FB80] =	vst v0;
	v0 =	vld [tilespmem:s21+$0x10];
	_ =	sdelay $0x4  }
0x30e: {  	[tilespmem:$0x1FB30] =	vst v0;
	v0 =	vld [tilespmem:s21+$0xC010];
	_ =	sdelay $0x4  }
0x30f: {  	[tilespmem:$0x1FB20] =	vst v0;
	v0 =	vld [tilespmem:s21+$0x20];
	_ =	sdelay $0x4  }
0x310: {  	[tilespmem:$0x1FB10] =	vst v0;
	v0 =	vld [tilespmem:s21+$0xC020];
	_ =	sdelay $0x4  }
0x311: {  	[tilespmem:$0x1FAF0] =	vst v0;
	v0 =	vld [tilespmem:s21+$0x30];
	_ =	sdelay $0x4  }
0x312: {  	[tilespmem:$0x1FB00] =	vst v0;
	v0 =	vld [tilespmem:s21+$0xC030];
	_ =	sdelay $0x4  }
0x313: {  	[tilespmem:$0x1FAD0] =	vst v0;
	v0 =	vld [tilespmem:s21+$0x40];
	_ =	sdelay $0x4  }
0x314: {  	[tilespmem:$0x1FAE0] =	vst v0;
	v0 =	vld [tilespmem:s21+$0xC040]  }
0x315: {  	v27 =	vld [tilespmem:s21+$0xC430]  }
0x316: {  	v28 =	vld [tilespmem:s21+$0x440]  }
0x317: {  	v30 =	vld [tilespmem:s21+$0xC440]  }
0x318: {  	v29 =	vld [tilespmem:s21+$0x450]  }
0x319: {  	[tilespmem:$0x1FAB0] =	vst v0;
	v0 =	vld [tilespmem:s21+$0x50]  }
0x31a: {  	v31 =	vld [tilespmem:s21+$0xC450]  }
0x31b: {  	v25 =	vld [tilespmem:s21+$0xC460]  }
0x31c: {  	v26 =	vld [tilespmem:s21+$0x470]  }
0x31d: {  	v32 =	vld [tilespmem:s21+$0xC470]  }
0x31e: {  	[tilespmem:$0x1FAC0] =	vst v0;
	v0 =	vld [tilespmem:s21+$0xC050]  }
0x31f: {  	v33 =	vld [tilespmem:s21+$0x800]  }
0x320: {  	v34 =	vld [tilespmem:s21+$0xC800]  }
0x321: {  	v24 =	vld [tilespmem:s21+$0x810]  }
0x322: {  	v35 =	vld [tilespmem:s21+$0x820]  }
0x323: {  	[tilespmem:$0x1FAA0] =	vst v0;
	v0 =	vld [tilespmem:s21+$0x60]  }
0x324: {  	v37 =	vld [tilespmem:s21+$0xC830]  }
0x325: {  	v38 =	vld [tilespmem:s21+$0x840]  }
0x326: {  	v40 =	vld [tilespmem:s21+$0xC840]  }
0x327: {  	v39 =	vld [tilespmem:s21+$0x850]  }
0x328: {  	[tilespmem:$0x1FA90] =	vst v0;
	v0 =	vld [tilespmem:s21+$0xC060]  }
0x329: {  	v41 =	vld [tilespmem:s21+$0xC850]  }
0x32a: {  	v42 =	vld [tilespmem:s21+$0x860]  }
0x32b: {  	v43 =	vld [tilespmem:s21+$0xC860]  }
0x32c: {  	v44 =	vld [tilespmem:s21+$0xC870]  }
0x32d: {  	[tilespmem:$0x1FA70] =	vst v0;
	v0 =	vld [tilespmem:s21+$0x70]  }
0x32e: {  	v46 =	vld [tilespmem:s21+$0xC00]  }
0x32f: {  	v45 =	vld [tilespmem:s21+$0xCC00]  }
0x330: {  	v47 =	vld [tilespmem:s21+$0xCC10]  }
0x331: {  	v49 =	vld [tilespmem:s21+$0xC20]  }
0x332: {  	[tilespmem:$0x1FA80] =	vst v0;
	v0 =	vld [tilespmem:s21+$0xC070]  }
0x333: {  	v48 =	vld [tilespmem:s21+$0xCC20]  }
0x334: {  	v50 =	vld [tilespmem:s21+$0xC30]  }
0x335: {  	v51 =	vld [tilespmem:s21+$0xCC30]  }
0x336: {  	v52 =	vld [tilespmem:s21+$0xC40]  }
0x337: {  	[tilespmem:$0x1FA50] =	vst v0;
	v0 =	vld [tilespmem:s21+$0x400]  }
0x338: {  	v53 =	vld [tilespmem:s21+$0xCC40]  }
0x339: {  	v54 =	vld [tilespmem:s21+$0xCC50]  }
0x33a: {  	v55 =	vld [tilespmem:s21+$0xC60]  }
0x33b: {  	v56 =	vld [tilespmem:s21+$0xCC60]  }
0x33c: {  	[tilespmem:$0x1FA60] =	vst v0;
	v0 =	vld [tilespmem:s21+$0xC400]  }
0x33d: {  	v57 =	vld [tilespmem:s21+$0xCC70]  }
0x33e: {  	v58 =	vld [tilespmem:s21+$0x1000]  }
0x33f: {  	v59 =	vld [tilespmem:s21+$0xD000]  }
0x340: {  	v60 =	vld [tilespmem:s21+$0x1010]  }
0x341: {  	[tilespmem:$0x1FA30] =	vst v0;
	v0 =	vld [tilespmem:s21+$0x410]  }
0x342: {  	v61 =	vld [tilespmem:s21+$0xD010]  }
0x343: {  	v62 =	vld [tilespmem:s21+$0x1020]  }
0x344: {  	v63 =	vld [tilespmem:s21+$0xD020]  }
0x345: {  	v23 =	vld [tilespmem:s21+$0xD030]  }
0x346: {  	[tilespmem:$0x1FA40] =	vst v0;
	v0 =	vld [tilespmem:s21+$0xC410]  }
0x347: {  	v21 =	vld [tilespmem:s21+$0x1040]  }
0x348: {  	v20 =	vld [tilespmem:s21+$0xD050]  }
0x349: {  	v18 =	vld [tilespmem:s21+$0x1060]  }
0x34a: {  	v19 =	vld [tilespmem:s21+$0xD060]  }
0x34b: {  	[tilespmem:$0x1FA10] =	vst v0;
	v0 =	vld [tilespmem:s21+$0x420]  }
0x34c: {  	v14 =	vld [tilespmem:s21+$0x1070]  }
0x34d: {  	v17 =	vld [tilespmem:s21+$0xD070]  }
0x34e: {  	v13 =	vld [tilespmem:s21+$0x1400]  }
0x34f: {  	v10 =	vld [tilespmem:s21+$0x1410]  }
0x350: {  	[tilespmem:$0x1FA20] =	vst v0;
	v0 =	vld [tilespmem:s21+$0xC420]  }
0x351: {  	v12 =	vld [tilespmem:s21+$0xD410]  }
0x352: {  	v9 =	vld [tilespmem:s21+$0xD430]  }
0x353: {  	v6 =	vld [tilespmem:s21+$0x7400]  }
0x354: {  	v2 =	vld [tilespmem:s21+$0x7410]  }
0x355: {  	[tilespmem:$0x1F9F0] =	vst v0;
	v0 =	vld [tilespmem:s21+$0x430]  }
0x356: {  	v3 =	vld [tilespmem:s21+$0x7420]  }
0x357: {  	s19 =	simm.s32 $0x12010;
	v1 =	vld [tilespmem:s21+$0x1430]  }
0x358: {  	v16 =	vld [tilespmem:s19+$0xFFFFFFF0]  }
0x359: {  	v4 =	vld [tilespmem:s21+$0x1420]  }
0x35a: {  	[tilespmem:$0x1FA00] =	vst v0;
	v0 =	vld [tilespmem:s21+$0x7430]  }
0x35b: {  	v15 =	vld [tilespmem:s19+$0x0]  }
0x35c: {  	v5 =	vld [tilespmem:s21+$0xD420]  }
0x35d: {  	v7 =	vld [tilespmem:s21+$0x7070]  }
0x35e: {  	v8 =	vld [tilespmem:s21+$0x7060];
	v2 =	vmul.f32 v2, v16  }
0x35f: {  	v11 =	vld [tilespmem:s21+$0xD400];
	v0 =	vmul.f32 v0, v16  }
0x360: {  	v2 =	vadd.f32 v2, v10;
	v10 =	vmul.f32 v12, v15;
	v12 =	vld [tilespmem:s21+$0x7040]  }
0x361: {  	v0 =	vadd.f32 v0, v1;
	v1 =	vmul.f32 v3, v16;
	v3 =	vmul.f32 v6, v16;
	v6 =	vld [tilespmem:s21+$0x7050]  }
0x362: {  	v9 =	vmul.f32 v9, v15;
	v7 =	vmul.f32 v7, v16;
	v2 =	vadd.f32 v10, v2;
	v10 =	vld [tilespmem:s21+$0x7020]  }
0x363: {  	v8 =	vmul.f32 v8, v16;
	v1 =	vadd.f32 v1, v4;
	v4 =	vmul.f32 v5, v15;
	v5 =	vld [tilespmem:s21+$0x1050]  }
0x364: {  	v7 =	vadd.f32 v7, v14;
	v14 =	vmul.f32 v20, v15;
	v0 =	vadd.f32 v9, v0;
	v9 =	vld [tilespmem:s21+$0x7030]  }
0x365: {  	v22 =	vld [tilespmem:s21+$0xD040];
	v3 =	vadd.f32 v3, v13;
	v1 =	vadd.f32 v4, v1;
	v4 =	vmul.f32 v11, v15  }
0x366: {  	v13 =	vld [tilespmem:s21+$0x1030];
	v11 =	vmul.f32 v17, v15;
	v6 =	vmul.f32 v6, v16  }
0x367: {  	v3 =	vadd.f32 v4, v3;
	v4 =	vadd.f32 v8, v18;
	v8 =	vmul.f32 v12, v16;
	v12 =	vld [tilespmem:s21+$0x7010]  }
0x368: {  	v5 =	vadd.f32 v6, v5;
	v6 =	vadd.f32 v11, v7;
	v7 =	vmul.f32 v19, v15;
	v11 =	vld [tilespmem:s21+$0x7000]  }
0x369: {  	v10 =	vmul.f32 v10, v16;
	v17 =	vld [tilespmem:s21+$0x6C70];
	v9 =	vmul.f32 v9, v16  }
0x36a: {  	v18 =	vld [tilespmem:s21+$0x6C60];
	v8 =	vadd.f32 v8, v21;
	v4 =	vadd.f32 v7, v4;
	v7 =	vmul.f32 v22, v15  }
0x36b: {  	v5 =	vadd.f32 v14, v5;
	v9 =	vadd.f32 v9, v13;
	v13 =	vmul.f32 v23, v15;
	v14 =	vld [tilespmem:s21+$0xC70]  }
0x36c: {  	v7 =	vadd.f32 v7, v8;
	v8 =	vadd.f32 v10, v62;
	v10 =	vmul.f32 v12, v16;
	v12 =	vld [tilespmem:s21+$0x6C50]  }
0x36d: {  	v19 =	vld [tilespmem:s21+$0x6C40];
	v9 =	vadd.f32 v13, v9;
	v13 =	vmul.f32 v63, v15;
	v11 =	vmul.f32 v11, v16  }
0x36e: {  	v20 =	vmul.f32 v61, v15;
	v17 =	vmul.f32 v17, v16;
	v63 =	vld [tilespmem:s21+$0xC50];
	v10 =	vadd.f32 v10, v60  }
0x36f: {  	v8 =	vadd.f32 v13, v8;
	v13 =	vmul.f32 v18, v16;
	v18 =	vld [tilespmem:s21+$0x6C30];
	v11 =	vadd.f32 v11, v58  }
0x370: {  	v14 =	vadd.f32 v17, v14;
	v17 =	vmul.f32 v59, v15;
	v10 =	vadd.f32 v20, v10;
	v20 =	vld [tilespmem:s21+$0x6C20]  }
0x371: {  	v57 =	vmul.f32 v57, v15;
	[tilespmem:s21+$0x1410] =	vst v2;
	v58 =	vld [tilespmem:s21+$0x6C10];
	v13 =	vadd.f32 v13, v55;
	v12 =	vmul.f32 v12, v16  }
0x372: {  	[tilespmem:s21+$0x1430] =	vst v0;
	v0 =	vadd.f32 v17, v11;
	v11 =	vmul.f32 v56, v15;
	v17 =	vmul.f32 v19, v16;
	v19 =	vld [tilespmem:s21+$0x6C00]  }
0x373: {  	[tilespmem:s21+$0x1420] =	vst v1;
	v60 =	vld [tilespmem:s21+$0x870];
	v1 =	vadd.f32 v57, v14;
	v14 =	vmul.f32 v54, v15;
	v12 =	vadd.f32 v12, v63  }
0x374: {  	[tilespmem:s21+$0x1400] =	vst v3;
	v59 =	vld [tilespmem:s21+$0xC10];
	v2 =	vadd.f32 v11, v13;
	v11 =	vadd.f32 v17, v52;
	v13 =	vmul.f32 v18, v16  }
0x375: {  	[tilespmem:s21+$0x1070] =	vst v6;
	v17 =	vld [tilespmem:s21+$0x6870];
	v3 =	vadd.f32 v14, v12;
	v12 =	vmul.f32 v53, v15;
	v14 =	vmul.f32 v20, v16  }
0x376: {  	[tilespmem:s21+$0x1060] =	vst v4;
	v18 =	vld [tilespmem:s21+$0x6860];
	v6 =	vadd.f32 v13, v50;
	v13 =	vmul.f32 v51, v15;
	v20 =	vmul.f32 v58, v16  }
0x377: {  	[tilespmem:s21+$0x1050] =	vst v5;
	v4 =	vadd.f32 v12, v11;
	v11 =	vadd.f32 v14, v49;
	v12 =	vmul.f32 v19, v16;
	v14 =	vld [tilespmem:s21+$0x6850]  }
0x378: {  	[tilespmem:s21+$0x1040] =	vst v7;
	v6 =	vadd.f32 v13, v6;
	v13 =	vmul.f32 v48, v15;
	v19 =	vld [tilespmem:s21+$0x6840]  }
0x379: {  	v61 =	vld [tilespmem:s21+$0x6830];
	[tilespmem:s21+$0x1030] =	vst v9;
	v5 =	vadd.f32 v20, v59;
	v7 =	vadd.f32 v12, v46;
	v12 =	vmul.f32 v47, v15  }
0x37a: {  	[tilespmem:s21+$0x1020] =	vst v8;
	v8 =	vmul.f32 v44, v15;
	v9 =	vadd.f32 v13, v11;
	v11 =	vmul.f32 v17, v16;
	v17 =	vld [tilespmem:s21+$0x6820]  }
0x37b: {  	v20 =	vmul.f32 v45, v15;
	v13 =	vmul.f32 v18, v16;
	v5 =	vadd.f32 v12, v5;
	v12 =	vld [tilespmem:s21+$0x830]  }
0x37c: {  	[tilespmem:s21+$0x1010] =	vst v10;
	v18 =	vmul.f32 v43, v15;
	v10 =	vadd.f32 v11, v60;
	v11 =	vld [tilespmem:s21+$0x6810];
	v14 =	vmul.f32 v14, v16  }
0x37d: {  	v62 =	vld [tilespmem:s21+$0xC810];
	[tilespmem:s21+$0x1000] =	vst v0;
	v7 =	vadd.f32 v20, v7;
	v13 =	vadd.f32 v13, v42;
	v19 =	vmul.f32 v19, v16  }
0x37e: {  	v0 =	vmul.f32 v41, v15;
	[tilespmem:s21+$0xC60] =	vst v2;
	v20 =	vld [tilespmem:s21+$0x6800];
	v8 =	vadd.f32 v8, v10;
	v2 =	vadd.f32 v14, v39  }
0x37f: {  	[tilespmem:s21+$0xC70] =	vst v1;
	v10 =	vmul.f32 v61, v16;
	v13 =	vadd.f32 v18, v13;
	v18 =	vadd.f32 v19, v38;
	v19 =	vld [tilespmem:s21+$0x6460]  }
0x380: {  	[tilespmem:s21+$0xC50] =	vst v3;
	v0 =	vadd.f32 v0, v2;
	v2 =	vld [tilespmem:s21+$0x6450]  }
0x381: {  	[tilespmem:s21+$0xC40] =	vst v4;
	v17 =	vmul.f32 v17, v16;
	v4 =	vadd.f32 v10, v12;
	v10 =	vmul.f32 v11, v16;
	v11 =	vld [tilespmem:s21+$0x6440]  }
0x382: {  	v36 =	vld [tilespmem:s21+$0xC820];
	v1 =	vmul.f32 v40, v15;
	v3 =	vmul.f32 v37, v15;
	[tilespmem:s21+$0xC30] =	vst v6  }
0x383: {  	[tilespmem:s21+$0xC20] =	vst v9;
	v6 =	vadd.f32 v17, v35;
	v12 =	vmul.f32 v20, v16;
	v17 =	vld [tilespmem:s21+$0x460]  }
0x384: {  	v9 =	vmul.f32 v62, v15;
	[tilespmem:s21+$0xC10] =	vst v5;
	v14 =	vld [tilespmem:s21+$0x6470];
	v1 =	vadd.f32 v1, v18;
	v3 =	vadd.f32 v3, v4  }
0x385: {  	[tilespmem:s21+$0x860] =	vst v13;
	v18 =	vld [tilespmem:s21+$0x6420];
	v4 =	vmul.f32 v34, v15;
	v12 =	vadd.f32 v12, v33;
	v2 =	vmul.f32 v2, v16  }
0x386: {  	v20 =	vld [tilespmem:s21+$0xD440];
	v5 =	vadd.f32 v10, v24;
	[tilespmem:s21+$0x850] =	vst v0;
	v19 =	vmul.f32 v19, v16;
	v11 =	vmul.f32 v11, v16  }
0x387: {  	v10 =	vld [tilespmem:s21+$0x6430];
	v0 =	vmul.f32 v31, v15;
	[tilespmem:s21+$0x840] =	vst v1;
	v4 =	vadd.f32 v4, v12;
	v1 =	vadd.f32 v2, v29  }
0x388: {  	v12 =	vld [tilespmem:s21+$0x6410];
	[tilespmem:s21+$0x830] =	vst v3;
	v13 =	vadd.f32 v19, v17;
	v17 =	vmul.f32 v30, v15;
	v3 =	vadd.f32 v11, v28  }
0x389: {  	v5 =	vadd.f32 v9, v5;
	v0 =	vadd.f32 v0, v1;
	v1 =	vld [tilespmem:$0x1F9F0]  }
0x38a: {  	v14 =	vmul.f32 v14, v16;
	v3 =	vadd.f32 v17, v3;
	v17 =	vld [tilespmem:$0x1FA20]  }
0x38b: {  	[tilespmem:s21+$0x810] =	vst v5;
	v5 =	vld [tilespmem:$0x1FA00]  }
0x38c: {  	v63 =	vmul.f32 v36, v15;
	[tilespmem:s21+$0xC00] =	vst v7;
	v7 =	vmul.f32 v32, v15;
	v9 =	vadd.f32 v14, v26;
	v14 =	vld [tilespmem:s21+$0x6400]  }
0x38d: {  	v19 =	vld [tilespmem:s21+$0xD470];
	v11 =	vmul.f32 v18, v16  }
0x38e: {  	v6 =	vadd.f32 v63, v6;
	[tilespmem:s21+$0x800] =	vst v4;
	v4 =	vld [tilespmem:$0x1FA10];
	v2 =	vadd.f32 v7, v9;
	v9 =	vmul.f32 v10, v16  }
0x38f: {  	v7 =	vld [tilespmem:s21+$0x6070];
	v1 =	vmul.f32 v1, v15;
	v11 =	vadd.f32 v11, v17  }
0x390: {  	[tilespmem:s21+$0x820] =	vst v6;
	v6 =	vmul.f32 v27, v15;
	v10 =	vld [tilespmem:s21+$0x6060];
	v5 =	vadd.f32 v9, v5  }
0x391: {  	v1 =	vadd.f32 v1, v11;
	v11 =	vld [tilespmem:$0x1FA60]  }
0x392: {  	[tilespmem:s21+$0x470] =	vst v2;
	v2 =	vld [tilespmem:$0x1FA30];
	v5 =	vadd.f32 v6, v5  }
0x393: {  	[tilespmem:s21+$0x450] =	vst v0;
	v0 =	vld [tilespmem:$0x1FA50]  }
0x394: {  	v14 =	vmul.f32 v14, v16;
	[tilespmem:s21+$0x430] =	vst v5;
	v5 =	vld [tilespmem:$0x1FA90]  }
0x395: {  	[tilespmem:s21+$0x440] =	vst v3;
	v3 =	vld [tilespmem:$0x1FA80]  }
0x396: {  	v11 =	vadd.f32 v14, v11;
	v14 =	vld [tilespmem:$0x1FA70]  }
0x397: {  	v9 =	vld [tilespmem:s21+$0x6050];
	v10 =	vmul.f32 v10, v16  }
0x398: {  	v6 =	vmul.f32 v7, v16;
	v7 =	vld [tilespmem:$0x1FA40];
	v2 =	vmul.f32 v2, v15  }
0x399: {  	v5 =	vadd.f32 v10, v5;
	v10 =	vld [tilespmem:$0x1FAA0]  }
0x39a: {  	v0 =	vmul.f32 v0, v15;
	v3 =	vadd.f32 v6, v3;
	v2 =	vadd.f32 v2, v11;
	v11 =	vld [tilespmem:$0x1FAC0]  }
0x39b: {  	[tilespmem:s21+$0x870] =	vst v8;
	v8 =	vmul.f32 v25, v15;
	v17 =	vld [tilespmem:s21+$0x6040];
	v14 =	vmul.f32 v14, v15  }
0x39c: {  	v0 =	vadd.f32 v0, v3;
	v3 =	vld [tilespmem:$0x1FAB0]  }
0x39d: {  	v8 =	vadd.f32 v8, v13;
	v6 =	vmul.f32 v9, v16;
	v5 =	vadd.f32 v14, v5;
	v14 =	vld [tilespmem:$0x1FAE0]  }
0x39e: {  	v13 =	vld [tilespmem:s21+$0xD450]  }
0x39f: {  	[tilespmem:s21+$0x460] =	vst v8;
	v8 =	vld [tilespmem:s21+$0x6030];
	v10 =	vmul.f32 v10, v15;
	v6 =	vadd.f32 v6, v11  }
0x3a0: {  	v12 =	vmul.f32 v12, v16;
	v9 =	vmul.f32 v17, v16;
	v11 =	vld [tilespmem:$0x1FAD0]  }
0x3a1: {  	v6 =	vadd.f32 v10, v6;
	v10 =	vld [tilespmem:$0x1FB00]  }
0x3a2: {  	v7 =	vadd.f32 v12, v7;
	v12 =	vld [tilespmem:s21+$0x6020];
	v3 =	vmul.f32 v3, v15;
	v9 =	vadd.f32 v9, v14  }
0x3a3: {  	v4 =	vmul.f32 v4, v15;
	v14 =	vld [tilespmem:$0x1FAF0]  }
0x3a4: {  	v8 =	vmul.f32 v8, v16;
	v3 =	vadd.f32 v3, v9;
	v9 =	vld [tilespmem:$0x1FB10]  }
0x3a5: {  	[tilespmem:s21+$0x420] =	vst v1;
	v1 =	vld [tilespmem:s21+$0x7440];
	v4 =	vadd.f32 v4, v7  }
0x3a6: {  	v7 =	vld [tilespmem:s21+$0x6010];
	[tilespmem:s21+$0x70] =	vst v0;
	v11 =	vmul.f32 v11, v15;
	v8 =	vadd.f32 v8, v10  }
0x3a7: {  	[tilespmem:s21+$0x410] =	vst v4;
	v4 =	vld [tilespmem:s21+$0x7450];
	v12 =	vmul.f32 v12, v16  }
0x3a8: {  	[tilespmem:s21+$0x50] =	vst v6;
	v6 =	vadd.f32 v11, v8;
	v11 =	vld [tilespmem:$0x1FB30]  }
0x3a9: {  	[tilespmem:s21+$0x400] =	vst v2;
	v14 =	vmul.f32 v14, v15;
	v9 =	vadd.f32 v12, v9;
	v12 =	vld [tilespmem:$0x1FB20]  }
0x3aa: {  	s23 =	simm.s32 $0x0;
	v18 =	vld [tilespmem:s21+$0xD460];
	[tilespmem:s21+$0x60] =	vst v5  }
0x3ab: {  	s20 =	simm.s32 $0x80;
	s17 =	smul.u32 $0x1800, s23;
	v0 =	vld [tilespmem:s21+$0x1440];
	[tilespmem:s21+$0x40] =	vst v3;
	v3 =	vadd.f32 v14, v9  }
0x3ac: {  	s22 =	sand.u32 $0x380, s20;
	v2 =	vld [tilespmem:s21+$0x7460];
	v7 =	vmul.f32 v7, v16;
	[tilespmem:s21+$0x30] =	vst v6  }
0x3ad: {  	s17 =	sor.u32 s22, s17;
	v1 =	vmul.f32 v1, v16;
	v5 =	vld [tilespmem:s21+$0x7470];
	[tilespmem:s21+$0x20] =	vst v3  }
0x3ae: {  	v7 =	vadd.f32 v7, v11;
	v3 =	vmul.f32 v4, v16;
	v12 =	vmul.f32 v12, v15;
	v4 =	vld [tilespmem:s17+$0xC000]  }
0x3af: {  	v10 =	vld [tilespmem:s21+$0x1450]  }
0x3b0: {  	v0 =	vadd.f32 v1, v0;
	v8 =	vld [tilespmem:s21+$0x1460];
	v6 =	vmul.f32 v20, v15;
	v7 =	vadd.f32 v12, v7  }
0x3b1: {  	v1 =	vld [tilespmem:s21+$0x1470]  }
0x3b2: {  	v0 =	vadd.f32 v6, v0;
	v9 =	vld [tilespmem:s21+$0x6000];
	[tilespmem:s21+$0x10] =	vst v7  }
0x3b3: {  	v2 =	vmul.f32 v2, v16;
	[tilespmem:$0x1FB40] =	vst v4;
	v4 =	vld [tilespmem:s21+$0x0]  }
0x3b4: {  	v6 =	vmul.f32 v13, v15;
	v3 =	vadd.f32 v3, v10;
	v7 =	vld [tilespmem:s17+$0x10];
	[tilespmem:s21+$0x1440] =	vst v0  }
0x3b5: {  	v0 =	vadd.f32 v2, v8;
	v2 =	vmul.f32 v5, v16;
	v5 =	vld [tilespmem:s17+$0xC010]  }
0x3b6: {  	v3 =	vadd.f32 v6, v3;
	v6 =	vld [tilespmem:s17+$0x20]  }
0x3b7: {  	v1 =	vadd.f32 v2, v1;
	v2 =	vld [tilespmem:$0x1FB80];
	_ =	sdelay $0x1  }
0x3b8: {  	[tilespmem:$0x1FB50] =	vst v7;
	v7 =	vmul.f32 v18, v15  }
0x3b9: {  	[tilespmem:$0x1FB60] =	vst v5;
	v5 =	vmul.f32 v9, v16  }
0x3ba: {  	[tilespmem:$0x1FB70] =	vst v6;
	v6 =	vmul.f32 v19, v15;
	v0 =	vadd.f32 v7, v0  }
0x3bb: {  	[tilespmem:s21+$0x1450] =	vst v3;
	v2 =	vmul.f32 v2, v15;
	v3 =	vadd.f32 v5, v4  }
0x3bc: {  	v4 =	vld [tilespmem:s17+$0xC020];
	[tilespmem:s21+$0x1460] =	vst v0;
	v0 =	vadd.f32 v6, v1  }
0x3bd: {  	v1 =	vadd.f32 v2, v3;
	v2 =	vld [tilespmem:s17+$0xC030]  }
0x3be: {  	[tilespmem:s21+$0x1470] =	vst v0  }
0x3bf: {  	v0 =	vld [tilespmem:s17+$0x40];
	_ =	sdelay $0x2  }
0x3c0: {  	[tilespmem:$0x1FBA0] =	vst v2  }
0x3c1: {  	v2 =	vld [tilespmem:s17+$0x30];
	[tilespmem:s21+$0x0] =	vst v1  }
0x3c2: {  	[tilespmem:$0x1FBC0] =	vst v0;
	v0 =	vld [tilespmem:s17+$0xC040];
	_ =	sdelay $0x4  }
0x3c3: {  	[tilespmem:$0x1FBD0] =	vst v0;
	v0 =	vld [tilespmem:s17+$0x50];
	_ =	sdelay $0x4  }
0x3c4: {  	[tilespmem:$0x1FBE0] =	vst v0;
	v0 =	vld [tilespmem:s17+$0xC050];
	_ =	sdelay $0x4  }
0x3c5: {  	[tilespmem:$0x1FBF0] =	vst v0;
	v0 =	vld [tilespmem:s17+$0x60];
	_ =	sdelay $0x4  }
0x3c6: {  	[tilespmem:$0x1FC00] =	vst v0;
	v0 =	vld [tilespmem:s17+$0xC060]  }
0x3c7: {  	v28 =	vld [tilespmem:s17+$0x450]  }
0x3c8: {  	v30 =	vld [tilespmem:s17+$0x460]  }
0x3c9: {  	v32 =	vld [tilespmem:s17+$0x470]  }
0x3ca: {  	v41 =	vld [tilespmem:s17+$0x840]  }
0x3cb: {  	[tilespmem:$0x1FC10] =	vst v0;
	v0 =	vld [tilespmem:s17+$0x70]  }
0x3cc: {  	v57 =	vld [tilespmem:s17+$0xC40]  }
0x3cd: {  	v6 =	vld [tilespmem:s17+$0x1040]  }
0x3ce: {  	v29 =	vld [tilespmem:s17+$0xC450]  }
0x3cf: {  	v31 =	vld [tilespmem:s17+$0xC460]  }
0x3d0: {  	[tilespmem:$0x1FC20] =	vst v0;
	v0 =	vld [tilespmem:s17+$0xC070]  }
0x3d1: {  	v33 =	vld [tilespmem:s17+$0xC470]  }
0x3d2: {  	v34 =	vld [tilespmem:s17+$0x800]  }
0x3d3: {  	v35 =	vld [tilespmem:s17+$0xC800]  }
0x3d4: {  	v36 =	vld [tilespmem:s17+$0x810]  }
0x3d5: {  	[tilespmem:$0x1FC30] =	vst v0;
	v0 =	vld [tilespmem:s17+$0x400]  }
0x3d6: {  	v37 =	vld [tilespmem:s17+$0xC810]  }
0x3d7: {  	v38 =	vld [tilespmem:s17+$0x820]  }
0x3d8: {  	v39 =	vld [tilespmem:s17+$0xC820]  }
0x3d9: {  	v40 =	vld [tilespmem:s17+$0xC830]  }
0x3da: {  	[tilespmem:$0x1FC40] =	vst v0;
	v0 =	vld [tilespmem:s17+$0xC400]  }
0x3db: {  	v42 =	vld [tilespmem:s17+$0xC840]  }
0x3dc: {  	v43 =	vld [tilespmem:s17+$0x850]  }
0x3dd: {  	v44 =	vld [tilespmem:s17+$0xC850]  }
0x3de: {  	v45 =	vld [tilespmem:s17+$0x860]  }
0x3df: {  	[tilespmem:$0x1FC50] =	vst v0;
	v0 =	vld [tilespmem:s17+$0x410]  }
0x3e0: {  	v46 =	vld [tilespmem:s17+$0xC860]  }
0x3e1: {  	v47 =	vld [tilespmem:s17+$0xC870]  }
0x3e2: {  	v48 =	vld [tilespmem:s17+$0xC00]  }
0x3e3: {  	v49 =	vld [tilespmem:s17+$0xCC00]  }
0x3e4: {  	[tilespmem:$0x1FC60] =	vst v0;
	v0 =	vld [tilespmem:s17+$0xC410]  }
0x3e5: {  	v50 =	vld [tilespmem:s17+$0xCC10]  }
0x3e6: {  	v51 =	vld [tilespmem:s17+$0xC20]  }
0x3e7: {  	v54 =	vld [tilespmem:s17+$0xCC20]  }
0x3e8: {  	v55 =	vld [tilespmem:s17+$0xC30]  }
0x3e9: {  	[tilespmem:$0x1FC70] =	vst v0;
	v0 =	vld [tilespmem:s17+$0x420]  }
0x3ea: {  	v56 =	vld [tilespmem:s17+$0xCC30]  }
0x3eb: {  	v58 =	vld [tilespmem:s17+$0xCC40]  }
0x3ec: {  	v59 =	vld [tilespmem:s17+$0xCC50]  }
0x3ed: {  	v60 =	vld [tilespmem:s17+$0xC60]  }
0x3ee: {  	[tilespmem:$0x1FC80] =	vst v0;
	v0 =	vld [tilespmem:s17+$0xC420]  }
0x3ef: {  	v61 =	vld [tilespmem:s17+$0xCC60]  }
0x3f0: {  	v62 =	vld [tilespmem:s17+$0xCC70]  }
0x3f1: {  	v63 =	vld [tilespmem:s17+$0x1000]  }
0x3f2: {  	v1 =	vld [tilespmem:s17+$0xD010]  }
0x3f3: {  	[tilespmem:$0x1FC90] =	vst v0;
	v0 =	vld [tilespmem:s17+$0x430]  }
0x3f4: {  	v3 =	vld [tilespmem:s17+$0x1020]  }
0x3f5: {  	[tilespmem:$0x1FB90] =	vst v4;
	v4 =	vld [tilespmem:s17+$0xD020]  }
0x3f6: {  	v5 =	vld [tilespmem:s17+$0xD030]  }
0x3f7: {  	v7 =	vld [tilespmem:s17+$0xD040]  }
0x3f8: {  	[tilespmem:$0x1FCA0] =	vst v0;
	v0 =	vld [tilespmem:s17+$0xC430]  }
0x3f9: {  	v8 =	vld [tilespmem:s17+$0xD050]  }
0x3fa: {  	v9 =	vld [tilespmem:s17+$0x1060]  }
0x3fb: {  	v10 =	vld [tilespmem:s17+$0xD060]  }
0x3fc: {  	v11 =	vld [tilespmem:s17+$0x1070]  }
0x3fd: {  	[tilespmem:$0x1FCB0] =	vst v0;
	v0 =	vld [tilespmem:s17+$0x440]  }
0x3fe: {  	v12 =	vld [tilespmem:s17+$0xD070]  }
0x3ff: {  	v13 =	vld [tilespmem:s17+$0x1400]  }
0x400: {  	v15 =	vld [tilespmem:s17+$0x1410]  }
0x401: {  	v14 =	vld [tilespmem:s17+$0xD410]  }
0x402: {  	[tilespmem:$0x1FCC0] =	vst v0;
	v0 =	vld [tilespmem:s17+$0xC440]  }
0x403: {  	v17 =	vld [tilespmem:s17+$0xD430]  }
0x404: {  	v16 =	vld [tilespmem:s17+$0x7400]  }
0x405: {  	v18 =	vld [tilespmem:s17+$0x7410]  }
0x406: {  	[tilespmem:$0x1FBB0] =	vst v2;
	v2 =	vld [tilespmem:s17+$0x1010]  }
0x407: {  	s21 =	simm.s32 $0x2;
	[tilespmem:$0x1FCD0] =	vst v0;
	v0 =	vld [tilespmem:s17+$0xD000]  }
.LBB2_4:
0x408: {  	v19 =	vld [tilespmem:s17+$0x7420]  }
0x409: {  	v20 =	vld [tilespmem:s17+$0x7430]  }
0x40a: {  	v21 =	vld [tilespmem:s17+$0x1430];
	s19 =	sadd.s32 $0x80, s19  }
0x40b: {  	v52 =	vld [tilespmem:s19+$0xFFFFFFF0]  }
0x40c: {  	v22 =	vld [tilespmem:s17+$0x1420]  }
0x40d: {  	v53 =	vld [tilespmem:s19+$0x0]  }
0x40e: {  	v25 =	vld [tilespmem:s17+$0x7070]  }
0x40f: {  	v23 =	vld [tilespmem:s17+$0xD420]  }
0x410: {  	v24 =	vld [tilespmem:s17+$0xD400];
	v19 =	vmul.f32 v19, v52;
	v20 =	vmul.f32 v20, v52  }
0x411: {  	v26 =	vld [tilespmem:s17+$0x7060];
	v16 =	vmul.f32 v16, v52;
	v18 =	vmul.f32 v18, v52  }
0x412: {  	v27 =	vld [tilespmem:s17+$0x7050];
	v17 =	vmul.f32 v17, v53;
	v14 =	vmul.f32 v14, v53  }
0x413: {  	v25 =	vmul.f32 v25, v52;
	v19 =	vadd.f32 v19, v22;
	v20 =	vadd.f32 v20, v21;
	v21 =	vld [tilespmem:s17+$0x7040]  }
0x414: {  	v15 =	vadd.f32 v18, v15;
	v18 =	vmul.f32 v23, v53;
	v22 =	vld [tilespmem:s17+$0x1050];
	v13 =	vadd.f32 v16, v13  }
0x415: {  	v16 =	vmul.f32 v24, v53;
	v11 =	vadd.f32 v25, v11;
	v17 =	vadd.f32 v17, v20;
	v20 =	vld [tilespmem:s17+$0x7030]  }
0x416: {  	v12 =	vmul.f32 v12, v53;
	v14 =	vadd.f32 v14, v15;
	v15 =	vadd.f32 v18, v19;
	v18 =	vld [tilespmem:s17+$0x7020]  }
0x417: {  	v13 =	vadd.f32 v16, v13;
	v16 =	vld [tilespmem:s17+$0x1030]  }
0x418: {  	v11 =	vadd.f32 v12, v11;
	v12 =	vld [tilespmem:s17+$0x6C70];
	[tilespmem:s17+$0x1430] =	vst v17  }
0x419: {  	v19 =	vmul.f32 v26, v52;
	[tilespmem:s17+$0x1420] =	vst v15;
	v15 =	vld [tilespmem:s17+$0x7010]  }
0x41a: {  	v10 =	vmul.f32 v10, v53;
	v17 =	vmul.f32 v27, v52;
	[tilespmem:s17+$0x1410] =	vst v14;
	v14 =	vld [tilespmem:s17+$0x7000]  }
0x41b: {  	v8 =	vmul.f32 v8, v53;
	v9 =	vadd.f32 v19, v9;
	[tilespmem:s17+$0x1070] =	vst v11;
	v11 =	vld [tilespmem:s17+$0xC70];
	v21 =	vmul.f32 v21, v52  }
0x41c: {  	v7 =	vmul.f32 v7, v53;
	v5 =	vmul.f32 v5, v53;
	v19 =	vld [tilespmem:$0x1FB50];
	v17 =	vadd.f32 v17, v22  }
0x41d: {  	[tilespmem:s17+$0x1400] =	vst v13;
	v9 =	vadd.f32 v10, v9;
	v10 =	vld [tilespmem:s17+$0x6C60];
	v13 =	vmul.f32 v20, v52;
	v6 =	vadd.f32 v21, v6  }
0x41e: {  	v4 =	vmul.f32 v4, v53;
	v18 =	vmul.f32 v18, v52;
	v8 =	vadd.f32 v8, v17;
	v17 =	vld [tilespmem:$0x1FC40]  }
0x41f: {  	v12 =	vmul.f32 v12, v52;
	v13 =	vadd.f32 v13, v16;
	v6 =	vadd.f32 v7, v6;
	v7 =	vld [tilespmem:s17+$0x6C50]  }
0x420: {  	v1 =	vmul.f32 v1, v53;
	[tilespmem:s17+$0x1060] =	vst v9;
	v9 =	vmul.f32 v15, v52;
	v3 =	vadd.f32 v18, v3;
	v15 =	vld [tilespmem:$0x1FCD0]  }
0x421: {  	v14 =	vmul.f32 v14, v52;
	v11 =	vadd.f32 v12, v11;
	[tilespmem:s17+$0x1050] =	vst v8;
	v8 =	vld [tilespmem:s17+$0x6C40];
	v5 =	vadd.f32 v5, v13  }
0x422: {  	v0 =	vmul.f32 v0, v53;
	[tilespmem:s17+$0x1040] =	vst v6;
	v6 =	vld [tilespmem:s17+$0xC50];
	v2 =	vadd.f32 v9, v2;
	v3 =	vadd.f32 v4, v3  }
0x423: {  	v4 =	vld [tilespmem:s17+$0x6C30];
	v9 =	vmul.f32 v10, v52;
	v10 =	vmul.f32 v62, v53;
	v13 =	vadd.f32 v14, v63  }
0x424: {  	v12 =	vmul.f32 v59, v53;
	[tilespmem:s17+$0x1030] =	vst v5;
	v5 =	vld [tilespmem:s17+$0x6C20];
	v1 =	vadd.f32 v1, v2  }
0x425: {  	v14 =	vmul.f32 v61, v53;
	v2 =	vld [tilespmem:s17+$0x6C10];
	v0 =	vadd.f32 v0, v13;
	v10 =	vadd.f32 v10, v11  }
0x426: {  	[tilespmem:s17+$0x1020] =	vst v3;
	v11 =	vmul.f32 v58, v53;
	v3 =	vmul.f32 v7, v52;
	v7 =	vadd.f32 v9, v60;
	v9 =	vld [tilespmem:s17+$0x6C00]  }
0x427: {  	v13 =	vmul.f32 v54, v53;
	v8 =	vmul.f32 v8, v52;
	[tilespmem:s17+$0x1010] =	vst v1;
	v1 =	vld [tilespmem:s17+$0xC10]  }
0x428: {  	[tilespmem:s17+$0x1000] =	vst v0;
	v0 =	vld [tilespmem:s17+$0x6870];
	v3 =	vadd.f32 v3, v6;
	v6 =	vadd.f32 v14, v7;
	v4 =	vmul.f32 v4, v52  }
0x429: {  	[tilespmem:s17+$0xC70] =	vst v10;
	v10 =	vld [tilespmem:s17+$0x6860];
	v7 =	vmul.f32 v56, v53;
	v14 =	vmul.f32 v49, v53;
	v8 =	vadd.f32 v8, v57  }
0x42a: {  	v5 =	vmul.f32 v5, v52;
	v3 =	vadd.f32 v12, v3;
	[tilespmem:s17+$0xC60] =	vst v6;
	v6 =	vld [tilespmem:s17+$0x870];
	v2 =	vmul.f32 v2, v52  }
0x42b: {  	v4 =	vadd.f32 v4, v55;
	v8 =	vadd.f32 v11, v8;
	v11 =	vld [tilespmem:s17+$0x6850];
	v9 =	vmul.f32 v9, v52  }
0x42c: {  	v12 =	vmul.f32 v50, v53;
	v5 =	vadd.f32 v5, v51;
	[tilespmem:s17+$0xC50] =	vst v3;
	v3 =	vld [tilespmem:s17+$0x6840];
	v1 =	vadd.f32 v2, v1  }
0x42d: {  	v2 =	vadd.f32 v7, v4;
	v4 =	vld [tilespmem:s17+$0x6830];
	v0 =	vmul.f32 v0, v52;
	v7 =	vadd.f32 v9, v48  }
0x42e: {  	[tilespmem:s17+$0xC40] =	vst v8;
	v8 =	vld [tilespmem:s17+$0x6820];
	v9 =	vmul.f32 v10, v52;
	v10 =	vmul.f32 v47, v53;
	v5 =	vadd.f32 v13, v5  }
0x42f: {  	v1 =	vadd.f32 v12, v1;
	[tilespmem:s17+$0xC30] =	vst v2;
	v2 =	vld [tilespmem:s17+$0x830];
	v12 =	vmul.f32 v46, v53;
	v0 =	vadd.f32 v0, v6  }
0x430: {  	v6 =	vadd.f32 v14, v7;
	v9 =	vadd.f32 v9, v45;
	[tilespmem:s17+$0xC20] =	vst v5;
	v5 =	vld [tilespmem:s17+$0x6810];
	v7 =	vmul.f32 v11, v52  }
0x431: {  	v11 =	vmul.f32 v44, v53;
	[tilespmem:s17+$0xC10] =	vst v1;
	v1 =	vld [tilespmem:s17+$0x6800];
	v3 =	vmul.f32 v3, v52;
	v10 =	vadd.f32 v10, v0  }
0x432: {  	[tilespmem:s17+$0xC00] =	vst v6;
	v4 =	vmul.f32 v4, v52;
	v6 =	vadd.f32 v7, v43;
	v7 =	vadd.f32 v12, v9;
	v9 =	vld [tilespmem:s17+$0x6470]  }
0x433: {  	v8 =	vmul.f32 v8, v52;
	v3 =	vadd.f32 v3, v41;
	[tilespmem:s17+$0x870] =	vst v10;
	v10 =	vld [tilespmem:s17+$0x6460]  }
0x434: {  	v13 =	vmul.f32 v42, v53;
	v2 =	vadd.f32 v4, v2;
	v4 =	vadd.f32 v11, v6;
	v6 =	vld [tilespmem:s17+$0x6450]  }
0x435: {  	v16 =	vld [tilespmem:$0x1FC80];
	v14 =	vmul.f32 v39, v53;
	v12 =	vmul.f32 v40, v53;
	[tilespmem:s17+$0x860] =	vst v7;
	v7 =	vadd.f32 v8, v38  }
0x436: {  	v18 =	vld [tilespmem:$0x1FC20];
	v5 =	vmul.f32 v5, v52;
	v3 =	vadd.f32 v13, v3;
	v11 =	vmul.f32 v1, v52  }
0x437: {  	v0 =	vld [tilespmem:s17+$0xD440];
	v13 =	vmul.f32 v37, v53;
	v7 =	vadd.f32 v14, v7;
	v9 =	vmul.f32 v9, v52  }
0x438: {  	v8 =	vld [tilespmem:s17+$0x6440];
	v2 =	vadd.f32 v12, v2;
	v5 =	vadd.f32 v5, v36;
	[tilespmem:s17+$0x840] =	vst v3;
	v10 =	vmul.f32 v10, v52  }
0x439: {  	v12 =	vmul.f32 v33, v53;
	v3 =	vld [tilespmem:s17+$0x6430];
	[tilespmem:s17+$0x820] =	vst v7;
	v6 =	vmul.f32 v6, v52;
	v7 =	vadd.f32 v9, v32  }
0x43a: {  	v14 =	vmul.f32 v31, v53;
	[tilespmem:s17+$0x830] =	vst v2;
	v2 =	vld [tilespmem:s17+$0x6420];
	v5 =	vadd.f32 v13, v5;
	v10 =	vadd.f32 v10, v30  }
0x43b: {  	v13 =	vmul.f32 v29, v53;
	v6 =	vadd.f32 v6, v28;
	v7 =	vadd.f32 v12, v7;
	v12 =	vld [tilespmem:$0x1FCC0]  }
0x43c: {  	[tilespmem:s17+$0x850] =	vst v4;
	v4 =	vmul.f32 v35, v53;
	v11 =	vadd.f32 v11, v34;
	v10 =	vadd.f32 v14, v10;
	v14 =	vld [tilespmem:$0x1FCB0]  }
0x43d: {  	v6 =	vadd.f32 v13, v6;
	v13 =	vld [tilespmem:$0x1FCA0]  }
0x43e: {  	v4 =	vadd.f32 v4, v11;
	v11 =	vld [tilespmem:s17+$0x6410]  }
0x43f: {  	v8 =	vmul.f32 v8, v52;
	[tilespmem:s17+$0x810] =	vst v5;
	v5 =	vld [tilespmem:s17+$0x6400]  }
0x440: {  	[tilespmem:s17+$0x800] =	vst v4;
	v4 =	vld [tilespmem:s17+$0x6070];
	v3 =	vmul.f32 v3, v52;
	v2 =	vmul.f32 v2, v52  }
0x441: {  	v15 =	vmul.f32 v15, v53;
	[tilespmem:s17+$0x470] =	vst v7;
	v7 =	vld [tilespmem:$0x1FC90];
	v8 =	vadd.f32 v8, v12  }
0x442: {  	v2 =	vadd.f32 v2, v16;
	v16 =	vld [tilespmem:$0x1FC50];
	v14 =	vmul.f32 v14, v53;
	v3 =	vadd.f32 v3, v13  }
0x443: {  	v8 =	vadd.f32 v15, v8;
	v15 =	vld [tilespmem:$0x1FC70]  }
0x444: {  	v3 =	vadd.f32 v14, v3;
	v14 =	vld [tilespmem:$0x1FC60]  }
0x445: {  	v5 =	vmul.f32 v5, v52;
	v13 =	vld [tilespmem:s17+$0x6050]  }
0x446: {  	[tilespmem:s17+$0x450] =	vst v6;
	v6 =	vld [tilespmem:s17+$0x6040];
	v7 =	vmul.f32 v7, v53  }
0x447: {  	v11 =	vmul.f32 v11, v52;
	v12 =	vld [tilespmem:s17+$0x6060];
	v5 =	vadd.f32 v5, v17;
	v16 =	vmul.f32 v16, v53  }
0x448: {  	v17 =	vld [tilespmem:$0x1FC10];
	v2 =	vadd.f32 v7, v2  }
0x449: {  	v5 =	vadd.f32 v16, v5;
	v16 =	vld [tilespmem:$0x1FBE0];
	v15 =	vmul.f32 v15, v53;
	v11 =	vadd.f32 v11, v14  }
0x44a: {  	v4 =	vmul.f32 v4, v52;
	[tilespmem:s17+$0x420] =	vst v2;
	v2 =	vmul.f32 v13, v52;
	v13 =	vld [tilespmem:$0x1FC00]  }
0x44b: {  	v11 =	vadd.f32 v15, v11;
	v15 =	vld [tilespmem:$0x1FBF0]  }
0x44c: {  	v4 =	vadd.f32 v4, v18;
	v18 =	vld [tilespmem:$0x1FB70]  }
0x44d: {  	v12 =	vmul.f32 v12, v52;
	v14 =	vld [tilespmem:$0x1FC30]  }
0x44e: {  	[tilespmem:s17+$0x440] =	vst v8;
	v8 =	vld [tilespmem:s17+$0x6010]  }
0x44f: {  	v7 =	vld [tilespmem:s17+$0x6030];
	v17 =	vmul.f32 v17, v53;
	v12 =	vadd.f32 v12, v13  }
0x450: {  	[tilespmem:s17+$0x430] =	vst v3;
	v3 =	vld [tilespmem:s17+$0x6020];
	v2 =	vadd.f32 v2, v16;
	v15 =	vmul.f32 v15, v53  }
0x451: {  	v12 =	vadd.f32 v17, v12;
	v17 =	vld [tilespmem:$0x1FBC0]  }
0x452: {  	v14 =	vmul.f32 v14, v53;
	v2 =	vadd.f32 v15, v2;
	v15 =	vld [tilespmem:$0x1FBB0]  }
0x453: {  	v16 =	vld [tilespmem:$0x1FBA0]  }
0x454: {  	v6 =	vmul.f32 v6, v52;
	v4 =	vadd.f32 v14, v4;
	v14 =	vld [tilespmem:$0x1FBD0]  }
0x455: {  	v7 =	vmul.f32 v7, v52;
	v13 =	vld [tilespmem:s17+$0x7440]  }
0x456: {  	v6 =	vadd.f32 v6, v17;
	v17 =	vld [tilespmem:$0x1FB90]  }
0x457: {  	[tilespmem:s17+$0x460] =	vst v10;
	v7 =	vadd.f32 v7, v15;
	v15 =	vld [tilespmem:$0x1FB60]  }
0x458: {  	v3 =	vmul.f32 v3, v52;
	[tilespmem:s17+$0x70] =	vst v4;
	v4 =	vld [tilespmem:s17+$0x1440]  }
0x459: {  	[tilespmem:s17+$0x410] =	vst v11;
	v11 =	vld [tilespmem:s17+$0x7450];
	v14 =	vmul.f32 v14, v53  }
0x45a: {  	v1 =	vld [tilespmem:s17+$0xD450];
	[tilespmem:s17+$0x400] =	vst v5;
	v8 =	vmul.f32 v8, v52;
	v3 =	vadd.f32 v3, v18;
	v16 =	vmul.f32 v16, v53  }
0x45b: {  	[tilespmem:s17+$0x50] =	vst v2;
	v2 =	vmul.f32 v13, v52;
	v6 =	vadd.f32 v14, v6;
	v14 =	vld [tilespmem:s17+$0x1450];
	v17 =	vmul.f32 v17, v53  }
0x45c: {  	s22 =	sshrl.u32 s21, $0x3;
	v9 =	vld [tilespmem:s17+$0xD460];
	v8 =	vadd.f32 v8, v19;
	[tilespmem:s17+$0x60] =	vst v12;
	v7 =	vadd.f32 v16, v7;
	v15 =	vmul.f32 v15, v53  }
0x45d: {  	s20 =	sadd.s32 $0x80, s20;
	s22 =	smul.u32 $0x1800, s22;
	v0 =	vmul.f32 v0, v53;
	v2 =	vadd.f32 v2, v4;
	[tilespmem:s17+$0x40] =	vst v6;
	v3 =	vadd.f32 v17, v3  }
0x45e: {  	s23 =	sand.u32 $0x380, s20;
	v5 =	vld [tilespmem:s17+$0x7460];
	v4 =	vmul.f32 v11, v52;
	[tilespmem:s17+$0x30] =	vst v7;
	v8 =	vadd.f32 v15, v8  }
0x45f: {  	s22 =	sor.u32 s23, s22;
	v13 =	vld [tilespmem:s17+$0x1460];
	v0 =	vadd.f32 v0, v2;
	[tilespmem:s17+$0x20] =	vst v3  }
0x460: {  	v1 =	vmul.f32 v1, v53;
	v2 =	vadd.f32 v4, v14;
	v4 =	vld [tilespmem:s22+$0xC000];
	[tilespmem:s17+$0x10] =	vst v8  }
0x461: {  	v3 =	vmul.f32 v9, v53;
	v9 =	vld [tilespmem:s22+$0x10];
	[tilespmem:s17+$0x1440] =	vst v0  }
0x462: {  	v0 =	vadd.f32 v1, v2;
	v1 =	vld [tilespmem:s22+$0xC010];
	_ =	sdelay $0x1  }
0x463: {  	v5 =	vmul.f32 v5, v52  }
0x464: {  	v12 =	vld [tilespmem:s17+$0x7470]  }
0x465: {  	v10 =	vld [tilespmem:s17+$0xD470];
	v5 =	vadd.f32 v5, v13  }
0x466: {  	v6 =	vld [tilespmem:s17+$0x1470];
	[tilespmem:$0x1FB60] =	vst v1  }
0x467: {  	v1 =	vadd.f32 v3, v5;
	v3 =	vld [tilespmem:s22+$0x20];
	[tilespmem:s17+$0x1450] =	vst v0  }
0x468: {  	v0 =	vld [tilespmem:s22+$0xC020]  }
0x469: {  	v18 =	vld [tilespmem:s17+$0x6000];
	v7 =	vmul.f32 v12, v52  }
0x46a: {  	v11 =	vld [tilespmem:s17+$0x0];
	v2 =	vmov v4  }
0x46b: {  	v8 =	vmul.f32 v10, v53;
	v10 =	vld [tilespmem:$0x1FB40];
	[tilespmem:$0x1FB40] =	vst v2;
	v5 =	vadd.f32 v7, v6  }
0x46c: {  	[tilespmem:s17+$0x1460] =	vst v1  }
0x46d: {  	v1 =	vld [tilespmem:s22+$0x30];
	[tilespmem:$0x1FB90] =	vst v0;
	v0 =	vadd.f32 v8, v5  }
0x46e: {  	[tilespmem:$0x1FB50] =	vst v9;
	v9 =	vmul.f32 v18, v52  }
0x46f: {  	v2 =	vld [tilespmem:s22+$0xC030];
	[tilespmem:s17+$0x1470] =	vst v0  }
0x470: {  	v10 =	vmul.f32 v10, v53;
	[tilespmem:$0x1FB70] =	vst v3;
	v3 =	vadd.f32 v9, v11;
	v0 =	vld [tilespmem:s22+$0x40];
	_ =	sdelay $0x1  }
0x471: {  	[tilespmem:$0x1FBB0] =	vst v1;
	v1 =	vadd.f32 v10, v3;
	_ =	sdelay $0x1  }
0x472: {  	[tilespmem:s17+$0x0] =	vst v1;
	s17 =	smov.u32 s22  }
0x473: {  	[tilespmem:$0x1FBC0] =	vst v0;
	v0 =	vld [tilespmem:s17+$0xC040];
	_ =	sdelay $0x4  }
0x474: {  	[tilespmem:$0x1FBD0] =	vst v0;
	v0 =	vld [tilespmem:s17+$0x50];
	_ =	sdelay $0x4  }
0x475: {  	[tilespmem:$0x1FBE0] =	vst v0;
	v0 =	vld [tilespmem:s17+$0xC050];
	_ =	sdelay $0x4  }
0x476: {  	[tilespmem:$0x1FBF0] =	vst v0;
	v0 =	vld [tilespmem:s17+$0x60];
	_ =	sdelay $0x4  }
0x477: {  	[tilespmem:$0x1FC00] =	vst v0;
	v0 =	vld [tilespmem:s17+$0xC060]  }
0x478: {  	v28 =	vld [tilespmem:s17+$0x450]  }
0x479: {  	v29 =	vld [tilespmem:s17+$0xC450]  }
0x47a: {  	v30 =	vld [tilespmem:s17+$0x460]  }
0x47b: {  	v31 =	vld [tilespmem:s17+$0xC460]  }
0x47c: {  	[tilespmem:$0x1FC10] =	vst v0;
	v0 =	vld [tilespmem:s17+$0x70]  }
0x47d: {  	v32 =	vld [tilespmem:s17+$0x470]  }
0x47e: {  	v33 =	vld [tilespmem:s17+$0xC470]  }
0x47f: {  	v34 =	vld [tilespmem:s17+$0x800]  }
0x480: {  	v35 =	vld [tilespmem:s17+$0xC800]  }
0x481: {  	[tilespmem:$0x1FC20] =	vst v0;
	v0 =	vld [tilespmem:s17+$0xC070]  }
0x482: {  	v36 =	vld [tilespmem:s17+$0x810]  }
0x483: {  	v37 =	vld [tilespmem:s17+$0xC810]  }
0x484: {  	v38 =	vld [tilespmem:s17+$0x820]  }
0x485: {  	v39 =	vld [tilespmem:s17+$0xC820]  }
0x486: {  	[tilespmem:$0x1FC30] =	vst v0;
	v0 =	vld [tilespmem:s17+$0x400]  }
0x487: {  	v40 =	vld [tilespmem:s17+$0xC830]  }
0x488: {  	v41 =	vld [tilespmem:s17+$0x840]  }
0x489: {  	v42 =	vld [tilespmem:s17+$0xC840]  }
0x48a: {  	v43 =	vld [tilespmem:s17+$0x850]  }
0x48b: {  	[tilespmem:$0x1FC40] =	vst v0;
	v0 =	vld [tilespmem:s17+$0xC400]  }
0x48c: {  	v44 =	vld [tilespmem:s17+$0xC850]  }
0x48d: {  	v45 =	vld [tilespmem:s17+$0x860]  }
0x48e: {  	v46 =	vld [tilespmem:s17+$0xC860]  }
0x48f: {  	v47 =	vld [tilespmem:s17+$0xC870]  }
0x490: {  	[tilespmem:$0x1FC50] =	vst v0;
	v0 =	vld [tilespmem:s17+$0x410]  }
0x491: {  	v48 =	vld [tilespmem:s17+$0xC00]  }
0x492: {  	v49 =	vld [tilespmem:s17+$0xCC00]  }
0x493: {  	v50 =	vld [tilespmem:s17+$0xCC10]  }
0x494: {  	v51 =	vld [tilespmem:s17+$0xC20]  }
0x495: {  	[tilespmem:$0x1FC60] =	vst v0;
	v0 =	vld [tilespmem:s17+$0xC410]  }
0x496: {  	v54 =	vld [tilespmem:s17+$0xCC20]  }
0x497: {  	v55 =	vld [tilespmem:s17+$0xC30]  }
0x498: {  	v56 =	vld [tilespmem:s17+$0xCC30]  }
0x499: {  	v57 =	vld [tilespmem:s17+$0xC40]  }
0x49a: {  	[tilespmem:$0x1FC70] =	vst v0;
	v0 =	vld [tilespmem:s17+$0x420]  }
0x49b: {  	v58 =	vld [tilespmem:s17+$0xCC40]  }
0x49c: {  	v59 =	vld [tilespmem:s17+$0xCC50]  }
0x49d: {  	v60 =	vld [tilespmem:s17+$0xC60]  }
0x49e: {  	v61 =	vld [tilespmem:s17+$0xCC60]  }
0x49f: {  	[tilespmem:$0x1FC80] =	vst v0;
	v0 =	vld [tilespmem:s17+$0xC420]  }
0x4a0: {  	v62 =	vld [tilespmem:s17+$0xCC70]  }
0x4a1: {  	v63 =	vld [tilespmem:s17+$0x1000]  }
0x4a2: {  	[tilespmem:$0x1FBA0] =	vst v2;
	v2 =	vld [tilespmem:s17+$0x1010]  }
0x4a3: {  	v1 =	vld [tilespmem:s17+$0xD010]  }
0x4a4: {  	[tilespmem:$0x1FC90] =	vst v0;
	v0 =	vld [tilespmem:s17+$0x430]  }
0x4a5: {  	v3 =	vld [tilespmem:s17+$0x1020]  }
0x4a6: {  	v4 =	vld [tilespmem:s17+$0xD020]  }
0x4a7: {  	v5 =	vld [tilespmem:s17+$0xD030]  }
0x4a8: {  	v6 =	vld [tilespmem:s17+$0x1040]  }
0x4a9: {  	[tilespmem:$0x1FCA0] =	vst v0;
	v0 =	vld [tilespmem:s17+$0xC430]  }
0x4aa: {  	v7 =	vld [tilespmem:s17+$0xD040]  }
0x4ab: {  	v8 =	vld [tilespmem:s17+$0xD050]  }
0x4ac: {  	v9 =	vld [tilespmem:s17+$0x1060]  }
0x4ad: {  	v10 =	vld [tilespmem:s17+$0xD060]  }
0x4ae: {  	[tilespmem:$0x1FCB0] =	vst v0;
	v0 =	vld [tilespmem:s17+$0x440]  }
0x4af: {  	v11 =	vld [tilespmem:s17+$0x1070]  }
0x4b0: {  	v12 =	vld [tilespmem:s17+$0xD070]  }
0x4b1: {  	v13 =	vld [tilespmem:s17+$0x1400]  }
0x4b2: {  	v15 =	vld [tilespmem:s17+$0x1410]  }
0x4b3: {  	p0 =	sne.s32 s21, $0x1F;
	[tilespmem:$0x1FCC0] =	vst v0;
	v0 =	vld [tilespmem:s17+$0xC440]  }
.Ltmp1:
0x4b4: {  	v14 =	vld [tilespmem:s17+$0xD410];
	(pc) =	sbr.rel @p0 .LBB2_4-.Ltmp1, $4  }
0x4b5: {  	v17 =	vld [tilespmem:s17+$0xD430]  }
0x4b6: {  	v16 =	vld [tilespmem:s17+$0x7400]  }
0x4b7: {  	v18 =	vld [tilespmem:s17+$0x7410]  }
0x4b8: {  	s21 =	sadd.s32 $0x1, s21;
	[tilespmem:$0x1FCD0] =	vst v0;
	v0 =	vld [tilespmem:s17+$0xD000]  }
0x4b9: {  	v19 =	vld [tilespmem:s17+$0x7420]  }
0x4ba: {  	v20 =	vld [tilespmem:s17+$0x7430]  }
0x4bb: {  	v21 =	vld [tilespmem:s17+$0x1430]  }
0x4bc: {  	s19 =	sadd.s32 $0x80, s19;
	v22 =	vld [tilespmem:s17+$0x1420]  }
0x4bd: {  	v53 =	vld [tilespmem:s19+$0xFFFFFFF0]  }
0x4be: {  	v23 =	vld [tilespmem:s17+$0xD420]  }
0x4bf: {  	v52 =	vld [tilespmem:s19+$0x0]  }
0x4c0: {  	v25 =	vld [tilespmem:s17+$0x7070]  }
0x4c1: {  	v24 =	vld [tilespmem:s17+$0xD400]  }
0x4c2: {  	v26 =	vld [tilespmem:s17+$0x7060];
	v20 =	vmul.f32 v20, v53  }
0x4c3: {  	v27 =	vld [tilespmem:s17+$0x7050];
	v19 =	vmul.f32 v19, v53;
	v18 =	vmul.f32 v18, v53  }
0x4c4: {  	v16 =	vmul.f32 v16, v53;
	v14 =	vmul.f32 v14, v52;
	v20 =	vadd.f32 v20, v21;
	v21 =	vld [tilespmem:s17+$0x7040]  }
0x4c5: {  	v25 =	vmul.f32 v25, v53;
	v19 =	vadd.f32 v19, v22;
	v22 =	vld [tilespmem:s17+$0x7030];
	v15 =	vadd.f32 v18, v15  }
0x4c6: {  	v17 =	vmul.f32 v17, v52;
	v24 =	vmul.f32 v24, v52;
	v18 =	vld [tilespmem:s17+$0x7020];
	v13 =	vadd.f32 v16, v13  }
0x4c7: {  	v12 =	vmul.f32 v12, v52;
	v11 =	vadd.f32 v25, v11;
	v14 =	vadd.f32 v14, v15;
	v15 =	vld [tilespmem:s17+$0x7000]  }
0x4c8: {  	v17 =	vadd.f32 v17, v20;
	v13 =	vadd.f32 v24, v13;
	v24 =	vld [tilespmem:s17+$0x6C70]  }
0x4c9: {  	v11 =	vadd.f32 v12, v11;
	v12 =	vld [tilespmem:s17+$0x6870]  }
0x4ca: {  	v20 =	vmul.f32 v23, v52;
	[tilespmem:s17+$0x1430] =	vst v17;
	v17 =	vld [tilespmem:s17+$0x1030]  }
0x4cb: {  	[tilespmem:s17+$0x1410] =	vst v14;
	v14 =	vld [tilespmem:s17+$0x6C60]  }
0x4cc: {  	v19 =	vadd.f32 v20, v19;
	v20 =	vmul.f32 v26, v53;
	v26 =	vld [tilespmem:s17+$0xC70]  }
0x4cd: {  	[tilespmem:s17+$0x1070] =	vst v11;
	v11 =	vld [tilespmem:s17+$0xC10]  }
0x4ce: {  	[tilespmem:$0x1F9D0] =	vst v21;
	v21 =	vld [tilespmem:s17+$0x1050]  }
0x4cf: {  	v16 =	vmul.f32 v18, v53;
	v18 =	vld [tilespmem:s17+$0xC50]  }
0x4d0: {  	v10 =	vmul.f32 v10, v52;
	[tilespmem:s17+$0x1420] =	vst v19;
	v19 =	vld [tilespmem:s17+$0x7010]  }
0x4d1: {  	v23 =	vmul.f32 v27, v53;
	v27 =	vmul.f32 v22, v53;
	v25 =	vld [tilespmem:$0x1F9D0]  }
0x4d2: {  	v3 =	vadd.f32 v16, v3;
	v22 =	vmul.f32 v15, v53;
	v15 =	vmul.f32 v59, v52;
	v16 =	vld [tilespmem:s17+$0x6860]  }
0x4d3: {  	v59 =	vmul.f32 v12, v53;
	v12 =	vmul.f32 v46, v52;
	v46 =	vld [tilespmem:s17+$0x6070]  }
0x4d4: {  	v4 =	vmul.f32 v4, v52;
	[tilespmem:s17+$0x1400] =	vst v13;
	v9 =	vadd.f32 v20, v9;
	v13 =	vadd.f32 v23, v21;
	v21 =	vld [tilespmem:s17+$0x6C30]  }
0x4d5: {  	v8 =	vmul.f32 v8, v52;
	v24 =	vmul.f32 v24, v53;
	v23 =	vld [tilespmem:s17+$0x6C20]  }
0x4d6: {  	v9 =	vadd.f32 v10, v9;
	v3 =	vadd.f32 v4, v3;
	v10 =	vmul.f32 v25, v53;
	v25 =	vld [tilespmem:s17+$0x6C10]  }
0x4d7: {  	v7 =	vmul.f32 v7, v52;
	v20 =	vmul.f32 v19, v53;
	v19 =	vld [tilespmem:s17+$0x870]  }
0x4d8: {  	v1 =	vmul.f32 v1, v52;
	v4 =	vadd.f32 v22, v63;
	[tilespmem:s17+$0x1020] =	vst v3;
	v3 =	vadd.f32 v24, v26;
	v24 =	vld [tilespmem:s17+$0x6840]  }
0x4d9: {  	v0 =	vmul.f32 v0, v52;
	v8 =	vadd.f32 v8, v13;
	v13 =	vadd.f32 v27, v17;
	v17 =	vld [tilespmem:s17+$0x6C40]  }
0x4da: {  	v26 =	vmul.f32 v14, v53;
	v27 =	vmul.f32 v62, v52;
	v6 =	vadd.f32 v10, v6;
	v10 =	vld [tilespmem:s17+$0x6C50]  }
0x4db: {  	v62 =	vmul.f32 v61, v52;
	v61 =	vmul.f32 v16, v53;
	v2 =	vadd.f32 v20, v2;
	v20 =	vld [tilespmem:s17+$0x6850]  }
0x4dc: {  	[tilespmem:s17+$0x1050] =	vst v8;
	v3 =	vadd.f32 v27, v3;
	v27 =	vmul.f32 v54, v52;
	v54 =	vld [tilespmem:s17+$0x6820];
	v8 =	vmul.f32 v21, v53  }
0x4dd: {  	v6 =	vadd.f32 v7, v6;
	v7 =	vld [tilespmem:s17+$0x6C00];
	v21 =	vmul.f32 v56, v52;
	v22 =	vmul.f32 v23, v53  }
0x4de: {  	v1 =	vadd.f32 v1, v2;
	v56 =	vmul.f32 v50, v52;
	v50 =	vld [tilespmem:$0x1FCC0];
	v16 =	vmul.f32 v24, v53  }
0x4df: {  	v24 =	vmul.f32 v39, v52;
	v39 =	vmul.f32 v35, v52;
	v35 =	vld [tilespmem:s17+$0x7470]  }
0x4e0: {  	[tilespmem:s17+$0x1010] =	vst v1;
	v1 =	vadd.f32 v26, v60;
	v14 =	vmul.f32 v17, v53;
	v26 =	vadd.f32 v22, v51;
	v51 =	vld [tilespmem:s17+$0x6830]  }
0x4e1: {  	v60 =	vld [tilespmem:s17+$0x6810]  }
0x4e2: {  	v5 =	vmul.f32 v5, v52;
	v0 =	vadd.f32 v0, v4;
	v17 =	vadd.f32 v14, v57;
	v57 =	vld [tilespmem:s17+$0x830]  }
0x4e3: {  	v63 =	vmul.f32 v10, v53;
	v14 =	vmul.f32 v20, v53;
	v20 =	vld [tilespmem:s17+$0x6450]  }
0x4e4: {  	[tilespmem:s17+$0x1000] =	vst v0;
	v5 =	vadd.f32 v5, v13;
	v0 =	vadd.f32 v62, v1;
	v62 =	vmul.f32 v47, v52;
	v47 =	vld [tilespmem:s17+$0x6060]  }
0x4e5: {  	v2 =	vadd.f32 v27, v26;
	v13 =	vadd.f32 v63, v18;
	v63 =	vld [tilespmem:s17+$0x6800]  }
0x4e6: {  	v18 =	vmul.f32 v58, v52;
	v58 =	vmul.f32 v49, v52;
	v49 =	vld [tilespmem:$0x1FCD0]  }
0x4e7: {  	[tilespmem:s17+$0xC20] =	vst v2;
	v2 =	vadd.f32 v59, v19;
	v59 =	vld [tilespmem:$0x1FC80]  }
0x4e8: {  	v19 =	vmul.f32 v42, v52;
	v42 =	vmul.f32 v33, v52;
	v33 =	vld [tilespmem:s17+$0x1440]  }
0x4e9: {  	v1 =	vadd.f32 v15, v13;
	v15 =	vld [tilespmem:s17+$0x6470]  }
0x4ea: {  	[tilespmem:s17+$0xC60] =	vst v0;
	v0 =	vadd.f32 v18, v17;
	v18 =	vld [tilespmem:s17+$0x6460]  }
0x4eb: {  	v23 =	vadd.f32 v8, v55;
	v55 =	vmul.f32 v7, v53;
	v17 =	vmul.f32 v44, v52;
	v44 =	vld [tilespmem:s17+$0x6400]  }
0x4ec: {  	[tilespmem:s17+$0x1030] =	vst v5;
	v5 =	vmul.f32 v51, v53;
	v51 =	vld [tilespmem:s17+$0x6050]  }
0x4ed: {  	[tilespmem:s17+$0xC70] =	vst v3;
	v3 =	vadd.f32 v55, v48;
	v55 =	vld [tilespmem:$0x1FCB0]  }
0x4ee: {  	v10 =	vmul.f32 v60, v53;
	v60 =	vld [tilespmem:$0x1FC90]  }
0x4ef: {  	v13 =	vadd.f32 v61, v45;
	v61 =	vld [tilespmem:s17+$0x6010]  }
0x4f0: {  	v45 =	vmul.f32 v31, v52;
	v31 =	vld [tilespmem:$0x1FBF0]  }
0x4f1: {  	v25 =	vmul.f32 v25, v53;
	v2 =	vadd.f32 v62, v2;
	v62 =	vld [tilespmem:$0x1FC60]  }
0x4f2: {  	[tilespmem:s17+$0xC50] =	vst v1;
	v1 =	vadd.f32 v21, v23;
	v21 =	vld [tilespmem:s17+$0x6440]  }
0x4f3: {  	[tilespmem:s17+$0xC40] =	vst v0;
	v0 =	vadd.f32 v25, v11;
	v25 =	vld [tilespmem:s17+$0x6430]  }
0x4f4: {  	[tilespmem:s17+$0x1040] =	vst v6;
	v6 =	vadd.f32 v14, v43;
	v23 =	vmul.f32 v40, v52;
	v40 =	vld [tilespmem:s17+$0x6410]  }
0x4f5: {  	v7 =	vmul.f32 v20, v53;
	v20 =	vld [tilespmem:s17+$0x6020]  }
0x4f6: {  	v27 =	vmul.f32 v37, v52;
	v6 =	vadd.f32 v17, v6;
	v37 =	vadd.f32 v10, v36;
	v36 =	vld [tilespmem:$0x1FBD0]  }
0x4f7: {  	v22 =	vmul.f32 v54, v53;
	v26 =	vmul.f32 v63, v53;
	v63 =	vld [tilespmem:s17+$0x6030]  }
0x4f8: {  	[tilespmem:s17+$0x850] =	vst v6;
	v6 =	vld [tilespmem:s17+$0xD450]  }
0x4f9: {  	[tilespmem:s17+$0xC30] =	vst v1;
	v1 =	vadd.f32 v5, v57;
	v5 =	vadd.f32 v22, v38;
	v38 =	vld [tilespmem:s17+$0x6420]  }
0x4fa: {  	v0 =	vadd.f32 v56, v0;
	v56 =	vld [tilespmem:$0x1FCA0]  }
0x4fb: {  	v57 =	vld [tilespmem:s17+$0x6040]  }
0x4fc: {  	v22 =	vld [tilespmem:$0x1FC50]  }
0x4fd: {  	v3 =	vadd.f32 v58, v3;
	v4 =	vadd.f32 v27, v37;
	v27 =	vld [tilespmem:$0x1FC00]  }
0x4fe: {  	[tilespmem:s17+$0x870] =	vst v2;
	v2 =	vadd.f32 v16, v41;
	v7 =	vadd.f32 v7, v28;
	v28 =	vld [tilespmem:$0x1FC10]  }
0x4ff: {  	[tilespmem:s17+$0x1060] =	vst v9;
	v37 =	vld [tilespmem:$0x1FBC0]  }
0x500: {  	[tilespmem:s17+$0xC00] =	vst v3;
	v2 =	vadd.f32 v19, v2;
	v41 =	vmul.f32 v18, v53;
	v18 =	vld [tilespmem:$0x1FC70]  }
0x501: {  	v19 =	vmul.f32 v46, v53;
	v46 =	vld [tilespmem:$0x1FB90];
	[tilespmem:s17+$0xC10] =	vst v0;
	v1 =	vadd.f32 v23, v1  }
0x502: {  	v48 =	vmul.f32 v29, v52;
	v3 =	vadd.f32 v12, v13;
	v9 =	vmul.f32 v15, v53;
	v0 =	vld [tilespmem:s17+$0xD440];
	[tilespmem:s17+$0x840] =	vst v2  }
0x503: {  	v12 =	vmul.f32 v60, v52;
	v23 =	vld [tilespmem:$0x1FC20];
	v2 =	vadd.f32 v24, v5;
	[tilespmem:s17+$0x830] =	vst v1;
	v1 =	vadd.f32 v26, v34  }
0x504: {  	v29 =	vmul.f32 v51, v53;
	[tilespmem:s17+$0x860] =	vst v3;
	v5 =	vld [tilespmem:s17+$0xD460];
	v43 =	vadd.f32 v9, v32;
	v3 =	vmul.f32 v21, v53  }
0x505: {  	v11 =	vmul.f32 v25, v53;
	v21 =	vld [tilespmem:$0x1FC40];
	[tilespmem:s17+$0x820] =	vst v2;
	v2 =	vadd.f32 v41, v30;
	v1 =	vadd.f32 v39, v1  }
0x506: {  	[tilespmem:s17+$0x810] =	vst v4;
	v58 =	vmul.f32 v40, v53;
	v9 =	vmul.f32 v44, v53;
	v25 =	vld [tilespmem:$0x1FC30];
	v4 =	vadd.f32 v42, v43  }
0x507: {  	v8 =	vmul.f32 v20, v53;
	v3 =	vadd.f32 v3, v50;
	v30 =	vld [tilespmem:s17+$0x7460];
	[tilespmem:s17+$0x800] =	vst v1;
	v1 =	vadd.f32 v45, v2  }
0x508: {  	v54 =	vmul.f32 v38, v53;
	v34 =	vmul.f32 v57, v53;
	v42 =	vld [tilespmem:$0x1FB70];
	[tilespmem:s17+$0x470] =	vst v4;
	v4 =	vadd.f32 v48, v7  }
0x509: {  	v32 =	vld [tilespmem:$0x1FBE0];
	v10 =	vadd.f32 v11, v56;
	v11 =	vmul.f32 v36, v52;
	[tilespmem:s17+$0x460] =	vst v1;
	v1 =	vmul.f32 v49, v52  }
0x50a: {  	v40 =	vld [tilespmem:s17+$0x1460];
	v39 =	vmul.f32 v63, v53;
	[tilespmem:s17+$0x450] =	vst v4;
	v4 =	vmul.f32 v55, v52  }
0x50b: {  	v44 =	vld [tilespmem:$0x1FB50];
	v16 =	vmul.f32 v46, v52;
	v1 =	vadd.f32 v1, v3;
	v3 =	vadd.f32 v54, v59  }
0x50c: {  	v43 =	vld [tilespmem:s17+$0x6000];
	v9 =	vadd.f32 v9, v21;
	v2 =	vmul.f32 v47, v53;
	v4 =	vadd.f32 v4, v10  }
0x50d: {  	v50 =	vld [tilespmem:s17+$0x0];
	v8 =	vadd.f32 v8, v42;
	v51 =	vmul.f32 v30, v53;
	v3 =	vadd.f32 v12, v3  }
0x50e: {  	v47 =	vld [tilespmem:$0x1FB60];
	v5 =	vmul.f32 v5, v52;
	v2 =	vadd.f32 v2, v27;
	v10 =	vmul.f32 v61, v53;
	[tilespmem:s17+$0x430] =	vst v4  }
0x50f: {  	v7 =	vld [tilespmem:s17+$0xD470];
	v49 =	vadd.f32 v16, v8;
	v55 =	vadd.f32 v51, v40;
	[tilespmem:s17+$0x420] =	vst v3;
	v3 =	vmul.f32 v22, v52  }
0x510: {  	v59 =	vld [tilespmem:$0x1FB40];
	v4 =	vadd.f32 v19, v23;
	[tilespmem:s17+$0x440] =	vst v1;
	v1 =	vadd.f32 v58, v62;
	v12 =	vmul.f32 v18, v52  }
0x511: {  	v26 =	vld [tilespmem:s17+$0x7450];
	v60 =	vadd.f32 v5, v55;
	v3 =	vadd.f32 v3, v9;
	v9 =	vmul.f32 v25, v52  }
0x512: {  	v24 =	vld [tilespmem:s17+$0x7440];
	v56 =	vmul.f32 v43, v53;
	v10 =	vadd.f32 v10, v44;
	[tilespmem:s17+$0x20] =	vst v49;
	v1 =	vadd.f32 v12, v1  }
0x513: {  	v38 =	vld [tilespmem:s17+$0x1450];
	v17 =	vmul.f32 v47, v52;
	[tilespmem:s17+$0x1460] =	vst v60;
	v4 =	vadd.f32 v9, v4;
	v9 =	vmul.f32 v28, v52  }
0x514: {  	v41 =	vld [tilespmem:$0x1FBB0];
	v54 =	vmul.f32 v6, v52;
	v61 =	vadd.f32 v56, v50;
	v58 =	vmul.f32 v7, v52;
	[tilespmem:s17+$0x410] =	vst v1  }
0x515: {  	v48 =	vld [tilespmem:s17+$0x1470];
	v10 =	vadd.f32 v17, v10;
	v7 =	vmul.f32 v59, v52;
	[tilespmem:s17+$0x400] =	vst v3;
	v2 =	vadd.f32 v9, v2  }
0x516: {  	v45 =	vld [tilespmem:$0x1FBA0];
	v1 =	vmul.f32 v26, v53;
	v3 =	vadd.f32 v29, v32;
	[tilespmem:s17+$0x70] =	vst v4;
	v4 =	vmul.f32 v31, v52  }
0x517: {  	v12 =	vmul.f32 v24, v53;
	v63 =	vadd.f32 v7, v61;
	[tilespmem:s17+$0x60] =	vst v2;
	v2 =	vadd.f32 v34, v37  }
0x518: {  	[tilespmem:s17+$0x10] =	vst v10;
	v1 =	vadd.f32 v1, v38;
	v3 =	vadd.f32 v4, v3;
	v4 =	vmul.f32 v35, v53  }
0x519: {  	v0 =	vmul.f32 v0, v52;
	[tilespmem:s17+$0x0] =	vst v63;
	v9 =	vadd.f32 v12, v33;
	v2 =	vadd.f32 v11, v2  }
0x51a: {  	v1 =	vadd.f32 v54, v1;
	[tilespmem:s17+$0x50] =	vst v3;
	v57 =	vadd.f32 v4, v48  }
0x51b: {  	v0 =	vadd.f32 v0, v9;
	v3 =	vadd.f32 v39, v41;
	[tilespmem:s17+$0x40] =	vst v2;
	v2 =	vmul.f32 v45, v52  }
0x51c: {  	[tilespmem:s17+$0x1450] =	vst v1;
	v62 =	vadd.f32 v58, v57  }
0x51d: {  	s2 =	sadd.s32 $0x1, s2;
	[tilespmem:s17+$0x1440] =	vst v0;
	v2 =	vadd.f32 v2, v3  }
0x51e: {  	p0 =	sne.s32 s2, s16;
	[tilespmem:s17+$0x1470] =	vst v62  }
.Ltmp2:
0x51f: {  	[tilespmem:s17+$0x30] =	vst v2;
	(pc) =	sbr.rel @p0 .LBB2_1-.Ltmp2, $4  }
0x520: {  	[hbm4b:s15+s1] =	stream.linear.scatter [tilespmem:s1], [sflag:$0x3], $0x6000, $0x38;
	[tilespmem:$0x13100] =	vst v63  }
0x521: {  	_ =	swait.ge [sflag:s18], $0x6000  }
0x522: {  	[sflag:s18] =	ssyncset.done $0x0  }
0x523: {  	[sflag:s18] =	ssyncadd.s32 $0xFFFFA000  }
0x524: {  	_ =	sfence.sel $0x180000  }
0x525: {  	[bflag:$0x0] =	sbarrier.arrive $0xFFFF  }
0x526: {  	_ =	strace $0x9000004A  }
0x527: {  	s0 =	stileid.u32;
	[bflag:$0x2] =	sbarrier.arrive $0xFFFF  }
0x528: {  	p0 =	sne.s32 s0, $0x0;
	s0 =	rddreg [dreg:$0x2]  }
0x529: {  	s0 =	sadd.s32 @!p0 $0x100000, s0  }
0x52a: {  	[sflag:s0] =	ssyncadd.tile.s32 @!p0 $0x1;
	_ =	shalt  }
.Lfunc_end2:
_tile_overlayer_lowered:
.L_overlay_start_2:
0x52b: {  	(tag) =	ssettag $0x2  }
0x52c: {  	s0 =	rddreg [dreg:$0x0];
	s2 =	stileid.u32  }
0x52d: {  	s1 =	rddreg [dreg:$0x1];
	p0 =	sne.s32 s2, $0x0  }
0x52e: {  	s3 =	rddreg [dreg:$0x2];
	[bflag:$0x3] =	sbarrier.arrive $0xFFFF;
	s2 =	simm.s32 @!p0 $0x1C03  }
0x52f: {  	[timem:s3], [sflag:s2] =	dma.local @!p0 [hbm:s0], s1  }
0x530: {  	s0 =	simm.s32 @!p0 $0x3  }
0x531: {  	_ =	swait.ge @!p0 [sflag:s0], s1  }
0x532: {  	s1 =	ssub.s32 @!p0 $0x0, s1;
	[sflag:s0] =	ssyncset.done @!p0 $0x0  }
0x533: {  	[sflag:s0] =	ssyncadd.s32 @!p0 s1  }
0x534: {  	[bflag:$0x3] =	sbarrier.arrive $0xFFFF  }
0x535: {  	_ =	shalt  }

</sc_bundles>
